<compile_context>
chip_gen: v7x
topology: tpu7x:2x2x1
jax: 0.10.2.dev20260603
libtpu: 0.0.44.dev20260713+nightly
codegen_flags: <defaults>
</compile_context>

<pallas_src>
import functools

import jax
import jax.numpy as jnp
from jax import lax
from jax.experimental import pallas as pl
from jax.experimental.pallas import tpu as pltpu
from jax.experimental.pallas import tpu_sc as plsc

N = 10000
E = 320000
DN = 128
DE = 16
DH = 256

NC = 2
NS = 16
NW = NC * NS

G_CH = 80
G_EPW = E // NW
G_NCH = G_EPW // G_CH

S_CH = 80
S_EPT = E // NS
S_NCH = S_EPT // S_CH
DHH = DH // 2
HALF = N // 2
TRASH = 512
ACC_ROWS = 5632
ZPT = ACC_ROWS // NS
WPT = 312

@functools.lru_cache(maxsize=None)
def _mesh():
    return plsc.VectorSubcoreMesh(
        core_axis_name="c", subcore_axis_name="s", num_cores=NC, num_subcores=NS
    )


def _sc_gather_body(x_hbm, dst3, src3, xi_out, xj_out, dst_v, src_v, bufi, bufj,
                    semi, semj):
    wid = lax.axis_index("s") * NC + lax.axis_index("c")
    base = wid * G_EPW
    pltpu.sync_copy(dst3.at[wid], dst_v)
    pltpu.sync_copy(src3.at[wid], src_v)

    def body(j, _):
        row0 = base + j * G_CH
        cpi = pltpu.async_copy(x_hbm.at[dst_v.at[j]], bufi, semi)
        cpj = pltpu.async_copy(x_hbm.at[src_v.at[j]], bufj, semj)
        cpi.wait()
        pltpu.sync_copy(bufi, xi_out.at[pl.ds(row0, G_CH)])
        cpj.wait()
        pltpu.sync_copy(bufj, xj_out.at[pl.ds(row0, G_CH)])
        return 0

    lax.fori_loop(0, G_NCH, body, 0)


@functools.lru_cache(maxsize=None)
def _sc_gather():
    return pl.kernel(
        _sc_gather_body,
        out_type=(
            jax.ShapeDtypeStruct((E, DN), jnp.float32),
            jax.ShapeDtypeStruct((E, DN), jnp.float32),
        ),
        mesh=_mesh(),
        scratch_types=[
            pltpu.VMEM((G_NCH, G_CH), jnp.int32),
            pltpu.VMEM((G_NCH, G_CH), jnp.int32),
            pltpu.VMEM((G_CH, DN), jnp.float32),
            pltpu.VMEM((G_CH, DN), jnp.float32),
            pltpu.SemaphoreType.DMA,
            pltpu.SemaphoreType.DMA,
        ],
    )


def _sc_scatter_body(msg2_hbm, dst3, agg_out, idx_v, buf, acc, sem):
    c = lax.axis_index("c")
    s = lax.axis_index("s")
    iot = lax.iota(jnp.int32, 16)
    ebase = s * S_EPT

    for p in range(2):
        pltpu.sync_copy(dst3.at[s], idx_v)
        lo = p * HALF

        def remap(j, _):
            for k in range(S_CH // 16):
                t = idx_v[j, pl.ds(k * 16, 16)]
                local = t - lo
                inb = (local >= 0) & (local < HALF)
                trash = 5120 + (((j * (S_CH // 16) + k) * 16 + iot)
                                & (TRASH - 1))
                idx_v[j, pl.ds(k * 16, 16)] = jnp.where(inb, local, trash)
            return 0

        lax.fori_loop(0, S_NCH, remap, 0)

        def zbuf(i, _):
            for k in range(DHH // 16):
                buf[i, pl.ds(k * 16, 16)] = jnp.zeros((16,), jnp.float32)
            return 0

        lax.fori_loop(0, S_CH, zbuf, 0)
        zbase = s * ZPT
        for off in (0, 80, 160, 240, ZPT - S_CH):
            pltpu.sync_copy(buf, acc.at[pl.ds(zbase + off, S_CH)])
        plsc.subcore_barrier()

        def body(j, _):
            pltpu.sync_copy(msg2_hbm.at[c, pl.ds(ebase + j * S_CH, S_CH)], buf)
            pltpu.sync_copy(buf, acc.at[idx_v.at[j]], add=True)
            return 0

        lax.fori_loop(0, S_NCH, body, 0)
        plsc.subcore_barrier()

        cnt = jnp.where(s == NS - 1, HALF - WPT * (NS - 1), WPT)
        rbase = s * WPT
        for t in range(4):
            off = jnp.minimum(jnp.int32(t * S_CH), cnt - S_CH)
            pltpu.sync_copy(acc.at[pl.ds(rbase + off, S_CH)], buf)
            pltpu.sync_copy(
                buf,
                agg_out.at[pl.ds(lo + rbase + off, S_CH),
                           pl.ds(c * DHH, DHH)],
            )
        plsc.subcore_barrier()


@functools.lru_cache(maxsize=None)
def _sc_scatter():
    return pl.kernel(
        _sc_scatter_body,
        out_type=jax.ShapeDtypeStruct((N, DH), jnp.float32),
        mesh=_mesh(),
        scratch_types=[
            pltpu.VMEM((S_NCH, S_CH), jnp.int32),
            pltpu.VMEM((S_CH, DHH), jnp.float32),
            pltpu.VMEM_SHARED((ACC_ROWS, DHH), jnp.float32),
            pltpu.SemaphoreType.DMA,
        ],
    )


BE = 2000


def _edge_mlp_body(xi, xj, e, w1a, w1b, w1c, b1, w2a, b2a, w2b, b2b, w2c, b2c,
                   msg_ref, ne_ref):
    h = (
        jnp.dot(xi[...], w1a[...], preferred_element_type=jnp.float32)
        + jnp.dot(e[...], w1b[...], preferred_element_type=jnp.float32)
        + jnp.dot(xj[...], w1c[...], preferred_element_type=jnp.float32)
        + b1[...]
    )
    h = jnp.maximum(h, 0.0)
    mi = jnp.dot(h, w2a[...], preferred_element_type=jnp.float32) + b2a[...]
    mj = jnp.dot(h, w2c[...], preferred_element_type=jnp.float32) + b2c[...]
    msg = jnp.maximum(mi, 0.0) + jnp.maximum(mj, 0.0)
    msg_ref[0] = msg[:, :DHH]
    msg_ref[1] = msg[:, DHH:]
    ne = jnp.dot(h, w2b[...], preferred_element_type=jnp.float32) + b2b[...]
    ne_ref[...] = jnp.maximum(ne, 0.0)


def _edge_mlp(xi, xj, e, w1a, w1b, w1c, b1, w2a, b2a, w2b, b2b, w2c, b2c):
    grid = (E // BE,)
    blk = lambda r, c: pl.BlockSpec((r, c), lambda i: (0, 0))
    return pl.pallas_call(
        _edge_mlp_body,
        grid=grid,
        in_specs=[
            pl.BlockSpec((BE, DN), lambda i: (i, 0)),
            pl.BlockSpec((BE, DN), lambda i: (i, 0)),
            pl.BlockSpec((BE, DE), lambda i: (i, 0)),
            blk(DN, DH), blk(DE, DH), blk(DN, DH), blk(1, DH),
            blk(DH, DH), blk(1, DH),
            blk(DH, DE), blk(1, DE),
            blk(DH, DH), blk(1, DH),
        ],
        out_specs=[
            pl.BlockSpec((2, BE, DHH), lambda i: (0, i, 0)),
            pl.BlockSpec((BE, DE), lambda i: (i, 0)),
        ],
        out_shape=[
            jax.ShapeDtypeStruct((2, E, DHH), jnp.float32),
            jax.ShapeDtypeStruct((E, DE), jnp.float32),
        ],
    )(xi, xj, e, w1a, w1b, w1c, b1, w2a, b2a, w2b, b2b, w2c, b2c)


BN = 2000


def _node_mlp_body(relu_out, agg, w3, b3, w4, b4, out_ref):
    h = jnp.dot(agg[...], w3[...], preferred_element_type=jnp.float32) + b3[...]
    h = jnp.maximum(h, 0.0)
    o = jnp.dot(h, w4[...], preferred_element_type=jnp.float32) + b4[...]
    if relu_out:
        o = jnp.maximum(o, 0.0)
    out_ref[...] = o


def _node_mlp(agg, w3, b3, w4, b4, relu_out):
    grid = (N // BN,)
    blk = lambda r, c: pl.BlockSpec((r, c), lambda i: (0, 0))
    return pl.pallas_call(
        functools.partial(_node_mlp_body, relu_out),
        grid=grid,
        in_specs=[
            pl.BlockSpec((BN, DH), lambda i: (i, 0)),
            blk(DH, DH), blk(1, DH), blk(DH, DN), blk(1, DN),
        ],
        out_specs=pl.BlockSpec((BN, DN), lambda i: (i, 0)),
        out_shape=jax.ShapeDtypeStruct((N, DN), jnp.float32),
    )(agg, w3, b3, w4, b4)


def kernel(node_feature, edge_feature, edges_indices, params):
    src = edges_indices[0]
    dst = edges_indices[1]
    dst_g = dst.reshape(NW, G_NCH, G_CH)
    src_g = src.reshape(NW, G_NCH, G_CH)
    dst_s = dst.reshape(NS, S_NCH, S_CH)

    x, e = node_feature, edge_feature
    for l in range(2):
        p = params[l]
        w1, w2 = p["W1"], p["W2"]
        w1a, w1b, w1c = w1[:DN], w1[DN:DN + DE], w1[DN + DE:]
        b1 = p["b1"].reshape(1, DH)
        w2a, w2b, w2c = w2[:, :DH], w2[:, DH:DH + DE], w2[:, DH + DE:]
        b2 = p["b2"]
        b2a = b2[:DH].reshape(1, DH)
        b2b = b2[DH:DH + DE].reshape(1, DE)
        b2c = b2[DH + DE:].reshape(1, DH)
        b3 = p["b3"].reshape(1, DH)
        b4 = p["b4"].reshape(1, DN)

        xi, xj = _sc_gather()(x, dst_g, src_g)
        msg2, e = _edge_mlp(xi, xj, e, w1a, w1b, w1c, b1,
                            w2a, b2a, w2b, b2b, w2c, b2c)
        agg = _sc_scatter()(msg2, dst_s)
        x = _node_mlp(agg, p["W3"], b3, p["W4"], b4, relu_out=(l == 0))
    return (x, e)

# --- scband reference (transcript-rebuilt; emitter-appended) ---
"""Pipeline reference for scband-triplet-gcnmodel-37452114821843 (READ-ONLY COPY).

The authoritative reference and input builder live on the scoring server;
editing this copy changes nothing except your own understanding.
"""

import jax, jax.numpy as jnp
import numpy as np

N = 10000
E = 320000
DN = 128
DE = 16
DH = 256
L = 2


def _init_params(key):
    params = []
    for l in range(L):
        ks = jax.random.split(jax.random.fold_in(key, l), 4)
        d_in1 = 2 * DN + DE
        d_out1 = 2 * DH + DE
        p = {
            "W1": jax.random.normal(ks[0], (d_in1, DH), jnp.float32) / np.sqrt(d_in1),
            "b1": jnp.zeros((DH,), jnp.float32),
            "W2": jax.random.normal(ks[1], (DH, d_out1), jnp.float32) / np.sqrt(DH),
            "b2": jnp.zeros((d_out1,), jnp.float32),
            "W3": jax.random.normal(ks[2], (DH, DH), jnp.float32) / np.sqrt(DH),
            "b3": jnp.zeros((DH,), jnp.float32),
            "W4": jax.random.normal(ks[3], (DH, DN), jnp.float32) / np.sqrt(DH),
            "b4": jnp.zeros((DN,), jnp.float32),
        }
        params.append(p)
    return params


def setup_inputs(seed: int = 0):
    key = jax.random.key(seed)
    k1, k2, k3, k4 = jax.random.split(key, 4)
    return {
        "node_feature": jax.random.normal(k1, (N, DN), jnp.float32),
        "edge_feature": jax.random.normal(k2, (E, DE), jnp.float32),
        "edges_indices": jax.random.randint(k3, (2, E), 0, N, dtype=jnp.int32),
        "params": _init_params(k4),
    }


def _layer(x, e, src, dst, p):
    # PyG MessagePassing (source_to_target): x_j = x[edge_index[0]] (src), x_i = x[edge_index[1]] (dst)
    x_i = jnp.take(x, dst, axis=0)
    x_j = jnp.take(x, src, axis=0)
    m = jnp.concatenate([x_i, e, x_j], axis=1)
    # nn1: Linear(2*DN+DE, DH) + ReLU, Linear(DH, 2*DH+DE) + ReLU (on_last=True)
    h = jax.nn.relu(m @ p["W1"] + p["b1"])
    h = jax.nn.relu(h @ p["W2"] + p["b2"])
    new_x_i = h[:, :DH]
    new_e = h[:, DH:DH + DE]
    new_x_j = h[:, DH + DE:]
    msg = new_x_i + new_x_j
    # aggregate: scatter-add over target index, dim_size = N
    agg = jnp.zeros((x.shape[0], DH), dtype=msg.dtype).at[dst].add(msg)
    # nn2: Linear(DH, DH) + ReLU, Linear(DH, DN) (no activation on last)
    out = jax.nn.relu(agg @ p["W3"] + p["b3"])
    out = out @ p["W4"] + p["b4"]
    return out, new_e


def reference(node_feature, edge_feature, edges_indices, params):
    src = edges_indices[0]
    dst = edges_indices[1]
    x, e = node_feature, edge_feature
    for l in range(L):
        x, e = _layer(x, e, src, dst, params[l])
        if l < L - 1:
            x = jax.nn.relu(x)
            e = jax.nn.relu(e)
    return (x, e)

if __name__ == "__main__":
    import jax
    _d = setup_inputs()
    print(jax.jit(kernel)(*tuple(_d.values())))

</pallas_src>

<mosaic_0001>
#map = affine_map<(d0, d1) -> (0, 0, 0)>
#map1 = affine_map<(d0, d1) -> (0, 0)>
module attributes {stable_mosaic.version = 14 : i64} {
  func.func @_sc_scatter_body(%arg0: i32, %arg1: i32, %arg2: memref<2x320000x128xf32, #tpu.memory_space<hbm>>, %arg3: memref<16x250x80xi32, #tpu.memory_space<hbm>>, %arg4: memref<10000x256xf32, #tpu.memory_space<hbm>>, %arg5: memref<250x80xi32, #tpu.memory_space<vmem>>, %arg6: memref<80x128xf32, #tpu.memory_space<vmem>>, %arg7: memref<5632x128xf32, #tpu.memory_space<vmem_shared>>, %arg8: memref<!tpu.dma_semaphore, #tpu.memory_space<semaphore_mem>>) attributes {dimension_semantics = [#tpu.dimension_semantics<core_parallel>, #tpu.dimension_semantics<subcore_parallel>], iteration_bounds = array<i64: 2, 16>, scalar_prefetch = 0 : i64, scratch_operands = 4 : i64, tpu.core_type = #tpu.core_type<sc_vector_subcore>, window_params = [{transform_indices = #map}, {transform_indices = #map}, {transform_indices = #map1}]} {
    %iota3A = tpu.iota {dimensions = array<i32: 0>} : vector<16xi32>
    %mul3A = arith.constant 20000 : i32
    %mul3A_0 = arith.muli %arg1, %mul3A : i32
    "tpu.region"() ({
      %run_scoped3A = tpu.sem_alloc : memref<!tpu.dma_semaphore, #tpu.memory_space<semaphore_mem>>
      %dma_start3A = arith.constant 0 : i32
      %dma_start3A_159 = arith.constant 0 : i32
      %dma_start3A_160 = tpu.memref_slice %arg3[%arg1, %dma_start3A, %dma_start3A_159] : memref<16x250x80xi32, #tpu.memory_space<hbm>> -> memref<1x250x80xi32, #tpu.memory_space<hbm>>
      %dma_start3A_161 = tpu.memref_squeeze %dma_start3A_160 : memref<1x250x80xi32, #tpu.memory_space<hbm>> -> memref<250x80xi32, #tpu.memory_space<hbm>>
      %dma_start3A_162 = arith.constant 0 : i32
      %dma_start3A_163 = arith.constant 0 : i32
      %dma_start3A_164 = tpu.memref_slice %arg3[%arg1, %dma_start3A_162, %dma_start3A_163] : memref<16x250x80xi32, #tpu.memory_space<hbm>> -> memref<1x250x80xi32, #tpu.memory_space<hbm>>
      %dma_start3A_165 = tpu.memref_squeeze %dma_start3A_164 : memref<1x250x80xi32, #tpu.memory_space<hbm>> -> memref<250x80xi32, #tpu.memory_space<hbm>>
      tpu.enqueue_dma source(%dma_start3A_165 : memref<250x80xi32, #tpu.memory_space<hbm>>) target(%arg5 : memref<250x80xi32, #tpu.memory_space<vmem>>) target_semaphore(%run_scoped3A : memref<!tpu.dma_semaphore, #tpu.memory_space<semaphore_mem>>)
      %dma_wait3A = arith.constant 0 : i32
      %dma_wait3A_166 = arith.constant 0 : i32
      %dma_wait3A_167 = tpu.memref_slice %arg3[%arg1, %dma_wait3A, %dma_wait3A_166] : memref<16x250x80xi32, #tpu.memory_space<hbm>> -> memref<1x250x80xi32, #tpu.memory_space<hbm>>
      %dma_wait3A_168 = tpu.memref_squeeze %dma_wait3A_167 : memref<1x250x80xi32, #tpu.memory_space<hbm>> -> memref<250x80xi32, #tpu.memory_space<hbm>>
      %dma_wait3A_169 = arith.constant 0 : i32
      %dma_wait3A_170 = arith.constant 0 : i32
      %dma_wait3A_171 = tpu.memref_slice %arg3[%arg1, %dma_wait3A_169, %dma_wait3A_170] : memref<16x250x80xi32, #tpu.memory_space<hbm>> -> memref<1x250x80xi32, #tpu.memory_space<hbm>>
      %dma_wait3A_172 = tpu.memref_squeeze %dma_wait3A_171 : memref<1x250x80xi32, #tpu.memory_space<hbm>> -> memref<250x80xi32, #tpu.memory_space<hbm>>
      tpu.wait_dma2 semaphore(%run_scoped3A : memref<!tpu.dma_semaphore, #tpu.memory_space<semaphore_mem>>) src(%dma_wait3A_172 : memref<250x80xi32, #tpu.memory_space<hbm>>) dst(%arg5 : memref<250x80xi32, #tpu.memory_space<vmem>>)
      tpu.yield
    }) : () -> ()
    %scan3A = arith.constant 0 : i32
    %scan3A_1 = arith.constant 0 : i32
    %scan3A_2 = arith.constant 250 : i32
    %scan3A_3 = arith.addi %scan3A_1, %scan3A_2 : i32
    %scan3A_4 = arith.constant 1 : i32
    %scan3A_5 = scf.for %scan3A_159 = %scan3A_1 to %scan3A_3 step %scan3A_4 iter_args(%scan3A_160 = %scan3A) -> (i32)  : i32 {
      %get3A = arith.index_cast %scan3A_159 : i32 to index
      %get3A_161 = arith.constant 0 : index
      %get3A_162 = tpu.vector_load %arg5[%get3A, %get3A_161] {strides = array<i32>} : memref<250x80xi32, #tpu.memory_space<vmem>>, vector<1x16xi32>,
      %get3A_163 = vector.shape_cast %get3A_162 : vector<1x16xi32> to vector<16xi32>
      %sub3A_164 = arith.constant 0 : i32
      %sub3A_165 = vector.broadcast %sub3A_164 : i32 to vector<16xi32>
      %sub3A_166 = arith.subi %get3A_163, %sub3A_165 : vector<16xi32>
      %ge3A = arith.constant 0 : i32
      %ge3A_167 = vector.broadcast %ge3A : i32 to vector<16xi32>
      %ge3A_168 = arith.cmpi sge, %sub3A_166, %ge3A_167 : vector<16xi32>
      %lt3A = arith.constant 5000 : i32
      %lt3A_169 = vector.broadcast %lt3A : i32 to vector<16xi32>
      %lt3A_170 = arith.cmpi slt, %sub3A_166, %lt3A_169 : vector<16xi32>
      %and3A = arith.andi %ge3A_168, %lt3A_170 : vector<16xi1>
      %mul3A_171 = arith.constant 5 : i32
      %mul3A_172 = arith.muli %scan3A_159, %mul3A_171 : i32
      %add3A_173 = arith.constant 0 : i32
      %add3A_174 = arith.addi %mul3A_172, %add3A_173 : i32
      %mul3A_175 = arith.constant 16 : i32
      %mul3A_176 = arith.muli %add3A_174, %mul3A_175 : i32
      %add3A_177 = vector.broadcast %mul3A_176 : i32 to vector<16xi32>
      %add3A_178 = arith.addi %add3A_177, %iota3A : vector<16xi32>
      %and3A_179 = arith.constant 511 : i32
      %and3A_180 = vector.broadcast %and3A_179 : i32 to vector<16xi32>
      %and3A_181 = arith.andi %add3A_178, %and3A_180 : vector<16xi32>
      %add3A_182 = arith.constant 5120 : i32
      %add3A_183 = vector.broadcast %add3A_182 : i32 to vector<16xi32>
      %add3A_184 = arith.addi %add3A_183, %and3A_181 : vector<16xi32>
      %select_n3A_185 = arith.select %and3A, %sub3A_166, %add3A_184 : vector<16xi1>, vector<16xi32>
      %swap3A = arith.index_cast %scan3A_159 : i32 to index
      %swap3A_186 = arith.constant 0 : index
      %swap3A_187 = tpu.vector_load %arg5[%swap3A, %swap3A_186] {strides = array<i32>} : memref<250x80xi32, #tpu.memory_space<vmem>>, vector<1x16xi32>,
      %swap3A_188 = vector.shape_cast %swap3A_187 : vector<1x16xi32> to vector<16xi32>
      %swap3A_189 = vector.shape_cast %select_n3A_185 : vector<16xi32> to vector<1x16xi32>
      tpu.vector_store %arg5[%swap3A, %swap3A_186], %swap3A_189 {strides = array<i32>} : memref<250x80xi32, #tpu.memory_space<vmem>>, vector<1x16xi32>,
      %get3A_190 = arith.index_cast %scan3A_159 : i32 to index
      %get3A_191 = arith.constant 16 : index
      %get3A_192 = tpu.vector_load %arg5[%get3A_190, %get3A_191] {strides = array<i32>} : memref<250x80xi32, #tpu.memory_space<vmem>>, vector<1x16xi32>,
      %get3A_193 = vector.shape_cast %get3A_192 : vector<1x16xi32> to vector<16xi32>
      %sub3A_194 = arith.constant 0 : i32
      %sub3A_195 = vector.broadcast %sub3A_194 : i32 to vector<16xi32>
      %sub3A_196 = arith.subi %get3A_193, %sub3A_195 : vector<16xi32>
      %ge3A_197 = arith.constant 0 : i32
      %ge3A_198 = vector.broadcast %ge3A_197 : i32 to vector<16xi32>
      %ge3A_199 = arith.cmpi sge, %sub3A_196, %ge3A_198 : vector<16xi32>
      %lt3A_200 = arith.constant 5000 : i32
      %lt3A_201 = vector.broadcast %lt3A_200 : i32 to vector<16xi32>
      %lt3A_202 = arith.cmpi slt, %sub3A_196, %lt3A_201 : vector<16xi32>
      %and3A_203 = arith.andi %ge3A_199, %lt3A_202 : vector<16xi1>
      %mul3A_204 = arith.constant 5 : i32
      %mul3A_205 = arith.muli %scan3A_159, %mul3A_204 : i32
      %add3A_206 = arith.constant 1 : i32
      %add3A_207 = arith.addi %mul3A_205, %add3A_206 : i32
      %mul3A_208 = arith.constant 16 : i32
      %mul3A_209 = arith.muli %add3A_207, %mul3A_208 : i32
      %add3A_210 = vector.broadcast %mul3A_209 : i32 to vector<16xi32>
      %add3A_211 = arith.addi %add3A_210, %iota3A : vector<16xi32>
      %and3A_212 = arith.constant 511 : i32
      %and3A_213 = vector.broadcast %and3A_212 : i32 to vector<16xi32>
      %and3A_214 = arith.andi %add3A_211, %and3A_213 : vector<16xi32>
      %add3A_215 = arith.constant 5120 : i32
      %add3A_216 = vector.broadcast %add3A_215 : i32 to vector<16xi32>
      %add3A_217 = arith.addi %add3A_216, %and3A_214 : vector<16xi32>
      %select_n3A_218 = arith.select %and3A_203, %sub3A_196, %add3A_217 : vector<16xi1>, vector<16xi32>
      %swap3A_219 = arith.index_cast %scan3A_159 : i32 to index
      %swap3A_220 = arith.constant 16 : index
      %swap3A_221 = tpu.vector_load %arg5[%swap3A_219, %swap3A_220] {strides = array<i32>} : memref<250x80xi32, #tpu.memory_space<vmem>>, vector<1x16xi32>,
      %swap3A_222 = vector.shape_cast %swap3A_221 : vector<1x16xi32> to vector<16xi32>
      %swap3A_223 = vector.shape_cast %select_n3A_218 : vector<16xi32> to vector<1x16xi32>
      tpu.vector_store %arg5[%swap3A_219, %swap3A_220], %swap3A_223 {strides = array<i32>} : memref<250x80xi32, #tpu.memory_space<vmem>>, vector<1x16xi32>,
      %get3A_224 = arith.index_cast %scan3A_159 : i32 to index
      %get3A_225 = arith.constant 32 : index
      %get3A_226 = tpu.vector_load %arg5[%get3A_224, %get3A_225] {strides = array<i32>} : memref<250x80xi32, #tpu.memory_space<vmem>>, vector<1x16xi32>,
      %get3A_227 = vector.shape_cast %get3A_226 : vector<1x16xi32> to vector<16xi32>
      %sub3A_228 = arith.constant 0 : i32
      %sub3A_229 = vector.broadcast %sub3A_228 : i32 to vector<16xi32>
      %sub3A_230 = arith.subi %get3A_227, %sub3A_229 : vector<16xi32>
      %ge3A_231 = arith.constant 0 : i32
      %ge3A_232 = vector.broadcast %ge3A_231 : i32 to vector<16xi32>
      %ge3A_233 = arith.cmpi sge, %sub3A_230, %ge3A_232 : vector<16xi32>
      %lt3A_234 = arith.constant 5000 : i32
      %lt3A_235 = vector.broadcast %lt3A_234 : i32 to vector<16xi32>
      %lt3A_236 = arith.cmpi slt, %sub3A_230, %lt3A_235 : vector<16xi32>
      %and3A_237 = arith.andi %ge3A_233, %lt3A_236 : vector<16xi1>
      %mul3A_238 = arith.constant 5 : i32
      %mul3A_239 = arith.muli %scan3A_159, %mul3A_238 : i32
      %add3A_240 = arith.constant 2 : i32
      %add3A_241 = arith.addi %mul3A_239, %add3A_240 : i32
      %mul3A_242 = arith.constant 16 : i32
      %mul3A_243 = arith.muli %add3A_241, %mul3A_242 : i32
      %add3A_244 = vector.broadcast %mul3A_243 : i32 to vector<16xi32>
      %add3A_245 = arith.addi %add3A_244, %iota3A : vector<16xi32>
      %and3A_246 = arith.constant 511 : i32
      %and3A_247 = vector.broadcast %and3A_246 : i32 to vector<16xi32>
      %and3A_248 = arith.andi %add3A_245, %and3A_247 : vector<16xi32>
      %add3A_249 = arith.constant 5120 : i32
      %add3A_250 = vector.broadcast %add3A_249 : i32 to vector<16xi32>
      %add3A_251 = arith.addi %add3A_250, %and3A_248 : vector<16xi32>
      %select_n3A_252 = arith.select %and3A_237, %sub3A_230, %add3A_251 : vector<16xi1>, vector<16xi32>
      %swap3A_253 = arith.index_cast %scan3A_159 : i32 to index
      %swap3A_254 = arith.constant 32 : index
      %swap3A_255 = tpu.vector_load %arg5[%swap3A_253, %swap3A_254] {strides = array<i32>} : memref<250x80xi32, #tpu.memory_space<vmem>>, vector<1x16xi32>,
      %swap3A_256 = vector.shape_cast %swap3A_255 : vector<1x16xi32> to vector<16xi32>
      %swap3A_257 = vector.shape_cast %select_n3A_252 : vector<16xi32> to vector<1x16xi32>
      tpu.vector_store %arg5[%swap3A_253, %swap3A_254], %swap3A_257 {strides = array<i32>} : memref<250x80xi32, #tpu.memory_space<vmem>>, vector<1x16xi32>,
      %get3A_258 = arith.index_cast %scan3A_159 : i32 to index
      %get3A_259 = arith.constant 48 : index
      %get3A_260 = tpu.vector_load %arg5[%get3A_258, %get3A_259] {strides = array<i32>} : memref<250x80xi32, #tpu.memory_space<vmem>>, vector<1x16xi32>,
      %get3A_261 = vector.shape_cast %get3A_260 : vector<1x16xi32> to vector<16xi32>
      %sub3A_262 = arith.constant 0 : i32
      %sub3A_263 = vector.broadcast %sub3A_262 : i32 to vector<16xi32>
      %sub3A_264 = arith.subi %get3A_261, %sub3A_263 : vector<16xi32>
      %ge3A_265 = arith.constant 0 : i32
      %ge3A_266 = vector.broadcast %ge3A_265 : i32 to vector<16xi32>
      %ge3A_267 = arith.cmpi sge, %sub3A_264, %ge3A_266 : vector<16xi32>
      %lt3A_268 = arith.constant 5000 : i32
      %lt3A_269 = vector.broadcast %lt3A_268 : i32 to vector<16xi32>
      %lt3A_270 = arith.cmpi slt, %sub3A_264, %lt3A_269 : vector<16xi32>
      %and3A_271 = arith.andi %ge3A_267, %lt3A_270 : vector<16xi1>
      %mul3A_272 = arith.constant 5 : i32
      %mul3A_273 = arith.muli %scan3A_159, %mul3A_272 : i32
      %add3A_274 = arith.constant 3 : i32
      %add3A_275 = arith.addi %mul3A_273, %add3A_274 : i32
      %mul3A_276 = arith.constant 16 : i32
      %mul3A_277 = arith.muli %add3A_275, %mul3A_276 : i32
      %add3A_278 = vector.broadcast %mul3A_277 : i32 to vector<16xi32>
      %add3A_279 = arith.addi %add3A_278, %iota3A : vector<16xi32>
      %and3A_280 = arith.constant 511 : i32
      %and3A_281 = vector.broadcast %and3A_280 : i32 to vector<16xi32>
      %and3A_282 = arith.andi %add3A_279, %and3A_281 : vector<16xi32>
      %add3A_283 = arith.constant 5120 : i32
      %add3A_284 = vector.broadcast %add3A_283 : i32 to vector<16xi32>
      %add3A_285 = arith.addi %add3A_284, %and3A_282 : vector<16xi32>
      %select_n3A_286 = arith.select %and3A_271, %sub3A_264, %add3A_285 : vector<16xi1>, vector<16xi32>
      %swap3A_287 = arith.index_cast %scan3A_159 : i32 to index
      %swap3A_288 = arith.constant 48 : index
      %swap3A_289 = tpu.vector_load %arg5[%swap3A_287, %swap3A_288] {strides = array<i32>} : memref<250x80xi32, #tpu.memory_space<vmem>>, vector<1x16xi32>,
      %swap3A_290 = vector.shape_cast %swap3A_289 : vector<1x16xi32> to vector<16xi32>
      %swap3A_291 = vector.shape_cast %select_n3A_286 : vector<16xi32> to vector<1x16xi32>
      tpu.vector_store %arg5[%swap3A_287, %swap3A_288], %swap3A_291 {strides = array<i32>} : memref<250x80xi32, #tpu.memory_space<vmem>>, vector<1x16xi32>,
      %get3A_292 = arith.index_cast %scan3A_159 : i32 to index
      %get3A_293 = arith.constant 64 : index
      %get3A_294 = tpu.vector_load %arg5[%get3A_292, %get3A_293] {strides = array<i32>} : memref<250x80xi32, #tpu.memory_space<vmem>>, vector<1x16xi32>,
      %get3A_295 = vector.shape_cast %get3A_294 : vector<1x16xi32> to vector<16xi32>
      %sub3A_296 = arith.constant 0 : i32
      %sub3A_297 = vector.broadcast %sub3A_296 : i32 to vector<16xi32>
      %sub3A_298 = arith.subi %get3A_295, %sub3A_297 : vector<16xi32>
      %ge3A_299 = arith.constant 0 : i32
      %ge3A_300 = vector.broadcast %ge3A_299 : i32 to vector<16xi32>
      %ge3A_301 = arith.cmpi sge, %sub3A_298, %ge3A_300 : vector<16xi32>
      %lt3A_302 = arith.constant 5000 : i32
      %lt3A_303 = vector.broadcast %lt3A_302 : i32 to vector<16xi32>
      %lt3A_304 = arith.cmpi slt, %sub3A_298, %lt3A_303 : vector<16xi32>
      %and3A_305 = arith.andi %ge3A_301, %lt3A_304 : vector<16xi1>
      %mul3A_306 = arith.constant 5 : i32
      %mul3A_307 = arith.muli %scan3A_159, %mul3A_306 : i32
      %add3A_308 = arith.constant 4 : i32
      %add3A_309 = arith.addi %mul3A_307, %add3A_308 : i32
      %mul3A_310 = arith.constant 16 : i32
      %mul3A_311 = arith.muli %add3A_309, %mul3A_310 : i32
      %add3A_312 = vector.broadcast %mul3A_311 : i32 to vector<16xi32>
      %add3A_313 = arith.addi %add3A_312, %iota3A : vector<16xi32>
      %and3A_314 = arith.constant 511 : i32
      %and3A_315 = vector.broadcast %and3A_314 : i32 to vector<16xi32>
      %and3A_316 = arith.andi %add3A_313, %and3A_315 : vector<16xi32>
      %add3A_317 = arith.constant 5120 : i32
      %add3A_318 = vector.broadcast %add3A_317 : i32 to vector<16xi32>
      %add3A_319 = arith.addi %add3A_318, %and3A_316 : vector<16xi32>
      %select_n3A_320 = arith.select %and3A_305, %sub3A_298, %add3A_319 : vector<16xi1>, vector<16xi32>
      %swap3A_321 = arith.index_cast %scan3A_159 : i32 to index
      %swap3A_322 = arith.constant 64 : index
      %swap3A_323 = tpu.vector_load %arg5[%swap3A_321, %swap3A_322] {strides = array<i32>} : memref<250x80xi32, #tpu.memory_space<vmem>>, vector<1x16xi32>,
      %swap3A_324 = vector.shape_cast %swap3A_323 : vector<1x16xi32> to vector<16xi32>
      %swap3A_325 = vector.shape_cast %select_n3A_320 : vector<16xi32> to vector<1x16xi32>
      tpu.vector_store %arg5[%swap3A_321, %swap3A_322], %swap3A_325 {strides = array<i32>} : memref<250x80xi32, #tpu.memory_space<vmem>>, vector<1x16xi32>,
      %scan3A_326 = arith.constant 0 : i32
      scf.yield %scan3A_326 : i32
    }
    %scan3A_6 = arith.constant 250 : i32
    %scan3A_7 = arith.constant 0 : i32
    %scan3A_8 = arith.constant 0 : i32
    %scan3A_9 = arith.constant 80 : i32
    %scan3A_10 = arith.addi %scan3A_8, %scan3A_9 : i32
    %scan3A_11 = arith.constant 1 : i32
    %scan3A_12 = scf.for %scan3A_159 = %scan3A_8 to %scan3A_10 step %scan3A_11 iter_args(%scan3A_160 = %scan3A_7) -> (i32)  : i32 {
      %broadcast_in_dim3A = arith.constant 0.000000e+00 : f32
      %broadcast_in_dim3A_161 = vector.broadcast %broadcast_in_dim3A : f32 to vector<16xf32>
      %swap3A = arith.index_cast %scan3A_159 : i32 to index
      %swap3A_162 = arith.constant 0 : index
      %swap3A_163 = tpu.vector_load %arg6[%swap3A, %swap3A_162] {strides = array<i32>} : memref<80x128xf32, #tpu.memory_space<vmem>>, vector<1x16xf32>,
      %swap3A_164 = vector.shape_cast %swap3A_163 : vector<1x16xf32> to vector<16xf32>
      %swap3A_165 = vector.shape_cast %broadcast_in_dim3A_161 : vector<16xf32> to vector<1x16xf32>
      tpu.vector_store %arg6[%swap3A, %swap3A_162], %swap3A_165 {strides = array<i32>} : memref<80x128xf32, #tpu.memory_space<vmem>>, vector<1x16xf32>,
      %broadcast_in_dim3A_166 = arith.constant 0.000000e+00 : f32
      %broadcast_in_dim3A_167 = vector.broadcast %broadcast_in_dim3A_166 : f32 to vector<16xf32>
      %swap3A_168 = arith.index_cast %scan3A_159 : i32 to index
      %swap3A_169 = arith.constant 16 : index
      %swap3A_170 = tpu.vector_load %arg6[%swap3A_168, %swap3A_169] {strides = array<i32>} : memref<80x128xf32, #tpu.memory_space<vmem>>, vector<1x16xf32>,
      %swap3A_171 = vector.shape_cast %swap3A_170 : vector<1x16xf32> to vector<16xf32>
      %swap3A_172 = vector.shape_cast %broadcast_in_dim3A_167 : vector<16xf32> to vector<1x16xf32>
      tpu.vector_store %arg6[%swap3A_168, %swap3A_169], %swap3A_172 {strides = array<i32>} : memref<80x128xf32, #tpu.memory_space<vmem>>, vector<1x16xf32>,
      %broadcast_in_dim3A_173 = arith.constant 0.000000e+00 : f32
      %broadcast_in_dim3A_174 = vector.broadcast %broadcast_in_dim3A_173 : f32 to vector<16xf32>
      %swap3A_175 = arith.index_cast %scan3A_159 : i32 to index
      %swap3A_176 = arith.constant 32 : index
      %swap3A_177 = tpu.vector_load %arg6[%swap3A_175, %swap3A_176] {strides = array<i32>} : memref<80x128xf32, #tpu.memory_space<vmem>>, vector<1x16xf32>,
      %swap3A_178 = vector.shape_cast %swap3A_177 : vector<1x16xf32> to vector<16xf32>
      %swap3A_179 = vector.shape_cast %broadcast_in_dim3A_174 : vector<16xf32> to vector<1x16xf32>
      tpu.vector_store %arg6[%swap3A_175, %swap3A_176], %swap3A_179 {strides = array<i32>} : memref<80x128xf32, #tpu.memory_space<vmem>>, vector<1x16xf32>,
      %broadcast_in_dim3A_180 = arith.constant 0.000000e+00 : f32
      %broadcast_in_dim3A_181 = vector.broadcast %broadcast_in_dim3A_180 : f32 to vector<16xf32>
      %swap3A_182 = arith.index_cast %scan3A_159 : i32 to index
      %swap3A_183 = arith.constant 48 : index
      %swap3A_184 = tpu.vector_load %arg6[%swap3A_182, %swap3A_183] {strides = array<i32>} : memref<80x128xf32, #tpu.memory_space<vmem>>, vector<1x16xf32>,
      %swap3A_185 = vector.shape_cast %swap3A_184 : vector<1x16xf32> to vector<16xf32>
      %swap3A_186 = vector.shape_cast %broadcast_in_dim3A_181 : vector<16xf32> to vector<1x16xf32>
      tpu.vector_store %arg6[%swap3A_182, %swap3A_183], %swap3A_186 {strides = array<i32>} : memref<80x128xf32, #tpu.memory_space<vmem>>, vector<1x16xf32>,
      %broadcast_in_dim3A_187 = arith.constant 0.000000e+00 : f32
      %broadcast_in_dim3A_188 = vector.broadcast %broadcast_in_dim3A_187 : f32 to vector<16xf32>
      %swap3A_189 = arith.index_cast %scan3A_159 : i32 to index
      %swap3A_190 = arith.constant 64 : index
      %swap3A_191 = tpu.vector_load %arg6[%swap3A_189, %swap3A_190] {strides = array<i32>} : memref<80x128xf32, #tpu.memory_space<vmem>>, vector<1x16xf32>,
      %swap3A_192 = vector.shape_cast %swap3A_191 : vector<1x16xf32> to vector<16xf32>
      %swap3A_193 = vector.shape_cast %broadcast_in_dim3A_188 : vector<16xf32> to vector<1x16xf32>
      tpu.vector_store %arg6[%swap3A_189, %swap3A_190], %swap3A_193 {strides = array<i32>} : memref<80x128xf32, #tpu.memory_space<vmem>>, vector<1x16xf32>,
      %broadcast_in_dim3A_194 = arith.constant 0.000000e+00 : f32
      %broadcast_in_dim3A_195 = vector.broadcast %broadcast_in_dim3A_194 : f32 to vector<16xf32>
      %swap3A_196 = arith.index_cast %scan3A_159 : i32 to index
      %swap3A_197 = arith.constant 80 : index
      %swap3A_198 = tpu.vector_load %arg6[%swap3A_196, %swap3A_197] {strides = array<i32>} : memref<80x128xf32, #tpu.memory_space<vmem>>, vector<1x16xf32>,
      %swap3A_199 = vector.shape_cast %swap3A_198 : vector<1x16xf32> to vector<16xf32>
      %swap3A_200 = vector.shape_cast %broadcast_in_dim3A_195 : vector<16xf32> to vector<1x16xf32>
      tpu.vector_store %arg6[%swap3A_196, %swap3A_197], %swap3A_200 {strides = array<i32>} : memref<80x128xf32, #tpu.memory_space<vmem>>, vector<1x16xf32>,
      %broadcast_in_dim3A_201 = arith.constant 0.000000e+00 : f32
      %broadcast_in_dim3A_202 = vector.broadcast %broadcast_in_dim3A_201 : f32 to vector<16xf32>
      %swap3A_203 = arith.index_cast %scan3A_159 : i32 to index
      %swap3A_204 = arith.constant 96 : index
      %swap3A_205 = tpu.vector_load %arg6[%swap3A_203, %swap3A_204] {strides = array<i32>} : memref<80x128xf32, #tpu.memory_space<vmem>>, vector<1x16xf32>,
      %swap3A_206 = vector.shape_cast %swap3A_205 : vector<1x16xf32> to vector<16xf32>
      %swap3A_207 = vector.shape_cast %broadcast_in_dim3A_202 : vector<16xf32> to vector<1x16xf32>
      tpu.vector_store %arg6[%swap3A_203, %swap3A_204], %swap3A_207 {strides = array<i32>} : memref<80x128xf32, #tpu.memory_space<vmem>>, vector<1x16xf32>,
      %broadcast_in_dim3A_208 = arith.constant 0.000000e+00 : f32
      %broadcast_in_dim3A_209 = vector.broadcast %broadcast_in_dim3A_208 : f32 to vector<16xf32>
      %swap3A_210 = arith.index_cast %scan3A_159 : i32 to index
      %swap3A_211 = arith.constant 112 : index
      %swap3A_212 = tpu.vector_load %arg6[%swap3A_210, %swap3A_211] {strides = array<i32>} : memref<80x128xf32, #tpu.memory_space<vmem>>, vector<1x16xf32>,
      %swap3A_213 = vector.shape_cast %swap3A_212 : vector<1x16xf32> to vector<16xf32>
      %swap3A_214 = vector.shape_cast %broadcast_in_dim3A_209 : vector<16xf32> to vector<1x16xf32>
      tpu.vector_store %arg6[%swap3A_210, %swap3A_211], %swap3A_214 {strides = array<i32>} : memref<80x128xf32, #tpu.memory_space<vmem>>, vector<1x16xf32>,
      %scan3A_215 = arith.constant 0 : i32
      scf.yield %scan3A_215 : i32
    }
    %scan3A_13 = arith.constant 80 : i32
    %mul3A_14 = arith.constant 352 : i32
    %mul3A_15 = arith.muli %arg1, %mul3A_14 : i32
    %add3A = arith.constant 0 : i32
    %add3A_16 = arith.addi %mul3A_15, %add3A : i32
    "tpu.region"() ({
      %run_scoped3A = tpu.sem_alloc : memref<!tpu.dma_semaphore, #tpu.memory_space<semaphore_mem>>
      %dma_start3A = arith.constant 0 : i32
      %dma_start3A_159 = tpu.memref_slice %arg7[%add3A_16, %dma_start3A] : memref<5632x128xf32, #tpu.memory_space<vmem_shared>> -> memref<80x128xf32, #tpu.memory_space<vmem_shared>>
      %dma_start3A_160 = arith.constant 0 : i32
      %dma_start3A_161 = tpu.memref_slice %arg7[%add3A_16, %dma_start3A_160] : memref<5632x128xf32, #tpu.memory_space<vmem_shared>> -> memref<80x128xf32, #tpu.memory_space<vmem_shared>>
      tpu.enqueue_dma source(%arg6 : memref<80x128xf32, #tpu.memory_space<vmem>>) target(%dma_start3A_161 : memref<80x128xf32, #tpu.memory_space<vmem_shared>>) target_semaphore(%run_scoped3A : memref<!tpu.dma_semaphore, #tpu.memory_space<semaphore_mem>>)
      %dma_wait3A = arith.constant 0 : i32
      %dma_wait3A_162 = tpu.memref_slice %arg7[%add3A_16, %dma_wait3A] : memref<5632x128xf32, #tpu.memory_space<vmem_shared>> -> memref<80x128xf32, #tpu.memory_space<vmem_shared>>
      %dma_wait3A_163 = arith.constant 0 : i32
      %dma_wait3A_164 = tpu.memref_slice %arg7[%add3A_16, %dma_wait3A_163] : memref<5632x128xf32, #tpu.memory_space<vmem_shared>> -> memref<80x128xf32, #tpu.memory_space<vmem_shared>>
      tpu.wait_dma2 semaphore(%run_scoped3A : memref<!tpu.dma_semaphore, #tpu.memory_space<semaphore_mem>>) src(%arg6 : memref<80x128xf32, #tpu.memory_space<vmem>>) dst(%dma_wait3A_164 : memref<80x128xf32, #tpu.memory_space<vmem_shared>>)
      tpu.yield
    }) : () -> ()
    %add3A_17 = arith.constant 80 : i32
    %add3A_18 = arith.addi %mul3A_15, %add3A_17 : i32
    "tpu.region"() ({
      %run_scoped3A = tpu.sem_alloc : memref<!tpu.dma_semaphore, #tpu.memory_space<semaphore_mem>>
      %dma_start3A = arith.constant 0 : i32
      %dma_start3A_159 = tpu.memref_slice %arg7[%add3A_18, %dma_start3A] : memref<5632x128xf32, #tpu.memory_space<vmem_shared>> -> memref<80x128xf32, #tpu.memory_space<vmem_shared>>
      %dma_start3A_160 = arith.constant 0 : i32
      %dma_start3A_161 = tpu.memref_slice %arg7[%add3A_18, %dma_start3A_160] : memref<5632x128xf32, #tpu.memory_space<vmem_shared>> -> memref<80x128xf32, #tpu.memory_space<vmem_shared>>
      tpu.enqueue_dma source(%arg6 : memref<80x128xf32, #tpu.memory_space<vmem>>) target(%dma_start3A_161 : memref<80x128xf32, #tpu.memory_space<vmem_shared>>) target_semaphore(%run_scoped3A : memref<!tpu.dma_semaphore, #tpu.memory_space<semaphore_mem>>)
      %dma_wait3A = arith.constant 0 : i32
      %dma_wait3A_162 = tpu.memref_slice %arg7[%add3A_18, %dma_wait3A] : memref<5632x128xf32, #tpu.memory_space<vmem_shared>> -> memref<80x128xf32, #tpu.memory_space<vmem_shared>>
      %dma_wait3A_163 = arith.constant 0 : i32
      %dma_wait3A_164 = tpu.memref_slice %arg7[%add3A_18, %dma_wait3A_163] : memref<5632x128xf32, #tpu.memory_space<vmem_shared>> -> memref<80x128xf32, #tpu.memory_space<vmem_shared>>
      tpu.wait_dma2 semaphore(%run_scoped3A : memref<!tpu.dma_semaphore, #tpu.memory_space<semaphore_mem>>) src(%arg6 : memref<80x128xf32, #tpu.memory_space<vmem>>) dst(%dma_wait3A_164 : memref<80x128xf32, #tpu.memory_space<vmem_shared>>)
      tpu.yield
    }) : () -> ()
    %add3A_19 = arith.constant 160 : i32
    %add3A_20 = arith.addi %mul3A_15, %add3A_19 : i32
    "tpu.region"() ({
      %run_scoped3A = tpu.sem_alloc : memref<!tpu.dma_semaphore, #tpu.memory_space<semaphore_mem>>
      %dma_start3A = arith.constant 0 : i32
      %dma_start3A_159 = tpu.memref_slice %arg7[%add3A_20, %dma_start3A] : memref<5632x128xf32, #tpu.memory_space<vmem_shared>> -> memref<80x128xf32, #tpu.memory_space<vmem_shared>>
      %dma_start3A_160 = arith.constant 0 : i32
      %dma_start3A_161 = tpu.memref_slice %arg7[%add3A_20, %dma_start3A_160] : memref<5632x128xf32, #tpu.memory_space<vmem_shared>> -> memref<80x128xf32, #tpu.memory_space<vmem_shared>>
      tpu.enqueue_dma source(%arg6 : memref<80x128xf32, #tpu.memory_space<vmem>>) target(%dma_start3A_161 : memref<80x128xf32, #tpu.memory_space<vmem_shared>>) target_semaphore(%run_scoped3A : memref<!tpu.dma_semaphore, #tpu.memory_space<semaphore_mem>>)
      %dma_wait3A = arith.constant 0 : i32
      %dma_wait3A_162 = tpu.memref_slice %arg7[%add3A_20, %dma_wait3A] : memref<5632x128xf32, #tpu.memory_space<vmem_shared>> -> memref<80x128xf32, #tpu.memory_space<vmem_shared>>
      %dma_wait3A_163 = arith.constant 0 : i32
      %dma_wait3A_164 = tpu.memref_slice %arg7[%add3A_20, %dma_wait3A_163] : memref<5632x128xf32, #tpu.memory_space<vmem_shared>> -> memref<80x128xf32, #tpu.memory_space<vmem_shared>>
      tpu.wait_dma2 semaphore(%run_scoped3A : memref<!tpu.dma_semaphore, #tpu.memory_space<semaphore_mem>>) src(%arg6 : memref<80x128xf32, #tpu.memory_space<vmem>>) dst(%dma_wait3A_164 : memref<80x128xf32, #tpu.memory_space<vmem_shared>>)
      tpu.yield
    }) : () -> ()
    %add3A_21 = arith.constant 240 : i32
    %add3A_22 = arith.addi %mul3A_15, %add3A_21 : i32
    "tpu.region"() ({
      %run_scoped3A = tpu.sem_alloc : memref<!tpu.dma_semaphore, #tpu.memory_space<semaphore_mem>>
      %dma_start3A = arith.constant 0 : i32
      %dma_start3A_159 = tpu.memref_slice %arg7[%add3A_22, %dma_start3A] : memref<5632x128xf32, #tpu.memory_space<vmem_shared>> -> memref<80x128xf32, #tpu.memory_space<vmem_shared>>
      %dma_start3A_160 = arith.constant 0 : i32
      %dma_start3A_161 = tpu.memref_slice %arg7[%add3A_22, %dma_start3A_160] : memref<5632x128xf32, #tpu.memory_space<vmem_shared>> -> memref<80x128xf32, #tpu.memory_space<vmem_shared>>
      tpu.enqueue_dma source(%arg6 : memref<80x128xf32, #tpu.memory_space<vmem>>) target(%dma_start3A_161 : memref<80x128xf32, #tpu.memory_space<vmem_shared>>) target_semaphore(%run_scoped3A : memref<!tpu.dma_semaphore, #tpu.memory_space<semaphore_mem>>)
      %dma_wait3A = arith.constant 0 : i32
      %dma_wait3A_162 = tpu.memref_slice %arg7[%add3A_22, %dma_wait3A] : memref<5632x128xf32, #tpu.memory_space<vmem_shared>> -> memref<80x128xf32, #tpu.memory_space<vmem_shared>>
      %dma_wait3A_163 = arith.constant 0 : i32
      %dma_wait3A_164 = tpu.memref_slice %arg7[%add3A_22, %dma_wait3A_163] : memref<5632x128xf32, #tpu.memory_space<vmem_shared>> -> memref<80x128xf32, #tpu.memory_space<vmem_shared>>
      tpu.wait_dma2 semaphore(%run_scoped3A : memref<!tpu.dma_semaphore, #tpu.memory_space<semaphore_mem>>) src(%arg6 : memref<80x128xf32, #tpu.memory_space<vmem>>) dst(%dma_wait3A_164 : memref<80x128xf32, #tpu.memory_space<vmem_shared>>)
      tpu.yield
    }) : () -> ()
    %add3A_23 = arith.constant 272 : i32
    %add3A_24 = arith.addi %mul3A_15, %add3A_23 : i32
    "tpu.region"() ({
      %run_scoped3A = tpu.sem_alloc : memref<!tpu.dma_semaphore, #tpu.memory_space<semaphore_mem>>
      %dma_start3A = arith.constant 0 : i32
      %dma_start3A_159 = tpu.memref_slice %arg7[%add3A_24, %dma_start3A] : memref<5632x128xf32, #tpu.memory_space<vmem_shared>> -> memref<80x128xf32, #tpu.memory_space<vmem_shared>>
      %dma_start3A_160 = arith.constant 0 : i32
      %dma_start3A_161 = tpu.memref_slice %arg7[%add3A_24, %dma_start3A_160] : memref<5632x128xf32, #tpu.memory_space<vmem_shared>> -> memref<80x128xf32, #tpu.memory_space<vmem_shared>>
      tpu.enqueue_dma source(%arg6 : memref<80x128xf32, #tpu.memory_space<vmem>>) target(%dma_start3A_161 : memref<80x128xf32, #tpu.memory_space<vmem_shared>>) target_semaphore(%run_scoped3A : memref<!tpu.dma_semaphore, #tpu.memory_space<semaphore_mem>>)
      %dma_wait3A = arith.constant 0 : i32
      %dma_wait3A_162 = tpu.memref_slice %arg7[%add3A_24, %dma_wait3A] : memref<5632x128xf32, #tpu.memory_space<vmem_shared>> -> memref<80x128xf32, #tpu.memory_space<vmem_shared>>
      %dma_wait3A_163 = arith.constant 0 : i32
      %dma_wait3A_164 = tpu.memref_slice %arg7[%add3A_24, %dma_wait3A_163] : memref<5632x128xf32, #tpu.memory_space<vmem_shared>> -> memref<80x128xf32, #tpu.memory_space<vmem_shared>>
      tpu.wait_dma2 semaphore(%run_scoped3A : memref<!tpu.dma_semaphore, #tpu.memory_space<semaphore_mem>>) src(%arg6 : memref<80x128xf32, #tpu.memory_space<vmem>>) dst(%dma_wait3A_164 : memref<80x128xf32, #tpu.memory_space<vmem_shared>>)
      tpu.yield
    }) : () -> ()
    %barrier3A = arith.constant 0 : index
    tpu.barrier barrier_id(%barrier3A)
    %scan3A_25 = arith.constant 0 : i32
    %scan3A_26 = arith.constant 0 : i32
    %scan3A_27 = arith.constant 250 : i32
    %scan3A_28 = arith.addi %scan3A_26, %scan3A_27 : i32
    %scan3A_29 = arith.constant 1 : i32
    %scan3A_30 = scf.for %scan3A_159 = %scan3A_26 to %scan3A_28 step %scan3A_29 iter_args(%scan3A_160 = %scan3A_25) -> (i32)  : i32 {
      %mul3A_161 = arith.constant 80 : i32
      %mul3A_162 = arith.muli %scan3A_159, %mul3A_161 : i32
      %add3A_163 = arith.addi %mul3A_0, %mul3A_162 : i32
      "tpu.region"() ({
        %run_scoped3A = tpu.sem_alloc : memref<!tpu.dma_semaphore, #tpu.memory_space<semaphore_mem>>
        %dma_start3A = arith.constant 0 : i32
        %dma_start3A_165 = tpu.memref_slice %arg2[%arg0, %add3A_163, %dma_start3A] : memref<2x320000x128xf32, #tpu.memory_space<hbm>> -> memref<1x80x128xf32, #tpu.memory_space<hbm>>
        %dma_start3A_166 = tpu.memref_squeeze %dma_start3A_165 : memref<1x80x128xf32, #tpu.memory_space<hbm>> -> memref<80x128xf32, #tpu.memory_space<hbm>>
        %dma_start3A_167 = arith.constant 0 : i32
        %dma_start3A_168 = tpu.memref_slice %arg2[%arg0, %add3A_163, %dma_start3A_167] : memref<2x320000x128xf32, #tpu.memory_space<hbm>> -> memref<1x80x128xf32, #tpu.memory_space<hbm>>
        %dma_start3A_169 = tpu.memref_squeeze %dma_start3A_168 : memref<1x80x128xf32, #tpu.memory_space<hbm>> -> memref<80x128xf32, #tpu.memory_space<hbm>>
        tpu.enqueue_dma source(%dma_start3A_169 : memref<80x128xf32, #tpu.memory_space<hbm>>) target(%arg6 : memref<80x128xf32, #tpu.memory_space<vmem>>) target_semaphore(%run_scoped3A : memref<!tpu.dma_semaphore, #tpu.memory_space<semaphore_mem>>)
        %dma_wait3A = arith.constant 0 : i32
        %dma_wait3A_170 = tpu.memref_slice %arg2[%arg0, %add3A_163, %dma_wait3A] : memref<2x320000x128xf32, #tpu.memory_space<hbm>> -> memref<1x80x128xf32, #tpu.memory_space<hbm>>
        %dma_wait3A_171 = tpu.memref_squeeze %dma_wait3A_170 : memref<1x80x128xf32, #tpu.memory_space<hbm>> -> memref<80x128xf32, #tpu.memory_space<hbm>>
        %dma_wait3A_172 = arith.constant 0 : i32
        %dma_wait3A_173 = tpu.memref_slice %arg2[%arg0, %add3A_163, %dma_wait3A_172] : memref<2x320000x128xf32, #tpu.memory_space<hbm>> -> memref<1x80x128xf32, #tpu.memory_space<hbm>>
        %dma_wait3A_174 = tpu.memref_squeeze %dma_wait3A_173 : memref<1x80x128xf32, #tpu.memory_space<hbm>> -> memref<80x128xf32, #tpu.memory_space<hbm>>
        tpu.wait_dma2 semaphore(%run_scoped3A : memref<!tpu.dma_semaphore, #tpu.memory_space<semaphore_mem>>) src(%dma_wait3A_174 : memref<80x128xf32, #tpu.memory_space<hbm>>) dst(%arg6 : memref<80x128xf32, #tpu.memory_space<vmem>>)
        tpu.yield
      }) : () -> ()
      "tpu.region"() ({
        %run_scoped3A = tpu.sem_alloc : memref<!tpu.dma_semaphore, #tpu.memory_space<semaphore_mem>>
        %dma_start3A = arith.constant 0 : i32
        %dma_start3A_165 = tpu.memref_slice %arg5[%scan3A_159, %dma_start3A] : memref<250x80xi32, #tpu.memory_space<vmem>> -> memref<1x80xi32, #tpu.memory_space<vmem>>
        %dma_start3A_166 = tpu.memref_squeeze %dma_start3A_165 : memref<1x80xi32, #tpu.memory_space<vmem>> -> memref<80xi32, #tpu.memory_space<vmem>>
        %dma_start3A_167 = arith.constant 0 : i32
        %dma_start3A_168 = arith.constant 0 : i32
        %dma_start3A_169 = tpu.memref_slice %arg7[%dma_start3A_167, %dma_start3A_168] : memref<5632x128xf32, #tpu.memory_space<vmem_shared>> -> memref<5632x128xf32, #tpu.memory_space<vmem_shared>>
        tpu.enqueue_indirect_dma source(%arg6 : memref<80x128xf32, #tpu.memory_space<vmem>>) target(%dma_start3A_169 : memref<5632x128xf32, #tpu.memory_space<vmem_shared>>) offsets(%dma_start3A_166 : memref<80xi32, #tpu.memory_space<vmem>>) semaphore(%run_scoped3A : memref<!tpu.dma_semaphore, #tpu.memory_space<semaphore_mem>>) {add = true}
        %dma_wait3A = arith.constant 0 : i32
        %dma_wait3A_170 = tpu.memref_slice %arg5[%scan3A_159, %dma_wait3A] : memref<250x80xi32, #tpu.memory_space<vmem>> -> memref<1x80xi32, #tpu.memory_space<vmem>>
        %dma_wait3A_171 = tpu.memref_squeeze %dma_wait3A_170 : memref<1x80xi32, #tpu.memory_space<vmem>> -> memref<80xi32, #tpu.memory_space<vmem>>
        %dma_wait3A_172 = arith.constant 0 : i32
        %dma_wait3A_173 = arith.constant 0 : i32
        %dma_wait3A_174 = tpu.memref_slice %arg7[%dma_wait3A_172, %dma_wait3A_173] : memref<5632x128xf32, #tpu.memory_space<vmem_shared>> -> memref<5632x128xf32, #tpu.memory_space<vmem_shared>>
        tpu.wait_indirect_dma semaphore(%run_scoped3A : memref<!tpu.dma_semaphore, #tpu.memory_space<semaphore_mem>>) src(%arg6 : memref<80x128xf32, #tpu.memory_space<vmem>>) dst(%dma_wait3A_174 : memref<5632x128xf32, #tpu.memory_space<vmem_shared>>)
        tpu.yield
      }) : () -> ()
      %scan3A_164 = arith.constant 0 : i32
      scf.yield %scan3A_164 : i32
    }
    %scan3A_31 = arith.constant 250 : i32
    %barrier3A_32 = arith.constant 0 : index
    tpu.barrier barrier_id(%barrier3A_32)
    %eq3A = arith.constant 15 : i32
    %eq3A_33 = arith.cmpi eq, %arg1, %eq3A : i32
    %jit3A = arith.constant 320 : i32
    %jit3A_34 = arith.constant 312 : i32
    %select_n3A = arith.select %eq3A_33, %jit3A, %jit3A_34 : i32
    %mul3A_35 = arith.constant 312 : i32
    %mul3A_36 = arith.muli %arg1, %mul3A_35 : i32
    %sub3A = arith.constant 80 : i32
    %sub3A_37 = arith.subi %select_n3A, %sub3A : i32
    %min3A = arith.constant 0 : i32
    %min3A_38 = arith.minsi %min3A, %sub3A_37 : i32
    %add3A_39 = arith.addi %mul3A_36, %min3A_38 : i32
    "tpu.region"() ({
      %run_scoped3A = tpu.sem_alloc : memref<!tpu.dma_semaphore, #tpu.memory_space<semaphore_mem>>
      %dma_start3A = arith.constant 0 : i32
      %dma_start3A_159 = tpu.memref_slice %arg7[%add3A_39, %dma_start3A] : memref<5632x128xf32, #tpu.memory_space<vmem_shared>> -> memref<80x128xf32, #tpu.memory_space<vmem_shared>>
      %dma_start3A_160 = arith.constant 0 : i32
      %dma_start3A_161 = tpu.memref_slice %arg7[%add3A_39, %dma_start3A_160] : memref<5632x128xf32, #tpu.memory_space<vmem_shared>> -> memref<80x128xf32, #tpu.memory_space<vmem_shared>>
      tpu.enqueue_dma source(%dma_start3A_161 : memref<80x128xf32, #tpu.memory_space<vmem_shared>>) target(%arg6 : memref<80x128xf32, #tpu.memory_space<vmem>>) target_semaphore(%run_scoped3A : memref<!tpu.dma_semaphore, #tpu.memory_space<semaphore_mem>>)
      %dma_wait3A = arith.constant 0 : i32
      %dma_wait3A_162 = tpu.memref_slice %arg7[%add3A_39, %dma_wait3A] : memref<5632x128xf32, #tpu.memory_space<vmem_shared>> -> memref<80x128xf32, #tpu.memory_space<vmem_shared>>
      %dma_wait3A_163 = arith.constant 0 : i32
      %dma_wait3A_164 = tpu.memref_slice %arg7[%add3A_39, %dma_wait3A_163] : memref<5632x128xf32, #tpu.memory_space<vmem_shared>> -> memref<80x128xf32, #tpu.memory_space<vmem_shared>>
      tpu.wait_dma2 semaphore(%run_scoped3A : memref<!tpu.dma_semaphore, #tpu.memory_space<semaphore_mem>>) src(%dma_wait3A_164 : memref<80x128xf32, #tpu.memory_space<vmem_shared>>) dst(%arg6 : memref<80x128xf32, #tpu.memory_space<vmem>>)
      tpu.yield
    }) : () -> ()
    %add3A_40 = arith.constant 0 : i32
    %add3A_41 = arith.addi %add3A_40, %mul3A_36 : i32
    %add3A_42 = arith.addi %add3A_41, %min3A_38 : i32
    %mul3A_43 = arith.constant 128 : i32
    %mul3A_44 = arith.muli %arg0, %mul3A_43 : i32
    "tpu.region"() ({
      %run_scoped3A = tpu.sem_alloc : memref<!tpu.dma_semaphore, #tpu.memory_space<semaphore_mem>>
      %dma_start3A = tpu.memref_slice %arg4[%add3A_42, %mul3A_44] : memref<10000x256xf32, #tpu.memory_space<hbm>> -> memref<80x128xf32, #tpu.memory_space<hbm>>
      %dma_start3A_159 = tpu.memref_slice %arg4[%add3A_42, %mul3A_44] : memref<10000x256xf32, #tpu.memory_space<hbm>> -> memref<80x128xf32, #tpu.memory_space<hbm>>
      tpu.enqueue_dma source(%arg6 : memref<80x128xf32, #tpu.memory_space<vmem>>) target(%dma_start3A_159 : memref<80x128xf32, #tpu.memory_space<hbm>>) target_semaphore(%run_scoped3A : memref<!tpu.dma_semaphore, #tpu.memory_space<semaphore_mem>>)
      %dma_wait3A = tpu.memref_slice %arg4[%add3A_42, %mul3A_44] : memref<10000x256xf32, #tpu.memory_space<hbm>> -> memref<80x128xf32, #tpu.memory_space<hbm>>
      %dma_wait3A_160 = tpu.memref_slice %arg4[%add3A_42, %mul3A_44] : memref<10000x256xf32, #tpu.memory_space<hbm>> -> memref<80x128xf32, #tpu.memory_space<hbm>>
      tpu.wait_dma2 semaphore(%run_scoped3A : memref<!tpu.dma_semaphore, #tpu.memory_space<semaphore_mem>>) src(%arg6 : memref<80x128xf32, #tpu.memory_space<vmem>>) dst(%dma_wait3A_160 : memref<80x128xf32, #tpu.memory_space<hbm>>)
      tpu.yield
    }) : () -> ()
    %sub3A_45 = arith.constant 80 : i32
    %sub3A_46 = arith.subi %select_n3A, %sub3A_45 : i32
    %min3A_47 = arith.constant 80 : i32
    %min3A_48 = arith.minsi %min3A_47, %sub3A_46 : i32
    %add3A_49 = arith.addi %mul3A_36, %min3A_48 : i32
    "tpu.region"() ({
      %run_scoped3A = tpu.sem_alloc : memref<!tpu.dma_semaphore, #tpu.memory_space<semaphore_mem>>
      %dma_start3A = arith.constant 0 : i32
      %dma_start3A_159 = tpu.memref_slice %arg7[%add3A_49, %dma_start3A] : memref<5632x128xf32, #tpu.memory_space<vmem_shared>> -> memref<80x128xf32, #tpu.memory_space<vmem_shared>>
      %dma_start3A_160 = arith.constant 0 : i32
      %dma_start3A_161 = tpu.memref_slice %arg7[%add3A_49, %dma_start3A_160] : memref<5632x128xf32, #tpu.memory_space<vmem_shared>> -> memref<80x128xf32, #tpu.memory_space<vmem_shared>>
      tpu.enqueue_dma source(%dma_start3A_161 : memref<80x128xf32, #tpu.memory_space<vmem_shared>>) target(%arg6 : memref<80x128xf32, #tpu.memory_space<vmem>>) target_semaphore(%run_scoped3A : memref<!tpu.dma_semaphore, #tpu.memory_space<semaphore_mem>>)
      %dma_wait3A = arith.constant 0 : i32
      %dma_wait3A_162 = tpu.memref_slice %arg7[%add3A_49, %dma_wait3A] : memref<5632x128xf32, #tpu.memory_space<vmem_shared>> -> memref<80x128xf32, #tpu.memory_space<vmem_shared>>
      %dma_wait3A_163 = arith.constant 0 : i32
      %dma_wait3A_164 = tpu.memref_slice %arg7[%add3A_49, %dma_wait3A_163] : memref<5632x128xf32, #tpu.memory_space<vmem_shared>> -> memref<80x128xf32, #tpu.memory_space<vmem_shared>>
      tpu.wait_dma2 semaphore(%run_scoped3A : memref<!tpu.dma_semaphore, #tpu.memory_space<semaphore_mem>>) src(%dma_wait3A_164 : memref<80x128xf32, #tpu.memory_space<vmem_shared>>) dst(%arg6 : memref<80x128xf32, #tpu.memory_space<vmem>>)
      tpu.yield
    }) : () -> ()
    %add3A_50 = arith.constant 0 : i32
    %add3A_51 = arith.addi %add3A_50, %mul3A_36 : i32
    %add3A_52 = arith.addi %add3A_51, %min3A_48 : i32
    %mul3A_53 = arith.constant 128 : i32
    %mul3A_54 = arith.muli %arg0, %mul3A_53 : i32
    "tpu.region"() ({
      %run_scoped3A = tpu.sem_alloc : memref<!tpu.dma_semaphore, #tpu.memory_space<semaphore_mem>>
      %dma_start3A = tpu.memref_slice %arg4[%add3A_52, %mul3A_54] : memref<10000x256xf32, #tpu.memory_space<hbm>> -> memref<80x128xf32, #tpu.memory_space<hbm>>
      %dma_start3A_159 = tpu.memref_slice %arg4[%add3A_52, %mul3A_54] : memref<10000x256xf32, #tpu.memory_space<hbm>> -> memref<80x128xf32, #tpu.memory_space<hbm>>
      tpu.enqueue_dma source(%arg6 : memref<80x128xf32, #tpu.memory_space<vmem>>) target(%dma_start3A_159 : memref<80x128xf32, #tpu.memory_space<hbm>>) target_semaphore(%run_scoped3A : memref<!tpu.dma_semaphore, #tpu.memory_space<semaphore_mem>>)
      %dma_wait3A = tpu.memref_slice %arg4[%add3A_52, %mul3A_54] : memref<10000x256xf32, #tpu.memory_space<hbm>> -> memref<80x128xf32, #tpu.memory_space<hbm>>
      %dma_wait3A_160 = tpu.memref_slice %arg4[%add3A_52, %mul3A_54] : memref<10000x256xf32, #tpu.memory_space<hbm>> -> memref<80x128xf32, #tpu.memory_space<hbm>>
      tpu.wait_dma2 semaphore(%run_scoped3A : memref<!tpu.dma_semaphore, #tpu.memory_space<semaphore_mem>>) src(%arg6 : memref<80x128xf32, #tpu.memory_space<vmem>>) dst(%dma_wait3A_160 : memref<80x128xf32, #tpu.memory_space<hbm>>)
      tpu.yield
    }) : () -> ()
    %sub3A_55 = arith.constant 80 : i32
    %sub3A_56 = arith.subi %select_n3A, %sub3A_55 : i32
    %min3A_57 = arith.constant 160 : i32
    %min3A_58 = arith.minsi %min3A_57, %sub3A_56 : i32
    %add3A_59 = arith.addi %mul3A_36, %min3A_58 : i32
    "tpu.region"() ({
      %run_scoped3A = tpu.sem_alloc : memref<!tpu.dma_semaphore, #tpu.memory_space<semaphore_mem>>
      %dma_start3A = arith.constant 0 : i32
      %dma_start3A_159 = tpu.memref_slice %arg7[%add3A_59, %dma_start3A] : memref<5632x128xf32, #tpu.memory_space<vmem_shared>> -> memref<80x128xf32, #tpu.memory_space<vmem_shared>>
      %dma_start3A_160 = arith.constant 0 : i32
      %dma_start3A_161 = tpu.memref_slice %arg7[%add3A_59, %dma_start3A_160] : memref<5632x128xf32, #tpu.memory_space<vmem_shared>> -> memref<80x128xf32, #tpu.memory_space<vmem_shared>>
      tpu.enqueue_dma source(%dma_start3A_161 : memref<80x128xf32, #tpu.memory_space<vmem_shared>>) target(%arg6 : memref<80x128xf32, #tpu.memory_space<vmem>>) target_semaphore(%run_scoped3A : memref<!tpu.dma_semaphore, #tpu.memory_space<semaphore_mem>>)
      %dma_wait3A = arith.constant 0 : i32
      %dma_wait3A_162 = tpu.memref_slice %arg7[%add3A_59, %dma_wait3A] : memref<5632x128xf32, #tpu.memory_space<vmem_shared>> -> memref<80x128xf32, #tpu.memory_space<vmem_shared>>
      %dma_wait3A_163 = arith.constant 0 : i32
      %dma_wait3A_164 = tpu.memref_slice %arg7[%add3A_59, %dma_wait3A_163] : memref<5632x128xf32, #tpu.memory_space<vmem_shared>> -> memref<80x128xf32, #tpu.memory_space<vmem_shared>>
      tpu.wait_dma2 semaphore(%run_scoped3A : memref<!tpu.dma_semaphore, #tpu.memory_space<semaphore_mem>>) src(%dma_wait3A_164 : memref<80x128xf32, #tpu.memory_space<vmem_shared>>) dst(%arg6 : memref<80x128xf32, #tpu.memory_space<vmem>>)
      tpu.yield
    }) : () -> ()
    %add3A_60 = arith.constant 0 : i32
    %add3A_61 = arith.addi %add3A_60, %mul3A_36 : i32
    %add3A_62 = arith.addi %add3A_61, %min3A_58 : i32
    %mul3A_63 = arith.constant 128 : i32
    %mul3A_64 = arith.muli %arg0, %mul3A_63 : i32
    "tpu.region"() ({
      %run_scoped3A = tpu.sem_alloc : memref<!tpu.dma_semaphore, #tpu.memory_space<semaphore_mem>>
      %dma_start3A = tpu.memref_slice %arg4[%add3A_62, %mul3A_64] : memref<10000x256xf32, #tpu.memory_space<hbm>> -> memref<80x128xf32, #tpu.memory_space<hbm>>
      %dma_start3A_159 = tpu.memref_slice %arg4[%add3A_62, %mul3A_64] : memref<10000x256xf32, #tpu.memory_space<hbm>> -> memref<80x128xf32, #tpu.memory_space<hbm>>
      tpu.enqueue_dma source(%arg6 : memref<80x128xf32, #tpu.memory_space<vmem>>) target(%dma_start3A_159 : memref<80x128xf32, #tpu.memory_space<hbm>>) target_semaphore(%run_scoped3A : memref<!tpu.dma_semaphore, #tpu.memory_space<semaphore_mem>>)
      %dma_wait3A = tpu.memref_slice %arg4[%add3A_62, %mul3A_64] : memref<10000x256xf32, #tpu.memory_space<hbm>> -> memref<80x128xf32, #tpu.memory_space<hbm>>
      %dma_wait3A_160 = tpu.memref_slice %arg4[%add3A_62, %mul3A_64] : memref<10000x256xf32, #tpu.memory_space<hbm>> -> memref<80x128xf32, #tpu.memory_space<hbm>>
      tpu.wait_dma2 semaphore(%run_scoped3A : memref<!tpu.dma_semaphore, #tpu.memory_space<semaphore_mem>>) src(%arg6 : memref<80x128xf32, #tpu.memory_space<vmem>>) dst(%dma_wait3A_160 : memref<80x128xf32, #tpu.memory_space<hbm>>)
      tpu.yield
    }) : () -> ()
    %sub3A_65 = arith.constant 80 : i32
    %sub3A_66 = arith.subi %select_n3A, %sub3A_65 : i32
    %min3A_67 = arith.constant 240 : i32
    %min3A_68 = arith.minsi %min3A_67, %sub3A_66 : i32
    %add3A_69 = arith.addi %mul3A_36, %min3A_68 : i32
    "tpu.region"() ({
      %run_scoped3A = tpu.sem_alloc : memref<!tpu.dma_semaphore, #tpu.memory_space<semaphore_mem>>
      %dma_start3A = arith.constant 0 : i32
      %dma_start3A_159 = tpu.memref_slice %arg7[%add3A_69, %dma_start3A] : memref<5632x128xf32, #tpu.memory_space<vmem_shared>> -> memref<80x128xf32, #tpu.memory_space<vmem_shared>>
      %dma_start3A_160 = arith.constant 0 : i32
      %dma_start3A_161 = tpu.memref_slice %arg7[%add3A_69, %dma_start3A_160] : memref<5632x128xf32, #tpu.memory_space<vmem_shared>> -> memref<80x128xf32, #tpu.memory_space<vmem_shared>>
      tpu.enqueue_dma source(%dma_start3A_161 : memref<80x128xf32, #tpu.memory_space<vmem_shared>>) target(%arg6 : memref<80x128xf32, #tpu.memory_space<vmem>>) target_semaphore(%run_scoped3A : memref<!tpu.dma_semaphore, #tpu.memory_space<semaphore_mem>>)
      %dma_wait3A = arith.constant 0 : i32
      %dma_wait3A_162 = tpu.memref_slice %arg7[%add3A_69, %dma_wait3A] : memref<5632x128xf32, #tpu.memory_space<vmem_shared>> -> memref<80x128xf32, #tpu.memory_space<vmem_shared>>
      %dma_wait3A_163 = arith.constant 0 : i32
      %dma_wait3A_164 = tpu.memref_slice %arg7[%add3A_69, %dma_wait3A_163] : memref<5632x128xf32, #tpu.memory_space<vmem_shared>> -> memref<80x128xf32, #tpu.memory_space<vmem_shared>>
      tpu.wait_dma2 semaphore(%run_scoped3A : memref<!tpu.dma_semaphore, #tpu.memory_space<semaphore_mem>>) src(%dma_wait3A_164 : memref<80x128xf32, #tpu.memory_space<vmem_shared>>) dst(%arg6 : memref<80x128xf32, #tpu.memory_space<vmem>>)
      tpu.yield
    }) : () -> ()
    %add3A_70 = arith.constant 0 : i32
    %add3A_71 = arith.addi %add3A_70, %mul3A_36 : i32
    %add3A_72 = arith.addi %add3A_71, %min3A_68 : i32
    %mul3A_73 = arith.constant 128 : i32
    %mul3A_74 = arith.muli %arg0, %mul3A_73 : i32
    "tpu.region"() ({
      %run_scoped3A = tpu.sem_alloc : memref<!tpu.dma_semaphore, #tpu.memory_space<semaphore_mem>>
      %dma_start3A = tpu.memref_slice %arg4[%add3A_72, %mul3A_74] : memref<10000x256xf32, #tpu.memory_space<hbm>> -> memref<80x128xf32, #tpu.memory_space<hbm>>
      %dma_start3A_159 = tpu.memref_slice %arg4[%add3A_72, %mul3A_74] : memref<10000x256xf32, #tpu.memory_space<hbm>> -> memref<80x128xf32, #tpu.memory_space<hbm>>
      tpu.enqueue_dma source(%arg6 : memref<80x128xf32, #tpu.memory_space<vmem>>) target(%dma_start3A_159 : memref<80x128xf32, #tpu.memory_space<hbm>>) target_semaphore(%run_scoped3A : memref<!tpu.dma_semaphore, #tpu.memory_space<semaphore_mem>>)
      %dma_wait3A = tpu.memref_slice %arg4[%add3A_72, %mul3A_74] : memref<10000x256xf32, #tpu.memory_space<hbm>> -> memref<80x128xf32, #tpu.memory_space<hbm>>
      %dma_wait3A_160 = tpu.memref_slice %arg4[%add3A_72, %mul3A_74] : memref<10000x256xf32, #tpu.memory_space<hbm>> -> memref<80x128xf32, #tpu.memory_space<hbm>>
      tpu.wait_dma2 semaphore(%run_scoped3A : memref<!tpu.dma_semaphore, #tpu.memory_space<semaphore_mem>>) src(%arg6 : memref<80x128xf32, #tpu.memory_space<vmem>>) dst(%dma_wait3A_160 : memref<80x128xf32, #tpu.memory_space<hbm>>)
      tpu.yield
    }) : () -> ()
    %barrier3A_75 = arith.constant 0 : index
    tpu.barrier barrier_id(%barrier3A_75)
    "tpu.region"() ({
      %run_scoped3A = tpu.sem_alloc : memref<!tpu.dma_semaphore, #tpu.memory_space<semaphore_mem>>
      %dma_start3A = arith.constant 0 : i32
      %dma_start3A_159 = arith.constant 0 : i32
      %dma_start3A_160 = tpu.memref_slice %arg3[%arg1, %dma_start3A, %dma_start3A_159] : memref<16x250x80xi32, #tpu.memory_space<hbm>> -> memref<1x250x80xi32, #tpu.memory_space<hbm>>
      %dma_start3A_161 = tpu.memref_squeeze %dma_start3A_160 : memref<1x250x80xi32, #tpu.memory_space<hbm>> -> memref<250x80xi32, #tpu.memory_space<hbm>>
      %dma_start3A_162 = arith.constant 0 : i32
      %dma_start3A_163 = arith.constant 0 : i32
      %dma_start3A_164 = tpu.memref_slice %arg3[%arg1, %dma_start3A_162, %dma_start3A_163] : memref<16x250x80xi32, #tpu.memory_space<hbm>> -> memref<1x250x80xi32, #tpu.memory_space<hbm>>
      %dma_start3A_165 = tpu.memref_squeeze %dma_start3A_164 : memref<1x250x80xi32, #tpu.memory_space<hbm>> -> memref<250x80xi32, #tpu.memory_space<hbm>>
      tpu.enqueue_dma source(%dma_start3A_165 : memref<250x80xi32, #tpu.memory_space<hbm>>) target(%arg5 : memref<250x80xi32, #tpu.memory_space<vmem>>) target_semaphore(%run_scoped3A : memref<!tpu.dma_semaphore, #tpu.memory_space<semaphore_mem>>)
      %dma_wait3A = arith.constant 0 : i32
      %dma_wait3A_166 = arith.constant 0 : i32
      %dma_wait3A_167 = tpu.memref_slice %arg3[%arg1, %dma_wait3A, %dma_wait3A_166] : memref<16x250x80xi32, #tpu.memory_space<hbm>> -> memref<1x250x80xi32, #tpu.memory_space<hbm>>
      %dma_wait3A_168 = tpu.memref_squeeze %dma_wait3A_167 : memref<1x250x80xi32, #tpu.memory_space<hbm>> -> memref<250x80xi32, #tpu.memory_space<hbm>>
      %dma_wait3A_169 = arith.constant 0 : i32
      %dma_wait3A_170 = arith.constant 0 : i32
      %dma_wait3A_171 = tpu.memref_slice %arg3[%arg1, %dma_wait3A_169, %dma_wait3A_170] : memref<16x250x80xi32, #tpu.memory_space<hbm>> -> memref<1x250x80xi32, #tpu.memory_space<hbm>>
      %dma_wait3A_172 = tpu.memref_squeeze %dma_wait3A_171 : memref<1x250x80xi32, #tpu.memory_space<hbm>> -> memref<250x80xi32, #tpu.memory_space<hbm>>
      tpu.wait_dma2 semaphore(%run_scoped3A : memref<!tpu.dma_semaphore, #tpu.memory_space<semaphore_mem>>) src(%dma_wait3A_172 : memref<250x80xi32, #tpu.memory_space<hbm>>) dst(%arg5 : memref<250x80xi32, #tpu.memory_space<vmem>>)
      tpu.yield
    }) : () -> ()
    %scan3A_76 = arith.constant 0 : i32
    %scan3A_77 = arith.constant 0 : i32
    %scan3A_78 = arith.constant 250 : i32
    %scan3A_79 = arith.addi %scan3A_77, %scan3A_78 : i32
    %scan3A_80 = arith.constant 1 : i32
    %scan3A_81 = scf.for %scan3A_159 = %scan3A_77 to %scan3A_79 step %scan3A_80 iter_args(%scan3A_160 = %scan3A_76) -> (i32)  : i32 {
      %get3A = arith.index_cast %scan3A_159 : i32 to index
      %get3A_161 = arith.constant 0 : index
      %get3A_162 = tpu.vector_load %arg5[%get3A, %get3A_161] {strides = array<i32>} : memref<250x80xi32, #tpu.memory_space<vmem>>, vector<1x16xi32>,
      %get3A_163 = vector.shape_cast %get3A_162 : vector<1x16xi32> to vector<16xi32>
      %sub3A_164 = arith.constant 5000 : i32
      %sub3A_165 = vector.broadcast %sub3A_164 : i32 to vector<16xi32>
      %sub3A_166 = arith.subi %get3A_163, %sub3A_165 : vector<16xi32>
      %ge3A = arith.constant 0 : i32
      %ge3A_167 = vector.broadcast %ge3A : i32 to vector<16xi32>
      %ge3A_168 = arith.cmpi sge, %sub3A_166, %ge3A_167 : vector<16xi32>
      %lt3A = arith.constant 5000 : i32
      %lt3A_169 = vector.broadcast %lt3A : i32 to vector<16xi32>
      %lt3A_170 = arith.cmpi slt, %sub3A_166, %lt3A_169 : vector<16xi32>
      %and3A = arith.andi %ge3A_168, %lt3A_170 : vector<16xi1>
      %mul3A_171 = arith.constant 5 : i32
      %mul3A_172 = arith.muli %scan3A_159, %mul3A_171 : i32
      %add3A_173 = arith.constant 0 : i32
      %add3A_174 = arith.addi %mul3A_172, %add3A_173 : i32
      %mul3A_175 = arith.constant 16 : i32
      %mul3A_176 = arith.muli %add3A_174, %mul3A_175 : i32
      %add3A_177 = vector.broadcast %mul3A_176 : i32 to vector<16xi32>
      %add3A_178 = arith.addi %add3A_177, %iota3A : vector<16xi32>
      %and3A_179 = arith.constant 511 : i32
      %and3A_180 = vector.broadcast %and3A_179 : i32 to vector<16xi32>
      %and3A_181 = arith.andi %add3A_178, %and3A_180 : vector<16xi32>
      %add3A_182 = arith.constant 5120 : i32
      %add3A_183 = vector.broadcast %add3A_182 : i32 to vector<16xi32>
      %add3A_184 = arith.addi %add3A_183, %and3A_181 : vector<16xi32>
      %select_n3A_185 = arith.select %and3A, %sub3A_166, %add3A_184 : vector<16xi1>, vector<16xi32>
      %swap3A = arith.index_cast %scan3A_159 : i32 to index
      %swap3A_186 = arith.constant 0 : index
      %swap3A_187 = tpu.vector_load %arg5[%swap3A, %swap3A_186] {strides = array<i32>} : memref<250x80xi32, #tpu.memory_space<vmem>>, vector<1x16xi32>,
      %swap3A_188 = vector.shape_cast %swap3A_187 : vector<1x16xi32> to vector<16xi32>
      %swap3A_189 = vector.shape_cast %select_n3A_185 : vector<16xi32> to vector<1x16xi32>
      tpu.vector_store %arg5[%swap3A, %swap3A_186], %swap3A_189 {strides = array<i32>} : memref<250x80xi32, #tpu.memory_space<vmem>>, vector<1x16xi32>,
      %get3A_190 = arith.index_cast %scan3A_159 : i32 to index
      %get3A_191 = arith.constant 16 : index
      %get3A_192 = tpu.vector_load %arg5[%get3A_190, %get3A_191] {strides = array<i32>} : memref<250x80xi32, #tpu.memory_space<vmem>>, vector<1x16xi32>,
      %get3A_193 = vector.shape_cast %get3A_192 : vector<1x16xi32> to vector<16xi32>
      %sub3A_194 = arith.constant 5000 : i32
      %sub3A_195 = vector.broadcast %sub3A_194 : i32 to vector<16xi32>
      %sub3A_196 = arith.subi %get3A_193, %sub3A_195 : vector<16xi32>
      %ge3A_197 = arith.constant 0 : i32
      %ge3A_198 = vector.broadcast %ge3A_197 : i32 to vector<16xi32>
      %ge3A_199 = arith.cmpi sge, %sub3A_196, %ge3A_198 : vector<16xi32>
      %lt3A_200 = arith.constant 5000 : i32
      %lt3A_201 = vector.broadcast %lt3A_200 : i32 to vector<16xi32>
      %lt3A_202 = arith.cmpi slt, %sub3A_196, %lt3A_201 : vector<16xi32>
      %and3A_203 = arith.andi %ge3A_199, %lt3A_202 : vector<16xi1>
      %mul3A_204 = arith.constant 5 : i32
      %mul3A_205 = arith.muli %scan3A_159, %mul3A_204 : i32
      %add3A_206 = arith.constant 1 : i32
      %add3A_207 = arith.addi %mul3A_205, %add3A_206 : i32
      %mul3A_208 = arith.constant 16 : i32
      %mul3A_209 = arith.muli %add3A_207, %mul3A_208 : i32
      %add3A_210 = vector.broadcast %mul3A_209 : i32 to vector<16xi32>
      %add3A_211 = arith.addi %add3A_210, %iota3A : vector<16xi32>
      %and3A_212 = arith.constant 511 : i32
      %and3A_213 = vector.broadcast %and3A_212 : i32 to vector<16xi32>
      %and3A_214 = arith.andi %add3A_211, %and3A_213 : vector<16xi32>
      %add3A_215 = arith.constant 5120 : i32
      %add3A_216 = vector.broadcast %add3A_215 : i32 to vector<16xi32>
      %add3A_217 = arith.addi %add3A_216, %and3A_214 : vector<16xi32>
      %select_n3A_218 = arith.select %and3A_203, %sub3A_196, %add3A_217 : vector<16xi1>, vector<16xi32>
      %swap3A_219 = arith.index_cast %scan3A_159 : i32 to index
      %swap3A_220 = arith.constant 16 : index
      %swap3A_221 = tpu.vector_load %arg5[%swap3A_219, %swap3A_220] {strides = array<i32>} : memref<250x80xi32, #tpu.memory_space<vmem>>, vector<1x16xi32>,
      %swap3A_222 = vector.shape_cast %swap3A_221 : vector<1x16xi32> to vector<16xi32>
      %swap3A_223 = vector.shape_cast %select_n3A_218 : vector<16xi32> to vector<1x16xi32>
      tpu.vector_store %arg5[%swap3A_219, %swap3A_220], %swap3A_223 {strides = array<i32>} : memref<250x80xi32, #tpu.memory_space<vmem>>, vector<1x16xi32>,
      %get3A_224 = arith.index_cast %scan3A_159 : i32 to index
      %get3A_225 = arith.constant 32 : index
      %get3A_226 = tpu.vector_load %arg5[%get3A_224, %get3A_225] {strides = array<i32>} : memref<250x80xi32, #tpu.memory_space<vmem>>, vector<1x16xi32>,
      %get3A_227 = vector.shape_cast %get3A_226 : vector<1x16xi32> to vector<16xi32>
      %sub3A_228 = arith.constant 5000 : i32
      %sub3A_229 = vector.broadcast %sub3A_228 : i32 to vector<16xi32>
      %sub3A_230 = arith.subi %get3A_227, %sub3A_229 : vector<16xi32>
      %ge3A_231 = arith.constant 0 : i32
      %ge3A_232 = vector.broadcast %ge3A_231 : i32 to vector<16xi32>
      %ge3A_233 = arith.cmpi sge, %sub3A_230, %ge3A_232 : vector<16xi32>
      %lt3A_234 = arith.constant 5000 : i32
      %lt3A_235 = vector.broadcast %lt3A_234 : i32 to vector<16xi32>
      %lt3A_236 = arith.cmpi slt, %sub3A_230, %lt3A_235 : vector<16xi32>
      %and3A_237 = arith.andi %ge3A_233, %lt3A_236 : vector<16xi1>
      %mul3A_238 = arith.constant 5 : i32
      %mul3A_239 = arith.muli %scan3A_159, %mul3A_238 : i32
      %add3A_240 = arith.constant 2 : i32
      %add3A_241 = arith.addi %mul3A_239, %add3A_240 : i32
      %mul3A_242 = arith.constant 16 : i32
      %mul3A_243 = arith.muli %add3A_241, %mul3A_242 : i32
      %add3A_244 = vector.broadcast %mul3A_243 : i32 to vector<16xi32>
      %add3A_245 = arith.addi %add3A_244, %iota3A : vector<16xi32>
      %and3A_246 = arith.constant 511 : i32
      %and3A_247 = vector.broadcast %and3A_246 : i32 to vector<16xi32>
      %and3A_248 = arith.andi %add3A_245, %and3A_247 : vector<16xi32>
      %add3A_249 = arith.constant 5120 : i32
      %add3A_250 = vector.broadcast %add3A_249 : i32 to vector<16xi32>
      %add3A_251 = arith.addi %add3A_250, %and3A_248 : vector<16xi32>
      %select_n3A_252 = arith.select %and3A_237, %sub3A_230, %add3A_251 : vector<16xi1>, vector<16xi32>
      %swap3A_253 = arith.index_cast %scan3A_159 : i32 to index
      %swap3A_254 = arith.constant 32 : index
      %swap3A_255 = tpu.vector_load %arg5[%swap3A_253, %swap3A_254] {strides = array<i32>} : memref<250x80xi32, #tpu.memory_space<vmem>>, vector<1x16xi32>,
      %swap3A_256 = vector.shape_cast %swap3A_255 : vector<1x16xi32> to vector<16xi32>
      %swap3A_257 = vector.shape_cast %select_n3A_252 : vector<16xi32> to vector<1x16xi32>
      tpu.vector_store %arg5[%swap3A_253, %swap3A_254], %swap3A_257 {strides = array<i32>} : memref<250x80xi32, #tpu.memory_space<vmem>>, vector<1x16xi32>,
      %get3A_258 = arith.index_cast %scan3A_159 : i32 to index
      %get3A_259 = arith.constant 48 : index
      %get3A_260 = tpu.vector_load %arg5[%get3A_258, %get3A_259] {strides = array<i32>} : memref<250x80xi32, #tpu.memory_space<vmem>>, vector<1x16xi32>,
      %get3A_261 = vector.shape_cast %get3A_260 : vector<1x16xi32> to vector<16xi32>
      %sub3A_262 = arith.constant 5000 : i32
      %sub3A_263 = vector.broadcast %sub3A_262 : i32 to vector<16xi32>
      %sub3A_264 = arith.subi %get3A_261, %sub3A_263 : vector<16xi32>
      %ge3A_265 = arith.constant 0 : i32
      %ge3A_266 = vector.broadcast %ge3A_265 : i32 to vector<16xi32>
      %ge3A_267 = arith.cmpi sge, %sub3A_264, %ge3A_266 : vector<16xi32>
      %lt3A_268 = arith.constant 5000 : i32
      %lt3A_269 = vector.broadcast %lt3A_268 : i32 to vector<16xi32>
      %lt3A_270 = arith.cmpi slt, %sub3A_264, %lt3A_269 : vector<16xi32>
      %and3A_271 = arith.andi %ge3A_267, %lt3A_270 : vector<16xi1>
      %mul3A_272 = arith.constant 5 : i32
      %mul3A_273 = arith.muli %scan3A_159, %mul3A_272 : i32
      %add3A_274 = arith.constant 3 : i32
      %add3A_275 = arith.addi %mul3A_273, %add3A_274 : i32
      %mul3A_276 = arith.constant 16 : i32
      %mul3A_277 = arith.muli %add3A_275, %mul3A_276 : i32
      %add3A_278 = vector.broadcast %mul3A_277 : i32 to vector<16xi32>
      %add3A_279 = arith.addi %add3A_278, %iota3A : vector<16xi32>
      %and3A_280 = arith.constant 511 : i32
      %and3A_281 = vector.broadcast %and3A_280 : i32 to vector<16xi32>
      %and3A_282 = arith.andi %add3A_279, %and3A_281 : vector<16xi32>
      %add3A_283 = arith.constant 5120 : i32
      %add3A_284 = vector.broadcast %add3A_283 : i32 to vector<16xi32>
      %add3A_285 = arith.addi %add3A_284, %and3A_282 : vector<16xi32>
      %select_n3A_286 = arith.select %and3A_271, %sub3A_264, %add3A_285 : vector<16xi1>, vector<16xi32>
      %swap3A_287 = arith.index_cast %scan3A_159 : i32 to index
      %swap3A_288 = arith.constant 48 : index
      %swap3A_289 = tpu.vector_load %arg5[%swap3A_287, %swap3A_288] {strides = array<i32>} : memref<250x80xi32, #tpu.memory_space<vmem>>, vector<1x16xi32>,
      %swap3A_290 = vector.shape_cast %swap3A_289 : vector<1x16xi32> to vector<16xi32>
      %swap3A_291 = vector.shape_cast %select_n3A_286 : vector<16xi32> to vector<1x16xi32>
      tpu.vector_store %arg5[%swap3A_287, %swap3A_288], %swap3A_291 {strides = array<i32>} : memref<250x80xi32, #tpu.memory_space<vmem>>, vector<1x16xi32>,
      %get3A_292 = arith.index_cast %scan3A_159 : i32 to index
      %get3A_293 = arith.constant 64 : index
      %get3A_294 = tpu.vector_load %arg5[%get3A_292, %get3A_293] {strides = array<i32>} : memref<250x80xi32, #tpu.memory_space<vmem>>, vector<1x16xi32>,
      %get3A_295 = vector.shape_cast %get3A_294 : vector<1x16xi32> to vector<16xi32>
      %sub3A_296 = arith.constant 5000 : i32
      %sub3A_297 = vector.broadcast %sub3A_296 : i32 to vector<16xi32>
      %sub3A_298 = arith.subi %get3A_295, %sub3A_297 : vector<16xi32>
      %ge3A_299 = arith.constant 0 : i32
      %ge3A_300 = vector.broadcast %ge3A_299 : i32 to vector<16xi32>
      %ge3A_301 = arith.cmpi sge, %sub3A_298, %ge3A_300 : vector<16xi32>
      %lt3A_302 = arith.constant 5000 : i32
      %lt3A_303 = vector.broadcast %lt3A_302 : i32 to vector<16xi32>
      %lt3A_304 = arith.cmpi slt, %sub3A_298, %lt3A_303 : vector<16xi32>
      %and3A_305 = arith.andi %ge3A_301, %lt3A_304 : vector<16xi1>
      %mul3A_306 = arith.constant 5 : i32
      %mul3A_307 = arith.muli %scan3A_159, %mul3A_306 : i32
      %add3A_308 = arith.constant 4 : i32
      %add3A_309 = arith.addi %mul3A_307, %add3A_308 : i32
      %mul3A_310 = arith.constant 16 : i32
      %mul3A_311 = arith.muli %add3A_309, %mul3A_310 : i32
      %add3A_312 = vector.broadcast %mul3A_311 : i32 to vector<16xi32>
      %add3A_313 = arith.addi %add3A_312, %iota3A : vector<16xi32>
      %and3A_314 = arith.constant 511 : i32
      %and3A_315 = vector.broadcast %and3A_314 : i32 to vector<16xi32>
      %and3A_316 = arith.andi %add3A_313, %and3A_315 : vector<16xi32>
      %add3A_317 = arith.constant 5120 : i32
      %add3A_318 = vector.broadcast %add3A_317 : i32 to vector<16xi32>
      %add3A_319 = arith.addi %add3A_318, %and3A_316 : vector<16xi32>
      %select_n3A_320 = arith.select %and3A_305, %sub3A_298, %add3A_319 : vector<16xi1>, vector<16xi32>
      %swap3A_321 = arith.index_cast %scan3A_159 : i32 to index
      %swap3A_322 = arith.constant 64 : index
      %swap3A_323 = tpu.vector_load %arg5[%swap3A_321, %swap3A_322] {strides = array<i32>} : memref<250x80xi32, #tpu.memory_space<vmem>>, vector<1x16xi32>,
      %swap3A_324 = vector.shape_cast %swap3A_323 : vector<1x16xi32> to vector<16xi32>
      %swap3A_325 = vector.shape_cast %select_n3A_320 : vector<16xi32> to vector<1x16xi32>
      tpu.vector_store %arg5[%swap3A_321, %swap3A_322], %swap3A_325 {strides = array<i32>} : memref<250x80xi32, #tpu.memory_space<vmem>>, vector<1x16xi32>,
      %scan3A_326 = arith.constant 0 : i32
      scf.yield %scan3A_326 : i32
    }
    %scan3A_82 = arith.constant 250 : i32
    %scan3A_83 = arith.constant 0 : i32
    %scan3A_84 = arith.constant 0 : i32
    %scan3A_85 = arith.constant 80 : i32
    %scan3A_86 = arith.addi %scan3A_84, %scan3A_85 : i32
    %scan3A_87 = arith.constant 1 : i32
    %scan3A_88 = scf.for %scan3A_159 = %scan3A_84 to %scan3A_86 step %scan3A_87 iter_args(%scan3A_160 = %scan3A_83) -> (i32)  : i32 {
      %broadcast_in_dim3A = arith.constant 0.000000e+00 : f32
      %broadcast_in_dim3A_161 = vector.broadcast %broadcast_in_dim3A : f32 to vector<16xf32>
      %swap3A = arith.index_cast %scan3A_159 : i32 to index
      %swap3A_162 = arith.constant 0 : index
      %swap3A_163 = tpu.vector_load %arg6[%swap3A, %swap3A_162] {strides = array<i32>} : memref<80x128xf32, #tpu.memory_space<vmem>>, vector<1x16xf32>,
      %swap3A_164 = vector.shape_cast %swap3A_163 : vector<1x16xf32> to vector<16xf32>
      %swap3A_165 = vector.shape_cast %broadcast_in_dim3A_161 : vector<16xf32> to vector<1x16xf32>
      tpu.vector_store %arg6[%swap3A, %swap3A_162], %swap3A_165 {strides = array<i32>} : memref<80x128xf32, #tpu.memory_space<vmem>>, vector<1x16xf32>,
      %broadcast_in_dim3A_166 = arith.constant 0.000000e+00 : f32
      %broadcast_in_dim3A_167 = vector.broadcast %broadcast_in_dim3A_166 : f32 to vector<16xf32>
      %swap3A_168 = arith.index_cast %scan3A_159 : i32 to index
      %swap3A_169 = arith.constant 16 : index
      %swap3A_170 = tpu.vector_load %arg6[%swap3A_168, %swap3A_169] {strides = array<i32>} : memref<80x128xf32, #tpu.memory_space<vmem>>, vector<1x16xf32>,
      %swap3A_171 = vector.shape_cast %swap3A_170 : vector<1x16xf32> to vector<16xf32>
      %swap3A_172 = vector.shape_cast %broadcast_in_dim3A_167 : vector<16xf32> to vector<1x16xf32>
      tpu.vector_store %arg6[%swap3A_168, %swap3A_169], %swap3A_172 {strides = array<i32>} : memref<80x128xf32, #tpu.memory_space<vmem>>, vector<1x16xf32>,
      %broadcast_in_dim3A_173 = arith.constant 0.000000e+00 : f32
      %broadcast_in_dim3A_174 = vector.broadcast %broadcast_in_dim3A_173 : f32 to vector<16xf32>
      %swap3A_175 = arith.index_cast %scan3A_159 : i32 to index
      %swap3A_176 = arith.constant 32 : index
      %swap3A_177 = tpu.vector_load %arg6[%swap3A_175, %swap3A_176] {strides = array<i32>} : memref<80x128xf32, #tpu.memory_space<vmem>>, vector<1x16xf32>,
      %swap3A_178 = vector.shape_cast %swap3A_177 : vector<1x16xf32> to vector<16xf32>
      %swap3A_179 = vector.shape_cast %broadcast_in_dim3A_174 : vector<16xf32> to vector<1x16xf32>
      tpu.vector_store %arg6[%swap3A_175, %swap3A_176], %swap3A_179 {strides = array<i32>} : memref<80x128xf32, #tpu.memory_space<vmem>>, vector<1x16xf32>,
      %broadcast_in_dim3A_180 = arith.constant 0.000000e+00 : f32
      %broadcast_in_dim3A_181 = vector.broadcast %broadcast_in_dim3A_180 : f32 to vector<16xf32>
      %swap3A_182 = arith.index_cast %scan3A_159 : i32 to index
      %swap3A_183 = arith.constant 48 : index
      %swap3A_184 = tpu.vector_load %arg6[%swap3A_182, %swap3A_183] {strides = array<i32>} : memref<80x128xf32, #tpu.memory_space<vmem>>, vector<1x16xf32>,
      %swap3A_185 = vector.shape_cast %swap3A_184 : vector<1x16xf32> to vector<16xf32>
      %swap3A_186 = vector.shape_cast %broadcast_in_dim3A_181 : vector<16xf32> to vector<1x16xf32>
      tpu.vector_store %arg6[%swap3A_182, %swap3A_183], %swap3A_186 {strides = array<i32>} : memref<80x128xf32, #tpu.memory_space<vmem>>, vector<1x16xf32>,
      %broadcast_in_dim3A_187 = arith.constant 0.000000e+00 : f32
      %broadcast_in_dim3A_188 = vector.broadcast %broadcast_in_dim3A_187 : f32 to vector<16xf32>
      %swap3A_189 = arith.index_cast %scan3A_159 : i32 to index
      %swap3A_190 = arith.constant 64 : index
      %swap3A_191 = tpu.vector_load %arg6[%swap3A_189, %swap3A_190] {strides = array<i32>} : memref<80x128xf32, #tpu.memory_space<vmem>>, vector<1x16xf32>,
      %swap3A_192 = vector.shape_cast %swap3A_191 : vector<1x16xf32> to vector<16xf32>
      %swap3A_193 = vector.shape_cast %broadcast_in_dim3A_188 : vector<16xf32> to vector<1x16xf32>
      tpu.vector_store %arg6[%swap3A_189, %swap3A_190], %swap3A_193 {strides = array<i32>} : memref<80x128xf32, #tpu.memory_space<vmem>>, vector<1x16xf32>,
      %broadcast_in_dim3A_194 = arith.constant 0.000000e+00 : f32
      %broadcast_in_dim3A_195 = vector.broadcast %broadcast_in_dim3A_194 : f32 to vector<16xf32>
      %swap3A_196 = arith.index_cast %scan3A_159 : i32 to index
      %swap3A_197 = arith.constant 80 : index
      %swap3A_198 = tpu.vector_load %arg6[%swap3A_196, %swap3A_197] {strides = array<i32>} : memref<80x128xf32, #tpu.memory_space<vmem>>, vector<1x16xf32>,
      %swap3A_199 = vector.shape_cast %swap3A_198 : vector<1x16xf32> to vector<16xf32>
      %swap3A_200 = vector.shape_cast %broadcast_in_dim3A_195 : vector<16xf32> to vector<1x16xf32>
      tpu.vector_store %arg6[%swap3A_196, %swap3A_197], %swap3A_200 {strides = array<i32>} : memref<80x128xf32, #tpu.memory_space<vmem>>, vector<1x16xf32>,
      %broadcast_in_dim3A_201 = arith.constant 0.000000e+00 : f32
      %broadcast_in_dim3A_202 = vector.broadcast %broadcast_in_dim3A_201 : f32 to vector<16xf32>
      %swap3A_203 = arith.index_cast %scan3A_159 : i32 to index
      %swap3A_204 = arith.constant 96 : index
      %swap3A_205 = tpu.vector_load %arg6[%swap3A_203, %swap3A_204] {strides = array<i32>} : memref<80x128xf32, #tpu.memory_space<vmem>>, vector<1x16xf32>,
      %swap3A_206 = vector.shape_cast %swap3A_205 : vector<1x16xf32> to vector<16xf32>
      %swap3A_207 = vector.shape_cast %broadcast_in_dim3A_202 : vector<16xf32> to vector<1x16xf32>
      tpu.vector_store %arg6[%swap3A_203, %swap3A_204], %swap3A_207 {strides = array<i32>} : memref<80x128xf32, #tpu.memory_space<vmem>>, vector<1x16xf32>,
      %broadcast_in_dim3A_208 = arith.constant 0.000000e+00 : f32
      %broadcast_in_dim3A_209 = vector.broadcast %broadcast_in_dim3A_208 : f32 to vector<16xf32>
      %swap3A_210 = arith.index_cast %scan3A_159 : i32 to index
      %swap3A_211 = arith.constant 112 : index
      %swap3A_212 = tpu.vector_load %arg6[%swap3A_210, %swap3A_211] {strides = array<i32>} : memref<80x128xf32, #tpu.memory_space<vmem>>, vector<1x16xf32>,
      %swap3A_213 = vector.shape_cast %swap3A_212 : vector<1x16xf32> to vector<16xf32>
      %swap3A_214 = vector.shape_cast %broadcast_in_dim3A_209 : vector<16xf32> to vector<1x16xf32>
      tpu.vector_store %arg6[%swap3A_210, %swap3A_211], %swap3A_214 {strides = array<i32>} : memref<80x128xf32, #tpu.memory_space<vmem>>, vector<1x16xf32>,
      %scan3A_215 = arith.constant 0 : i32
      scf.yield %scan3A_215 : i32
    }
    %scan3A_89 = arith.constant 80 : i32
    %mul3A_90 = arith.constant 352 : i32
    %mul3A_91 = arith.muli %arg1, %mul3A_90 : i32
    %add3A_92 = arith.constant 0 : i32
    %add3A_93 = arith.addi %mul3A_91, %add3A_92 : i32
    "tpu.region"() ({
      %run_scoped3A = tpu.sem_alloc : memref<!tpu.dma_semaphore, #tpu.memory_space<semaphore_mem>>
      %dma_start3A = arith.constant 0 : i32
      %dma_start3A_159 = tpu.memref_slice %arg7[%add3A_93, %dma_start3A] : memref<5632x128xf32, #tpu.memory_space<vmem_shared>> -> memref<80x128xf32, #tpu.memory_space<vmem_shared>>
      %dma_start3A_160 = arith.constant 0 : i32
      %dma_start3A_161 = tpu.memref_slice %arg7[%add3A_93, %dma_start3A_160] : memref<5632x128xf32, #tpu.memory_space<vmem_shared>> -> memref<80x128xf32, #tpu.memory_space<vmem_shared>>
      tpu.enqueue_dma source(%arg6 : memref<80x128xf32, #tpu.memory_space<vmem>>) target(%dma_start3A_161 : memref<80x128xf32, #tpu.memory_space<vmem_shared>>) target_semaphore(%run_scoped3A : memref<!tpu.dma_semaphore, #tpu.memory_space<semaphore_mem>>)
      %dma_wait3A = arith.constant 0 : i32
      %dma_wait3A_162 = tpu.memref_slice %arg7[%add3A_93, %dma_wait3A] : memref<5632x128xf32, #tpu.memory_space<vmem_shared>> -> memref<80x128xf32, #tpu.memory_space<vmem_shared>>
      %dma_wait3A_163 = arith.constant 0 : i32
      %dma_wait3A_164 = tpu.memref_slice %arg7[%add3A_93, %dma_wait3A_163] : memref<5632x128xf32, #tpu.memory_space<vmem_shared>> -> memref<80x128xf32, #tpu.memory_space<vmem_shared>>
      tpu.wait_dma2 semaphore(%run_scoped3A : memref<!tpu.dma_semaphore, #tpu.memory_space<semaphore_mem>>) src(%arg6 : memref<80x128xf32, #tpu.memory_space<vmem>>) dst(%dma_wait3A_164 : memref<80x128xf32, #tpu.memory_space<vmem_shared>>)
      tpu.yield
    }) : () -> ()
    %add3A_94 = arith.constant 80 : i32
    %add3A_95 = arith.addi %mul3A_91, %add3A_94 : i32
    "tpu.region"() ({
      %run_scoped3A = tpu.sem_alloc : memref<!tpu.dma_semaphore, #tpu.memory_space<semaphore_mem>>
      %dma_start3A = arith.constant 0 : i32
      %dma_start3A_159 = tpu.memref_slice %arg7[%add3A_95, %dma_start3A] : memref<5632x128xf32, #tpu.memory_space<vmem_shared>> -> memref<80x128xf32, #tpu.memory_space<vmem_shared>>
      %dma_start3A_160 = arith.constant 0 : i32
      %dma_start3A_161 = tpu.memref_slice %arg7[%add3A_95, %dma_start3A_160] : memref<5632x128xf32, #tpu.memory_space<vmem_shared>> -> memref<80x128xf32, #tpu.memory_space<vmem_shared>>
      tpu.enqueue_dma source(%arg6 : memref<80x128xf32, #tpu.memory_space<vmem>>) target(%dma_start3A_161 : memref<80x128xf32, #tpu.memory_space<vmem_shared>>) target_semaphore(%run_scoped3A : memref<!tpu.dma_semaphore, #tpu.memory_space<semaphore_mem>>)
      %dma_wait3A = arith.constant 0 : i32
      %dma_wait3A_162 = tpu.memref_slice %arg7[%add3A_95, %dma_wait3A] : memref<5632x128xf32, #tpu.memory_space<vmem_shared>> -> memref<80x128xf32, #tpu.memory_space<vmem_shared>>
      %dma_wait3A_163 = arith.constant 0 : i32
      %dma_wait3A_164 = tpu.memref_slice %arg7[%add3A_95, %dma_wait3A_163] : memref<5632x128xf32, #tpu.memory_space<vmem_shared>> -> memref<80x128xf32, #tpu.memory_space<vmem_shared>>
      tpu.wait_dma2 semaphore(%run_scoped3A : memref<!tpu.dma_semaphore, #tpu.memory_space<semaphore_mem>>) src(%arg6 : memref<80x128xf32, #tpu.memory_space<vmem>>) dst(%dma_wait3A_164 : memref<80x128xf32, #tpu.memory_space<vmem_shared>>)
      tpu.yield
    }) : () -> ()
    %add3A_96 = arith.constant 160 : i32
    %add3A_97 = arith.addi %mul3A_91, %add3A_96 : i32
    "tpu.region"() ({
      %run_scoped3A = tpu.sem_alloc : memref<!tpu.dma_semaphore, #tpu.memory_space<semaphore_mem>>
      %dma_start3A = arith.constant 0 : i32
      %dma_start3A_159 = tpu.memref_slice %arg7[%add3A_97, %dma_start3A] : memref<5632x128xf32, #tpu.memory_space<vmem_shared>> -> memref<80x128xf32, #tpu.memory_space<vmem_shared>>
      %dma_start3A_160 = arith.constant 0 : i32
      %dma_start3A_161 = tpu.memref_slice %arg7[%add3A_97, %dma_start3A_160] : memref<5632x128xf32, #tpu.memory_space<vmem_shared>> -> memref<80x128xf32, #tpu.memory_space<vmem_shared>>
      tpu.enqueue_dma source(%arg6 : memref<80x128xf32, #tpu.memory_space<vmem>>) target(%dma_start3A_161 : memref<80x128xf32, #tpu.memory_space<vmem_shared>>) target_semaphore(%run_scoped3A : memref<!tpu.dma_semaphore, #tpu.memory_space<semaphore_mem>>)
      %dma_wait3A = arith.constant 0 : i32
      %dma_wait3A_162 = tpu.memref_slice %arg7[%add3A_97, %dma_wait3A] : memref<5632x128xf32, #tpu.memory_space<vmem_shared>> -> memref<80x128xf32, #tpu.memory_space<vmem_shared>>
      %dma_wait3A_163 = arith.constant 0 : i32
      %dma_wait3A_164 = tpu.memref_slice %arg7[%add3A_97, %dma_wait3A_163] : memref<5632x128xf32, #tpu.memory_space<vmem_shared>> -> memref<80x128xf32, #tpu.memory_space<vmem_shared>>
      tpu.wait_dma2 semaphore(%run_scoped3A : memref<!tpu.dma_semaphore, #tpu.memory_space<semaphore_mem>>) src(%arg6 : memref<80x128xf32, #tpu.memory_space<vmem>>) dst(%dma_wait3A_164 : memref<80x128xf32, #tpu.memory_space<vmem_shared>>)
      tpu.yield
    }) : () -> ()
    %add3A_98 = arith.constant 240 : i32
    %add3A_99 = arith.addi %mul3A_91, %add3A_98 : i32
    "tpu.region"() ({
      %run_scoped3A = tpu.sem_alloc : memref<!tpu.dma_semaphore, #tpu.memory_space<semaphore_mem>>
      %dma_start3A = arith.constant 0 : i32
      %dma_start3A_159 = tpu.memref_slice %arg7[%add3A_99, %dma_start3A] : memref<5632x128xf32, #tpu.memory_space<vmem_shared>> -> memref<80x128xf32, #tpu.memory_space<vmem_shared>>
      %dma_start3A_160 = arith.constant 0 : i32
      %dma_start3A_161 = tpu.memref_slice %arg7[%add3A_99, %dma_start3A_160] : memref<5632x128xf32, #tpu.memory_space<vmem_shared>> -> memref<80x128xf32, #tpu.memory_space<vmem_shared>>
      tpu.enqueue_dma source(%arg6 : memref<80x128xf32, #tpu.memory_space<vmem>>) target(%dma_start3A_161 : memref<80x128xf32, #tpu.memory_space<vmem_shared>>) target_semaphore(%run_scoped3A : memref<!tpu.dma_semaphore, #tpu.memory_space<semaphore_mem>>)
      %dma_wait3A = arith.constant 0 : i32
      %dma_wait3A_162 = tpu.memref_slice %arg7[%add3A_99, %dma_wait3A] : memref<5632x128xf32, #tpu.memory_space<vmem_shared>> -> memref<80x128xf32, #tpu.memory_space<vmem_shared>>
      %dma_wait3A_163 = arith.constant 0 : i32
      %dma_wait3A_164 = tpu.memref_slice %arg7[%add3A_99, %dma_wait3A_163] : memref<5632x128xf32, #tpu.memory_space<vmem_shared>> -> memref<80x128xf32, #tpu.memory_space<vmem_shared>>
      tpu.wait_dma2 semaphore(%run_scoped3A : memref<!tpu.dma_semaphore, #tpu.memory_space<semaphore_mem>>) src(%arg6 : memref<80x128xf32, #tpu.memory_space<vmem>>) dst(%dma_wait3A_164 : memref<80x128xf32, #tpu.memory_space<vmem_shared>>)
      tpu.yield
    }) : () -> ()
    %add3A_100 = arith.constant 272 : i32
    %add3A_101 = arith.addi %mul3A_91, %add3A_100 : i32
    "tpu.region"() ({
      %run_scoped3A = tpu.sem_alloc : memref<!tpu.dma_semaphore, #tpu.memory_space<semaphore_mem>>
      %dma_start3A = arith.constant 0 : i32
      %dma_start3A_159 = tpu.memref_slice %arg7[%add3A_101, %dma_start3A] : memref<5632x128xf32, #tpu.memory_space<vmem_shared>> -> memref<80x128xf32, #tpu.memory_space<vmem_shared>>
      %dma_start3A_160 = arith.constant 0 : i32
      %dma_start3A_161 = tpu.memref_slice %arg7[%add3A_101, %dma_start3A_160] : memref<5632x128xf32, #tpu.memory_space<vmem_shared>> -> memref<80x128xf32, #tpu.memory_space<vmem_shared>>
      tpu.enqueue_dma source(%arg6 : memref<80x128xf32, #tpu.memory_space<vmem>>) target(%dma_start3A_161 : memref<80x128xf32, #tpu.memory_space<vmem_shared>>) target_semaphore(%run_scoped3A : memref<!tpu.dma_semaphore, #tpu.memory_space<semaphore_mem>>)
      %dma_wait3A = arith.constant 0 : i32
      %dma_wait3A_162 = tpu.memref_slice %arg7[%add3A_101, %dma_wait3A] : memref<5632x128xf32, #tpu.memory_space<vmem_shared>> -> memref<80x128xf32, #tpu.memory_space<vmem_shared>>
      %dma_wait3A_163 = arith.constant 0 : i32
      %dma_wait3A_164 = tpu.memref_slice %arg7[%add3A_101, %dma_wait3A_163] : memref<5632x128xf32, #tpu.memory_space<vmem_shared>> -> memref<80x128xf32, #tpu.memory_space<vmem_shared>>
      tpu.wait_dma2 semaphore(%run_scoped3A : memref<!tpu.dma_semaphore, #tpu.memory_space<semaphore_mem>>) src(%arg6 : memref<80x128xf32, #tpu.memory_space<vmem>>) dst(%dma_wait3A_164 : memref<80x128xf32, #tpu.memory_space<vmem_shared>>)
      tpu.yield
    }) : () -> ()
    %barrier3A_102 = arith.constant 0 : index
    tpu.barrier barrier_id(%barrier3A_102)
    %scan3A_103 = arith.constant 0 : i32
    %scan3A_104 = arith.constant 0 : i32
    %scan3A_105 = arith.constant 250 : i32
    %scan3A_106 = arith.addi %scan3A_104, %scan3A_105 : i32
    %scan3A_107 = arith.constant 1 : i32
    %scan3A_108 = scf.for %scan3A_159 = %scan3A_104 to %scan3A_106 step %scan3A_107 iter_args(%scan3A_160 = %scan3A_103) -> (i32)  : i32 {
      %mul3A_161 = arith.constant 80 : i32
      %mul3A_162 = arith.muli %scan3A_159, %mul3A_161 : i32
      %add3A_163 = arith.addi %mul3A_0, %mul3A_162 : i32
      "tpu.region"() ({
        %run_scoped3A = tpu.sem_alloc : memref<!tpu.dma_semaphore, #tpu.memory_space<semaphore_mem>>
        %dma_start3A = arith.constant 0 : i32
        %dma_start3A_165 = tpu.memref_slice %arg2[%arg0, %add3A_163, %dma_start3A] : memref<2x320000x128xf32, #tpu.memory_space<hbm>> -> memref<1x80x128xf32, #tpu.memory_space<hbm>>
        %dma_start3A_166 = tpu.memref_squeeze %dma_start3A_165 : memref<1x80x128xf32, #tpu.memory_space<hbm>> -> memref<80x128xf32, #tpu.memory_space<hbm>>
        %dma_start3A_167 = arith.constant 0 : i32
        %dma_start3A_168 = tpu.memref_slice %arg2[%arg0, %add3A_163, %dma_start3A_167] : memref<2x320000x128xf32, #tpu.memory_space<hbm>> -> memref<1x80x128xf32, #tpu.memory_space<hbm>>
        %dma_start3A_169 = tpu.memref_squeeze %dma_start3A_168 : memref<1x80x128xf32, #tpu.memory_space<hbm>> -> memref<80x128xf32, #tpu.memory_space<hbm>>
        tpu.enqueue_dma source(%dma_start3A_169 : memref<80x128xf32, #tpu.memory_space<hbm>>) target(%arg6 : memref<80x128xf32, #tpu.memory_space<vmem>>) target_semaphore(%run_scoped3A : memref<!tpu.dma_semaphore, #tpu.memory_space<semaphore_mem>>)
        %dma_wait3A = arith.constant 0 : i32
        %dma_wait3A_170 = tpu.memref_slice %arg2[%arg0, %add3A_163, %dma_wait3A] : memref<2x320000x128xf32, #tpu.memory_space<hbm>> -> memref<1x80x128xf32, #tpu.memory_space<hbm>>
        %dma_wait3A_171 = tpu.memref_squeeze %dma_wait3A_170 : memref<1x80x128xf32, #tpu.memory_space<hbm>> -> memref<80x128xf32, #tpu.memory_space<hbm>>
        %dma_wait3A_172 = arith.constant 0 : i32
        %dma_wait3A_173 = tpu.memref_slice %arg2[%arg0, %add3A_163, %dma_wait3A_172] : memref<2x320000x128xf32, #tpu.memory_space<hbm>> -> memref<1x80x128xf32, #tpu.memory_space<hbm>>
        %dma_wait3A_174 = tpu.memref_squeeze %dma_wait3A_173 : memref<1x80x128xf32, #tpu.memory_space<hbm>> -> memref<80x128xf32, #tpu.memory_space<hbm>>
        tpu.wait_dma2 semaphore(%run_scoped3A : memref<!tpu.dma_semaphore, #tpu.memory_space<semaphore_mem>>) src(%dma_wait3A_174 : memref<80x128xf32, #tpu.memory_space<hbm>>) dst(%arg6 : memref<80x128xf32, #tpu.memory_space<vmem>>)
        tpu.yield
      }) : () -> ()
      "tpu.region"() ({
        %run_scoped3A = tpu.sem_alloc : memref<!tpu.dma_semaphore, #tpu.memory_space<semaphore_mem>>
        %dma_start3A = arith.constant 0 : i32
        %dma_start3A_165 = tpu.memref_slice %arg5[%scan3A_159, %dma_start3A] : memref<250x80xi32, #tpu.memory_space<vmem>> -> memref<1x80xi32, #tpu.memory_space<vmem>>
        %dma_start3A_166 = tpu.memref_squeeze %dma_start3A_165 : memref<1x80xi32, #tpu.memory_space<vmem>> -> memref<80xi32, #tpu.memory_space<vmem>>
        %dma_start3A_167 = arith.constant 0 : i32
        %dma_start3A_168 = arith.constant 0 : i32
        %dma_start3A_169 = tpu.memref_slice %arg7[%dma_start3A_167, %dma_start3A_168] : memref<5632x128xf32, #tpu.memory_space<vmem_shared>> -> memref<5632x128xf32, #tpu.memory_space<vmem_shared>>
        tpu.enqueue_indirect_dma source(%arg6 : memref<80x128xf32, #tpu.memory_space<vmem>>) target(%dma_start3A_169 : memref<5632x128xf32, #tpu.memory_space<vmem_shared>>) offsets(%dma_start3A_166 : memref<80xi32, #tpu.memory_space<vmem>>) semaphore(%run_scoped3A : memref<!tpu.dma_semaphore, #tpu.memory_space<semaphore_mem>>) {add = true}
        %dma_wait3A = arith.constant 0 : i32
        %dma_wait3A_170 = tpu.memref_slice %arg5[%scan3A_159, %dma_wait3A] : memref<250x80xi32, #tpu.memory_space<vmem>> -> memref<1x80xi32, #tpu.memory_space<vmem>>
        %dma_wait3A_171 = tpu.memref_squeeze %dma_wait3A_170 : memref<1x80xi32, #tpu.memory_space<vmem>> -> memref<80xi32, #tpu.memory_space<vmem>>
        %dma_wait3A_172 = arith.constant 0 : i32
        %dma_wait3A_173 = arith.constant 0 : i32
        %dma_wait3A_174 = tpu.memref_slice %arg7[%dma_wait3A_172, %dma_wait3A_173] : memref<5632x128xf32, #tpu.memory_space<vmem_shared>> -> memref<5632x128xf32, #tpu.memory_space<vmem_shared>>
        tpu.wait_indirect_dma semaphore(%run_scoped3A : memref<!tpu.dma_semaphore, #tpu.memory_space<semaphore_mem>>) src(%arg6 : memref<80x128xf32, #tpu.memory_space<vmem>>) dst(%dma_wait3A_174 : memref<5632x128xf32, #tpu.memory_space<vmem_shared>>)
        tpu.yield
      }) : () -> ()
      %scan3A_164 = arith.constant 0 : i32
      scf.yield %scan3A_164 : i32
    }
    %scan3A_109 = arith.constant 250 : i32
    %barrier3A_110 = arith.constant 0 : index
    tpu.barrier barrier_id(%barrier3A_110)
    %eq3A_111 = arith.constant 15 : i32
    %eq3A_112 = arith.cmpi eq, %arg1, %eq3A_111 : i32
    %jit3A_113 = arith.constant 320 : i32
    %jit3A_114 = arith.constant 312 : i32
    %select_n3A_115 = arith.select %eq3A_112, %jit3A_113, %jit3A_114 : i32
    %mul3A_116 = arith.constant 312 : i32
    %mul3A_117 = arith.muli %arg1, %mul3A_116 : i32
    %sub3A_118 = arith.constant 80 : i32
    %sub3A_119 = arith.subi %select_n3A_115, %sub3A_118 : i32
    %min3A_120 = arith.constant 0 : i32
    %min3A_121 = arith.minsi %min3A_120, %sub3A_119 : i32
    %add3A_122 = arith.addi %mul3A_117, %min3A_121 : i32
    "tpu.region"() ({
      %run_scoped3A = tpu.sem_alloc : memref<!tpu.dma_semaphore, #tpu.memory_space<semaphore_mem>>
      %dma_start3A = arith.constant 0 : i32
      %dma_start3A_159 = tpu.memref_slice %arg7[%add3A_122, %dma_start3A] : memref<5632x128xf32, #tpu.memory_space<vmem_shared>> -> memref<80x128xf32, #tpu.memory_space<vmem_shared>>
      %dma_start3A_160 = arith.constant 0 : i32
      %dma_start3A_161 = tpu.memref_slice %arg7[%add3A_122, %dma_start3A_160] : memref<5632x128xf32, #tpu.memory_space<vmem_shared>> -> memref<80x128xf32, #tpu.memory_space<vmem_shared>>
      tpu.enqueue_dma source(%dma_start3A_161 : memref<80x128xf32, #tpu.memory_space<vmem_shared>>) target(%arg6 : memref<80x128xf32, #tpu.memory_space<vmem>>) target_semaphore(%run_scoped3A : memref<!tpu.dma_semaphore, #tpu.memory_space<semaphore_mem>>)
      %dma_wait3A = arith.constant 0 : i32
      %dma_wait3A_162 = tpu.memref_slice %arg7[%add3A_122, %dma_wait3A] : memref<5632x128xf32, #tpu.memory_space<vmem_shared>> -> memref<80x128xf32, #tpu.memory_space<vmem_shared>>
      %dma_wait3A_163 = arith.constant 0 : i32
      %dma_wait3A_164 = tpu.memref_slice %arg7[%add3A_122, %dma_wait3A_163] : memref<5632x128xf32, #tpu.memory_space<vmem_shared>> -> memref<80x128xf32, #tpu.memory_space<vmem_shared>>
      tpu.wait_dma2 semaphore(%run_scoped3A : memref<!tpu.dma_semaphore, #tpu.memory_space<semaphore_mem>>) src(%dma_wait3A_164 : memref<80x128xf32, #tpu.memory_space<vmem_shared>>) dst(%arg6 : memref<80x128xf32, #tpu.memory_space<vmem>>)
      tpu.yield
    }) : () -> ()
    %add3A_123 = arith.constant 5000 : i32
    %add3A_124 = arith.addi %add3A_123, %mul3A_117 : i32
    %add3A_125 = arith.addi %add3A_124, %min3A_121 : i32
    %mul3A_126 = arith.constant 128 : i32
    %mul3A_127 = arith.muli %arg0, %mul3A_126 : i32
    "tpu.region"() ({
      %run_scoped3A = tpu.sem_alloc : memref<!tpu.dma_semaphore, #tpu.memory_space<semaphore_mem>>
      %dma_start3A = tpu.memref_slice %arg4[%add3A_125, %mul3A_127] : memref<10000x256xf32, #tpu.memory_space<hbm>> -> memref<80x128xf32, #tpu.memory_space<hbm>>
      %dma_start3A_159 = tpu.memref_slice %arg4[%add3A_125, %mul3A_127] : memref<10000x256xf32, #tpu.memory_space<hbm>> -> memref<80x128xf32, #tpu.memory_space<hbm>>
      tpu.enqueue_dma source(%arg6 : memref<80x128xf32, #tpu.memory_space<vmem>>) target(%dma_start3A_159 : memref<80x128xf32, #tpu.memory_space<hbm>>) target_semaphore(%run_scoped3A : memref<!tpu.dma_semaphore, #tpu.memory_space<semaphore_mem>>)
      %dma_wait3A = tpu.memref_slice %arg4[%add3A_125, %mul3A_127] : memref<10000x256xf32, #tpu.memory_space<hbm>> -> memref<80x128xf32, #tpu.memory_space<hbm>>
      %dma_wait3A_160 = tpu.memref_slice %arg4[%add3A_125, %mul3A_127] : memref<10000x256xf32, #tpu.memory_space<hbm>> -> memref<80x128xf32, #tpu.memory_space<hbm>>
      tpu.wait_dma2 semaphore(%run_scoped3A : memref<!tpu.dma_semaphore, #tpu.memory_space<semaphore_mem>>) src(%arg6 : memref<80x128xf32, #tpu.memory_space<vmem>>) dst(%dma_wait3A_160 : memref<80x128xf32, #tpu.memory_space<hbm>>)
      tpu.yield
    }) : () -> ()
    %sub3A_128 = arith.constant 80 : i32
    %sub3A_129 = arith.subi %select_n3A_115, %sub3A_128 : i32
    %min3A_130 = arith.constant 80 : i32
    %min3A_131 = arith.minsi %min3A_130, %sub3A_129 : i32
    %add3A_132 = arith.addi %mul3A_117, %min3A_131 : i32
    "tpu.region"() ({
      %run_scoped3A = tpu.sem_alloc : memref<!tpu.dma_semaphore, #tpu.memory_space<semaphore_mem>>
      %dma_start3A = arith.constant 0 : i32
      %dma_start3A_159 = tpu.memref_slice %arg7[%add3A_132, %dma_start3A] : memref<5632x128xf32, #tpu.memory_space<vmem_shared>> -> memref<80x128xf32, #tpu.memory_space<vmem_shared>>
      %dma_start3A_160 = arith.constant 0 : i32
      %dma_start3A_161 = tpu.memref_slice %arg7[%add3A_132, %dma_start3A_160] : memref<5632x128xf32, #tpu.memory_space<vmem_shared>> -> memref<80x128xf32, #tpu.memory_space<vmem_shared>>
      tpu.enqueue_dma source(%dma_start3A_161 : memref<80x128xf32, #tpu.memory_space<vmem_shared>>) target(%arg6 : memref<80x128xf32, #tpu.memory_space<vmem>>) target_semaphore(%run_scoped3A : memref<!tpu.dma_semaphore, #tpu.memory_space<semaphore_mem>>)
      %dma_wait3A = arith.constant 0 : i32
      %dma_wait3A_162 = tpu.memref_slice %arg7[%add3A_132, %dma_wait3A] : memref<5632x128xf32, #tpu.memory_space<vmem_shared>> -> memref<80x128xf32, #tpu.memory_space<vmem_shared>>
      %dma_wait3A_163 = arith.constant 0 : i32
      %dma_wait3A_164 = tpu.memref_slice %arg7[%add3A_132, %dma_wait3A_163] : memref<5632x128xf32, #tpu.memory_space<vmem_shared>> -> memref<80x128xf32, #tpu.memory_space<vmem_shared>>
      tpu.wait_dma2 semaphore(%run_scoped3A : memref<!tpu.dma_semaphore, #tpu.memory_space<semaphore_mem>>) src(%dma_wait3A_164 : memref<80x128xf32, #tpu.memory_space<vmem_shared>>) dst(%arg6 : memref<80x128xf32, #tpu.memory_space<vmem>>)
      tpu.yield
    }) : () -> ()
    %add3A_133 = arith.constant 5000 : i32
    %add3A_134 = arith.addi %add3A_133, %mul3A_117 : i32
    %add3A_135 = arith.addi %add3A_134, %min3A_131 : i32
    %mul3A_136 = arith.constant 128 : i32
    %mul3A_137 = arith.muli %arg0, %mul3A_136 : i32
    "tpu.region"() ({
      %run_scoped3A = tpu.sem_alloc : memref<!tpu.dma_semaphore, #tpu.memory_space<semaphore_mem>>
      %dma_start3A = tpu.memref_slice %arg4[%add3A_135, %mul3A_137] : memref<10000x256xf32, #tpu.memory_space<hbm>> -> memref<80x128xf32, #tpu.memory_space<hbm>>
      %dma_start3A_159 = tpu.memref_slice %arg4[%add3A_135, %mul3A_137] : memref<10000x256xf32, #tpu.memory_space<hbm>> -> memref<80x128xf32, #tpu.memory_space<hbm>>
      tpu.enqueue_dma source(%arg6 : memref<80x128xf32, #tpu.memory_space<vmem>>) target(%dma_start3A_159 : memref<80x128xf32, #tpu.memory_space<hbm>>) target_semaphore(%run_scoped3A : memref<!tpu.dma_semaphore, #tpu.memory_space<semaphore_mem>>)
      %dma_wait3A = tpu.memref_slice %arg4[%add3A_135, %mul3A_137] : memref<10000x256xf32, #tpu.memory_space<hbm>> -> memref<80x128xf32, #tpu.memory_space<hbm>>
      %dma_wait3A_160 = tpu.memref_slice %arg4[%add3A_135, %mul3A_137] : memref<10000x256xf32, #tpu.memory_space<hbm>> -> memref<80x128xf32, #tpu.memory_space<hbm>>
      tpu.wait_dma2 semaphore(%run_scoped3A : memref<!tpu.dma_semaphore, #tpu.memory_space<semaphore_mem>>) src(%arg6 : memref<80x128xf32, #tpu.memory_space<vmem>>) dst(%dma_wait3A_160 : memref<80x128xf32, #tpu.memory_space<hbm>>)
      tpu.yield
    }) : () -> ()
    %sub3A_138 = arith.constant 80 : i32
    %sub3A_139 = arith.subi %select_n3A_115, %sub3A_138 : i32
    %min3A_140 = arith.constant 160 : i32
    %min3A_141 = arith.minsi %min3A_140, %sub3A_139 : i32
    %add3A_142 = arith.addi %mul3A_117, %min3A_141 : i32
    "tpu.region"() ({
      %run_scoped3A = tpu.sem_alloc : memref<!tpu.dma_semaphore, #tpu.memory_space<semaphore_mem>>
      %dma_start3A = arith.constant 0 : i32
      %dma_start3A_159 = tpu.memref_slice %arg7[%add3A_142, %dma_start3A] : memref<5632x128xf32, #tpu.memory_space<vmem_shared>> -> memref<80x128xf32, #tpu.memory_space<vmem_shared>>
      %dma_start3A_160 = arith.constant 0 : i32
      %dma_start3A_161 = tpu.memref_slice %arg7[%add3A_142, %dma_start3A_160] : memref<5632x128xf32, #tpu.memory_space<vmem_shared>> -> memref<80x128xf32, #tpu.memory_space<vmem_shared>>
      tpu.enqueue_dma source(%dma_start3A_161 : memref<80x128xf32, #tpu.memory_space<vmem_shared>>) target(%arg6 : memref<80x128xf32, #tpu.memory_space<vmem>>) target_semaphore(%run_scoped3A : memref<!tpu.dma_semaphore, #tpu.memory_space<semaphore_mem>>)
      %dma_wait3A = arith.constant 0 : i32
      %dma_wait3A_162 = tpu.memref_slice %arg7[%add3A_142, %dma_wait3A] : memref<5632x128xf32, #tpu.memory_space<vmem_shared>> -> memref<80x128xf32, #tpu.memory_space<vmem_shared>>
      %dma_wait3A_163 = arith.constant 0 : i32
      %dma_wait3A_164 = tpu.memref_slice %arg7[%add3A_142, %dma_wait3A_163] : memref<5632x128xf32, #tpu.memory_space<vmem_shared>> -> memref<80x128xf32, #tpu.memory_space<vmem_shared>>
      tpu.wait_dma2 semaphore(%run_scoped3A : memref<!tpu.dma_semaphore, #tpu.memory_space<semaphore_mem>>) src(%dma_wait3A_164 : memref<80x128xf32, #tpu.memory_space<vmem_shared>>) dst(%arg6 : memref<80x128xf32, #tpu.memory_space<vmem>>)
      tpu.yield
    }) : () -> ()
    %add3A_143 = arith.constant 5000 : i32
    %add3A_144 = arith.addi %add3A_143, %mul3A_117 : i32
    %add3A_145 = arith.addi %add3A_144, %min3A_141 : i32
    %mul3A_146 = arith.constant 128 : i32
    %mul3A_147 = arith.muli %arg0, %mul3A_146 : i32
    "tpu.region"() ({
      %run_scoped3A = tpu.sem_alloc : memref<!tpu.dma_semaphore, #tpu.memory_space<semaphore_mem>>
      %dma_start3A = tpu.memref_slice %arg4[%add3A_145, %mul3A_147] : memref<10000x256xf32, #tpu.memory_space<hbm>> -> memref<80x128xf32, #tpu.memory_space<hbm>>
      %dma_start3A_159 = tpu.memref_slice %arg4[%add3A_145, %mul3A_147] : memref<10000x256xf32, #tpu.memory_space<hbm>> -> memref<80x128xf32, #tpu.memory_space<hbm>>
      tpu.enqueue_dma source(%arg6 : memref<80x128xf32, #tpu.memory_space<vmem>>) target(%dma_start3A_159 : memref<80x128xf32, #tpu.memory_space<hbm>>) target_semaphore(%run_scoped3A : memref<!tpu.dma_semaphore, #tpu.memory_space<semaphore_mem>>)
      %dma_wait3A = tpu.memref_slice %arg4[%add3A_145, %mul3A_147] : memref<10000x256xf32, #tpu.memory_space<hbm>> -> memref<80x128xf32, #tpu.memory_space<hbm>>
      %dma_wait3A_160 = tpu.memref_slice %arg4[%add3A_145, %mul3A_147] : memref<10000x256xf32, #tpu.memory_space<hbm>> -> memref<80x128xf32, #tpu.memory_space<hbm>>
      tpu.wait_dma2 semaphore(%run_scoped3A : memref<!tpu.dma_semaphore, #tpu.memory_space<semaphore_mem>>) src(%arg6 : memref<80x128xf32, #tpu.memory_space<vmem>>) dst(%dma_wait3A_160 : memref<80x128xf32, #tpu.memory_space<hbm>>)
      tpu.yield
    }) : () -> ()
    %sub3A_148 = arith.constant 80 : i32
    %sub3A_149 = arith.subi %select_n3A_115, %sub3A_148 : i32
    %min3A_150 = arith.constant 240 : i32
    %min3A_151 = arith.minsi %min3A_150, %sub3A_149 : i32
    %add3A_152 = arith.addi %mul3A_117, %min3A_151 : i32
    "tpu.region"() ({
      %run_scoped3A = tpu.sem_alloc : memref<!tpu.dma_semaphore, #tpu.memory_space<semaphore_mem>>
      %dma_start3A = arith.constant 0 : i32
      %dma_start3A_159 = tpu.memref_slice %arg7[%add3A_152, %dma_start3A] : memref<5632x128xf32, #tpu.memory_space<vmem_shared>> -> memref<80x128xf32, #tpu.memory_space<vmem_shared>>
      %dma_start3A_160 = arith.constant 0 : i32
      %dma_start3A_161 = tpu.memref_slice %arg7[%add3A_152, %dma_start3A_160] : memref<5632x128xf32, #tpu.memory_space<vmem_shared>> -> memref<80x128xf32, #tpu.memory_space<vmem_shared>>
      tpu.enqueue_dma source(%dma_start3A_161 : memref<80x128xf32, #tpu.memory_space<vmem_shared>>) target(%arg6 : memref<80x128xf32, #tpu.memory_space<vmem>>) target_semaphore(%run_scoped3A : memref<!tpu.dma_semaphore, #tpu.memory_space<semaphore_mem>>)
      %dma_wait3A = arith.constant 0 : i32
      %dma_wait3A_162 = tpu.memref_slice %arg7[%add3A_152, %dma_wait3A] : memref<5632x128xf32, #tpu.memory_space<vmem_shared>> -> memref<80x128xf32, #tpu.memory_space<vmem_shared>>
      %dma_wait3A_163 = arith.constant 0 : i32
      %dma_wait3A_164 = tpu.memref_slice %arg7[%add3A_152, %dma_wait3A_163] : memref<5632x128xf32, #tpu.memory_space<vmem_shared>> -> memref<80x128xf32, #tpu.memory_space<vmem_shared>>
      tpu.wait_dma2 semaphore(%run_scoped3A : memref<!tpu.dma_semaphore, #tpu.memory_space<semaphore_mem>>) src(%dma_wait3A_164 : memref<80x128xf32, #tpu.memory_space<vmem_shared>>) dst(%arg6 : memref<80x128xf32, #tpu.memory_space<vmem>>)
      tpu.yield
    }) : () -> ()
    %add3A_153 = arith.constant 5000 : i32
    %add3A_154 = arith.addi %add3A_153, %mul3A_117 : i32
    %add3A_155 = arith.addi %add3A_154, %min3A_151 : i32
    %mul3A_156 = arith.constant 128 : i32
    %mul3A_157 = arith.muli %arg0, %mul3A_156 : i32
    "tpu.region"() ({
      %run_scoped3A = tpu.sem_alloc : memref<!tpu.dma_semaphore, #tpu.memory_space<semaphore_mem>>
      %dma_start3A = tpu.memref_slice %arg4[%add3A_155, %mul3A_157] : memref<10000x256xf32, #tpu.memory_space<hbm>> -> memref<80x128xf32, #tpu.memory_space<hbm>>
      %dma_start3A_159 = tpu.memref_slice %arg4[%add3A_155, %mul3A_157] : memref<10000x256xf32, #tpu.memory_space<hbm>> -> memref<80x128xf32, #tpu.memory_space<hbm>>
      tpu.enqueue_dma source(%arg6 : memref<80x128xf32, #tpu.memory_space<vmem>>) target(%dma_start3A_159 : memref<80x128xf32, #tpu.memory_space<hbm>>) target_semaphore(%run_scoped3A : memref<!tpu.dma_semaphore, #tpu.memory_space<semaphore_mem>>)
      %dma_wait3A = tpu.memref_slice %arg4[%add3A_155, %mul3A_157] : memref<10000x256xf32, #tpu.memory_space<hbm>> -> memref<80x128xf32, #tpu.memory_space<hbm>>
      %dma_wait3A_160 = tpu.memref_slice %arg4[%add3A_155, %mul3A_157] : memref<10000x256xf32, #tpu.memory_space<hbm>> -> memref<80x128xf32, #tpu.memory_space<hbm>>
      tpu.wait_dma2 semaphore(%run_scoped3A : memref<!tpu.dma_semaphore, #tpu.memory_space<semaphore_mem>>) src(%arg6 : memref<80x128xf32, #tpu.memory_space<vmem>>) dst(%dma_wait3A_160 : memref<80x128xf32, #tpu.memory_space<hbm>>)
      tpu.yield
    }) : () -> ()
    %barrier3A_158 = arith.constant 0 : index
    tpu.barrier barrier_id(%barrier3A_158)
    return
  }
}

#map = affine_map<(d0, d1) -> (0, 0)>
#map1 = affine_map<(d0, d1) -> (0, 0, 0)>
module attributes {stable_mosaic.version = 14 : i64} {
  func.func @_sc_gather_body(%arg0: i32, %arg1: i32, %arg2: memref<10000x128xf32, #tpu.memory_space<hbm>>, %arg3: memref<32x125x80xi32, #tpu.memory_space<hbm>>, %arg4: memref<32x125x80xi32, #tpu.memory_space<hbm>>, %arg5: memref<320000x128xf32, #tpu.memory_space<hbm>>, %arg6: memref<320000x128xf32, #tpu.memory_space<hbm>>, %arg7: memref<125x80xi32, #tpu.memory_space<vmem>>, %arg8: memref<125x80xi32, #tpu.memory_space<vmem>>, %arg9: memref<80x128xf32, #tpu.memory_space<vmem>>, %arg10: memref<80x128xf32, #tpu.memory_space<vmem>>, %arg11: memref<!tpu.dma_semaphore, #tpu.memory_space<semaphore_mem>>, %arg12: memref<!tpu.dma_semaphore, #tpu.memory_space<semaphore_mem>>) attributes {dimension_semantics = [#tpu.dimension_semantics<core_parallel>, #tpu.dimension_semantics<subcore_parallel>], iteration_bounds = array<i64: 2, 16>, scalar_prefetch = 0 : i64, scratch_operands = 6 : i64, tpu.core_type = #tpu.core_type<sc_vector_subcore>, window_params = [{transform_indices = #map}, {transform_indices = #map1}, {transform_indices = #map1}, {transform_indices = #map}, {transform_indices = #map}]} {
    %mul3A = arith.constant 2 : i32
    %mul3A_0 = arith.muli %arg1, %mul3A : i32
    %add3A = arith.addi %mul3A_0, %arg0 : i32
    %mul3A_1 = arith.constant 10000 : i32
    %mul3A_2 = arith.muli %add3A, %mul3A_1 : i32
    "tpu.region"() ({
      %run_scoped3A = tpu.sem_alloc : memref<!tpu.dma_semaphore, #tpu.memory_space<semaphore_mem>>
      %dma_start3A = arith.constant 0 : i32
      %dma_start3A_9 = arith.constant 0 : i32
      %dma_start3A_10 = tpu.memref_slice %arg3[%add3A, %dma_start3A, %dma_start3A_9] : memref<32x125x80xi32, #tpu.memory_space<hbm>> -> memref<1x125x80xi32, #tpu.memory_space<hbm>>
      %dma_start3A_11 = tpu.memref_squeeze %dma_start3A_10 : memref<1x125x80xi32, #tpu.memory_space<hbm>> -> memref<125x80xi32, #tpu.memory_space<hbm>>
      %dma_start3A_12 = arith.constant 0 : i32
      %dma_start3A_13 = arith.constant 0 : i32
      %dma_start3A_14 = tpu.memref_slice %arg3[%add3A, %dma_start3A_12, %dma_start3A_13] : memref<32x125x80xi32, #tpu.memory_space<hbm>> -> memref<1x125x80xi32, #tpu.memory_space<hbm>>
      %dma_start3A_15 = tpu.memref_squeeze %dma_start3A_14 : memref<1x125x80xi32, #tpu.memory_space<hbm>> -> memref<125x80xi32, #tpu.memory_space<hbm>>
      tpu.enqueue_dma source(%dma_start3A_15 : memref<125x80xi32, #tpu.memory_space<hbm>>) target(%arg7 : memref<125x80xi32, #tpu.memory_space<vmem>>) target_semaphore(%run_scoped3A : memref<!tpu.dma_semaphore, #tpu.memory_space<semaphore_mem>>)
      %dma_wait3A = arith.constant 0 : i32
      %dma_wait3A_16 = arith.constant 0 : i32
      %dma_wait3A_17 = tpu.memref_slice %arg3[%add3A, %dma_wait3A, %dma_wait3A_16] : memref<32x125x80xi32, #tpu.memory_space<hbm>> -> memref<1x125x80xi32, #tpu.memory_space<hbm>>
      %dma_wait3A_18 = tpu.memref_squeeze %dma_wait3A_17 : memref<1x125x80xi32, #tpu.memory_space<hbm>> -> memref<125x80xi32, #tpu.memory_space<hbm>>
      %dma_wait3A_19 = arith.constant 0 : i32
      %dma_wait3A_20 = arith.constant 0 : i32
      %dma_wait3A_21 = tpu.memref_slice %arg3[%add3A, %dma_wait3A_19, %dma_wait3A_20] : memref<32x125x80xi32, #tpu.memory_space<hbm>> -> memref<1x125x80xi32, #tpu.memory_space<hbm>>
      %dma_wait3A_22 = tpu.memref_squeeze %dma_wait3A_21 : memref<1x125x80xi32, #tpu.memory_space<hbm>> -> memref<125x80xi32, #tpu.memory_space<hbm>>
      tpu.wait_dma2 semaphore(%run_scoped3A : memref<!tpu.dma_semaphore, #tpu.memory_space<semaphore_mem>>) src(%dma_wait3A_22 : memref<125x80xi32, #tpu.memory_space<hbm>>) dst(%arg7 : memref<125x80xi32, #tpu.memory_space<vmem>>)
      tpu.yield
    }) : () -> ()
    "tpu.region"() ({
      %run_scoped3A = tpu.sem_alloc : memref<!tpu.dma_semaphore, #tpu.memory_space<semaphore_mem>>
      %dma_start3A = arith.constant 0 : i32
      %dma_start3A_9 = arith.constant 0 : i32
      %dma_start3A_10 = tpu.memref_slice %arg4[%add3A, %dma_start3A, %dma_start3A_9] : memref<32x125x80xi32, #tpu.memory_space<hbm>> -> memref<1x125x80xi32, #tpu.memory_space<hbm>>
      %dma_start3A_11 = tpu.memref_squeeze %dma_start3A_10 : memref<1x125x80xi32, #tpu.memory_space<hbm>> -> memref<125x80xi32, #tpu.memory_space<hbm>>
      %dma_start3A_12 = arith.constant 0 : i32
      %dma_start3A_13 = arith.constant 0 : i32
      %dma_start3A_14 = tpu.memref_slice %arg4[%add3A, %dma_start3A_12, %dma_start3A_13] : memref<32x125x80xi32, #tpu.memory_space<hbm>> -> memref<1x125x80xi32, #tpu.memory_space<hbm>>
      %dma_start3A_15 = tpu.memref_squeeze %dma_start3A_14 : memref<1x125x80xi32, #tpu.memory_space<hbm>> -> memref<125x80xi32, #tpu.memory_space<hbm>>
      tpu.enqueue_dma source(%dma_start3A_15 : memref<125x80xi32, #tpu.memory_space<hbm>>) target(%arg8 : memref<125x80xi32, #tpu.memory_space<vmem>>) target_semaphore(%run_scoped3A : memref<!tpu.dma_semaphore, #tpu.memory_space<semaphore_mem>>)
      %dma_wait3A = arith.constant 0 : i32
      %dma_wait3A_16 = arith.constant 0 : i32
      %dma_wait3A_17 = tpu.memref_slice %arg4[%add3A, %dma_wait3A, %dma_wait3A_16] : memref<32x125x80xi32, #tpu.memory_space<hbm>> -> memref<1x125x80xi32, #tpu.memory_space<hbm>>
      %dma_wait3A_18 = tpu.memref_squeeze %dma_wait3A_17 : memref<1x125x80xi32, #tpu.memory_space<hbm>> -> memref<125x80xi32, #tpu.memory_space<hbm>>
      %dma_wait3A_19 = arith.constant 0 : i32
      %dma_wait3A_20 = arith.constant 0 : i32
      %dma_wait3A_21 = tpu.memref_slice %arg4[%add3A, %dma_wait3A_19, %dma_wait3A_20] : memref<32x125x80xi32, #tpu.memory_space<hbm>> -> memref<1x125x80xi32, #tpu.memory_space<hbm>>
      %dma_wait3A_22 = tpu.memref_squeeze %dma_wait3A_21 : memref<1x125x80xi32, #tpu.memory_space<hbm>> -> memref<125x80xi32, #tpu.memory_space<hbm>>
      tpu.wait_dma2 semaphore(%run_scoped3A : memref<!tpu.dma_semaphore, #tpu.memory_space<semaphore_mem>>) src(%dma_wait3A_22 : memref<125x80xi32, #tpu.memory_space<hbm>>) dst(%arg8 : memref<125x80xi32, #tpu.memory_space<vmem>>)
      tpu.yield
    }) : () -> ()
    %scan3A = arith.constant 0 : i32
    %scan3A_3 = arith.constant 0 : i32
    %scan3A_4 = arith.constant 125 : i32
    %scan3A_5 = arith.addi %scan3A_3, %scan3A_4 : i32
    %scan3A_6 = arith.constant 1 : i32
    %scan3A_7 = scf.for %scan3A_9 = %scan3A_3 to %scan3A_5 step %scan3A_6 iter_args(%scan3A_10 = %scan3A) -> (i32)  : i32 {
      %mul3A_11 = arith.constant 80 : i32
      %mul3A_12 = arith.muli %scan3A_9, %mul3A_11 : i32
      %add3A_13 = arith.addi %mul3A_2, %mul3A_12 : i32
      %dma_start3A = arith.constant 0 : i32
      %dma_start3A_14 = tpu.memref_slice %arg7[%scan3A_9, %dma_start3A] : memref<125x80xi32, #tpu.memory_space<vmem>> -> memref<1x80xi32, #tpu.memory_space<vmem>>
      %dma_start3A_15 = tpu.memref_squeeze %dma_start3A_14 : memref<1x80xi32, #tpu.memory_space<vmem>> -> memref<80xi32, #tpu.memory_space<vmem>>
      %dma_start3A_16 = arith.constant 0 : i32
      %dma_start3A_17 = arith.constant 0 : i32
      %dma_start3A_18 = tpu.memref_slice %arg2[%dma_start3A_16, %dma_start3A_17] : memref<10000x128xf32, #tpu.memory_space<hbm>> -> memref<10000x128xf32, #tpu.memory_space<hbm>>
      tpu.enqueue_indirect_dma source(%dma_start3A_18 : memref<10000x128xf32, #tpu.memory_space<hbm>>) target(%arg9 : memref<80x128xf32, #tpu.memory_space<vmem>>) offsets(%dma_start3A_15 : memref<80xi32, #tpu.memory_space<vmem>>) semaphore(%arg11 : memref<!tpu.dma_semaphore, #tpu.memory_space<semaphore_mem>>)
      %dma_start3A_19 = arith.constant 0 : i32
      %dma_start3A_20 = tpu.memref_slice %arg8[%scan3A_9, %dma_start3A_19] : memref<125x80xi32, #tpu.memory_space<vmem>> -> memref<1x80xi32, #tpu.memory_space<vmem>>
      %dma_start3A_21 = tpu.memref_squeeze %dma_start3A_20 : memref<1x80xi32, #tpu.memory_space<vmem>> -> memref<80xi32, #tpu.memory_space<vmem>>
      %dma_start3A_22 = arith.constant 0 : i32
      %dma_start3A_23 = arith.constant 0 : i32
      %dma_start3A_24 = tpu.memref_slice %arg2[%dma_start3A_22, %dma_start3A_23] : memref<10000x128xf32, #tpu.memory_space<hbm>> -> memref<10000x128xf32, #tpu.memory_space<hbm>>
      tpu.enqueue_indirect_dma source(%dma_start3A_24 : memref<10000x128xf32, #tpu.memory_space<hbm>>) target(%arg10 : memref<80x128xf32, #tpu.memory_space<vmem>>) offsets(%dma_start3A_21 : memref<80xi32, #tpu.memory_space<vmem>>) semaphore(%arg12 : memref<!tpu.dma_semaphore, #tpu.memory_space<semaphore_mem>>)
      %dma_wait3A = arith.constant 0 : i32
      %dma_wait3A_25 = tpu.memref_slice %arg7[%scan3A_9, %dma_wait3A] : memref<125x80xi32, #tpu.memory_space<vmem>> -> memref<1x80xi32, #tpu.memory_space<vmem>>
      %dma_wait3A_26 = tpu.memref_squeeze %dma_wait3A_25 : memref<1x80xi32, #tpu.memory_space<vmem>> -> memref<80xi32, #tpu.memory_space<vmem>>
      %dma_wait3A_27 = arith.constant 0 : i32
      %dma_wait3A_28 = arith.constant 0 : i32
      %dma_wait3A_29 = tpu.memref_slice %arg2[%dma_wait3A_27, %dma_wait3A_28] : memref<10000x128xf32, #tpu.memory_space<hbm>> -> memref<10000x128xf32, #tpu.memory_space<hbm>>
      tpu.wait_indirect_dma semaphore(%arg11 : memref<!tpu.dma_semaphore, #tpu.memory_space<semaphore_mem>>) src(%dma_wait3A_29 : memref<10000x128xf32, #tpu.memory_space<hbm>>) dst(%arg9 : memref<80x128xf32, #tpu.memory_space<vmem>>)
      "tpu.region"() ({
        %run_scoped3A = tpu.sem_alloc : memref<!tpu.dma_semaphore, #tpu.memory_space<semaphore_mem>>
        %dma_start3A_37 = arith.constant 0 : i32
        %dma_start3A_38 = tpu.memref_slice %arg5[%add3A_13, %dma_start3A_37] : memref<320000x128xf32, #tpu.memory_space<hbm>> -> memref<80x128xf32, #tpu.memory_space<hbm>>
        %dma_start3A_39 = arith.constant 0 : i32
        %dma_start3A_40 = tpu.memref_slice %arg5[%add3A_13, %dma_start3A_39] : memref<320000x128xf32, #tpu.memory_space<hbm>> -> memref<80x128xf32, #tpu.memory_space<hbm>>
        tpu.enqueue_dma source(%arg9 : memref<80x128xf32, #tpu.memory_space<vmem>>) target(%dma_start3A_40 : memref<80x128xf32, #tpu.memory_space<hbm>>) target_semaphore(%run_scoped3A : memref<!tpu.dma_semaphore, #tpu.memory_space<semaphore_mem>>)
        %dma_wait3A_41 = arith.constant 0 : i32
        %dma_wait3A_42 = tpu.memref_slice %arg5[%add3A_13, %dma_wait3A_41] : memref<320000x128xf32, #tpu.memory_space<hbm>> -> memref<80x128xf32, #tpu.memory_space<hbm>>
        %dma_wait3A_43 = arith.constant 0 : i32
        %dma_wait3A_44 = tpu.memref_slice %arg5[%add3A_13, %dma_wait3A_43] : memref<320000x128xf32, #tpu.memory_space<hbm>> -> memref<80x128xf32, #tpu.memory_space<hbm>>
        tpu.wait_dma2 semaphore(%run_scoped3A : memref<!tpu.dma_semaphore, #tpu.memory_space<semaphore_mem>>) src(%arg9 : memref<80x128xf32, #tpu.memory_space<vmem>>) dst(%dma_wait3A_44 : memref<80x128xf32, #tpu.memory_space<hbm>>)
        tpu.yield
      }) : () -> ()
      %dma_wait3A_30 = arith.constant 0 : i32
      %dma_wait3A_31 = tpu.memref_slice %arg8[%scan3A_9, %dma_wait3A_30] : memref<125x80xi32, #tpu.memory_space<vmem>> -> memref<1x80xi32, #tpu.memory_space<vmem>>
      %dma_wait3A_32 = tpu.memref_squeeze %dma_wait3A_31 : memref<1x80xi32, #tpu.memory_space<vmem>> -> memref<80xi32, #tpu.memory_space<vmem>>
      %dma_wait3A_33 = arith.constant 0 : i32
      %dma_wait3A_34 = arith.constant 0 : i32
      %dma_wait3A_35 = tpu.memref_slice %arg2[%dma_wait3A_33, %dma_wait3A_34] : memref<10000x128xf32, #tpu.memory_space<hbm>> -> memref<10000x128xf32, #tpu.memory_space<hbm>>
      tpu.wait_indirect_dma semaphore(%arg12 : memref<!tpu.dma_semaphore, #tpu.memory_space<semaphore_mem>>) src(%dma_wait3A_35 : memref<10000x128xf32, #tpu.memory_space<hbm>>) dst(%arg10 : memref<80x128xf32, #tpu.memory_space<vmem>>)
      "tpu.region"() ({
        %run_scoped3A = tpu.sem_alloc : memref<!tpu.dma_semaphore, #tpu.memory_space<semaphore_mem>>
        %dma_start3A_37 = arith.constant 0 : i32
        %dma_start3A_38 = tpu.memref_slice %arg6[%add3A_13, %dma_start3A_37] : memref<320000x128xf32, #tpu.memory_space<hbm>> -> memref<80x128xf32, #tpu.memory_space<hbm>>
        %dma_start3A_39 = arith.constant 0 : i32
        %dma_start3A_40 = tpu.memref_slice %arg6[%add3A_13, %dma_start3A_39] : memref<320000x128xf32, #tpu.memory_space<hbm>> -> memref<80x128xf32, #tpu.memory_space<hbm>>
        tpu.enqueue_dma source(%arg10 : memref<80x128xf32, #tpu.memory_space<vmem>>) target(%dma_start3A_40 : memref<80x128xf32, #tpu.memory_space<hbm>>) target_semaphore(%run_scoped3A : memref<!tpu.dma_semaphore, #tpu.memory_space<semaphore_mem>>)
        %dma_wait3A_41 = arith.constant 0 : i32
        %dma_wait3A_42 = tpu.memref_slice %arg6[%add3A_13, %dma_wait3A_41] : memref<320000x128xf32, #tpu.memory_space<hbm>> -> memref<80x128xf32, #tpu.memory_space<hbm>>
        %dma_wait3A_43 = arith.constant 0 : i32
        %dma_wait3A_44 = tpu.memref_slice %arg6[%add3A_13, %dma_wait3A_43] : memref<320000x128xf32, #tpu.memory_space<hbm>> -> memref<80x128xf32, #tpu.memory_space<hbm>>
        tpu.wait_dma2 semaphore(%run_scoped3A : memref<!tpu.dma_semaphore, #tpu.memory_space<semaphore_mem>>) src(%arg10 : memref<80x128xf32, #tpu.memory_space<vmem>>) dst(%dma_wait3A_44 : memref<80x128xf32, #tpu.memory_space<hbm>>)
        tpu.yield
      }) : () -> ()
      %scan3A_36 = arith.constant 0 : i32
      scf.yield %scan3A_36 : i32
    }
    %scan3A_8 = arith.constant 125 : i32
    return
  }
}

#map = affine_map<(d0, d1) -> (0, 0, 0)>
#map1 = affine_map<(d0, d1) -> (0, 0)>
module attributes {stable_mosaic.version = 14 : i64} {
  func.func @_sc_scatter_body(%arg0: i32, %arg1: i32, %arg2: memref<2x320000x128xf32, #tpu.memory_space<hbm>>, %arg3: memref<16x250x80xi32, #tpu.memory_space<hbm>>, %arg4: memref<10000x256xf32, #tpu.memory_space<hbm>>, %arg5: memref<250x80xi32, #tpu.memory_space<vmem>>, %arg6: memref<80x128xf32, #tpu.memory_space<vmem>>, %arg7: memref<5632x128xf32, #tpu.memory_space<vmem_shared>>, %arg8: memref<!tpu.dma_semaphore, #tpu.memory_space<semaphore_mem>>) attributes {dimension_semantics = [#tpu.dimension_semantics<core_parallel>, #tpu.dimension_semantics<subcore_parallel>], iteration_bounds = array<i64: 2, 16>, scalar_prefetch = 0 : i64, scratch_operands = 4 : i64, tpu.core_type = #tpu.core_type<sc_vector_subcore>, window_params = [{transform_indices = #map}, {transform_indices = #map}, {transform_indices = #map1}]} {
    %iota3A = tpu.iota {dimensions = array<i32: 0>} : vector<16xi32>
    %mul3A = arith.constant 20000 : i32
    %mul3A_0 = arith.muli %arg1, %mul3A : i32
    "tpu.region"() ({
      %run_scoped3A = tpu.sem_alloc : memref<!tpu.dma_semaphore, #tpu.memory_space<semaphore_mem>>
      %dma_start3A = arith.constant 0 : i32
      %dma_start3A_159 = arith.constant 0 : i32
      %dma_start3A_160 = tpu.memref_slice %arg3[%arg1, %dma_start3A, %dma_start3A_159] : memref<16x250x80xi32, #tpu.memory_space<hbm>> -> memref<1x250x80xi32, #tpu.memory_space<hbm>>
      %dma_start3A_161 = tpu.memref_squeeze %dma_start3A_160 : memref<1x250x80xi32, #tpu.memory_space<hbm>> -> memref<250x80xi32, #tpu.memory_space<hbm>>
      %dma_start3A_162 = arith.constant 0 : i32
      %dma_start3A_163 = arith.constant 0 : i32
      %dma_start3A_164 = tpu.memref_slice %arg3[%arg1, %dma_start3A_162, %dma_start3A_163] : memref<16x250x80xi32, #tpu.memory_space<hbm>> -> memref<1x250x80xi32, #tpu.memory_space<hbm>>
      %dma_start3A_165 = tpu.memref_squeeze %dma_start3A_164 : memref<1x250x80xi32, #tpu.memory_space<hbm>> -> memref<250x80xi32, #tpu.memory_space<hbm>>
      tpu.enqueue_dma source(%dma_start3A_165 : memref<250x80xi32, #tpu.memory_space<hbm>>) target(%arg5 : memref<250x80xi32, #tpu.memory_space<vmem>>) target_semaphore(%run_scoped3A : memref<!tpu.dma_semaphore, #tpu.memory_space<semaphore_mem>>)
      %dma_wait3A = arith.constant 0 : i32
      %dma_wait3A_166 = arith.constant 0 : i32
      %dma_wait3A_167 = tpu.memref_slice %arg3[%arg1, %dma_wait3A, %dma_wait3A_166] : memref<16x250x80xi32, #tpu.memory_space<hbm>> -> memref<1x250x80xi32, #tpu.memory_space<hbm>>
      %dma_wait3A_168 = tpu.memref_squeeze %dma_wait3A_167 : memref<1x250x80xi32, #tpu.memory_space<hbm>> -> memref<250x80xi32, #tpu.memory_space<hbm>>
      %dma_wait3A_169 = arith.constant 0 : i32
      %dma_wait3A_170 = arith.constant 0 : i32
      %dma_wait3A_171 = tpu.memref_slice %arg3[%arg1, %dma_wait3A_169, %dma_wait3A_170] : memref<16x250x80xi32, #tpu.memory_space<hbm>> -> memref<1x250x80xi32, #tpu.memory_space<hbm>>
      %dma_wait3A_172 = tpu.memref_squeeze %dma_wait3A_171 : memref<1x250x80xi32, #tpu.memory_space<hbm>> -> memref<250x80xi32, #tpu.memory_space<hbm>>
      tpu.wait_dma2 semaphore(%run_scoped3A : memref<!tpu.dma_semaphore, #tpu.memory_space<semaphore_mem>>) src(%dma_wait3A_172 : memref<250x80xi32, #tpu.memory_space<hbm>>) dst(%arg5 : memref<250x80xi32, #tpu.memory_space<vmem>>)
      tpu.yield
    }) : () -> ()
    %scan3A = arith.constant 0 : i32
    %scan3A_1 = arith.constant 0 : i32
    %scan3A_2 = arith.constant 250 : i32
    %scan3A_3 = arith.addi %scan3A_1, %scan3A_2 : i32
    %scan3A_4 = arith.constant 1 : i32
    %scan3A_5 = scf.for %scan3A_159 = %scan3A_1 to %scan3A_3 step %scan3A_4 iter_args(%scan3A_160 = %scan3A) -> (i32)  : i32 {
      %get3A = arith.index_cast %scan3A_159 : i32 to index
      %get3A_161 = arith.constant 0 : index
      %get3A_162 = tpu.vector_load %arg5[%get3A, %get3A_161] {strides = array<i32>} : memref<250x80xi32, #tpu.memory_space<vmem>>, vector<1x16xi32>,
      %get3A_163 = vector.shape_cast %get3A_162 : vector<1x16xi32> to vector<16xi32>
      %sub3A_164 = arith.constant 0 : i32
      %sub3A_165 = vector.broadcast %sub3A_164 : i32 to vector<16xi32>
      %sub3A_166 = arith.subi %get3A_163, %sub3A_165 : vector<16xi32>
      %ge3A = arith.constant 0 : i32
      %ge3A_167 = vector.broadcast %ge3A : i32 to vector<16xi32>
      %ge3A_168 = arith.cmpi sge, %sub3A_166, %ge3A_167 : vector<16xi32>
      %lt3A = arith.constant 5000 : i32
      %lt3A_169 = vector.broadcast %lt3A : i32 to vector<16xi32>
      %lt3A_170 = arith.cmpi slt, %sub3A_166, %lt3A_169 : vector<16xi32>
      %and3A = arith.andi %ge3A_168, %lt3A_170 : vector<16xi1>
      %mul3A_171 = arith.constant 5 : i32
      %mul3A_172 = arith.muli %scan3A_159, %mul3A_171 : i32
      %add3A_173 = arith.constant 0 : i32
      %add3A_174 = arith.addi %mul3A_172, %add3A_173 : i32
      %mul3A_175 = arith.constant 16 : i32
      %mul3A_176 = arith.muli %add3A_174, %mul3A_175 : i32
      %add3A_177 = vector.broadcast %mul3A_176 : i32 to vector<16xi32>
      %add3A_178 = arith.addi %add3A_177, %iota3A : vector<16xi32>
      %and3A_179 = arith.constant 511 : i32
      %and3A_180 = vector.broadcast %and3A_179 : i32 to vector<16xi32>
      %and3A_181 = arith.andi %add3A_178, %and3A_180 : vector<16xi32>
      %add3A_182 = arith.constant 5120 : i32
      %add3A_183 = vector.broadcast %add3A_182 : i32 to vector<16xi32>
      %add3A_184 = arith.addi %add3A_183, %and3A_181 : vector<16xi32>
      %select_n3A_185 = arith.select %and3A, %sub3A_166, %add3A_184 : vector<16xi1>, vector<16xi32>
      %swap3A = arith.index_cast %scan3A_159 : i32 to index
      %swap3A_186 = arith.constant 0 : index
      %swap3A_187 = tpu.vector_load %arg5[%swap3A, %swap3A_186] {strides = array<i32>} : memref<250x80xi32, #tpu.memory_space<vmem>>, vector<1x16xi32>,
      %swap3A_188 = vector.shape_cast %swap3A_187 : vector<1x16xi32> to vector<16xi32>
      %swap3A_189 = vector.shape_cast %select_n3A_185 : vector<16xi32> to vector<1x16xi32>
      tpu.vector_store %arg5[%swap3A, %swap3A_186], %swap3A_189 {strides = array<i32>} : memref<250x80xi32, #tpu.memory_space<vmem>>, vector<1x16xi32>,
      %get3A_190 = arith.index_cast %scan3A_159 : i32 to index
      %get3A_191 = arith.constant 16 : index
      %get3A_192 = tpu.vector_load %arg5[%get3A_190, %get3A_191] {strides = array<i32>} : memref<250x80xi32, #tpu.memory_space<vmem>>, vector<1x16xi32>,
      %get3A_193 = vector.shape_cast %get3A_192 : vector<1x16xi32> to vector<16xi32>
      %sub3A_194 = arith.constant 0 : i32
      %sub3A_195 = vector.broadcast %sub3A_194 : i32 to vector<16xi32>
      %sub3A_196 = arith.subi %get3A_193, %sub3A_195 : vector<16xi32>
      %ge3A_197 = arith.constant 0 : i32
      %ge3A_198 = vector.broadcast %ge3A_197 : i32 to vector<16xi32>
      %ge3A_199 = arith.cmpi sge, %sub3A_196, %ge3A_198 : vector<16xi32>
      %lt3A_200 = arith.constant 5000 : i32
      %lt3A_201 = vector.broadcast %lt3A_200 : i32 to vector<16xi32>
      %lt3A_202 = arith.cmpi slt, %sub3A_196, %lt3A_201 : vector<16xi32>
      %and3A_203 = arith.andi %ge3A_199, %lt3A_202 : vector<16xi1>
      %mul3A_204 = arith.constant 5 : i32
      %mul3A_205 = arith.muli %scan3A_159, %mul3A_204 : i32
      %add3A_206 = arith.constant 1 : i32
      %add3A_207 = arith.addi %mul3A_205, %add3A_206 : i32
      %mul3A_208 = arith.constant 16 : i32
      %mul3A_209 = arith.muli %add3A_207, %mul3A_208 : i32
      %add3A_210 = vector.broadcast %mul3A_209 : i32 to vector<16xi32>
      %add3A_211 = arith.addi %add3A_210, %iota3A : vector<16xi32>
      %and3A_212 = arith.constant 511 : i32
      %and3A_213 = vector.broadcast %and3A_212 : i32 to vector<16xi32>
      %and3A_214 = arith.andi %add3A_211, %and3A_213 : vector<16xi32>
      %add3A_215 = arith.constant 5120 : i32
      %add3A_216 = vector.broadcast %add3A_215 : i32 to vector<16xi32>
      %add3A_217 = arith.addi %add3A_216, %and3A_214 : vector<16xi32>
      %select_n3A_218 = arith.select %and3A_203, %sub3A_196, %add3A_217 : vector<16xi1>, vector<16xi32>
      %swap3A_219 = arith.index_cast %scan3A_159 : i32 to index
      %swap3A_220 = arith.constant 16 : index
      %swap3A_221 = tpu.vector_load %arg5[%swap3A_219, %swap3A_220] {strides = array<i32>} : memref<250x80xi32, #tpu.memory_space<vmem>>, vector<1x16xi32>,
      %swap3A_222 = vector.shape_cast %swap3A_221 : vector<1x16xi32> to vector<16xi32>
      %swap3A_223 = vector.shape_cast %select_n3A_218 : vector<16xi32> to vector<1x16xi32>
      tpu.vector_store %arg5[%swap3A_219, %swap3A_220], %swap3A_223 {strides = array<i32>} : memref<250x80xi32, #tpu.memory_space<vmem>>, vector<1x16xi32>,
      %get3A_224 = arith.index_cast %scan3A_159 : i32 to index
      %get3A_225 = arith.constant 32 : index
      %get3A_226 = tpu.vector_load %arg5[%get3A_224, %get3A_225] {strides = array<i32>} : memref<250x80xi32, #tpu.memory_space<vmem>>, vector<1x16xi32>,
      %get3A_227 = vector.shape_cast %get3A_226 : vector<1x16xi32> to vector<16xi32>
      %sub3A_228 = arith.constant 0 : i32
      %sub3A_229 = vector.broadcast %sub3A_228 : i32 to vector<16xi32>
      %sub3A_230 = arith.subi %get3A_227, %sub3A_229 : vector<16xi32>
      %ge3A_231 = arith.constant 0 : i32
      %ge3A_232 = vector.broadcast %ge3A_231 : i32 to vector<16xi32>
      %ge3A_233 = arith.cmpi sge, %sub3A_230, %ge3A_232 : vector<16xi32>
      %lt3A_234 = arith.constant 5000 : i32
      %lt3A_235 = vector.broadcast %lt3A_234 : i32 to vector<16xi32>
      %lt3A_236 = arith.cmpi slt, %sub3A_230, %lt3A_235 : vector<16xi32>
      %and3A_237 = arith.andi %ge3A_233, %lt3A_236 : vector<16xi1>
      %mul3A_238 = arith.constant 5 : i32
      %mul3A_239 = arith.muli %scan3A_159, %mul3A_238 : i32
      %add3A_240 = arith.constant 2 : i32
      %add3A_241 = arith.addi %mul3A_239, %add3A_240 : i32
      %mul3A_242 = arith.constant 16 : i32
      %mul3A_243 = arith.muli %add3A_241, %mul3A_242 : i32
      %add3A_244 = vector.broadcast %mul3A_243 : i32 to vector<16xi32>
      %add3A_245 = arith.addi %add3A_244, %iota3A : vector<16xi32>
      %and3A_246 = arith.constant 511 : i32
      %and3A_247 = vector.broadcast %and3A_246 : i32 to vector<16xi32>
      %and3A_248 = arith.andi %add3A_245, %and3A_247 : vector<16xi32>
      %add3A_249 = arith.constant 5120 : i32
      %add3A_250 = vector.broadcast %add3A_249 : i32 to vector<16xi32>
      %add3A_251 = arith.addi %add3A_250, %and3A_248 : vector<16xi32>
      %select_n3A_252 = arith.select %and3A_237, %sub3A_230, %add3A_251 : vector<16xi1>, vector<16xi32>
      %swap3A_253 = arith.index_cast %scan3A_159 : i32 to index
      %swap3A_254 = arith.constant 32 : index
      %swap3A_255 = tpu.vector_load %arg5[%swap3A_253, %swap3A_254] {strides = array<i32>} : memref<250x80xi32, #tpu.memory_space<vmem>>, vector<1x16xi32>,
      %swap3A_256 = vector.shape_cast %swap3A_255 : vector<1x16xi32> to vector<16xi32>
      %swap3A_257 = vector.shape_cast %select_n3A_252 : vector<16xi32> to vector<1x16xi32>
      tpu.vector_store %arg5[%swap3A_253, %swap3A_254], %swap3A_257 {strides = array<i32>} : memref<250x80xi32, #tpu.memory_space<vmem>>, vector<1x16xi32>,
      %get3A_258 = arith.index_cast %scan3A_159 : i32 to index
      %get3A_259 = arith.constant 48 : index
      %get3A_260 = tpu.vector_load %arg5[%get3A_258, %get3A_259] {strides = array<i32>} : memref<250x80xi32, #tpu.memory_space<vmem>>, vector<1x16xi32>,
      %get3A_261 = vector.shape_cast %get3A_260 : vector<1x16xi32> to vector<16xi32>
      %sub3A_262 = arith.constant 0 : i32
      %sub3A_263 = vector.broadcast %sub3A_262 : i32 to vector<16xi32>
      %sub3A_264 = arith.subi %get3A_261, %sub3A_263 : vector<16xi32>
      %ge3A_265 = arith.constant 0 : i32
      %ge3A_266 = vector.broadcast %ge3A_265 : i32 to vector<16xi32>
      %ge3A_267 = arith.cmpi sge, %sub3A_264, %ge3A_266 : vector<16xi32>
      %lt3A_268 = arith.constant 5000 : i32
      %lt3A_269 = vector.broadcast %lt3A_268 : i32 to vector<16xi32>
      %lt3A_270 = arith.cmpi slt, %sub3A_264, %lt3A_269 : vector<16xi32>
      %and3A_271 = arith.andi %ge3A_267, %lt3A_270 : vector<16xi1>
      %mul3A_272 = arith.constant 5 : i32
      %mul3A_273 = arith.muli %scan3A_159, %mul3A_272 : i32
      %add3A_274 = arith.constant 3 : i32
      %add3A_275 = arith.addi %mul3A_273, %add3A_274 : i32
      %mul3A_276 = arith.constant 16 : i32
      %mul3A_277 = arith.muli %add3A_275, %mul3A_276 : i32
      %add3A_278 = vector.broadcast %mul3A_277 : i32 to vector<16xi32>
      %add3A_279 = arith.addi %add3A_278, %iota3A : vector<16xi32>
      %and3A_280 = arith.constant 511 : i32
      %and3A_281 = vector.broadcast %and3A_280 : i32 to vector<16xi32>
      %and3A_282 = arith.andi %add3A_279, %and3A_281 : vector<16xi32>
      %add3A_283 = arith.constant 5120 : i32
      %add3A_284 = vector.broadcast %add3A_283 : i32 to vector<16xi32>
      %add3A_285 = arith.addi %add3A_284, %and3A_282 : vector<16xi32>
      %select_n3A_286 = arith.select %and3A_271, %sub3A_264, %add3A_285 : vector<16xi1>, vector<16xi32>
      %swap3A_287 = arith.index_cast %scan3A_159 : i32 to index
      %swap3A_288 = arith.constant 48 : index
      %swap3A_289 = tpu.vector_load %arg5[%swap3A_287, %swap3A_288] {strides = array<i32>} : memref<250x80xi32, #tpu.memory_space<vmem>>, vector<1x16xi32>,
      %swap3A_290 = vector.shape_cast %swap3A_289 : vector<1x16xi32> to vector<16xi32>
      %swap3A_291 = vector.shape_cast %select_n3A_286 : vector<16xi32> to vector<1x16xi32>
      tpu.vector_store %arg5[%swap3A_287, %swap3A_288], %swap3A_291 {strides = array<i32>} : memref<250x80xi32, #tpu.memory_space<vmem>>, vector<1x16xi32>,
      %get3A_292 = arith.index_cast %scan3A_159 : i32 to index
      %get3A_293 = arith.constant 64 : index
      %get3A_294 = tpu.vector_load %arg5[%get3A_292, %get3A_293] {strides = array<i32>} : memref<250x80xi32, #tpu.memory_space<vmem>>, vector<1x16xi32>,
      %get3A_295 = vector.shape_cast %get3A_294 : vector<1x16xi32> to vector<16xi32>
      %sub3A_296 = arith.constant 0 : i32
      %sub3A_297 = vector.broadcast %sub3A_296 : i32 to vector<16xi32>
      %sub3A_298 = arith.subi %get3A_295, %sub3A_297 : vector<16xi32>
      %ge3A_299 = arith.constant 0 : i32
      %ge3A_300 = vector.broadcast %ge3A_299 : i32 to vector<16xi32>
      %ge3A_301 = arith.cmpi sge, %sub3A_298, %ge3A_300 : vector<16xi32>
      %lt3A_302 = arith.constant 5000 : i32
      %lt3A_303 = vector.broadcast %lt3A_302 : i32 to vector<16xi32>
      %lt3A_304 = arith.cmpi slt, %sub3A_298, %lt3A_303 : vector<16xi32>
      %and3A_305 = arith.andi %ge3A_301, %lt3A_304 : vector<16xi1>
      %mul3A_306 = arith.constant 5 : i32
      %mul3A_307 = arith.muli %scan3A_159, %mul3A_306 : i32
      %add3A_308 = arith.constant 4 : i32
      %add3A_309 = arith.addi %mul3A_307, %add3A_308 : i32
      %mul3A_310 = arith.constant 16 : i32
      %mul3A_311 = arith.muli %add3A_309, %mul3A_310 : i32
      %add3A_312 = vector.broadcast %mul3A_311 : i32 to vector<16xi32>
      %add3A_313 = arith.addi %add3A_312, %iota3A : vector<16xi32>
      %and3A_314 = arith.constant 511 : i32
      %and3A_315 = vector.broadcast %and3A_314 : i32 to vector<16xi32>
      %and3A_316 = arith.andi %add3A_313, %and3A_315 : vector<16xi32>
      %add3A_317 = arith.constant 5120 : i32
      %add3A_318 = vector.broadcast %add3A_317 : i32 to vector<16xi32>
      %add3A_319 = arith.addi %add3A_318, %and3A_316 : vector<16xi32>
      %select_n3A_320 = arith.select %and3A_305, %sub3A_298, %add3A_319 : vector<16xi1>, vector<16xi32>
      %swap3A_321 = arith.index_cast %scan3A_159 : i32 to index
      %swap3A_322 = arith.constant 64 : index
      %swap3A_323 = tpu.vector_load %arg5[%swap3A_321, %swap3A_322] {strides = array<i32>} : memref<250x80xi32, #tpu.memory_space<vmem>>, vector<1x16xi32>,
      %swap3A_324 = vector.shape_cast %swap3A_323 : vector<1x16xi32> to vector<16xi32>
      %swap3A_325 = vector.shape_cast %select_n3A_320 : vector<16xi32> to vector<1x16xi32>
      tpu.vector_store %arg5[%swap3A_321, %swap3A_322], %swap3A_325 {strides = array<i32>} : memref<250x80xi32, #tpu.memory_space<vmem>>, vector<1x16xi32>,
      %scan3A_326 = arith.constant 0 : i32
      scf.yield %scan3A_326 : i32
    }
    %scan3A_6 = arith.constant 250 : i32
    %scan3A_7 = arith.constant 0 : i32
    %scan3A_8 = arith.constant 0 : i32
    %scan3A_9 = arith.constant 80 : i32
    %scan3A_10 = arith.addi %scan3A_8, %scan3A_9 : i32
    %scan3A_11 = arith.constant 1 : i32
    %scan3A_12 = scf.for %scan3A_159 = %scan3A_8 to %scan3A_10 step %scan3A_11 iter_args(%scan3A_160 = %scan3A_7) -> (i32)  : i32 {
      %broadcast_in_dim3A = arith.constant 0.000000e+00 : f32
      %broadcast_in_dim3A_161 = vector.broadcast %broadcast_in_dim3A : f32 to vector<16xf32>
      %swap3A = arith.index_cast %scan3A_159 : i32 to index
      %swap3A_162 = arith.constant 0 : index
      %swap3A_163 = tpu.vector_load %arg6[%swap3A, %swap3A_162] {strides = array<i32>} : memref<80x128xf32, #tpu.memory_space<vmem>>, vector<1x16xf32>,
      %swap3A_164 = vector.shape_cast %swap3A_163 : vector<1x16xf32> to vector<16xf32>
      %swap3A_165 = vector.shape_cast %broadcast_in_dim3A_161 : vector<16xf32> to vector<1x16xf32>
      tpu.vector_store %arg6[%swap3A, %swap3A_162], %swap3A_165 {strides = array<i32>} : memref<80x128xf32, #tpu.memory_space<vmem>>, vector<1x16xf32>,
      %broadcast_in_dim3A_166 = arith.constant 0.000000e+00 : f32
      %broadcast_in_dim3A_167 = vector.broadcast %broadcast_in_dim3A_166 : f32 to vector<16xf32>
      %swap3A_168 = arith.index_cast %scan3A_159 : i32 to index
      %swap3A_169 = arith.constant 16 : index
      %swap3A_170 = tpu.vector_load %arg6[%swap3A_168, %swap3A_169] {strides = array<i32>} : memref<80x128xf32, #tpu.memory_space<vmem>>, vector<1x16xf32>,
      %swap3A_171 = vector.shape_cast %swap3A_170 : vector<1x16xf32> to vector<16xf32>
      %swap3A_172 = vector.shape_cast %broadcast_in_dim3A_167 : vector<16xf32> to vector<1x16xf32>
      tpu.vector_store %arg6[%swap3A_168, %swap3A_169], %swap3A_172 {strides = array<i32>} : memref<80x128xf32, #tpu.memory_space<vmem>>, vector<1x16xf32>,
      %broadcast_in_dim3A_173 = arith.constant 0.000000e+00 : f32
      %broadcast_in_dim3A_174 = vector.broadcast %broadcast_in_dim3A_173 : f32 to vector<16xf32>
      %swap3A_175 = arith.index_cast %scan3A_159 : i32 to index
      %swap3A_176 = arith.constant 32 : index
      %swap3A_177 = tpu.vector_load %arg6[%swap3A_175, %swap3A_176] {strides = array<i32>} : memref<80x128xf32, #tpu.memory_space<vmem>>, vector<1x16xf32>,
      %swap3A_178 = vector.shape_cast %swap3A_177 : vector<1x16xf32> to vector<16xf32>
      %swap3A_179 = vector.shape_cast %broadcast_in_dim3A_174 : vector<16xf32> to vector<1x16xf32>
      tpu.vector_store %arg6[%swap3A_175, %swap3A_176], %swap3A_179 {strides = array<i32>} : memref<80x128xf32, #tpu.memory_space<vmem>>, vector<1x16xf32>,
      %broadcast_in_dim3A_180 = arith.constant 0.000000e+00 : f32
      %broadcast_in_dim3A_181 = vector.broadcast %broadcast_in_dim3A_180 : f32 to vector<16xf32>
      %swap3A_182 = arith.index_cast %scan3A_159 : i32 to index
      %swap3A_183 = arith.constant 48 : index
      %swap3A_184 = tpu.vector_load %arg6[%swap3A_182, %swap3A_183] {strides = array<i32>} : memref<80x128xf32, #tpu.memory_space<vmem>>, vector<1x16xf32>,
      %swap3A_185 = vector.shape_cast %swap3A_184 : vector<1x16xf32> to vector<16xf32>
      %swap3A_186 = vector.shape_cast %broadcast_in_dim3A_181 : vector<16xf32> to vector<1x16xf32>
      tpu.vector_store %arg6[%swap3A_182, %swap3A_183], %swap3A_186 {strides = array<i32>} : memref<80x128xf32, #tpu.memory_space<vmem>>, vector<1x16xf32>,
      %broadcast_in_dim3A_187 = arith.constant 0.000000e+00 : f32
      %broadcast_in_dim3A_188 = vector.broadcast %broadcast_in_dim3A_187 : f32 to vector<16xf32>
      %swap3A_189 = arith.index_cast %scan3A_159 : i32 to index
      %swap3A_190 = arith.constant 64 : index
      %swap3A_191 = tpu.vector_load %arg6[%swap3A_189, %swap3A_190] {strides = array<i32>} : memref<80x128xf32, #tpu.memory_space<vmem>>, vector<1x16xf32>,
      %swap3A_192 = vector.shape_cast %swap3A_191 : vector<1x16xf32> to vector<16xf32>
      %swap3A_193 = vector.shape_cast %broadcast_in_dim3A_188 : vector<16xf32> to vector<1x16xf32>
      tpu.vector_store %arg6[%swap3A_189, %swap3A_190], %swap3A_193 {strides = array<i32>} : memref<80x128xf32, #tpu.memory_space<vmem>>, vector<1x16xf32>,
      %broadcast_in_dim3A_194 = arith.constant 0.000000e+00 : f32
      %broadcast_in_dim3A_195 = vector.broadcast %broadcast_in_dim3A_194 : f32 to vector<16xf32>
      %swap3A_196 = arith.index_cast %scan3A_159 : i32 to index
      %swap3A_197 = arith.constant 80 : index
      %swap3A_198 = tpu.vector_load %arg6[%swap3A_196, %swap3A_197] {strides = array<i32>} : memref<80x128xf32, #tpu.memory_space<vmem>>, vector<1x16xf32>,
      %swap3A_199 = vector.shape_cast %swap3A_198 : vector<1x16xf32> to vector<16xf32>
      %swap3A_200 = vector.shape_cast %broadcast_in_dim3A_195 : vector<16xf32> to vector<1x16xf32>
      tpu.vector_store %arg6[%swap3A_196, %swap3A_197], %swap3A_200 {strides = array<i32>} : memref<80x128xf32, #tpu.memory_space<vmem>>, vector<1x16xf32>,
      %broadcast_in_dim3A_201 = arith.constant 0.000000e+00 : f32
      %broadcast_in_dim3A_202 = vector.broadcast %broadcast_in_dim3A_201 : f32 to vector<16xf32>
      %swap3A_203 = arith.index_cast %scan3A_159 : i32 to index
      %swap3A_204 = arith.constant 96 : index
      %swap3A_205 = tpu.vector_load %arg6[%swap3A_203, %swap3A_204] {strides = array<i32>} : memref<80x128xf32, #tpu.memory_space<vmem>>, vector<1x16xf32>,
      %swap3A_206 = vector.shape_cast %swap3A_205 : vector<1x16xf32> to vector<16xf32>
      %swap3A_207 = vector.shape_cast %broadcast_in_dim3A_202 : vector<16xf32> to vector<1x16xf32>
      tpu.vector_store %arg6[%swap3A_203, %swap3A_204], %swap3A_207 {strides = array<i32>} : memref<80x128xf32, #tpu.memory_space<vmem>>, vector<1x16xf32>,
      %broadcast_in_dim3A_208 = arith.constant 0.000000e+00 : f32
      %broadcast_in_dim3A_209 = vector.broadcast %broadcast_in_dim3A_208 : f32 to vector<16xf32>
      %swap3A_210 = arith.index_cast %scan3A_159 : i32 to index
      %swap3A_211 = arith.constant 112 : index
      %swap3A_212 = tpu.vector_load %arg6[%swap3A_210, %swap3A_211] {strides = array<i32>} : memref<80x128xf32, #tpu.memory_space<vmem>>, vector<1x16xf32>,
      %swap3A_213 = vector.shape_cast %swap3A_212 : vector<1x16xf32> to vector<16xf32>
      %swap3A_214 = vector.shape_cast %broadcast_in_dim3A_209 : vector<16xf32> to vector<1x16xf32>
      tpu.vector_store %arg6[%swap3A_210, %swap3A_211], %swap3A_214 {strides = array<i32>} : memref<80x128xf32, #tpu.memory_space<vmem>>, vector<1x16xf32>,
      %scan3A_215 = arith.constant 0 : i32
      scf.yield %scan3A_215 : i32
    }
    %scan3A_13 = arith.constant 80 : i32
    %mul3A_14 = arith.constant 352 : i32
    %mul3A_15 = arith.muli %arg1, %mul3A_14 : i32
    %add3A = arith.constant 0 : i32
    %add3A_16 = arith.addi %mul3A_15, %add3A : i32
    "tpu.region"() ({
      %run_scoped3A = tpu.sem_alloc : memref<!tpu.dma_semaphore, #tpu.memory_space<semaphore_mem>>
      %dma_start3A = arith.constant 0 : i32
      %dma_start3A_159 = tpu.memref_slice %arg7[%add3A_16, %dma_start3A] : memref<5632x128xf32, #tpu.memory_space<vmem_shared>> -> memref<80x128xf32, #tpu.memory_space<vmem_shared>>
      %dma_start3A_160 = arith.constant 0 : i32
      %dma_start3A_161 = tpu.memref_slice %arg7[%add3A_16, %dma_start3A_160] : memref<5632x128xf32, #tpu.memory_space<vmem_shared>> -> memref<80x128xf32, #tpu.memory_space<vmem_shared>>
      tpu.enqueue_dma source(%arg6 : memref<80x128xf32, #tpu.memory_space<vmem>>) target(%dma_start3A_161 : memref<80x128xf32, #tpu.memory_space<vmem_shared>>) target_semaphore(%run_scoped3A : memref<!tpu.dma_semaphore, #tpu.memory_space<semaphore_mem>>)
      %dma_wait3A = arith.constant 0 : i32
      %dma_wait3A_162 = tpu.memref_slice %arg7[%add3A_16, %dma_wait3A] : memref<5632x128xf32, #tpu.memory_space<vmem_shared>> -> memref<80x128xf32, #tpu.memory_space<vmem_shared>>
      %dma_wait3A_163 = arith.constant 0 : i32
      %dma_wait3A_164 = tpu.memref_slice %arg7[%add3A_16, %dma_wait3A_163] : memref<5632x128xf32, #tpu.memory_space<vmem_shared>> -> memref<80x128xf32, #tpu.memory_space<vmem_shared>>
      tpu.wait_dma2 semaphore(%run_scoped3A : memref<!tpu.dma_semaphore, #tpu.memory_space<semaphore_mem>>) src(%arg6 : memref<80x128xf32, #tpu.memory_space<vmem>>) dst(%dma_wait3A_164 : memref<80x128xf32, #tpu.memory_space<vmem_shared>>)
      tpu.yield
    }) : () -> ()
    %add3A_17 = arith.constant 80 : i32
    %add3A_18 = arith.addi %mul3A_15, %add3A_17 : i32
    "tpu.region"() ({
      %run_scoped3A = tpu.sem_alloc : memref<!tpu.dma_semaphore, #tpu.memory_space<semaphore_mem>>
      %dma_start3A = arith.constant 0 : i32
      %dma_start3A_159 = tpu.memref_slice %arg7[%add3A_18, %dma_start3A] : memref<5632x128xf32, #tpu.memory_space<vmem_shared>> -> memref<80x128xf32, #tpu.memory_space<vmem_shared>>
      %dma_start3A_160 = arith.constant 0 : i32
      %dma_start3A_161 = tpu.memref_slice %arg7[%add3A_18, %dma_start3A_160] : memref<5632x128xf32, #tpu.memory_space<vmem_shared>> -> memref<80x128xf32, #tpu.memory_space<vmem_shared>>
      tpu.enqueue_dma source(%arg6 : memref<80x128xf32, #tpu.memory_space<vmem>>) target(%dma_start3A_161 : memref<80x128xf32, #tpu.memory_space<vmem_shared>>) target_semaphore(%run_scoped3A : memref<!tpu.dma_semaphore, #tpu.memory_space<semaphore_mem>>)
      %dma_wait3A = arith.constant 0 : i32
      %dma_wait3A_162 = tpu.memref_slice %arg7[%add3A_18, %dma_wait3A] : memref<5632x128xf32, #tpu.memory_space<vmem_shared>> -> memref<80x128xf32, #tpu.memory_space<vmem_shared>>
      %dma_wait3A_163 = arith.constant 0 : i32
      %dma_wait3A_164 = tpu.memref_slice %arg7[%add3A_18, %dma_wait3A_163] : memref<5632x128xf32, #tpu.memory_space<vmem_shared>> -> memref<80x128xf32, #tpu.memory_space<vmem_shared>>
      tpu.wait_dma2 semaphore(%run_scoped3A : memref<!tpu.dma_semaphore, #tpu.memory_space<semaphore_mem>>) src(%arg6 : memref<80x128xf32, #tpu.memory_space<vmem>>) dst(%dma_wait3A_164 : memref<80x128xf32, #tpu.memory_space<vmem_shared>>)
      tpu.yield
    }) : () -> ()
    %add3A_19 = arith.constant 160 : i32
    %add3A_20 = arith.addi %mul3A_15, %add3A_19 : i32
    "tpu.region"() ({
      %run_scoped3A = tpu.sem_alloc : memref<!tpu.dma_semaphore, #tpu.memory_space<semaphore_mem>>
      %dma_start3A = arith.constant 0 : i32
      %dma_start3A_159 = tpu.memref_slice %arg7[%add3A_20, %dma_start3A] : memref<5632x128xf32, #tpu.memory_space<vmem_shared>> -> memref<80x128xf32, #tpu.memory_space<vmem_shared>>
      %dma_start3A_160 = arith.constant 0 : i32
      %dma_start3A_161 = tpu.memref_slice %arg7[%add3A_20, %dma_start3A_160] : memref<5632x128xf32, #tpu.memory_space<vmem_shared>> -> memref<80x128xf32, #tpu.memory_space<vmem_shared>>
      tpu.enqueue_dma source(%arg6 : memref<80x128xf32, #tpu.memory_space<vmem>>) target(%dma_start3A_161 : memref<80x128xf32, #tpu.memory_space<vmem_shared>>) target_semaphore(%run_scoped3A : memref<!tpu.dma_semaphore, #tpu.memory_space<semaphore_mem>>)
      %dma_wait3A = arith.constant 0 : i32
      %dma_wait3A_162 = tpu.memref_slice %arg7[%add3A_20, %dma_wait3A] : memref<5632x128xf32, #tpu.memory_space<vmem_shared>> -> memref<80x128xf32, #tpu.memory_space<vmem_shared>>
      %dma_wait3A_163 = arith.constant 0 : i32
      %dma_wait3A_164 = tpu.memref_slice %arg7[%add3A_20, %dma_wait3A_163] : memref<5632x128xf32, #tpu.memory_space<vmem_shared>> -> memref<80x128xf32, #tpu.memory_space<vmem_shared>>
      tpu.wait_dma2 semaphore(%run_scoped3A : memref<!tpu.dma_semaphore, #tpu.memory_space<semaphore_mem>>) src(%arg6 : memref<80x128xf32, #tpu.memory_space<vmem>>) dst(%dma_wait3A_164 : memref<80x128xf32, #tpu.memory_space<vmem_shared>>)
      tpu.yield
    }) : () -> ()
    %add3A_21 = arith.constant 240 : i32
    %add3A_22 = arith.addi %mul3A_15, %add3A_21 : i32
    "tpu.region"() ({
      %run_scoped3A = tpu.sem_alloc : memref<!tpu.dma_semaphore, #tpu.memory_space<semaphore_mem>>
      %dma_start3A = arith.constant 0 : i32
      %dma_start3A_159 = tpu.memref_slice %arg7[%add3A_22, %dma_start3A] : memref<5632x128xf32, #tpu.memory_space<vmem_shared>> -> memref<80x128xf32, #tpu.memory_space<vmem_shared>>
      %dma_start3A_160 = arith.constant 0 : i32
      %dma_start3A_161 = tpu.memref_slice %arg7[%add3A_22, %dma_start3A_160] : memref<5632x128xf32, #tpu.memory_space<vmem_shared>> -> memref<80x128xf32, #tpu.memory_space<vmem_shared>>
      tpu.enqueue_dma source(%arg6 : memref<80x128xf32, #tpu.memory_space<vmem>>) target(%dma_start3A_161 : memref<80x128xf32, #tpu.memory_space<vmem_shared>>) target_semaphore(%run_scoped3A : memref<!tpu.dma_semaphore, #tpu.memory_space<semaphore_mem>>)
      %dma_wait3A = arith.constant 0 : i32
      %dma_wait3A_162 = tpu.memref_slice %arg7[%add3A_22, %dma_wait3A] : memref<5632x128xf32, #tpu.memory_space<vmem_shared>> -> memref<80x128xf32, #tpu.memory_space<vmem_shared>>
      %dma_wait3A_163 = arith.constant 0 : i32
      %dma_wait3A_164 = tpu.memref_slice %arg7[%add3A_22, %dma_wait3A_163] : memref<5632x128xf32, #tpu.memory_space<vmem_shared>> -> memref<80x128xf32, #tpu.memory_space<vmem_shared>>
      tpu.wait_dma2 semaphore(%run_scoped3A : memref<!tpu.dma_semaphore, #tpu.memory_space<semaphore_mem>>) src(%arg6 : memref<80x128xf32, #tpu.memory_space<vmem>>) dst(%dma_wait3A_164 : memref<80x128xf32, #tpu.memory_space<vmem_shared>>)
      tpu.yield
    }) : () -> ()
    %add3A_23 = arith.constant 272 : i32
    %add3A_24 = arith.addi %mul3A_15, %add3A_23 : i32
    "tpu.region"() ({
      %run_scoped3A = tpu.sem_alloc : memref<!tpu.dma_semaphore, #tpu.memory_space<semaphore_mem>>
      %dma_start3A = arith.constant 0 : i32
      %dma_start3A_159 = tpu.memref_slice %arg7[%add3A_24, %dma_start3A] : memref<5632x128xf32, #tpu.memory_space<vmem_shared>> -> memref<80x128xf32, #tpu.memory_space<vmem_shared>>
      %dma_start3A_160 = arith.constant 0 : i32
      %dma_start3A_161 = tpu.memref_slice %arg7[%add3A_24, %dma_start3A_160] : memref<5632x128xf32, #tpu.memory_space<vmem_shared>> -> memref<80x128xf32, #tpu.memory_space<vmem_shared>>
      tpu.enqueue_dma source(%arg6 : memref<80x128xf32, #tpu.memory_space<vmem>>) target(%dma_start3A_161 : memref<80x128xf32, #tpu.memory_space<vmem_shared>>) target_semaphore(%run_scoped3A : memref<!tpu.dma_semaphore, #tpu.memory_space<semaphore_mem>>)
      %dma_wait3A = arith.constant 0 : i32
      %dma_wait3A_162 = tpu.memref_slice %arg7[%add3A_24, %dma_wait3A] : memref<5632x128xf32, #tpu.memory_space<vmem_shared>> -> memref<80x128xf32, #tpu.memory_space<vmem_shared>>
      %dma_wait3A_163 = arith.constant 0 : i32
      %dma_wait3A_164 = tpu.memref_slice %arg7[%add3A_24, %dma_wait3A_163] : memref<5632x128xf32, #tpu.memory_space<vmem_shared>> -> memref<80x128xf32, #tpu.memory_space<vmem_shared>>
      tpu.wait_dma2 semaphore(%run_scoped3A : memref<!tpu.dma_semaphore, #tpu.memory_space<semaphore_mem>>) src(%arg6 : memref<80x128xf32, #tpu.memory_space<vmem>>) dst(%dma_wait3A_164 : memref<80x128xf32, #tpu.memory_space<vmem_shared>>)
      tpu.yield
    }) : () -> ()
    %barrier3A = arith.constant 0 : index
    tpu.barrier barrier_id(%barrier3A)
    %scan3A_25 = arith.constant 0 : i32
    %scan3A_26 = arith.constant 0 : i32
    %scan3A_27 = arith.constant 250 : i32
    %scan3A_28 = arith.addi %scan3A_26, %scan3A_27 : i32
    %scan3A_29 = arith.constant 1 : i32
    %scan3A_30 = scf.for %scan3A_159 = %scan3A_26 to %scan3A_28 step %scan3A_29 iter_args(%scan3A_160 = %scan3A_25) -> (i32)  : i32 {
      %mul3A_161 = arith.constant 80 : i32
      %mul3A_162 = arith.muli %scan3A_159, %mul3A_161 : i32
      %add3A_163 = arith.addi %mul3A_0, %mul3A_162 : i32
      "tpu.region"() ({
        %run_scoped3A = tpu.sem_alloc : memref<!tpu.dma_semaphore, #tpu.memory_space<semaphore_mem>>
        %dma_start3A = arith.constant 0 : i32
        %dma_start3A_165 = tpu.memref_slice %arg2[%arg0, %add3A_163, %dma_start3A] : memref<2x320000x128xf32, #tpu.memory_space<hbm>> -> memref<1x80x128xf32, #tpu.memory_space<hbm>>
        %dma_start3A_166 = tpu.memref_squeeze %dma_start3A_165 : memref<1x80x128xf32, #tpu.memory_space<hbm>> -> memref<80x128xf32, #tpu.memory_space<hbm>>
        %dma_start3A_167 = arith.constant 0 : i32
        %dma_start3A_168 = tpu.memref_slice %arg2[%arg0, %add3A_163, %dma_start3A_167] : memref<2x320000x128xf32, #tpu.memory_space<hbm>> -> memref<1x80x128xf32, #tpu.memory_space<hbm>>
        %dma_start3A_169 = tpu.memref_squeeze %dma_start3A_168 : memref<1x80x128xf32, #tpu.memory_space<hbm>> -> memref<80x128xf32, #tpu.memory_space<hbm>>
        tpu.enqueue_dma source(%dma_start3A_169 : memref<80x128xf32, #tpu.memory_space<hbm>>) target(%arg6 : memref<80x128xf32, #tpu.memory_space<vmem>>) target_semaphore(%run_scoped3A : memref<!tpu.dma_semaphore, #tpu.memory_space<semaphore_mem>>)
        %dma_wait3A = arith.constant 0 : i32
        %dma_wait3A_170 = tpu.memref_slice %arg2[%arg0, %add3A_163, %dma_wait3A] : memref<2x320000x128xf32, #tpu.memory_space<hbm>> -> memref<1x80x128xf32, #tpu.memory_space<hbm>>
        %dma_wait3A_171 = tpu.memref_squeeze %dma_wait3A_170 : memref<1x80x128xf32, #tpu.memory_space<hbm>> -> memref<80x128xf32, #tpu.memory_space<hbm>>
        %dma_wait3A_172 = arith.constant 0 : i32
        %dma_wait3A_173 = tpu.memref_slice %arg2[%arg0, %add3A_163, %dma_wait3A_172] : memref<2x320000x128xf32, #tpu.memory_space<hbm>> -> memref<1x80x128xf32, #tpu.memory_space<hbm>>
        %dma_wait3A_174 = tpu.memref_squeeze %dma_wait3A_173 : memref<1x80x128xf32, #tpu.memory_space<hbm>> -> memref<80x128xf32, #tpu.memory_space<hbm>>
        tpu.wait_dma2 semaphore(%run_scoped3A : memref<!tpu.dma_semaphore, #tpu.memory_space<semaphore_mem>>) src(%dma_wait3A_174 : memref<80x128xf32, #tpu.memory_space<hbm>>) dst(%arg6 : memref<80x128xf32, #tpu.memory_space<vmem>>)
        tpu.yield
      }) : () -> ()
      "tpu.region"() ({
        %run_scoped3A = tpu.sem_alloc : memref<!tpu.dma_semaphore, #tpu.memory_space<semaphore_mem>>
        %dma_start3A = arith.constant 0 : i32
        %dma_start3A_165 = tpu.memref_slice %arg5[%scan3A_159, %dma_start3A] : memref<250x80xi32, #tpu.memory_space<vmem>> -> memref<1x80xi32, #tpu.memory_space<vmem>>
        %dma_start3A_166 = tpu.memref_squeeze %dma_start3A_165 : memref<1x80xi32, #tpu.memory_space<vmem>> -> memref<80xi32, #tpu.memory_space<vmem>>
        %dma_start3A_167 = arith.constant 0 : i32
        %dma_start3A_168 = arith.constant 0 : i32
        %dma_start3A_169 = tpu.memref_slice %arg7[%dma_start3A_167, %dma_start3A_168] : memref<5632x128xf32, #tpu.memory_space<vmem_shared>> -> memref<5632x128xf32, #tpu.memory_space<vmem_shared>>
        tpu.enqueue_indirect_dma source(%arg6 : memref<80x128xf32, #tpu.memory_space<vmem>>) target(%dma_start3A_169 : memref<5632x128xf32, #tpu.memory_space<vmem_shared>>) offsets(%dma_start3A_166 : memref<80xi32, #tpu.memory_space<vmem>>) semaphore(%run_scoped3A : memref<!tpu.dma_semaphore, #tpu.memory_space<semaphore_mem>>) {add = true}
        %dma_wait3A = arith.constant 0 : i32
        %dma_wait3A_170 = tpu.memref_slice %arg5[%scan3A_159, %dma_wait3A] : memref<250x80xi32, #tpu.memory_space<vmem>> -> memref<1x80xi32, #tpu.memory_space<vmem>>
        %dma_wait3A_171 = tpu.memref_squeeze %dma_wait3A_170 : memref<1x80xi32, #tpu.memory_space<vmem>> -> memref<80xi32, #tpu.memory_space<vmem>>
        %dma_wait3A_172 = arith.constant 0 : i32
        %dma_wait3A_173 = arith.constant 0 : i32
        %dma_wait3A_174 = tpu.memref_slice %arg7[%dma_wait3A_172, %dma_wait3A_173] : memref<5632x128xf32, #tpu.memory_space<vmem_shared>> -> memref<5632x128xf32, #tpu.memory_space<vmem_shared>>
        tpu.wait_indirect_dma semaphore(%run_scoped3A : memref<!tpu.dma_semaphore, #tpu.memory_space<semaphore_mem>>) src(%arg6 : memref<80x128xf32, #tpu.memory_space<vmem>>) dst(%dma_wait3A_174 : memref<5632x128xf32, #tpu.memory_space<vmem_shared>>)
        tpu.yield
      }) : () -> ()
      %scan3A_164 = arith.constant 0 : i32
      scf.yield %scan3A_164 : i32
    }
    %scan3A_31 = arith.constant 250 : i32
    %barrier3A_32 = arith.constant 0 : index
    tpu.barrier barrier_id(%barrier3A_32)
    %eq3A = arith.constant 15 : i32
    %eq3A_33 = arith.cmpi eq, %arg1, %eq3A : i32
    %jit3A = arith.constant 320 : i32
    %jit3A_34 = arith.constant 312 : i32
    %select_n3A = arith.select %eq3A_33, %jit3A, %jit3A_34 : i32
    %mul3A_35 = arith.constant 312 : i32
    %mul3A_36 = arith.muli %arg1, %mul3A_35 : i32
    %sub3A = arith.constant 80 : i32
    %sub3A_37 = arith.subi %select_n3A, %sub3A : i32
    %min3A = arith.constant 0 : i32
    %min3A_38 = arith.minsi %min3A, %sub3A_37 : i32
    %add3A_39 = arith.addi %mul3A_36, %min3A_38 : i32
    "tpu.region"() ({
      %run_scoped3A = tpu.sem_alloc : memref<!tpu.dma_semaphore, #tpu.memory_space<semaphore_mem>>
      %dma_start3A = arith.constant 0 : i32
      %dma_start3A_159 = tpu.memref_slice %arg7[%add3A_39, %dma_start3A] : memref<5632x128xf32, #tpu.memory_space<vmem_shared>> -> memref<80x128xf32, #tpu.memory_space<vmem_shared>>
      %dma_start3A_160 = arith.constant 0 : i32
      %dma_start3A_161 = tpu.memref_slice %arg7[%add3A_39, %dma_start3A_160] : memref<5632x128xf32, #tpu.memory_space<vmem_shared>> -> memref<80x128xf32, #tpu.memory_space<vmem_shared>>
      tpu.enqueue_dma source(%dma_start3A_161 : memref<80x128xf32, #tpu.memory_space<vmem_shared>>) target(%arg6 : memref<80x128xf32, #tpu.memory_space<vmem>>) target_semaphore(%run_scoped3A : memref<!tpu.dma_semaphore, #tpu.memory_space<semaphore_mem>>)
      %dma_wait3A = arith.constant 0 : i32
      %dma_wait3A_162 = tpu.memref_slice %arg7[%add3A_39, %dma_wait3A] : memref<5632x128xf32, #tpu.memory_space<vmem_shared>> -> memref<80x128xf32, #tpu.memory_space<vmem_shared>>
      %dma_wait3A_163 = arith.constant 0 : i32
      %dma_wait3A_164 = tpu.memref_slice %arg7[%add3A_39, %dma_wait3A_163] : memref<5632x128xf32, #tpu.memory_space<vmem_shared>> -> memref<80x128xf32, #tpu.memory_space<vmem_shared>>
      tpu.wait_dma2 semaphore(%run_scoped3A : memref<!tpu.dma_semaphore, #tpu.memory_space<semaphore_mem>>) src(%dma_wait3A_164 : memref<80x128xf32, #tpu.memory_space<vmem_shared>>) dst(%arg6 : memref<80x128xf32, #tpu.memory_space<vmem>>)
      tpu.yield
    }) : () -> ()
    %add3A_40 = arith.constant 0 : i32
    %add3A_41 = arith.addi %add3A_40, %mul3A_36 : i32
    %add3A_42 = arith.addi %add3A_41, %min3A_38 : i32
    %mul3A_43 = arith.constant 128 : i32
    %mul3A_44 = arith.muli %arg0, %mul3A_43 : i32
    "tpu.region"() ({
      %run_scoped3A = tpu.sem_alloc : memref<!tpu.dma_semaphore, #tpu.memory_space<semaphore_mem>>
      %dma_start3A = tpu.memref_slice %arg4[%add3A_42, %mul3A_44] : memref<10000x256xf32, #tpu.memory_space<hbm>> -> memref<80x128xf32, #tpu.memory_space<hbm>>
      %dma_start3A_159 = tpu.memref_slice %arg4[%add3A_42, %mul3A_44] : memref<10000x256xf32, #tpu.memory_space<hbm>> -> memref<80x128xf32, #tpu.memory_space<hbm>>
      tpu.enqueue_dma source(%arg6 : memref<80x128xf32, #tpu.memory_space<vmem>>) target(%dma_start3A_159 : memref<80x128xf32, #tpu.memory_space<hbm>>) target_semaphore(%run_scoped3A : memref<!tpu.dma_semaphore, #tpu.memory_space<semaphore_mem>>)
      %dma_wait3A = tpu.memref_slice %arg4[%add3A_42, %mul3A_44] : memref<10000x256xf32, #tpu.memory_space<hbm>> -> memref<80x128xf32, #tpu.memory_space<hbm>>
      %dma_wait3A_160 = tpu.memref_slice %arg4[%add3A_42, %mul3A_44] : memref<10000x256xf32, #tpu.memory_space<hbm>> -> memref<80x128xf32, #tpu.memory_space<hbm>>
      tpu.wait_dma2 semaphore(%run_scoped3A : memref<!tpu.dma_semaphore, #tpu.memory_space<semaphore_mem>>) src(%arg6 : memref<80x128xf32, #tpu.memory_space<vmem>>) dst(%dma_wait3A_160 : memref<80x128xf32, #tpu.memory_space<hbm>>)
      tpu.yield
    }) : () -> ()
    %sub3A_45 = arith.constant 80 : i32
    %sub3A_46 = arith.subi %select_n3A, %sub3A_45 : i32
    %min3A_47 = arith.constant 80 : i32
    %min3A_48 = arith.minsi %min3A_47, %sub3A_46 : i32
    %add3A_49 = arith.addi %mul3A_36, %min3A_48 : i32
    "tpu.region"() ({
      %run_scoped3A = tpu.sem_alloc : memref<!tpu.dma_semaphore, #tpu.memory_space<semaphore_mem>>
      %dma_start3A = arith.constant 0 : i32
      %dma_start3A_159 = tpu.memref_slice %arg7[%add3A_49, %dma_start3A] : memref<5632x128xf32, #tpu.memory_space<vmem_shared>> -> memref<80x128xf32, #tpu.memory_space<vmem_shared>>
      %dma_start3A_160 = arith.constant 0 : i32
      %dma_start3A_161 = tpu.memref_slice %arg7[%add3A_49, %dma_start3A_160] : memref<5632x128xf32, #tpu.memory_space<vmem_shared>> -> memref<80x128xf32, #tpu.memory_space<vmem_shared>>
      tpu.enqueue_dma source(%dma_start3A_161 : memref<80x128xf32, #tpu.memory_space<vmem_shared>>) target(%arg6 : memref<80x128xf32, #tpu.memory_space<vmem>>) target_semaphore(%run_scoped3A : memref<!tpu.dma_semaphore, #tpu.memory_space<semaphore_mem>>)
      %dma_wait3A = arith.constant 0 : i32
      %dma_wait3A_162 = tpu.memref_slice %arg7[%add3A_49, %dma_wait3A] : memref<5632x128xf32, #tpu.memory_space<vmem_shared>> -> memref<80x128xf32, #tpu.memory_space<vmem_shared>>
      %dma_wait3A_163 = arith.constant 0 : i32
      %dma_wait3A_164 = tpu.memref_slice %arg7[%add3A_49, %dma_wait3A_163] : memref<5632x128xf32, #tpu.memory_space<vmem_shared>> -> memref<80x128xf32, #tpu.memory_space<vmem_shared>>
      tpu.wait_dma2 semaphore(%run_scoped3A : memref<!tpu.dma_semaphore, #tpu.memory_space<semaphore_mem>>) src(%dma_wait3A_164 : memref<80x128xf32, #tpu.memory_space<vmem_shared>>) dst(%arg6 : memref<80x128xf32, #tpu.memory_space<vmem>>)
      tpu.yield
    }) : () -> ()
    %add3A_50 = arith.constant 0 : i32
    %add3A_51 = arith.addi %add3A_50, %mul3A_36 : i32
    %add3A_52 = arith.addi %add3A_51, %min3A_48 : i32
    %mul3A_53 = arith.constant 128 : i32
    %mul3A_54 = arith.muli %arg0, %mul3A_53 : i32
    "tpu.region"() ({
      %run_scoped3A = tpu.sem_alloc : memref<!tpu.dma_semaphore, #tpu.memory_space<semaphore_mem>>
      %dma_start3A = tpu.memref_slice %arg4[%add3A_52, %mul3A_54] : memref<10000x256xf32, #tpu.memory_space<hbm>> -> memref<80x128xf32, #tpu.memory_space<hbm>>
      %dma_start3A_159 = tpu.memref_slice %arg4[%add3A_52, %mul3A_54] : memref<10000x256xf32, #tpu.memory_space<hbm>> -> memref<80x128xf32, #tpu.memory_space<hbm>>
      tpu.enqueue_dma source(%arg6 : memref<80x128xf32, #tpu.memory_space<vmem>>) target(%dma_start3A_159 : memref<80x128xf32, #tpu.memory_space<hbm>>) target_semaphore(%run_scoped3A : memref<!tpu.dma_semaphore, #tpu.memory_space<semaphore_mem>>)
      %dma_wait3A = tpu.memref_slice %arg4[%add3A_52, %mul3A_54] : memref<10000x256xf32, #tpu.memory_space<hbm>> -> memref<80x128xf32, #tpu.memory_space<hbm>>
      %dma_wait3A_160 = tpu.memref_slice %arg4[%add3A_52, %mul3A_54] : memref<10000x256xf32, #tpu.memory_space<hbm>> -> memref<80x128xf32, #tpu.memory_space<hbm>>
      tpu.wait_dma2 semaphore(%run_scoped3A : memref<!tpu.dma_semaphore, #tpu.memory_space<semaphore_mem>>) src(%arg6 : memref<80x128xf32, #tpu.memory_space<vmem>>) dst(%dma_wait3A_160 : memref<80x128xf32, #tpu.memory_space<hbm>>)
      tpu.yield
    }) : () -> ()
    %sub3A_55 = arith.constant 80 : i32
    %sub3A_56 = arith.subi %select_n3A, %sub3A_55 : i32
    %min3A_57 = arith.constant 160 : i32
    %min3A_58 = arith.minsi %min3A_57, %sub3A_56 : i32
    %add3A_59 = arith.addi %mul3A_36, %min3A_58 : i32
    "tpu.region"() ({
      %run_scoped3A = tpu.sem_alloc : memref<!tpu.dma_semaphore, #tpu.memory_space<semaphore_mem>>
      %dma_start3A = arith.constant 0 : i32
      %dma_start3A_159 = tpu.memref_slice %arg7[%add3A_59, %dma_start3A] : memref<5632x128xf32, #tpu.memory_space<vmem_shared>> -> memref<80x128xf32, #tpu.memory_space<vmem_shared>>
      %dma_start3A_160 = arith.constant 0 : i32
      %dma_start3A_161 = tpu.memref_slice %arg7[%add3A_59, %dma_start3A_160] : memref<5632x128xf32, #tpu.memory_space<vmem_shared>> -> memref<80x128xf32, #tpu.memory_space<vmem_shared>>
      tpu.enqueue_dma source(%dma_start3A_161 : memref<80x128xf32, #tpu.memory_space<vmem_shared>>) target(%arg6 : memref<80x128xf32, #tpu.memory_space<vmem>>) target_semaphore(%run_scoped3A : memref<!tpu.dma_semaphore, #tpu.memory_space<semaphore_mem>>)
      %dma_wait3A = arith.constant 0 : i32
      %dma_wait3A_162 = tpu.memref_slice %arg7[%add3A_59, %dma_wait3A] : memref<5632x128xf32, #tpu.memory_space<vmem_shared>> -> memref<80x128xf32, #tpu.memory_space<vmem_shared>>
      %dma_wait3A_163 = arith.constant 0 : i32
      %dma_wait3A_164 = tpu.memref_slice %arg7[%add3A_59, %dma_wait3A_163] : memref<5632x128xf32, #tpu.memory_space<vmem_shared>> -> memref<80x128xf32, #tpu.memory_space<vmem_shared>>
      tpu.wait_dma2 semaphore(%run_scoped3A : memref<!tpu.dma_semaphore, #tpu.memory_space<semaphore_mem>>) src(%dma_wait3A_164 : memref<80x128xf32, #tpu.memory_space<vmem_shared>>) dst(%arg6 : memref<80x128xf32, #tpu.memory_space<vmem>>)
      tpu.yield
    }) : () -> ()
    %add3A_60 = arith.constant 0 : i32
    %add3A_61 = arith.addi %add3A_60, %mul3A_36 : i32
    %add3A_62 = arith.addi %add3A_61, %min3A_58 : i32
    %mul3A_63 = arith.constant 128 : i32
    %mul3A_64 = arith.muli %arg0, %mul3A_63 : i32
    "tpu.region"() ({
      %run_scoped3A = tpu.sem_alloc : memref<!tpu.dma_semaphore, #tpu.memory_space<semaphore_mem>>
      %dma_start3A = tpu.memref_slice %arg4[%add3A_62, %mul3A_64] : memref<10000x256xf32, #tpu.memory_space<hbm>> -> memref<80x128xf32, #tpu.memory_space<hbm>>
      %dma_start3A_159 = tpu.memref_slice %arg4[%add3A_62, %mul3A_64] : memref<10000x256xf32, #tpu.memory_space<hbm>> -> memref<80x128xf32, #tpu.memory_space<hbm>>
      tpu.enqueue_dma source(%arg6 : memref<80x128xf32, #tpu.memory_space<vmem>>) target(%dma_start3A_159 : memref<80x128xf32, #tpu.memory_space<hbm>>) target_semaphore(%run_scoped3A : memref<!tpu.dma_semaphore, #tpu.memory_space<semaphore_mem>>)
      %dma_wait3A = tpu.memref_slice %arg4[%add3A_62, %mul3A_64] : memref<10000x256xf32, #tpu.memory_space<hbm>> -> memref<80x128xf32, #tpu.memory_space<hbm>>
      %dma_wait3A_160 = tpu.memref_slice %arg4[%add3A_62, %mul3A_64] : memref<10000x256xf32, #tpu.memory_space<hbm>> -> memref<80x128xf32, #tpu.memory_space<hbm>>
      tpu.wait_dma2 semaphore(%run_scoped3A : memref<!tpu.dma_semaphore, #tpu.memory_space<semaphore_mem>>) src(%arg6 : memref<80x128xf32, #tpu.memory_space<vmem>>) dst(%dma_wait3A_160 : memref<80x128xf32, #tpu.memory_space<hbm>>)
      tpu.yield
    }) : () -> ()
    %sub3A_65 = arith.constant 80 : i32
    %sub3A_66 = arith.subi %select_n3A, %sub3A_65 : i32
    %min3A_67 = arith.constant 240 : i32
    %min3A_68 = arith.minsi %min3A_67, %sub3A_66 : i32
    %add3A_69 = arith.addi %mul3A_36, %min3A_68 : i32
    "tpu.region"() ({
      %run_scoped3A = tpu.sem_alloc : memref<!tpu.dma_semaphore, #tpu.memory_space<semaphore_mem>>
      %dma_start3A = arith.constant 0 : i32
      %dma_start3A_159 = tpu.memref_slice %arg7[%add3A_69, %dma_start3A] : memref<5632x128xf32, #tpu.memory_space<vmem_shared>> -> memref<80x128xf32, #tpu.memory_space<vmem_shared>>
      %dma_start3A_160 = arith.constant 0 : i32
      %dma_start3A_161 = tpu.memref_slice %arg7[%add3A_69, %dma_start3A_160] : memref<5632x128xf32, #tpu.memory_space<vmem_shared>> -> memref<80x128xf32, #tpu.memory_space<vmem_shared>>
      tpu.enqueue_dma source(%dma_start3A_161 : memref<80x128xf32, #tpu.memory_space<vmem_shared>>) target(%arg6 : memref<80x128xf32, #tpu.memory_space<vmem>>) target_semaphore(%run_scoped3A : memref<!tpu.dma_semaphore, #tpu.memory_space<semaphore_mem>>)
      %dma_wait3A = arith.constant 0 : i32
      %dma_wait3A_162 = tpu.memref_slice %arg7[%add3A_69, %dma_wait3A] : memref<5632x128xf32, #tpu.memory_space<vmem_shared>> -> memref<80x128xf32, #tpu.memory_space<vmem_shared>>
      %dma_wait3A_163 = arith.constant 0 : i32
      %dma_wait3A_164 = tpu.memref_slice %arg7[%add3A_69, %dma_wait3A_163] : memref<5632x128xf32, #tpu.memory_space<vmem_shared>> -> memref<80x128xf32, #tpu.memory_space<vmem_shared>>
      tpu.wait_dma2 semaphore(%run_scoped3A : memref<!tpu.dma_semaphore, #tpu.memory_space<semaphore_mem>>) src(%dma_wait3A_164 : memref<80x128xf32, #tpu.memory_space<vmem_shared>>) dst(%arg6 : memref<80x128xf32, #tpu.memory_space<vmem>>)
      tpu.yield
    }) : () -> ()
    %add3A_70 = arith.constant 0 : i32
    %add3A_71 = arith.addi %add3A_70, %mul3A_36 : i32
    %add3A_72 = arith.addi %add3A_71, %min3A_68 : i32
    %mul3A_73 = arith.constant 128 : i32
    %mul3A_74 = arith.muli %arg0, %mul3A_73 : i32
    "tpu.region"() ({
      %run_scoped3A = tpu.sem_alloc : memref<!tpu.dma_semaphore, #tpu.memory_space<semaphore_mem>>
      %dma_start3A = tpu.memref_slice %arg4[%add3A_72, %mul3A_74] : memref<10000x256xf32, #tpu.memory_space<hbm>> -> memref<80x128xf32, #tpu.memory_space<hbm>>
      %dma_start3A_159 = tpu.memref_slice %arg4[%add3A_72, %mul3A_74] : memref<10000x256xf32, #tpu.memory_space<hbm>> -> memref<80x128xf32, #tpu.memory_space<hbm>>
      tpu.enqueue_dma source(%arg6 : memref<80x128xf32, #tpu.memory_space<vmem>>) target(%dma_start3A_159 : memref<80x128xf32, #tpu.memory_space<hbm>>) target_semaphore(%run_scoped3A : memref<!tpu.dma_semaphore, #tpu.memory_space<semaphore_mem>>)
      %dma_wait3A = tpu.memref_slice %arg4[%add3A_72, %mul3A_74] : memref<10000x256xf32, #tpu.memory_space<hbm>> -> memref<80x128xf32, #tpu.memory_space<hbm>>
      %dma_wait3A_160 = tpu.memref_slice %arg4[%add3A_72, %mul3A_74] : memref<10000x256xf32, #tpu.memory_space<hbm>> -> memref<80x128xf32, #tpu.memory_space<hbm>>
      tpu.wait_dma2 semaphore(%run_scoped3A : memref<!tpu.dma_semaphore, #tpu.memory_space<semaphore_mem>>) src(%arg6 : memref<80x128xf32, #tpu.memory_space<vmem>>) dst(%dma_wait3A_160 : memref<80x128xf32, #tpu.memory_space<hbm>>)
      tpu.yield
    }) : () -> ()
    %barrier3A_75 = arith.constant 0 : index
    tpu.barrier barrier_id(%barrier3A_75)
    "tpu.region"() ({
      %run_scoped3A = tpu.sem_alloc : memref<!tpu.dma_semaphore, #tpu.memory_space<semaphore_mem>>
      %dma_start3A = arith.constant 0 : i32
      %dma_start3A_159 = arith.constant 0 : i32
      %dma_start3A_160 = tpu.memref_slice %arg3[%arg1, %dma_start3A, %dma_start3A_159] : memref<16x250x80xi32, #tpu.memory_space<hbm>> -> memref<1x250x80xi32, #tpu.memory_space<hbm>>
      %dma_start3A_161 = tpu.memref_squeeze %dma_start3A_160 : memref<1x250x80xi32, #tpu.memory_space<hbm>> -> memref<250x80xi32, #tpu.memory_space<hbm>>
      %dma_start3A_162 = arith.constant 0 : i32
      %dma_start3A_163 = arith.constant 0 : i32
      %dma_start3A_164 = tpu.memref_slice %arg3[%arg1, %dma_start3A_162, %dma_start3A_163] : memref<16x250x80xi32, #tpu.memory_space<hbm>> -> memref<1x250x80xi32, #tpu.memory_space<hbm>>
      %dma_start3A_165 = tpu.memref_squeeze %dma_start3A_164 : memref<1x250x80xi32, #tpu.memory_space<hbm>> -> memref<250x80xi32, #tpu.memory_space<hbm>>
      tpu.enqueue_dma source(%dma_start3A_165 : memref<250x80xi32, #tpu.memory_space<hbm>>) target(%arg5 : memref<250x80xi32, #tpu.memory_space<vmem>>) target_semaphore(%run_scoped3A : memref<!tpu.dma_semaphore, #tpu.memory_space<semaphore_mem>>)
      %dma_wait3A = arith.constant 0 : i32
      %dma_wait3A_166 = arith.constant 0 : i32
      %dma_wait3A_167 = tpu.memref_slice %arg3[%arg1, %dma_wait3A, %dma_wait3A_166] : memref<16x250x80xi32, #tpu.memory_space<hbm>> -> memref<1x250x80xi32, #tpu.memory_space<hbm>>
      %dma_wait3A_168 = tpu.memref_squeeze %dma_wait3A_167 : memref<1x250x80xi32, #tpu.memory_space<hbm>> -> memref<250x80xi32, #tpu.memory_space<hbm>>
      %dma_wait3A_169 = arith.constant 0 : i32
      %dma_wait3A_170 = arith.constant 0 : i32
      %dma_wait3A_171 = tpu.memref_slice %arg3[%arg1, %dma_wait3A_169, %dma_wait3A_170] : memref<16x250x80xi32, #tpu.memory_space<hbm>> -> memref<1x250x80xi32, #tpu.memory_space<hbm>>
      %dma_wait3A_172 = tpu.memref_squeeze %dma_wait3A_171 : memref<1x250x80xi32, #tpu.memory_space<hbm>> -> memref<250x80xi32, #tpu.memory_space<hbm>>
      tpu.wait_dma2 semaphore(%run_scoped3A : memref<!tpu.dma_semaphore, #tpu.memory_space<semaphore_mem>>) src(%dma_wait3A_172 : memref<250x80xi32, #tpu.memory_space<hbm>>) dst(%arg5 : memref<250x80xi32, #tpu.memory_space<vmem>>)
      tpu.yield
    }) : () -> ()
    %scan3A_76 = arith.constant 0 : i32
    %scan3A_77 = arith.constant 0 : i32
    %scan3A_78 = arith.constant 250 : i32
    %scan3A_79 = arith.addi %scan3A_77, %scan3A_78 : i32
    %scan3A_80 = arith.constant 1 : i32
    %scan3A_81 = scf.for %scan3A_159 = %scan3A_77 to %scan3A_79 step %scan3A_80 iter_args(%scan3A_160 = %scan3A_76) -> (i32)  : i32 {
      %get3A = arith.index_cast %scan3A_159 : i32 to index
      %get3A_161 = arith.constant 0 : index
      %get3A_162 = tpu.vector_load %arg5[%get3A, %get3A_161] {strides = array<i32>} : memref<250x80xi32, #tpu.memory_space<vmem>>, vector<1x16xi32>,
      %get3A_163 = vector.shape_cast %get3A_162 : vector<1x16xi32> to vector<16xi32>
      %sub3A_164 = arith.constant 5000 : i32
      %sub3A_165 = vector.broadcast %sub3A_164 : i32 to vector<16xi32>
      %sub3A_166 = arith.subi %get3A_163, %sub3A_165 : vector<16xi32>
      %ge3A = arith.constant 0 : i32
      %ge3A_167 = vector.broadcast %ge3A : i32 to vector<16xi32>
      %ge3A_168 = arith.cmpi sge, %sub3A_166, %ge3A_167 : vector<16xi32>
      %lt3A = arith.constant 5000 : i32
      %lt3A_169 = vector.broadcast %lt3A : i32 to vector<16xi32>
      %lt3A_170 = arith.cmpi slt, %sub3A_166, %lt3A_169 : vector<16xi32>
      %and3A = arith.andi %ge3A_168, %lt3A_170 : vector<16xi1>
      %mul3A_171 = arith.constant 5 : i32
      %mul3A_172 = arith.muli %scan3A_159, %mul3A_171 : i32
      %add3A_173 = arith.constant 0 : i32
      %add3A_174 = arith.addi %mul3A_172, %add3A_173 : i32
      %mul3A_175 = arith.constant 16 : i32
      %mul3A_176 = arith.muli %add3A_174, %mul3A_175 : i32
      %add3A_177 = vector.broadcast %mul3A_176 : i32 to vector<16xi32>
      %add3A_178 = arith.addi %add3A_177, %iota3A : vector<16xi32>
      %and3A_179 = arith.constant 511 : i32
      %and3A_180 = vector.broadcast %and3A_179 : i32 to vector<16xi32>
      %and3A_181 = arith.andi %add3A_178, %and3A_180 : vector<16xi32>
      %add3A_182 = arith.constant 5120 : i32
      %add3A_183 = vector.broadcast %add3A_182 : i32 to vector<16xi32>
      %add3A_184 = arith.addi %add3A_183, %and3A_181 : vector<16xi32>
      %select_n3A_185 = arith.select %and3A, %sub3A_166, %add3A_184 : vector<16xi1>, vector<16xi32>
      %swap3A = arith.index_cast %scan3A_159 : i32 to index
      %swap3A_186 = arith.constant 0 : index
      %swap3A_187 = tpu.vector_load %arg5[%swap3A, %swap3A_186] {strides = array<i32>} : memref<250x80xi32, #tpu.memory_space<vmem>>, vector<1x16xi32>,
      %swap3A_188 = vector.shape_cast %swap3A_187 : vector<1x16xi32> to vector<16xi32>
      %swap3A_189 = vector.shape_cast %select_n3A_185 : vector<16xi32> to vector<1x16xi32>
      tpu.vector_store %arg5[%swap3A, %swap3A_186], %swap3A_189 {strides = array<i32>} : memref<250x80xi32, #tpu.memory_space<vmem>>, vector<1x16xi32>,
      %get3A_190 = arith.index_cast %scan3A_159 : i32 to index
      %get3A_191 = arith.constant 16 : index
      %get3A_192 = tpu.vector_load %arg5[%get3A_190, %get3A_191] {strides = array<i32>} : memref<250x80xi32, #tpu.memory_space<vmem>>, vector<1x16xi32>,
      %get3A_193 = vector.shape_cast %get3A_192 : vector<1x16xi32> to vector<16xi32>
      %sub3A_194 = arith.constant 5000 : i32
      %sub3A_195 = vector.broadcast %sub3A_194 : i32 to vector<16xi32>
      %sub3A_196 = arith.subi %get3A_193, %sub3A_195 : vector<16xi32>
      %ge3A_197 = arith.constant 0 : i32
      %ge3A_198 = vector.broadcast %ge3A_197 : i32 to vector<16xi32>
      %ge3A_199 = arith.cmpi sge, %sub3A_196, %ge3A_198 : vector<16xi32>
      %lt3A_200 = arith.constant 5000 : i32
      %lt3A_201 = vector.broadcast %lt3A_200 : i32 to vector<16xi32>
      %lt3A_202 = arith.cmpi slt, %sub3A_196, %lt3A_201 : vector<16xi32>
      %and3A_203 = arith.andi %ge3A_199, %lt3A_202 : vector<16xi1>
      %mul3A_204 = arith.constant 5 : i32
      %mul3A_205 = arith.muli %scan3A_159, %mul3A_204 : i32
      %add3A_206 = arith.constant 1 : i32
      %add3A_207 = arith.addi %mul3A_205, %add3A_206 : i32
      %mul3A_208 = arith.constant 16 : i32
      %mul3A_209 = arith.muli %add3A_207, %mul3A_208 : i32
      %add3A_210 = vector.broadcast %mul3A_209 : i32 to vector<16xi32>
      %add3A_211 = arith.addi %add3A_210, %iota3A : vector<16xi32>
      %and3A_212 = arith.constant 511 : i32
      %and3A_213 = vector.broadcast %and3A_212 : i32 to vector<16xi32>
      %and3A_214 = arith.andi %add3A_211, %and3A_213 : vector<16xi32>
      %add3A_215 = arith.constant 5120 : i32
      %add3A_216 = vector.broadcast %add3A_215 : i32 to vector<16xi32>
      %add3A_217 = arith.addi %add3A_216, %and3A_214 : vector<16xi32>
      %select_n3A_218 = arith.select %and3A_203, %sub3A_196, %add3A_217 : vector<16xi1>, vector<16xi32>
      %swap3A_219 = arith.index_cast %scan3A_159 : i32 to index
      %swap3A_220 = arith.constant 16 : index
      %swap3A_221 = tpu.vector_load %arg5[%swap3A_219, %swap3A_220] {strides = array<i32>} : memref<250x80xi32, #tpu.memory_space<vmem>>, vector<1x16xi32>,
      %swap3A_222 = vector.shape_cast %swap3A_221 : vector<1x16xi32> to vector<16xi32>
      %swap3A_223 = vector.shape_cast %select_n3A_218 : vector<16xi32> to vector<1x16xi32>
      tpu.vector_store %arg5[%swap3A_219, %swap3A_220], %swap3A_223 {strides = array<i32>} : memref<250x80xi32, #tpu.memory_space<vmem>>, vector<1x16xi32>,
      %get3A_224 = arith.index_cast %scan3A_159 : i32 to index
      %get3A_225 = arith.constant 32 : index
      %get3A_226 = tpu.vector_load %arg5[%get3A_224, %get3A_225] {strides = array<i32>} : memref<250x80xi32, #tpu.memory_space<vmem>>, vector<1x16xi32>,
      %get3A_227 = vector.shape_cast %get3A_226 : vector<1x16xi32> to vector<16xi32>
      %sub3A_228 = arith.constant 5000 : i32
      %sub3A_229 = vector.broadcast %sub3A_228 : i32 to vector<16xi32>
      %sub3A_230 = arith.subi %get3A_227, %sub3A_229 : vector<16xi32>
      %ge3A_231 = arith.constant 0 : i32
      %ge3A_232 = vector.broadcast %ge3A_231 : i32 to vector<16xi32>
      %ge3A_233 = arith.cmpi sge, %sub3A_230, %ge3A_232 : vector<16xi32>
      %lt3A_234 = arith.constant 5000 : i32
      %lt3A_235 = vector.broadcast %lt3A_234 : i32 to vector<16xi32>
      %lt3A_236 = arith.cmpi slt, %sub3A_230, %lt3A_235 : vector<16xi32>
      %and3A_237 = arith.andi %ge3A_233, %lt3A_236 : vector<16xi1>
      %mul3A_238 = arith.constant 5 : i32
      %mul3A_239 = arith.muli %scan3A_159, %mul3A_238 : i32
      %add3A_240 = arith.constant 2 : i32
      %add3A_241 = arith.addi %mul3A_239, %add3A_240 : i32
      %mul3A_242 = arith.constant 16 : i32
      %mul3A_243 = arith.muli %add3A_241, %mul3A_242 : i32
      %add3A_244 = vector.broadcast %mul3A_243 : i32 to vector<16xi32>
      %add3A_245 = arith.addi %add3A_244, %iota3A : vector<16xi32>
      %and3A_246 = arith.constant 511 : i32
      %and3A_247 = vector.broadcast %and3A_246 : i32 to vector<16xi32>
      %and3A_248 = arith.andi %add3A_245, %and3A_247 : vector<16xi32>
      %add3A_249 = arith.constant 5120 : i32
      %add3A_250 = vector.broadcast %add3A_249 : i32 to vector<16xi32>
      %add3A_251 = arith.addi %add3A_250, %and3A_248 : vector<16xi32>
      %select_n3A_252 = arith.select %and3A_237, %sub3A_230, %add3A_251 : vector<16xi1>, vector<16xi32>
      %swap3A_253 = arith.index_cast %scan3A_159 : i32 to index
      %swap3A_254 = arith.constant 32 : index
      %swap3A_255 = tpu.vector_load %arg5[%swap3A_253, %swap3A_254] {strides = array<i32>} : memref<250x80xi32, #tpu.memory_space<vmem>>, vector<1x16xi32>,
      %swap3A_256 = vector.shape_cast %swap3A_255 : vector<1x16xi32> to vector<16xi32>
      %swap3A_257 = vector.shape_cast %select_n3A_252 : vector<16xi32> to vector<1x16xi32>
      tpu.vector_store %arg5[%swap3A_253, %swap3A_254], %swap3A_257 {strides = array<i32>} : memref<250x80xi32, #tpu.memory_space<vmem>>, vector<1x16xi32>,
      %get3A_258 = arith.index_cast %scan3A_159 : i32 to index
      %get3A_259 = arith.constant 48 : index
      %get3A_260 = tpu.vector_load %arg5[%get3A_258, %get3A_259] {strides = array<i32>} : memref<250x80xi32, #tpu.memory_space<vmem>>, vector<1x16xi32>,
      %get3A_261 = vector.shape_cast %get3A_260 : vector<1x16xi32> to vector<16xi32>
      %sub3A_262 = arith.constant 5000 : i32
      %sub3A_263 = vector.broadcast %sub3A_262 : i32 to vector<16xi32>
      %sub3A_264 = arith.subi %get3A_261, %sub3A_263 : vector<16xi32>
      %ge3A_265 = arith.constant 0 : i32
      %ge3A_266 = vector.broadcast %ge3A_265 : i32 to vector<16xi32>
      %ge3A_267 = arith.cmpi sge, %sub3A_264, %ge3A_266 : vector<16xi32>
      %lt3A_268 = arith.constant 5000 : i32
      %lt3A_269 = vector.broadcast %lt3A_268 : i32 to vector<16xi32>
      %lt3A_270 = arith.cmpi slt, %sub3A_264, %lt3A_269 : vector<16xi32>
      %and3A_271 = arith.andi %ge3A_267, %lt3A_270 : vector<16xi1>
      %mul3A_272 = arith.constant 5 : i32
      %mul3A_273 = arith.muli %scan3A_159, %mul3A_272 : i32
      %add3A_274 = arith.constant 3 : i32
      %add3A_275 = arith.addi %mul3A_273, %add3A_274 : i32
      %mul3A_276 = arith.constant 16 : i32
      %mul3A_277 = arith.muli %add3A_275, %mul3A_276 : i32
      %add3A_278 = vector.broadcast %mul3A_277 : i32 to vector<16xi32>
      %add3A_279 = arith.addi %add3A_278, %iota3A : vector<16xi32>
      %and3A_280 = arith.constant 511 : i32
      %and3A_281 = vector.broadcast %and3A_280 : i32 to vector<16xi32>
      %and3A_282 = arith.andi %add3A_279, %and3A_281 : vector<16xi32>
      %add3A_283 = arith.constant 5120 : i32
      %add3A_284 = vector.broadcast %add3A_283 : i32 to vector<16xi32>
      %add3A_285 = arith.addi %add3A_284, %and3A_282 : vector<16xi32>
      %select_n3A_286 = arith.select %and3A_271, %sub3A_264, %add3A_285 : vector<16xi1>, vector<16xi32>
      %swap3A_287 = arith.index_cast %scan3A_159 : i32 to index
      %swap3A_288 = arith.constant 48 : index
      %swap3A_289 = tpu.vector_load %arg5[%swap3A_287, %swap3A_288] {strides = array<i32>} : memref<250x80xi32, #tpu.memory_space<vmem>>, vector<1x16xi32>,
      %swap3A_290 = vector.shape_cast %swap3A_289 : vector<1x16xi32> to vector<16xi32>
      %swap3A_291 = vector.shape_cast %select_n3A_286 : vector<16xi32> to vector<1x16xi32>
      tpu.vector_store %arg5[%swap3A_287, %swap3A_288], %swap3A_291 {strides = array<i32>} : memref<250x80xi32, #tpu.memory_space<vmem>>, vector<1x16xi32>,
      %get3A_292 = arith.index_cast %scan3A_159 : i32 to index
      %get3A_293 = arith.constant 64 : index
      %get3A_294 = tpu.vector_load %arg5[%get3A_292, %get3A_293] {strides = array<i32>} : memref<250x80xi32, #tpu.memory_space<vmem>>, vector<1x16xi32>,
      %get3A_295 = vector.shape_cast %get3A_294 : vector<1x16xi32> to vector<16xi32>
      %sub3A_296 = arith.constant 5000 : i32
      %sub3A_297 = vector.broadcast %sub3A_296 : i32 to vector<16xi32>
      %sub3A_298 = arith.subi %get3A_295, %sub3A_297 : vector<16xi32>
      %ge3A_299 = arith.constant 0 : i32
      %ge3A_300 = vector.broadcast %ge3A_299 : i32 to vector<16xi32>
      %ge3A_301 = arith.cmpi sge, %sub3A_298, %ge3A_300 : vector<16xi32>
      %lt3A_302 = arith.constant 5000 : i32
      %lt3A_303 = vector.broadcast %lt3A_302 : i32 to vector<16xi32>
      %lt3A_304 = arith.cmpi slt, %sub3A_298, %lt3A_303 : vector<16xi32>
      %and3A_305 = arith.andi %ge3A_301, %lt3A_304 : vector<16xi1>
      %mul3A_306 = arith.constant 5 : i32
      %mul3A_307 = arith.muli %scan3A_159, %mul3A_306 : i32
      %add3A_308 = arith.constant 4 : i32
      %add3A_309 = arith.addi %mul3A_307, %add3A_308 : i32
      %mul3A_310 = arith.constant 16 : i32
      %mul3A_311 = arith.muli %add3A_309, %mul3A_310 : i32
      %add3A_312 = vector.broadcast %mul3A_311 : i32 to vector<16xi32>
      %add3A_313 = arith.addi %add3A_312, %iota3A : vector<16xi32>
      %and3A_314 = arith.constant 511 : i32
      %and3A_315 = vector.broadcast %and3A_314 : i32 to vector<16xi32>
      %and3A_316 = arith.andi %add3A_313, %and3A_315 : vector<16xi32>
      %add3A_317 = arith.constant 5120 : i32
      %add3A_318 = vector.broadcast %add3A_317 : i32 to vector<16xi32>
      %add3A_319 = arith.addi %add3A_318, %and3A_316 : vector<16xi32>
      %select_n3A_320 = arith.select %and3A_305, %sub3A_298, %add3A_319 : vector<16xi1>, vector<16xi32>
      %swap3A_321 = arith.index_cast %scan3A_159 : i32 to index
      %swap3A_322 = arith.constant 64 : index
      %swap3A_323 = tpu.vector_load %arg5[%swap3A_321, %swap3A_322] {strides = array<i32>} : memref<250x80xi32, #tpu.memory_space<vmem>>, vector<1x16xi32>,
      %swap3A_324 = vector.shape_cast %swap3A_323 : vector<1x16xi32> to vector<16xi32>
      %swap3A_325 = vector.shape_cast %select_n3A_320 : vector<16xi32> to vector<1x16xi32>
      tpu.vector_store %arg5[%swap3A_321, %swap3A_322], %swap3A_325 {strides = array<i32>} : memref<250x80xi32, #tpu.memory_space<vmem>>, vector<1x16xi32>,
      %scan3A_326 = arith.constant 0 : i32
      scf.yield %scan3A_326 : i32
    }
    %scan3A_82 = arith.constant 250 : i32
    %scan3A_83 = arith.constant 0 : i32
    %scan3A_84 = arith.constant 0 : i32
    %scan3A_85 = arith.constant 80 : i32
    %scan3A_86 = arith.addi %scan3A_84, %scan3A_85 : i32
    %scan3A_87 = arith.constant 1 : i32
    %scan3A_88 = scf.for %scan3A_159 = %scan3A_84 to %scan3A_86 step %scan3A_87 iter_args(%scan3A_160 = %scan3A_83) -> (i32)  : i32 {
      %broadcast_in_dim3A = arith.constant 0.000000e+00 : f32
      %broadcast_in_dim3A_161 = vector.broadcast %broadcast_in_dim3A : f32 to vector<16xf32>
      %swap3A = arith.index_cast %scan3A_159 : i32 to index
      %swap3A_162 = arith.constant 0 : index
      %swap3A_163 = tpu.vector_load %arg6[%swap3A, %swap3A_162] {strides = array<i32>} : memref<80x128xf32, #tpu.memory_space<vmem>>, vector<1x16xf32>,
      %swap3A_164 = vector.shape_cast %swap3A_163 : vector<1x16xf32> to vector<16xf32>
      %swap3A_165 = vector.shape_cast %broadcast_in_dim3A_161 : vector<16xf32> to vector<1x16xf32>
      tpu.vector_store %arg6[%swap3A, %swap3A_162], %swap3A_165 {strides = array<i32>} : memref<80x128xf32, #tpu.memory_space<vmem>>, vector<1x16xf32>,
      %broadcast_in_dim3A_166 = arith.constant 0.000000e+00 : f32
      %broadcast_in_dim3A_167 = vector.broadcast %broadcast_in_dim3A_166 : f32 to vector<16xf32>
      %swap3A_168 = arith.index_cast %scan3A_159 : i32 to index
      %swap3A_169 = arith.constant 16 : index
      %swap3A_170 = tpu.vector_load %arg6[%swap3A_168, %swap3A_169] {strides = array<i32>} : memref<80x128xf32, #tpu.memory_space<vmem>>, vector<1x16xf32>,
      %swap3A_171 = vector.shape_cast %swap3A_170 : vector<1x16xf32> to vector<16xf32>
      %swap3A_172 = vector.shape_cast %broadcast_in_dim3A_167 : vector<16xf32> to vector<1x16xf32>
      tpu.vector_store %arg6[%swap3A_168, %swap3A_169], %swap3A_172 {strides = array<i32>} : memref<80x128xf32, #tpu.memory_space<vmem>>, vector<1x16xf32>,
      %broadcast_in_dim3A_173 = arith.constant 0.000000e+00 : f32
      %broadcast_in_dim3A_174 = vector.broadcast %broadcast_in_dim3A_173 : f32 to vector<16xf32>
      %swap3A_175 = arith.index_cast %scan3A_159 : i32 to index
      %swap3A_176 = arith.constant 32 : index
      %swap3A_177 = tpu.vector_load %arg6[%swap3A_175, %swap3A_176] {strides = array<i32>} : memref<80x128xf32, #tpu.memory_space<vmem>>, vector<1x16xf32>,
      %swap3A_178 = vector.shape_cast %swap3A_177 : vector<1x16xf32> to vector<16xf32>
      %swap3A_179 = vector.shape_cast %broadcast_in_dim3A_174 : vector<16xf32> to vector<1x16xf32>
      tpu.vector_store %arg6[%swap3A_175, %swap3A_176], %swap3A_179 {strides = array<i32>} : memref<80x128xf32, #tpu.memory_space<vmem>>, vector<1x16xf32>,
      %broadcast_in_dim3A_180 = arith.constant 0.000000e+00 : f32
      %broadcast_in_dim3A_181 = vector.broadcast %broadcast_in_dim3A_180 : f32 to vector<16xf32>
      %swap3A_182 = arith.index_cast %scan3A_159 : i32 to index
      %swap3A_183 = arith.constant 48 : index
      %swap3A_184 = tpu.vector_load %arg6[%swap3A_182, %swap3A_183] {strides = array<i32>} : memref<80x128xf32, #tpu.memory_space<vmem>>, vector<1x16xf32>,
      %swap3A_185 = vector.shape_cast %swap3A_184 : vector<1x16xf32> to vector<16xf32>
      %swap3A_186 = vector.shape_cast %broadcast_in_dim3A_181 : vector<16xf32> to vector<1x16xf32>
      tpu.vector_store %arg6[%swap3A_182, %swap3A_183], %swap3A_186 {strides = array<i32>} : memref<80x128xf32, #tpu.memory_space<vmem>>, vector<1x16xf32>,
      %broadcast_in_dim3A_187 = arith.constant 0.000000e+00 : f32
      %broadcast_in_dim3A_188 = vector.broadcast %broadcast_in_dim3A_187 : f32 to vector<16xf32>
      %swap3A_189 = arith.index_cast %scan3A_159 : i32 to index
      %swap3A_190 = arith.constant 64 : index
      %swap3A_191 = tpu.vector_load %arg6[%swap3A_189, %swap3A_190] {strides = array<i32>} : memref<80x128xf32, #tpu.memory_space<vmem>>, vector<1x16xf32>,
      %swap3A_192 = vector.shape_cast %swap3A_191 : vector<1x16xf32> to vector<16xf32>
      %swap3A_193 = vector.shape_cast %broadcast_in_dim3A_188 : vector<16xf32> to vector<1x16xf32>
      tpu.vector_store %arg6[%swap3A_189, %swap3A_190], %swap3A_193 {strides = array<i32>} : memref<80x128xf32, #tpu.memory_space<vmem>>, vector<1x16xf32>,
      %broadcast_in_dim3A_194 = arith.constant 0.000000e+00 : f32
      %broadcast_in_dim3A_195 = vector.broadcast %broadcast_in_dim3A_194 : f32 to vector<16xf32>
      %swap3A_196 = arith.index_cast %scan3A_159 : i32 to index
      %swap3A_197 = arith.constant 80 : index
      %swap3A_198 = tpu.vector_load %arg6[%swap3A_196, %swap3A_197] {strides = array<i32>} : memref<80x128xf32, #tpu.memory_space<vmem>>, vector<1x16xf32>,
      %swap3A_199 = vector.shape_cast %swap3A_198 : vector<1x16xf32> to vector<16xf32>
      %swap3A_200 = vector.shape_cast %broadcast_in_dim3A_195 : vector<16xf32> to vector<1x16xf32>
      tpu.vector_store %arg6[%swap3A_196, %swap3A_197], %swap3A_200 {strides = array<i32>} : memref<80x128xf32, #tpu.memory_space<vmem>>, vector<1x16xf32>,
      %broadcast_in_dim3A_201 = arith.constant 0.000000e+00 : f32
      %broadcast_in_dim3A_202 = vector.broadcast %broadcast_in_dim3A_201 : f32 to vector<16xf32>
      %swap3A_203 = arith.index_cast %scan3A_159 : i32 to index
      %swap3A_204 = arith.constant 96 : index
      %swap3A_205 = tpu.vector_load %arg6[%swap3A_203, %swap3A_204] {strides = array<i32>} : memref<80x128xf32, #tpu.memory_space<vmem>>, vector<1x16xf32>,
      %swap3A_206 = vector.shape_cast %swap3A_205 : vector<1x16xf32> to vector<16xf32>
      %swap3A_207 = vector.shape_cast %broadcast_in_dim3A_202 : vector<16xf32> to vector<1x16xf32>
      tpu.vector_store %arg6[%swap3A_203, %swap3A_204], %swap3A_207 {strides = array<i32>} : memref<80x128xf32, #tpu.memory_space<vmem>>, vector<1x16xf32>,
      %broadcast_in_dim3A_208 = arith.constant 0.000000e+00 : f32
      %broadcast_in_dim3A_209 = vector.broadcast %broadcast_in_dim3A_208 : f32 to vector<16xf32>
      %swap3A_210 = arith.index_cast %scan3A_159 : i32 to index
      %swap3A_211 = arith.constant 112 : index
      %swap3A_212 = tpu.vector_load %arg6[%swap3A_210, %swap3A_211] {strides = array<i32>} : memref<80x128xf32, #tpu.memory_space<vmem>>, vector<1x16xf32>,
      %swap3A_213 = vector.shape_cast %swap3A_212 : vector<1x16xf32> to vector<16xf32>
      %swap3A_214 = vector.shape_cast %broadcast_in_dim3A_209 : vector<16xf32> to vector<1x16xf32>
      tpu.vector_store %arg6[%swap3A_210, %swap3A_211], %swap3A_214 {strides = array<i32>} : memref<80x128xf32, #tpu.memory_space<vmem>>, vector<1x16xf32>,
      %scan3A_215 = arith.constant 0 : i32
      scf.yield %scan3A_215 : i32
    }
    %scan3A_89 = arith.constant 80 : i32
    %mul3A_90 = arith.constant 352 : i32
    %mul3A_91 = arith.muli %arg1, %mul3A_90 : i32
    %add3A_92 = arith.constant 0 : i32
    %add3A_93 = arith.addi %mul3A_91, %add3A_92 : i32
    "tpu.region"() ({
      %run_scoped3A = tpu.sem_alloc : memref<!tpu.dma_semaphore, #tpu.memory_space<semaphore_mem>>
      %dma_start3A = arith.constant 0 : i32
      %dma_start3A_159 = tpu.memref_slice %arg7[%add3A_93, %dma_start3A] : memref<5632x128xf32, #tpu.memory_space<vmem_shared>> -> memref<80x128xf32, #tpu.memory_space<vmem_shared>>
      %dma_start3A_160 = arith.constant 0 : i32
      %dma_start3A_161 = tpu.memref_slice %arg7[%add3A_93, %dma_start3A_160] : memref<5632x128xf32, #tpu.memory_space<vmem_shared>> -> memref<80x128xf32, #tpu.memory_space<vmem_shared>>
      tpu.enqueue_dma source(%arg6 : memref<80x128xf32, #tpu.memory_space<vmem>>) target(%dma_start3A_161 : memref<80x128xf32, #tpu.memory_space<vmem_shared>>) target_semaphore(%run_scoped3A : memref<!tpu.dma_semaphore, #tpu.memory_space<semaphore_mem>>)
      %dma_wait3A = arith.constant 0 : i32
      %dma_wait3A_162 = tpu.memref_slice %arg7[%add3A_93, %dma_wait3A] : memref<5632x128xf32, #tpu.memory_space<vmem_shared>> -> memref<80x128xf32, #tpu.memory_space<vmem_shared>>
      %dma_wait3A_163 = arith.constant 0 : i32
      %dma_wait3A_164 = tpu.memref_slice %arg7[%add3A_93, %dma_wait3A_163] : memref<5632x128xf32, #tpu.memory_space<vmem_shared>> -> memref<80x128xf32, #tpu.memory_space<vmem_shared>>
      tpu.wait_dma2 semaphore(%run_scoped3A : memref<!tpu.dma_semaphore, #tpu.memory_space<semaphore_mem>>) src(%arg6 : memref<80x128xf32, #tpu.memory_space<vmem>>) dst(%dma_wait3A_164 : memref<80x128xf32, #tpu.memory_space<vmem_shared>>)
      tpu.yield
    }) : () -> ()
    %add3A_94 = arith.constant 80 : i32
    %add3A_95 = arith.addi %mul3A_91, %add3A_94 : i32
    "tpu.region"() ({
      %run_scoped3A = tpu.sem_alloc : memref<!tpu.dma_semaphore, #tpu.memory_space<semaphore_mem>>
      %dma_start3A = arith.constant 0 : i32
      %dma_start3A_159 = tpu.memref_slice %arg7[%add3A_95, %dma_start3A] : memref<5632x128xf32, #tpu.memory_space<vmem_shared>> -> memref<80x128xf32, #tpu.memory_space<vmem_shared>>
      %dma_start3A_160 = arith.constant 0 : i32
      %dma_start3A_161 = tpu.memref_slice %arg7[%add3A_95, %dma_start3A_160] : memref<5632x128xf32, #tpu.memory_space<vmem_shared>> -> memref<80x128xf32, #tpu.memory_space<vmem_shared>>
      tpu.enqueue_dma source(%arg6 : memref<80x128xf32, #tpu.memory_space<vmem>>) target(%dma_start3A_161 : memref<80x128xf32, #tpu.memory_space<vmem_shared>>) target_semaphore(%run_scoped3A : memref<!tpu.dma_semaphore, #tpu.memory_space<semaphore_mem>>)
      %dma_wait3A = arith.constant 0 : i32
      %dma_wait3A_162 = tpu.memref_slice %arg7[%add3A_95, %dma_wait3A] : memref<5632x128xf32, #tpu.memory_space<vmem_shared>> -> memref<80x128xf32, #tpu.memory_space<vmem_shared>>
      %dma_wait3A_163 = arith.constant 0 : i32
      %dma_wait3A_164 = tpu.memref_slice %arg7[%add3A_95, %dma_wait3A_163] : memref<5632x128xf32, #tpu.memory_space<vmem_shared>> -> memref<80x128xf32, #tpu.memory_space<vmem_shared>>
      tpu.wait_dma2 semaphore(%run_scoped3A : memref<!tpu.dma_semaphore, #tpu.memory_space<semaphore_mem>>) src(%arg6 : memref<80x128xf32, #tpu.memory_space<vmem>>) dst(%dma_wait3A_164 : memref<80x128xf32, #tpu.memory_space<vmem_shared>>)
      tpu.yield
    }) : () -> ()
    %add3A_96 = arith.constant 160 : i32
    %add3A_97 = arith.addi %mul3A_91, %add3A_96 : i32
    "tpu.region"() ({
      %run_scoped3A = tpu.sem_alloc : memref<!tpu.dma_semaphore, #tpu.memory_space<semaphore_mem>>
      %dma_start3A = arith.constant 0 : i32
      %dma_start3A_159 = tpu.memref_slice %arg7[%add3A_97, %dma_start3A] : memref<5632x128xf32, #tpu.memory_space<vmem_shared>> -> memref<80x128xf32, #tpu.memory_space<vmem_shared>>
      %dma_start3A_160 = arith.constant 0 : i32
      %dma_start3A_161 = tpu.memref_slice %arg7[%add3A_97, %dma_start3A_160] : memref<5632x128xf32, #tpu.memory_space<vmem_shared>> -> memref<80x128xf32, #tpu.memory_space<vmem_shared>>
      tpu.enqueue_dma source(%arg6 : memref<80x128xf32, #tpu.memory_space<vmem>>) target(%dma_start3A_161 : memref<80x128xf32, #tpu.memory_space<vmem_shared>>) target_semaphore(%run_scoped3A : memref<!tpu.dma_semaphore, #tpu.memory_space<semaphore_mem>>)
      %dma_wait3A = arith.constant 0 : i32
      %dma_wait3A_162 = tpu.memref_slice %arg7[%add3A_97, %dma_wait3A] : memref<5632x128xf32, #tpu.memory_space<vmem_shared>> -> memref<80x128xf32, #tpu.memory_space<vmem_shared>>
      %dma_wait3A_163 = arith.constant 0 : i32
      %dma_wait3A_164 = tpu.memref_slice %arg7[%add3A_97, %dma_wait3A_163] : memref<5632x128xf32, #tpu.memory_space<vmem_shared>> -> memref<80x128xf32, #tpu.memory_space<vmem_shared>>
      tpu.wait_dma2 semaphore(%run_scoped3A : memref<!tpu.dma_semaphore, #tpu.memory_space<semaphore_mem>>) src(%arg6 : memref<80x128xf32, #tpu.memory_space<vmem>>) dst(%dma_wait3A_164 : memref<80x128xf32, #tpu.memory_space<vmem_shared>>)
      tpu.yield
    }) : () -> ()
    %add3A_98 = arith.constant 240 : i32
    %add3A_99 = arith.addi %mul3A_91, %add3A_98 : i32
    "tpu.region"() ({
      %run_scoped3A = tpu.sem_alloc : memref<!tpu.dma_semaphore, #tpu.memory_space<semaphore_mem>>
      %dma_start3A = arith.constant 0 : i32
      %dma_start3A_159 = tpu.memref_slice %arg7[%add3A_99, %dma_start3A] : memref<5632x128xf32, #tpu.memory_space<vmem_shared>> -> memref<80x128xf32, #tpu.memory_space<vmem_shared>>
      %dma_start3A_160 = arith.constant 0 : i32
      %dma_start3A_161 = tpu.memref_slice %arg7[%add3A_99, %dma_start3A_160] : memref<5632x128xf32, #tpu.memory_space<vmem_shared>> -> memref<80x128xf32, #tpu.memory_space<vmem_shared>>
      tpu.enqueue_dma source(%arg6 : memref<80x128xf32, #tpu.memory_space<vmem>>) target(%dma_start3A_161 : memref<80x128xf32, #tpu.memory_space<vmem_shared>>) target_semaphore(%run_scoped3A : memref<!tpu.dma_semaphore, #tpu.memory_space<semaphore_mem>>)
      %dma_wait3A = arith.constant 0 : i32
      %dma_wait3A_162 = tpu.memref_slice %arg7[%add3A_99, %dma_wait3A] : memref<5632x128xf32, #tpu.memory_space<vmem_shared>> -> memref<80x128xf32, #tpu.memory_space<vmem_shared>>
      %dma_wait3A_163 = arith.constant 0 : i32
      %dma_wait3A_164 = tpu.memref_slice %arg7[%add3A_99, %dma_wait3A_163] : memref<5632x128xf32, #tpu.memory_space<vmem_shared>> -> memref<80x128xf32, #tpu.memory_space<vmem_shared>>
      tpu.wait_dma2 semaphore(%run_scoped3A : memref<!tpu.dma_semaphore, #tpu.memory_space<semaphore_mem>>) src(%arg6 : memref<80x128xf32, #tpu.memory_space<vmem>>) dst(%dma_wait3A_164 : memref<80x128xf32, #tpu.memory_space<vmem_shared>>)
      tpu.yield
    }) : () -> ()
    %add3A_100 = arith.constant 272 : i32
    %add3A_101 = arith.addi %mul3A_91, %add3A_100 : i32
    "tpu.region"() ({
      %run_scoped3A = tpu.sem_alloc : memref<!tpu.dma_semaphore, #tpu.memory_space<semaphore_mem>>
      %dma_start3A = arith.constant 0 : i32
      %dma_start3A_159 = tpu.memref_slice %arg7[%add3A_101, %dma_start3A] : memref<5632x128xf32, #tpu.memory_space<vmem_shared>> -> memref<80x128xf32, #tpu.memory_space<vmem_shared>>
      %dma_start3A_160 = arith.constant 0 : i32
      %dma_start3A_161 = tpu.memref_slice %arg7[%add3A_101, %dma_start3A_160] : memref<5632x128xf32, #tpu.memory_space<vmem_shared>> -> memref<80x128xf32, #tpu.memory_space<vmem_shared>>
      tpu.enqueue_dma source(%arg6 : memref<80x128xf32, #tpu.memory_space<vmem>>) target(%dma_start3A_161 : memref<80x128xf32, #tpu.memory_space<vmem_shared>>) target_semaphore(%run_scoped3A : memref<!tpu.dma_semaphore, #tpu.memory_space<semaphore_mem>>)
      %dma_wait3A = arith.constant 0 : i32
      %dma_wait3A_162 = tpu.memref_slice %arg7[%add3A_101, %dma_wait3A] : memref<5632x128xf32, #tpu.memory_space<vmem_shared>> -> memref<80x128xf32, #tpu.memory_space<vmem_shared>>
      %dma_wait3A_163 = arith.constant 0 : i32
      %dma_wait3A_164 = tpu.memref_slice %arg7[%add3A_101, %dma_wait3A_163] : memref<5632x128xf32, #tpu.memory_space<vmem_shared>> -> memref<80x128xf32, #tpu.memory_space<vmem_shared>>
      tpu.wait_dma2 semaphore(%run_scoped3A : memref<!tpu.dma_semaphore, #tpu.memory_space<semaphore_mem>>) src(%arg6 : memref<80x128xf32, #tpu.memory_space<vmem>>) dst(%dma_wait3A_164 : memref<80x128xf32, #tpu.memory_space<vmem_shared>>)
      tpu.yield
    }) : () -> ()
    %barrier3A_102 = arith.constant 0 : index
    tpu.barrier barrier_id(%barrier3A_102)
    %scan3A_103 = arith.constant 0 : i32
    %scan3A_104 = arith.constant 0 : i32
    %scan3A_105 = arith.constant 250 : i32
    %scan3A_106 = arith.addi %scan3A_104, %scan3A_105 : i32
    %scan3A_107 = arith.constant 1 : i32
    %scan3A_108 = scf.for %scan3A_159 = %scan3A_104 to %scan3A_106 step %scan3A_107 iter_args(%scan3A_160 = %scan3A_103) -> (i32)  : i32 {
      %mul3A_161 = arith.constant 80 : i32
      %mul3A_162 = arith.muli %scan3A_159, %mul3A_161 : i32
      %add3A_163 = arith.addi %mul3A_0, %mul3A_162 : i32
      "tpu.region"() ({
        %run_scoped3A = tpu.sem_alloc : memref<!tpu.dma_semaphore, #tpu.memory_space<semaphore_mem>>
        %dma_start3A = arith.constant 0 : i32
        %dma_start3A_165 = tpu.memref_slice %arg2[%arg0, %add3A_163, %dma_start3A] : memref<2x320000x128xf32, #tpu.memory_space<hbm>> -> memref<1x80x128xf32, #tpu.memory_space<hbm>>
        %dma_start3A_166 = tpu.memref_squeeze %dma_start3A_165 : memref<1x80x128xf32, #tpu.memory_space<hbm>> -> memref<80x128xf32, #tpu.memory_space<hbm>>
        %dma_start3A_167 = arith.constant 0 : i32
        %dma_start3A_168 = tpu.memref_slice %arg2[%arg0, %add3A_163, %dma_start3A_167] : memref<2x320000x128xf32, #tpu.memory_space<hbm>> -> memref<1x80x128xf32, #tpu.memory_space<hbm>>
        %dma_start3A_169 = tpu.memref_squeeze %dma_start3A_168 : memref<1x80x128xf32, #tpu.memory_space<hbm>> -> memref<80x128xf32, #tpu.memory_space<hbm>>
        tpu.enqueue_dma source(%dma_start3A_169 : memref<80x128xf32, #tpu.memory_space<hbm>>) target(%arg6 : memref<80x128xf32, #tpu.memory_space<vmem>>) target_semaphore(%run_scoped3A : memref<!tpu.dma_semaphore, #tpu.memory_space<semaphore_mem>>)
        %dma_wait3A = arith.constant 0 : i32
        %dma_wait3A_170 = tpu.memref_slice %arg2[%arg0, %add3A_163, %dma_wait3A] : memref<2x320000x128xf32, #tpu.memory_space<hbm>> -> memref<1x80x128xf32, #tpu.memory_space<hbm>>
        %dma_wait3A_171 = tpu.memref_squeeze %dma_wait3A_170 : memref<1x80x128xf32, #tpu.memory_space<hbm>> -> memref<80x128xf32, #tpu.memory_space<hbm>>
        %dma_wait3A_172 = arith.constant 0 : i32
        %dma_wait3A_173 = tpu.memref_slice %arg2[%arg0, %add3A_163, %dma_wait3A_172] : memref<2x320000x128xf32, #tpu.memory_space<hbm>> -> memref<1x80x128xf32, #tpu.memory_space<hbm>>
        %dma_wait3A_174 = tpu.memref_squeeze %dma_wait3A_173 : memref<1x80x128xf32, #tpu.memory_space<hbm>> -> memref<80x128xf32, #tpu.memory_space<hbm>>
        tpu.wait_dma2 semaphore(%run_scoped3A : memref<!tpu.dma_semaphore, #tpu.memory_space<semaphore_mem>>) src(%dma_wait3A_174 : memref<80x128xf32, #tpu.memory_space<hbm>>) dst(%arg6 : memref<80x128xf32, #tpu.memory_space<vmem>>)
        tpu.yield
      }) : () -> ()
      "tpu.region"() ({
        %run_scoped3A = tpu.sem_alloc : memref<!tpu.dma_semaphore, #tpu.memory_space<semaphore_mem>>
        %dma_start3A = arith.constant 0 : i32
        %dma_start3A_165 = tpu.memref_slice %arg5[%scan3A_159, %dma_start3A] : memref<250x80xi32, #tpu.memory_space<vmem>> -> memref<1x80xi32, #tpu.memory_space<vmem>>
        %dma_start3A_166 = tpu.memref_squeeze %dma_start3A_165 : memref<1x80xi32, #tpu.memory_space<vmem>> -> memref<80xi32, #tpu.memory_space<vmem>>
        %dma_start3A_167 = arith.constant 0 : i32
        %dma_start3A_168 = arith.constant 0 : i32
        %dma_start3A_169 = tpu.memref_slice %arg7[%dma_start3A_167, %dma_start3A_168] : memref<5632x128xf32, #tpu.memory_space<vmem_shared>> -> memref<5632x128xf32, #tpu.memory_space<vmem_shared>>
        tpu.enqueue_indirect_dma source(%arg6 : memref<80x128xf32, #tpu.memory_space<vmem>>) target(%dma_start3A_169 : memref<5632x128xf32, #tpu.memory_space<vmem_shared>>) offsets(%dma_start3A_166 : memref<80xi32, #tpu.memory_space<vmem>>) semaphore(%run_scoped3A : memref<!tpu.dma_semaphore, #tpu.memory_space<semaphore_mem>>) {add = true}
        %dma_wait3A = arith.constant 0 : i32
        %dma_wait3A_170 = tpu.memref_slice %arg5[%scan3A_159, %dma_wait3A] : memref<250x80xi32, #tpu.memory_space<vmem>> -> memref<1x80xi32, #tpu.memory_space<vmem>>
        %dma_wait3A_171 = tpu.memref_squeeze %dma_wait3A_170 : memref<1x80xi32, #tpu.memory_space<vmem>> -> memref<80xi32, #tpu.memory_space<vmem>>
        %dma_wait3A_172 = arith.constant 0 : i32
        %dma_wait3A_173 = arith.constant 0 : i32
        %dma_wait3A_174 = tpu.memref_slice %arg7[%dma_wait3A_172, %dma_wait3A_173] : memref<5632x128xf32, #tpu.memory_space<vmem_shared>> -> memref<5632x128xf32, #tpu.memory_space<vmem_shared>>
        tpu.wait_indirect_dma semaphore(%run_scoped3A : memref<!tpu.dma_semaphore, #tpu.memory_space<semaphore_mem>>) src(%arg6 : memref<80x128xf32, #tpu.memory_space<vmem>>) dst(%dma_wait3A_174 : memref<5632x128xf32, #tpu.memory_space<vmem_shared>>)
        tpu.yield
      }) : () -> ()
      %scan3A_164 = arith.constant 0 : i32
      scf.yield %scan3A_164 : i32
    }
    %scan3A_109 = arith.constant 250 : i32
    %barrier3A_110 = arith.constant 0 : index
    tpu.barrier barrier_id(%barrier3A_110)
    %eq3A_111 = arith.constant 15 : i32
    %eq3A_112 = arith.cmpi eq, %arg1, %eq3A_111 : i32
    %jit3A_113 = arith.constant 320 : i32
    %jit3A_114 = arith.constant 312 : i32
    %select_n3A_115 = arith.select %eq3A_112, %jit3A_113, %jit3A_114 : i32
    %mul3A_116 = arith.constant 312 : i32
    %mul3A_117 = arith.muli %arg1, %mul3A_116 : i32
    %sub3A_118 = arith.constant 80 : i32
    %sub3A_119 = arith.subi %select_n3A_115, %sub3A_118 : i32
    %min3A_120 = arith.constant 0 : i32
    %min3A_121 = arith.minsi %min3A_120, %sub3A_119 : i32
    %add3A_122 = arith.addi %mul3A_117, %min3A_121 : i32
    "tpu.region"() ({
      %run_scoped3A = tpu.sem_alloc : memref<!tpu.dma_semaphore, #tpu.memory_space<semaphore_mem>>
      %dma_start3A = arith.constant 0 : i32
      %dma_start3A_159 = tpu.memref_slice %arg7[%add3A_122, %dma_start3A] : memref<5632x128xf32, #tpu.memory_space<vmem_shared>> -> memref<80x128xf32, #tpu.memory_space<vmem_shared>>
      %dma_start3A_160 = arith.constant 0 : i32
      %dma_start3A_161 = tpu.memref_slice %arg7[%add3A_122, %dma_start3A_160] : memref<5632x128xf32, #tpu.memory_space<vmem_shared>> -> memref<80x128xf32, #tpu.memory_space<vmem_shared>>
      tpu.enqueue_dma source(%dma_start3A_161 : memref<80x128xf32, #tpu.memory_space<vmem_shared>>) target(%arg6 : memref<80x128xf32, #tpu.memory_space<vmem>>) target_semaphore(%run_scoped3A : memref<!tpu.dma_semaphore, #tpu.memory_space<semaphore_mem>>)
      %dma_wait3A = arith.constant 0 : i32
      %dma_wait3A_162 = tpu.memref_slice %arg7[%add3A_122, %dma_wait3A] : memref<5632x128xf32, #tpu.memory_space<vmem_shared>> -> memref<80x128xf32, #tpu.memory_space<vmem_shared>>
      %dma_wait3A_163 = arith.constant 0 : i32
      %dma_wait3A_164 = tpu.memref_slice %arg7[%add3A_122, %dma_wait3A_163] : memref<5632x128xf32, #tpu.memory_space<vmem_shared>> -> memref<80x128xf32, #tpu.memory_space<vmem_shared>>
      tpu.wait_dma2 semaphore(%run_scoped3A : memref<!tpu.dma_semaphore, #tpu.memory_space<semaphore_mem>>) src(%dma_wait3A_164 : memref<80x128xf32, #tpu.memory_space<vmem_shared>>) dst(%arg6 : memref<80x128xf32, #tpu.memory_space<vmem>>)
      tpu.yield
    }) : () -> ()
    %add3A_123 = arith.constant 5000 : i32
    %add3A_124 = arith.addi %add3A_123, %mul3A_117 : i32
    %add3A_125 = arith.addi %add3A_124, %min3A_121 : i32
    %mul3A_126 = arith.constant 128 : i32
    %mul3A_127 = arith.muli %arg0, %mul3A_126 : i32
    "tpu.region"() ({
      %run_scoped3A = tpu.sem_alloc : memref<!tpu.dma_semaphore, #tpu.memory_space<semaphore_mem>>
      %dma_start3A = tpu.memref_slice %arg4[%add3A_125, %mul3A_127] : memref<10000x256xf32, #tpu.memory_space<hbm>> -> memref<80x128xf32, #tpu.memory_space<hbm>>
      %dma_start3A_159 = tpu.memref_slice %arg4[%add3A_125, %mul3A_127] : memref<10000x256xf32, #tpu.memory_space<hbm>> -> memref<80x128xf32, #tpu.memory_space<hbm>>
      tpu.enqueue_dma source(%arg6 : memref<80x128xf32, #tpu.memory_space<vmem>>) target(%dma_start3A_159 : memref<80x128xf32, #tpu.memory_space<hbm>>) target_semaphore(%run_scoped3A : memref<!tpu.dma_semaphore, #tpu.memory_space<semaphore_mem>>)
      %dma_wait3A = tpu.memref_slice %arg4[%add3A_125, %mul3A_127] : memref<10000x256xf32, #tpu.memory_space<hbm>> -> memref<80x128xf32, #tpu.memory_space<hbm>>
      %dma_wait3A_160 = tpu.memref_slice %arg4[%add3A_125, %mul3A_127] : memref<10000x256xf32, #tpu.memory_space<hbm>> -> memref<80x128xf32, #tpu.memory_space<hbm>>
      tpu.wait_dma2 semaphore(%run_scoped3A : memref<!tpu.dma_semaphore, #tpu.memory_space<semaphore_mem>>) src(%arg6 : memref<80x128xf32, #tpu.memory_space<vmem>>) dst(%dma_wait3A_160 : memref<80x128xf32, #tpu.memory_space<hbm>>)
      tpu.yield
    }) : () -> ()
    %sub3A_128 = arith.constant 80 : i32
    %sub3A_129 = arith.subi %select_n3A_115, %sub3A_128 : i32
    %min3A_130 = arith.constant 80 : i32
    %min3A_131 = arith.minsi %min3A_130, %sub3A_129 : i32
    %add3A_132 = arith.addi %mul3A_117, %min3A_131 : i32
    "tpu.region"() ({
      %run_scoped3A = tpu.sem_alloc : memref<!tpu.dma_semaphore, #tpu.memory_space<semaphore_mem>>
      %dma_start3A = arith.constant 0 : i32
      %dma_start3A_159 = tpu.memref_slice %arg7[%add3A_132, %dma_start3A] : memref<5632x128xf32, #tpu.memory_space<vmem_shared>> -> memref<80x128xf32, #tpu.memory_space<vmem_shared>>
      %dma_start3A_160 = arith.constant 0 : i32
      %dma_start3A_161 = tpu.memref_slice %arg7[%add3A_132, %dma_start3A_160] : memref<5632x128xf32, #tpu.memory_space<vmem_shared>> -> memref<80x128xf32, #tpu.memory_space<vmem_shared>>
      tpu.enqueue_dma source(%dma_start3A_161 : memref<80x128xf32, #tpu.memory_space<vmem_shared>>) target(%arg6 : memref<80x128xf32, #tpu.memory_space<vmem>>) target_semaphore(%run_scoped3A : memref<!tpu.dma_semaphore, #tpu.memory_space<semaphore_mem>>)
      %dma_wait3A = arith.constant 0 : i32
      %dma_wait3A_162 = tpu.memref_slice %arg7[%add3A_132, %dma_wait3A] : memref<5632x128xf32, #tpu.memory_space<vmem_shared>> -> memref<80x128xf32, #tpu.memory_space<vmem_shared>>
      %dma_wait3A_163 = arith.constant 0 : i32
      %dma_wait3A_164 = tpu.memref_slice %arg7[%add3A_132, %dma_wait3A_163] : memref<5632x128xf32, #tpu.memory_space<vmem_shared>> -> memref<80x128xf32, #tpu.memory_space<vmem_shared>>
      tpu.wait_dma2 semaphore(%run_scoped3A : memref<!tpu.dma_semaphore, #tpu.memory_space<semaphore_mem>>) src(%dma_wait3A_164 : memref<80x128xf32, #tpu.memory_space<vmem_shared>>) dst(%arg6 : memref<80x128xf32, #tpu.memory_space<vmem>>)
      tpu.yield
    }) : () -> ()
    %add3A_133 = arith.constant 5000 : i32
    %add3A_134 = arith.addi %add3A_133, %mul3A_117 : i32
    %add3A_135 = arith.addi %add3A_134, %min3A_131 : i32
    %mul3A_136 = arith.constant 128 : i32
    %mul3A_137 = arith.muli %arg0, %mul3A_136 : i32
    "tpu.region"() ({
      %run_scoped3A = tpu.sem_alloc : memref<!tpu.dma_semaphore, #tpu.memory_space<semaphore_mem>>
      %dma_start3A = tpu.memref_slice %arg4[%add3A_135, %mul3A_137] : memref<10000x256xf32, #tpu.memory_space<hbm>> -> memref<80x128xf32, #tpu.memory_space<hbm>>
      %dma_start3A_159 = tpu.memref_slice %arg4[%add3A_135, %mul3A_137] : memref<10000x256xf32, #tpu.memory_space<hbm>> -> memref<80x128xf32, #tpu.memory_space<hbm>>
      tpu.enqueue_dma source(%arg6 : memref<80x128xf32, #tpu.memory_space<vmem>>) target(%dma_start3A_159 : memref<80x128xf32, #tpu.memory_space<hbm>>) target_semaphore(%run_scoped3A : memref<!tpu.dma_semaphore, #tpu.memory_space<semaphore_mem>>)
      %dma_wait3A = tpu.memref_slice %arg4[%add3A_135, %mul3A_137] : memref<10000x256xf32, #tpu.memory_space<hbm>> -> memref<80x128xf32, #tpu.memory_space<hbm>>
      %dma_wait3A_160 = tpu.memref_slice %arg4[%add3A_135, %mul3A_137] : memref<10000x256xf32, #tpu.memory_space<hbm>> -> memref<80x128xf32, #tpu.memory_space<hbm>>
      tpu.wait_dma2 semaphore(%run_scoped3A : memref<!tpu.dma_semaphore, #tpu.memory_space<semaphore_mem>>) src(%arg6 : memref<80x128xf32, #tpu.memory_space<vmem>>) dst(%dma_wait3A_160 : memref<80x128xf32, #tpu.memory_space<hbm>>)
      tpu.yield
    }) : () -> ()
    %sub3A_138 = arith.constant 80 : i32
    %sub3A_139 = arith.subi %select_n3A_115, %sub3A_138 : i32
    %min3A_140 = arith.constant 160 : i32
    %min3A_141 = arith.minsi %min3A_140, %sub3A_139 : i32
    %add3A_142 = arith.addi %mul3A_117, %min3A_141 : i32
    "tpu.region"() ({
      %run_scoped3A = tpu.sem_alloc : memref<!tpu.dma_semaphore, #tpu.memory_space<semaphore_mem>>
      %dma_start3A = arith.constant 0 : i32
      %dma_start3A_159 = tpu.memref_slice %arg7[%add3A_142, %dma_start3A] : memref<5632x128xf32, #tpu.memory_space<vmem_shared>> -> memref<80x128xf32, #tpu.memory_space<vmem_shared>>
      %dma_start3A_160 = arith.constant 0 : i32
      %dma_start3A_161 = tpu.memref_slice %arg7[%add3A_142, %dma_start3A_160] : memref<5632x128xf32, #tpu.memory_space<vmem_shared>> -> memref<80x128xf32, #tpu.memory_space<vmem_shared>>
      tpu.enqueue_dma source(%dma_start3A_161 : memref<80x128xf32, #tpu.memory_space<vmem_shared>>) target(%arg6 : memref<80x128xf32, #tpu.memory_space<vmem>>) target_semaphore(%run_scoped3A : memref<!tpu.dma_semaphore, #tpu.memory_space<semaphore_mem>>)
      %dma_wait3A = arith.constant 0 : i32
      %dma_wait3A_162 = tpu.memref_slice %arg7[%add3A_142, %dma_wait3A] : memref<5632x128xf32, #tpu.memory_space<vmem_shared>> -> memref<80x128xf32, #tpu.memory_space<vmem_shared>>
      %dma_wait3A_163 = arith.constant 0 : i32
      %dma_wait3A_164 = tpu.memref_slice %arg7[%add3A_142, %dma_wait3A_163] : memref<5632x128xf32, #tpu.memory_space<vmem_shared>> -> memref<80x128xf32, #tpu.memory_space<vmem_shared>>
      tpu.wait_dma2 semaphore(%run_scoped3A : memref<!tpu.dma_semaphore, #tpu.memory_space<semaphore_mem>>) src(%dma_wait3A_164 : memref<80x128xf32, #tpu.memory_space<vmem_shared>>) dst(%arg6 : memref<80x128xf32, #tpu.memory_space<vmem>>)
      tpu.yield
    }) : () -> ()
    %add3A_143 = arith.constant 5000 : i32
    %add3A_144 = arith.addi %add3A_143, %mul3A_117 : i32
    %add3A_145 = arith.addi %add3A_144, %min3A_141 : i32
    %mul3A_146 = arith.constant 128 : i32
    %mul3A_147 = arith.muli %arg0, %mul3A_146 : i32
    "tpu.region"() ({
      %run_scoped3A = tpu.sem_alloc : memref<!tpu.dma_semaphore, #tpu.memory_space<semaphore_mem>>
      %dma_start3A = tpu.memref_slice %arg4[%add3A_145, %mul3A_147] : memref<10000x256xf32, #tpu.memory_space<hbm>> -> memref<80x128xf32, #tpu.memory_space<hbm>>
      %dma_start3A_159 = tpu.memref_slice %arg4[%add3A_145, %mul3A_147] : memref<10000x256xf32, #tpu.memory_space<hbm>> -> memref<80x128xf32, #tpu.memory_space<hbm>>
      tpu.enqueue_dma source(%arg6 : memref<80x128xf32, #tpu.memory_space<vmem>>) target(%dma_start3A_159 : memref<80x128xf32, #tpu.memory_space<hbm>>) target_semaphore(%run_scoped3A : memref<!tpu.dma_semaphore, #tpu.memory_space<semaphore_mem>>)
      %dma_wait3A = tpu.memref_slice %arg4[%add3A_145, %mul3A_147] : memref<10000x256xf32, #tpu.memory_space<hbm>> -> memref<80x128xf32, #tpu.memory_space<hbm>>
      %dma_wait3A_160 = tpu.memref_slice %arg4[%add3A_145, %mul3A_147] : memref<10000x256xf32, #tpu.memory_space<hbm>> -> memref<80x128xf32, #tpu.memory_space<hbm>>
      tpu.wait_dma2 semaphore(%run_scoped3A : memref<!tpu.dma_semaphore, #tpu.memory_space<semaphore_mem>>) src(%arg6 : memref<80x128xf32, #tpu.memory_space<vmem>>) dst(%dma_wait3A_160 : memref<80x128xf32, #tpu.memory_space<hbm>>)
      tpu.yield
    }) : () -> ()
    %sub3A_148 = arith.constant 80 : i32
    %sub3A_149 = arith.subi %select_n3A_115, %sub3A_148 : i32
    %min3A_150 = arith.constant 240 : i32
    %min3A_151 = arith.minsi %min3A_150, %sub3A_149 : i32
    %add3A_152 = arith.addi %mul3A_117, %min3A_151 : i32
    "tpu.region"() ({
      %run_scoped3A = tpu.sem_alloc : memref<!tpu.dma_semaphore, #tpu.memory_space<semaphore_mem>>
      %dma_start3A = arith.constant 0 : i32
      %dma_start3A_159 = tpu.memref_slice %arg7[%add3A_152, %dma_start3A] : memref<5632x128xf32, #tpu.memory_space<vmem_shared>> -> memref<80x128xf32, #tpu.memory_space<vmem_shared>>
      %dma_start3A_160 = arith.constant 0 : i32
      %dma_start3A_161 = tpu.memref_slice %arg7[%add3A_152, %dma_start3A_160] : memref<5632x128xf32, #tpu.memory_space<vmem_shared>> -> memref<80x128xf32, #tpu.memory_space<vmem_shared>>
      tpu.enqueue_dma source(%dma_start3A_161 : memref<80x128xf32, #tpu.memory_space<vmem_shared>>) target(%arg6 : memref<80x128xf32, #tpu.memory_space<vmem>>) target_semaphore(%run_scoped3A : memref<!tpu.dma_semaphore, #tpu.memory_space<semaphore_mem>>)
      %dma_wait3A = arith.constant 0 : i32
      %dma_wait3A_162 = tpu.memref_slice %arg7[%add3A_152, %dma_wait3A] : memref<5632x128xf32, #tpu.memory_space<vmem_shared>> -> memref<80x128xf32, #tpu.memory_space<vmem_shared>>
      %dma_wait3A_163 = arith.constant 0 : i32
      %dma_wait3A_164 = tpu.memref_slice %arg7[%add3A_152, %dma_wait3A_163] : memref<5632x128xf32, #tpu.memory_space<vmem_shared>> -> memref<80x128xf32, #tpu.memory_space<vmem_shared>>
      tpu.wait_dma2 semaphore(%run_scoped3A : memref<!tpu.dma_semaphore, #tpu.memory_space<semaphore_mem>>) src(%dma_wait3A_164 : memref<80x128xf32, #tpu.memory_space<vmem_shared>>) dst(%arg6 : memref<80x128xf32, #tpu.memory_space<vmem>>)
      tpu.yield
    }) : () -> ()
    %add3A_153 = arith.constant 5000 : i32
    %add3A_154 = arith.addi %add3A_153, %mul3A_117 : i32
    %add3A_155 = arith.addi %add3A_154, %min3A_151 : i32
    %mul3A_156 = arith.constant 128 : i32
    %mul3A_157 = arith.muli %arg0, %mul3A_156 : i32
    "tpu.region"() ({
      %run_scoped3A = tpu.sem_alloc : memref<!tpu.dma_semaphore, #tpu.memory_space<semaphore_mem>>
      %dma_start3A = tpu.memref_slice %arg4[%add3A_155, %mul3A_157] : memref<10000x256xf32, #tpu.memory_space<hbm>> -> memref<80x128xf32, #tpu.memory_space<hbm>>
      %dma_start3A_159 = tpu.memref_slice %arg4[%add3A_155, %mul3A_157] : memref<10000x256xf32, #tpu.memory_space<hbm>> -> memref<80x128xf32, #tpu.memory_space<hbm>>
      tpu.enqueue_dma source(%arg6 : memref<80x128xf32, #tpu.memory_space<vmem>>) target(%dma_start3A_159 : memref<80x128xf32, #tpu.memory_space<hbm>>) target_semaphore(%run_scoped3A : memref<!tpu.dma_semaphore, #tpu.memory_space<semaphore_mem>>)
      %dma_wait3A = tpu.memref_slice %arg4[%add3A_155, %mul3A_157] : memref<10000x256xf32, #tpu.memory_space<hbm>> -> memref<80x128xf32, #tpu.memory_space<hbm>>
      %dma_wait3A_160 = tpu.memref_slice %arg4[%add3A_155, %mul3A_157] : memref<10000x256xf32, #tpu.memory_space<hbm>> -> memref<80x128xf32, #tpu.memory_space<hbm>>
      tpu.wait_dma2 semaphore(%run_scoped3A : memref<!tpu.dma_semaphore, #tpu.memory_space<semaphore_mem>>) src(%arg6 : memref<80x128xf32, #tpu.memory_space<vmem>>) dst(%dma_wait3A_160 : memref<80x128xf32, #tpu.memory_space<hbm>>)
      tpu.yield
    }) : () -> ()
    %barrier3A_158 = arith.constant 0 : index
    tpu.barrier barrier_id(%barrier3A_158)
    return
  }
}

#map = affine_map<(d0, d1) -> (0, 0)>
#map1 = affine_map<(d0, d1) -> (0, 0, 0)>
module attributes {stable_mosaic.version = 14 : i64} {
  func.func @_sc_gather_body(%arg0: i32, %arg1: i32, %arg2: memref<10000x128xf32, #tpu.memory_space<hbm>>, %arg3: memref<32x125x80xi32, #tpu.memory_space<hbm>>, %arg4: memref<32x125x80xi32, #tpu.memory_space<hbm>>, %arg5: memref<320000x128xf32, #tpu.memory_space<hbm>>, %arg6: memref<320000x128xf32, #tpu.memory_space<hbm>>, %arg7: memref<125x80xi32, #tpu.memory_space<vmem>>, %arg8: memref<125x80xi32, #tpu.memory_space<vmem>>, %arg9: memref<80x128xf32, #tpu.memory_space<vmem>>, %arg10: memref<80x128xf32, #tpu.memory_space<vmem>>, %arg11: memref<!tpu.dma_semaphore, #tpu.memory_space<semaphore_mem>>, %arg12: memref<!tpu.dma_semaphore, #tpu.memory_space<semaphore_mem>>) attributes {dimension_semantics = [#tpu.dimension_semantics<core_parallel>, #tpu.dimension_semantics<subcore_parallel>], iteration_bounds = array<i64: 2, 16>, scalar_prefetch = 0 : i64, scratch_operands = 6 : i64, tpu.core_type = #tpu.core_type<sc_vector_subcore>, window_params = [{transform_indices = #map}, {transform_indices = #map1}, {transform_indices = #map1}, {transform_indices = #map}, {transform_indices = #map}]} {
    %mul3A = arith.constant 2 : i32
    %mul3A_0 = arith.muli %arg1, %mul3A : i32
    %add3A = arith.addi %mul3A_0, %arg0 : i32
    %mul3A_1 = arith.constant 10000 : i32
    %mul3A_2 = arith.muli %add3A, %mul3A_1 : i32
    "tpu.region"() ({
      %run_scoped3A = tpu.sem_alloc : memref<!tpu.dma_semaphore, #tpu.memory_space<semaphore_mem>>
      %dma_start3A = arith.constant 0 : i32
      %dma_start3A_9 = arith.constant 0 : i32
      %dma_start3A_10 = tpu.memref_slice %arg3[%add3A, %dma_start3A, %dma_start3A_9] : memref<32x125x80xi32, #tpu.memory_space<hbm>> -> memref<1x125x80xi32, #tpu.memory_space<hbm>>
      %dma_start3A_11 = tpu.memref_squeeze %dma_start3A_10 : memref<1x125x80xi32, #tpu.memory_space<hbm>> -> memref<125x80xi32, #tpu.memory_space<hbm>>
      %dma_start3A_12 = arith.constant 0 : i32
      %dma_start3A_13 = arith.constant 0 : i32
      %dma_start3A_14 = tpu.memref_slice %arg3[%add3A, %dma_start3A_12, %dma_start3A_13] : memref<32x125x80xi32, #tpu.memory_space<hbm>> -> memref<1x125x80xi32, #tpu.memory_space<hbm>>
      %dma_start3A_15 = tpu.memref_squeeze %dma_start3A_14 : memref<1x125x80xi32, #tpu.memory_space<hbm>> -> memref<125x80xi32, #tpu.memory_space<hbm>>
      tpu.enqueue_dma source(%dma_start3A_15 : memref<125x80xi32, #tpu.memory_space<hbm>>) target(%arg7 : memref<125x80xi32, #tpu.memory_space<vmem>>) target_semaphore(%run_scoped3A : memref<!tpu.dma_semaphore, #tpu.memory_space<semaphore_mem>>)
      %dma_wait3A = arith.constant 0 : i32
      %dma_wait3A_16 = arith.constant 0 : i32
      %dma_wait3A_17 = tpu.memref_slice %arg3[%add3A, %dma_wait3A, %dma_wait3A_16] : memref<32x125x80xi32, #tpu.memory_space<hbm>> -> memref<1x125x80xi32, #tpu.memory_space<hbm>>
      %dma_wait3A_18 = tpu.memref_squeeze %dma_wait3A_17 : memref<1x125x80xi32, #tpu.memory_space<hbm>> -> memref<125x80xi32, #tpu.memory_space<hbm>>
      %dma_wait3A_19 = arith.constant 0 : i32
      %dma_wait3A_20 = arith.constant 0 : i32
      %dma_wait3A_21 = tpu.memref_slice %arg3[%add3A, %dma_wait3A_19, %dma_wait3A_20] : memref<32x125x80xi32, #tpu.memory_space<hbm>> -> memref<1x125x80xi32, #tpu.memory_space<hbm>>
      %dma_wait3A_22 = tpu.memref_squeeze %dma_wait3A_21 : memref<1x125x80xi32, #tpu.memory_space<hbm>> -> memref<125x80xi32, #tpu.memory_space<hbm>>
      tpu.wait_dma2 semaphore(%run_scoped3A : memref<!tpu.dma_semaphore, #tpu.memory_space<semaphore_mem>>) src(%dma_wait3A_22 : memref<125x80xi32, #tpu.memory_space<hbm>>) dst(%arg7 : memref<125x80xi32, #tpu.memory_space<vmem>>)
      tpu.yield
    }) : () -> ()
    "tpu.region"() ({
      %run_scoped3A = tpu.sem_alloc : memref<!tpu.dma_semaphore, #tpu.memory_space<semaphore_mem>>
      %dma_start3A = arith.constant 0 : i32
      %dma_start3A_9 = arith.constant 0 : i32
      %dma_start3A_10 = tpu.memref_slice %arg4[%add3A, %dma_start3A, %dma_start3A_9] : memref<32x125x80xi32, #tpu.memory_space<hbm>> -> memref<1x125x80xi32, #tpu.memory_space<hbm>>
      %dma_start3A_11 = tpu.memref_squeeze %dma_start3A_10 : memref<1x125x80xi32, #tpu.memory_space<hbm>> -> memref<125x80xi32, #tpu.memory_space<hbm>>
      %dma_start3A_12 = arith.constant 0 : i32
      %dma_start3A_13 = arith.constant 0 : i32
      %dma_start3A_14 = tpu.memref_slice %arg4[%add3A, %dma_start3A_12, %dma_start3A_13] : memref<32x125x80xi32, #tpu.memory_space<hbm>> -> memref<1x125x80xi32, #tpu.memory_space<hbm>>
      %dma_start3A_15 = tpu.memref_squeeze %dma_start3A_14 : memref<1x125x80xi32, #tpu.memory_space<hbm>> -> memref<125x80xi32, #tpu.memory_space<hbm>>
      tpu.enqueue_dma source(%dma_start3A_15 : memref<125x80xi32, #tpu.memory_space<hbm>>) target(%arg8 : memref<125x80xi32, #tpu.memory_space<vmem>>) target_semaphore(%run_scoped3A : memref<!tpu.dma_semaphore, #tpu.memory_space<semaphore_mem>>)
      %dma_wait3A = arith.constant 0 : i32
      %dma_wait3A_16 = arith.constant 0 : i32
      %dma_wait3A_17 = tpu.memref_slice %arg4[%add3A, %dma_wait3A, %dma_wait3A_16] : memref<32x125x80xi32, #tpu.memory_space<hbm>> -> memref<1x125x80xi32, #tpu.memory_space<hbm>>
      %dma_wait3A_18 = tpu.memref_squeeze %dma_wait3A_17 : memref<1x125x80xi32, #tpu.memory_space<hbm>> -> memref<125x80xi32, #tpu.memory_space<hbm>>
      %dma_wait3A_19 = arith.constant 0 : i32
      %dma_wait3A_20 = arith.constant 0 : i32
      %dma_wait3A_21 = tpu.memref_slice %arg4[%add3A, %dma_wait3A_19, %dma_wait3A_20] : memref<32x125x80xi32, #tpu.memory_space<hbm>> -> memref<1x125x80xi32, #tpu.memory_space<hbm>>
      %dma_wait3A_22 = tpu.memref_squeeze %dma_wait3A_21 : memref<1x125x80xi32, #tpu.memory_space<hbm>> -> memref<125x80xi32, #tpu.memory_space<hbm>>
      tpu.wait_dma2 semaphore(%run_scoped3A : memref<!tpu.dma_semaphore, #tpu.memory_space<semaphore_mem>>) src(%dma_wait3A_22 : memref<125x80xi32, #tpu.memory_space<hbm>>) dst(%arg8 : memref<125x80xi32, #tpu.memory_space<vmem>>)
      tpu.yield
    }) : () -> ()
    %scan3A = arith.constant 0 : i32
    %scan3A_3 = arith.constant 0 : i32
    %scan3A_4 = arith.constant 125 : i32
    %scan3A_5 = arith.addi %scan3A_3, %scan3A_4 : i32
    %scan3A_6 = arith.constant 1 : i32
    %scan3A_7 = scf.for %scan3A_9 = %scan3A_3 to %scan3A_5 step %scan3A_6 iter_args(%scan3A_10 = %scan3A) -> (i32)  : i32 {
      %mul3A_11 = arith.constant 80 : i32
      %mul3A_12 = arith.muli %scan3A_9, %mul3A_11 : i32
      %add3A_13 = arith.addi %mul3A_2, %mul3A_12 : i32
      %dma_start3A = arith.constant 0 : i32
      %dma_start3A_14 = tpu.memref_slice %arg7[%scan3A_9, %dma_start3A] : memref<125x80xi32, #tpu.memory_space<vmem>> -> memref<1x80xi32, #tpu.memory_space<vmem>>
      %dma_start3A_15 = tpu.memref_squeeze %dma_start3A_14 : memref<1x80xi32, #tpu.memory_space<vmem>> -> memref<80xi32, #tpu.memory_space<vmem>>
      %dma_start3A_16 = arith.constant 0 : i32
      %dma_start3A_17 = arith.constant 0 : i32
      %dma_start3A_18 = tpu.memref_slice %arg2[%dma_start3A_16, %dma_start3A_17] : memref<10000x128xf32, #tpu.memory_space<hbm>> -> memref<10000x128xf32, #tpu.memory_space<hbm>>
      tpu.enqueue_indirect_dma source(%dma_start3A_18 : memref<10000x128xf32, #tpu.memory_space<hbm>>) target(%arg9 : memref<80x128xf32, #tpu.memory_space<vmem>>) offsets(%dma_start3A_15 : memref<80xi32, #tpu.memory_space<vmem>>) semaphore(%arg11 : memref<!tpu.dma_semaphore, #tpu.memory_space<semaphore_mem>>)
      %dma_start3A_19 = arith.constant 0 : i32
      %dma_start3A_20 = tpu.memref_slice %arg8[%scan3A_9, %dma_start3A_19] : memref<125x80xi32, #tpu.memory_space<vmem>> -> memref<1x80xi32, #tpu.memory_space<vmem>>
      %dma_start3A_21 = tpu.memref_squeeze %dma_start3A_20 : memref<1x80xi32, #tpu.memory_space<vmem>> -> memref<80xi32, #tpu.memory_space<vmem>>
      %dma_start3A_22 = arith.constant 0 : i32
      %dma_start3A_23 = arith.constant 0 : i32
      %dma_start3A_24 = tpu.memref_slice %arg2[%dma_start3A_22, %dma_start3A_23] : memref<10000x128xf32, #tpu.memory_space<hbm>> -> memref<10000x128xf32, #tpu.memory_space<hbm>>
      tpu.enqueue_indirect_dma source(%dma_start3A_24 : memref<10000x128xf32, #tpu.memory_space<hbm>>) target(%arg10 : memref<80x128xf32, #tpu.memory_space<vmem>>) offsets(%dma_start3A_21 : memref<80xi32, #tpu.memory_space<vmem>>) semaphore(%arg12 : memref<!tpu.dma_semaphore, #tpu.memory_space<semaphore_mem>>)
      %dma_wait3A = arith.constant 0 : i32
      %dma_wait3A_25 = tpu.memref_slice %arg7[%scan3A_9, %dma_wait3A] : memref<125x80xi32, #tpu.memory_space<vmem>> -> memref<1x80xi32, #tpu.memory_space<vmem>>
      %dma_wait3A_26 = tpu.memref_squeeze %dma_wait3A_25 : memref<1x80xi32, #tpu.memory_space<vmem>> -> memref<80xi32, #tpu.memory_space<vmem>>
      %dma_wait3A_27 = arith.constant 0 : i32
      %dma_wait3A_28 = arith.constant 0 : i32
      %dma_wait3A_29 = tpu.memref_slice %arg2[%dma_wait3A_27, %dma_wait3A_28] : memref<10000x128xf32, #tpu.memory_space<hbm>> -> memref<10000x128xf32, #tpu.memory_space<hbm>>
      tpu.wait_indirect_dma semaphore(%arg11 : memref<!tpu.dma_semaphore, #tpu.memory_space<semaphore_mem>>) src(%dma_wait3A_29 : memref<10000x128xf32, #tpu.memory_space<hbm>>) dst(%arg9 : memref<80x128xf32, #tpu.memory_space<vmem>>)
      "tpu.region"() ({
        %run_scoped3A = tpu.sem_alloc : memref<!tpu.dma_semaphore, #tpu.memory_space<semaphore_mem>>
        %dma_start3A_37 = arith.constant 0 : i32
        %dma_start3A_38 = tpu.memref_slice %arg5[%add3A_13, %dma_start3A_37] : memref<320000x128xf32, #tpu.memory_space<hbm>> -> memref<80x128xf32, #tpu.memory_space<hbm>>
        %dma_start3A_39 = arith.constant 0 : i32
        %dma_start3A_40 = tpu.memref_slice %arg5[%add3A_13, %dma_start3A_39] : memref<320000x128xf32, #tpu.memory_space<hbm>> -> memref<80x128xf32, #tpu.memory_space<hbm>>
        tpu.enqueue_dma source(%arg9 : memref<80x128xf32, #tpu.memory_space<vmem>>) target(%dma_start3A_40 : memref<80x128xf32, #tpu.memory_space<hbm>>) target_semaphore(%run_scoped3A : memref<!tpu.dma_semaphore, #tpu.memory_space<semaphore_mem>>)
        %dma_wait3A_41 = arith.constant 0 : i32
        %dma_wait3A_42 = tpu.memref_slice %arg5[%add3A_13, %dma_wait3A_41] : memref<320000x128xf32, #tpu.memory_space<hbm>> -> memref<80x128xf32, #tpu.memory_space<hbm>>
        %dma_wait3A_43 = arith.constant 0 : i32
        %dma_wait3A_44 = tpu.memref_slice %arg5[%add3A_13, %dma_wait3A_43] : memref<320000x128xf32, #tpu.memory_space<hbm>> -> memref<80x128xf32, #tpu.memory_space<hbm>>
        tpu.wait_dma2 semaphore(%run_scoped3A : memref<!tpu.dma_semaphore, #tpu.memory_space<semaphore_mem>>) src(%arg9 : memref<80x128xf32, #tpu.memory_space<vmem>>) dst(%dma_wait3A_44 : memref<80x128xf32, #tpu.memory_space<hbm>>)
        tpu.yield
      }) : () -> ()
      %dma_wait3A_30 = arith.constant 0 : i32
      %dma_wait3A_31 = tpu.memref_slice %arg8[%scan3A_9, %dma_wait3A_30] : memref<125x80xi32, #tpu.memory_space<vmem>> -> memref<1x80xi32, #tpu.memory_space<vmem>>
      %dma_wait3A_32 = tpu.memref_squeeze %dma_wait3A_31 : memref<1x80xi32, #tpu.memory_space<vmem>> -> memref<80xi32, #tpu.memory_space<vmem>>
      %dma_wait3A_33 = arith.constant 0 : i32
      %dma_wait3A_34 = arith.constant 0 : i32
      %dma_wait3A_35 = tpu.memref_slice %arg2[%dma_wait3A_33, %dma_wait3A_34] : memref<10000x128xf32, #tpu.memory_space<hbm>> -> memref<10000x128xf32, #tpu.memory_space<hbm>>
      tpu.wait_indirect_dma semaphore(%arg12 : memref<!tpu.dma_semaphore, #tpu.memory_space<semaphore_mem>>) src(%dma_wait3A_35 : memref<10000x128xf32, #tpu.memory_space<hbm>>) dst(%arg10 : memref<80x128xf32, #tpu.memory_space<vmem>>)
      "tpu.region"() ({
        %run_scoped3A = tpu.sem_alloc : memref<!tpu.dma_semaphore, #tpu.memory_space<semaphore_mem>>
        %dma_start3A_37 = arith.constant 0 : i32
        %dma_start3A_38 = tpu.memref_slice %arg6[%add3A_13, %dma_start3A_37] : memref<320000x128xf32, #tpu.memory_space<hbm>> -> memref<80x128xf32, #tpu.memory_space<hbm>>
        %dma_start3A_39 = arith.constant 0 : i32
        %dma_start3A_40 = tpu.memref_slice %arg6[%add3A_13, %dma_start3A_39] : memref<320000x128xf32, #tpu.memory_space<hbm>> -> memref<80x128xf32, #tpu.memory_space<hbm>>
        tpu.enqueue_dma source(%arg10 : memref<80x128xf32, #tpu.memory_space<vmem>>) target(%dma_start3A_40 : memref<80x128xf32, #tpu.memory_space<hbm>>) target_semaphore(%run_scoped3A : memref<!tpu.dma_semaphore, #tpu.memory_space<semaphore_mem>>)
        %dma_wait3A_41 = arith.constant 0 : i32
        %dma_wait3A_42 = tpu.memref_slice %arg6[%add3A_13, %dma_wait3A_41] : memref<320000x128xf32, #tpu.memory_space<hbm>> -> memref<80x128xf32, #tpu.memory_space<hbm>>
        %dma_wait3A_43 = arith.constant 0 : i32
        %dma_wait3A_44 = tpu.memref_slice %arg6[%add3A_13, %dma_wait3A_43] : memref<320000x128xf32, #tpu.memory_space<hbm>> -> memref<80x128xf32, #tpu.memory_space<hbm>>
        tpu.wait_dma2 semaphore(%run_scoped3A : memref<!tpu.dma_semaphore, #tpu.memory_space<semaphore_mem>>) src(%arg10 : memref<80x128xf32, #tpu.memory_space<vmem>>) dst(%dma_wait3A_44 : memref<80x128xf32, #tpu.memory_space<hbm>>)
        tpu.yield
      }) : () -> ()
      %scan3A_36 = arith.constant 0 : i32
      scf.yield %scan3A_36 : i32
    }
    %scan3A_8 = arith.constant 125 : i32
    return
  }
}

module attributes {stable_mosaic.version = 14 : i64} {
  func.func @_edge_mlp_body(%arg0: i32, %arg1: memref<2000x128xf32, #tpu.memory_space<vmem>>, %arg2: memref<2000x128xf32, #tpu.memory_space<vmem>>, %arg3: memref<2000x16xf32, #tpu.memory_space<vmem>>, %arg4: memref<128x256xf32, #tpu.memory_space<vmem>>, %arg5: memref<16x256xf32, #tpu.memory_space<vmem>>, %arg6: memref<128x256xf32, #tpu.memory_space<vmem>>, %arg7: memref<1x256xf32, #tpu.memory_space<vmem>>, %arg8: memref<256x256xf32, #tpu.memory_space<vmem>>, %arg9: memref<1x256xf32, #tpu.memory_space<vmem>>, %arg10: memref<256x16xf32, #tpu.memory_space<vmem>>, %arg11: memref<1x16xf32, #tpu.memory_space<vmem>>, %arg12: memref<256x256xf32, #tpu.memory_space<vmem>>, %arg13: memref<1x256xf32, #tpu.memory_space<vmem>>, %arg14: memref<2x2000x128xf32, #tpu.memory_space<vmem>>, %arg15: memref<2000x16xf32, #tpu.memory_space<vmem>>) attributes {dimension_semantics = [#tpu.dimension_semantics<arbitrary>], iteration_bounds = array<i64: 160>, scalar_prefetch = 0 : i64, scratch_operands = 0 : i64, tpu.core_type = #tpu.core_type<tc>, window_params = [{transform_indices = @transform_0, window_bounds = array<i64: 2000, 128>}, {transform_indices = @transform_1, window_bounds = array<i64: 2000, 128>}, {transform_indices = @transform_2, window_bounds = array<i64: 2000, 16>}, {pipeline_mode = #tpu.pipeline_mode<synchronous>, transform_indices = @transform_3, window_bounds = array<i64: 128, 256>}, {pipeline_mode = #tpu.pipeline_mode<synchronous>, transform_indices = @transform_4, window_bounds = array<i64: 16, 256>}, {pipeline_mode = #tpu.pipeline_mode<synchronous>, transform_indices = @transform_5, window_bounds = array<i64: 128, 256>}, {pipeline_mode = #tpu.pipeline_mode<synchronous>, transform_indices = @transform_6, window_bounds = array<i64: 1, 256>}, {pipeline_mode = #tpu.pipeline_mode<synchronous>, transform_indices = @transform_7, window_bounds = array<i64: 256, 256>}, {pipeline_mode = #tpu.pipeline_mode<synchronous>, transform_indices = @transform_8, window_bounds = array<i64: 1, 256>}, {pipeline_mode = #tpu.pipeline_mode<synchronous>, transform_indices = @transform_9, window_bounds = array<i64: 256, 16>}, {pipeline_mode = #tpu.pipeline_mode<synchronous>, transform_indices = @transform_10, window_bounds = array<i64: 1, 16>}, {pipeline_mode = #tpu.pipeline_mode<synchronous>, transform_indices = @transform_11, window_bounds = array<i64: 256, 256>}, {pipeline_mode = #tpu.pipeline_mode<synchronous>, transform_indices = @transform_12, window_bounds = array<i64: 1, 256>}, {transform_indices = @transform_13, window_bounds = array<i64: 2, 2000, 128>}, {transform_indices = @transform_14, window_bounds = array<i64: 2000, 16>}]} {
    %get3A = arith.constant 0 : index
    %get3A_0 = arith.constant 0 : index
    %get3A_1 = vector.load %arg1[%get3A, %get3A_0] : memref<2000x128xf32, #tpu.memory_space<vmem>>, vector<2000x128xf32>
    %get3A_2 = arith.constant 0 : index
    %get3A_3 = arith.constant 0 : index
    %get3A_4 = vector.load %arg4[%get3A_2, %get3A_3] : memref<128x256xf32, #tpu.memory_space<vmem>>, vector<128x256xf32>
    %dot_general3A = arith.constant dense<0.000000e+00> : vector<2000x256xf32>
    %dot_general3A_5 = tpu.matmul %get3A_1, %get3A_4, %dot_general3A {dimension_numbers = #tpu.dot_dimension_numbers<[1], [0], [0], [1], [0, 0, 1, 1], [], []>, transpose_lhs_hint = false} : vector<2000x128xf32>, vector<128x256xf32>, vector<2000x256xf32> -> vector<2000x256xf32>
    %get3A_6 = arith.constant 0 : index
    %get3A_7 = arith.constant 0 : index
    %get3A_8 = vector.load %arg3[%get3A_6, %get3A_7] : memref<2000x16xf32, #tpu.memory_space<vmem>>, vector<2000x16xf32>
    %get3A_9 = arith.constant 0 : index
    %get3A_10 = arith.constant 0 : index
    %get3A_11 = vector.load %arg5[%get3A_9, %get3A_10] : memref<16x256xf32, #tpu.memory_space<vmem>>, vector<16x256xf32>
    %dot_general3A_12 = arith.constant dense<0.000000e+00> : vector<2000x256xf32>
    %dot_general3A_13 = tpu.matmul %get3A_8, %get3A_11, %dot_general3A_12 {dimension_numbers = #tpu.dot_dimension_numbers<[1], [0], [0], [1], [0, 0, 1, 1], [], []>, transpose_lhs_hint = false} : vector<2000x16xf32>, vector<16x256xf32>, vector<2000x256xf32> -> vector<2000x256xf32>
    %add3A = arith.addf %dot_general3A_5, %dot_general3A_13 : vector<2000x256xf32>
    %get3A_14 = arith.constant 0 : index
    %get3A_15 = arith.constant 0 : index
    %get3A_16 = vector.load %arg2[%get3A_14, %get3A_15] : memref<2000x128xf32, #tpu.memory_space<vmem>>, vector<2000x128xf32>
    %get3A_17 = arith.constant 0 : index
    %get3A_18 = arith.constant 0 : index
    %get3A_19 = vector.load %arg6[%get3A_17, %get3A_18] : memref<128x256xf32, #tpu.memory_space<vmem>>, vector<128x256xf32>
    %dot_general3A_20 = arith.constant dense<0.000000e+00> : vector<2000x256xf32>
    %dot_general3A_21 = tpu.matmul %get3A_16, %get3A_19, %dot_general3A_20 {dimension_numbers = #tpu.dot_dimension_numbers<[1], [0], [0], [1], [0, 0, 1, 1], [], []>, transpose_lhs_hint = false} : vector<2000x128xf32>, vector<128x256xf32>, vector<2000x256xf32> -> vector<2000x256xf32>
    %add3A_22 = arith.addf %add3A, %dot_general3A_21 : vector<2000x256xf32>
    %get3A_23 = arith.constant 0 : index
    %get3A_24 = arith.constant 0 : index
    %get3A_25 = vector.load %arg7[%get3A_23, %get3A_24] : memref<1x256xf32, #tpu.memory_space<vmem>>, vector<1x256xf32>
    %add3A_26 = vector.broadcast %get3A_25 : vector<1x256xf32> to vector<2000x256xf32>
    %add3A_27 = arith.addf %add3A_22, %add3A_26 : vector<2000x256xf32>
    %max3A = arith.constant 0.000000e+00 : f32
    %max3A_28 = vector.broadcast %max3A : f32 to vector<2000x256xf32>
    %max3A_29 = arith.maximumf %add3A_27, %max3A_28 : vector<2000x256xf32>
    %get3A_30 = arith.constant 0 : index
    %get3A_31 = arith.constant 0 : index
    %get3A_32 = vector.load %arg8[%get3A_30, %get3A_31] : memref<256x256xf32, #tpu.memory_space<vmem>>, vector<256x256xf32>
    %dot_general3A_33 = arith.constant dense<0.000000e+00> : vector<2000x256xf32>
    %dot_general3A_34 = tpu.matmul %max3A_29, %get3A_32, %dot_general3A_33 {dimension_numbers = #tpu.dot_dimension_numbers<[1], [0], [0], [1], [0, 0, 1, 1], [], []>, transpose_lhs_hint = false} : vector<2000x256xf32>, vector<256x256xf32>, vector<2000x256xf32> -> vector<2000x256xf32>
    %get3A_35 = arith.constant 0 : index
    %get3A_36 = arith.constant 0 : index
    %get3A_37 = vector.load %arg9[%get3A_35, %get3A_36] : memref<1x256xf32, #tpu.memory_space<vmem>>, vector<1x256xf32>
    %add3A_38 = vector.broadcast %get3A_37 : vector<1x256xf32> to vector<2000x256xf32>
    %add3A_39 = arith.addf %dot_general3A_34, %add3A_38 : vector<2000x256xf32>
    %get3A_40 = arith.constant 0 : index
    %get3A_41 = arith.constant 0 : index
    %get3A_42 = vector.load %arg12[%get3A_40, %get3A_41] : memref<256x256xf32, #tpu.memory_space<vmem>>, vector<256x256xf32>
    %dot_general3A_43 = arith.constant dense<0.000000e+00> : vector<2000x256xf32>
    %dot_general3A_44 = tpu.matmul %max3A_29, %get3A_42, %dot_general3A_43 {dimension_numbers = #tpu.dot_dimension_numbers<[1], [0], [0], [1], [0, 0, 1, 1], [], []>, transpose_lhs_hint = false} : vector<2000x256xf32>, vector<256x256xf32>, vector<2000x256xf32> -> vector<2000x256xf32>
    %get3A_45 = arith.constant 0 : index
    %get3A_46 = arith.constant 0 : index
    %get3A_47 = vector.load %arg13[%get3A_45, %get3A_46] : memref<1x256xf32, #tpu.memory_space<vmem>>, vector<1x256xf32>
    %add3A_48 = vector.broadcast %get3A_47 : vector<1x256xf32> to vector<2000x256xf32>
    %add3A_49 = arith.addf %dot_general3A_44, %add3A_48 : vector<2000x256xf32>
    %max3A_50 = arith.constant 0.000000e+00 : f32
    %max3A_51 = vector.broadcast %max3A_50 : f32 to vector<2000x256xf32>
    %max3A_52 = arith.maximumf %add3A_39, %max3A_51 : vector<2000x256xf32>
    %max3A_53 = arith.constant 0.000000e+00 : f32
    %max3A_54 = vector.broadcast %max3A_53 : f32 to vector<2000x256xf32>
    %max3A_55 = arith.maximumf %add3A_49, %max3A_54 : vector<2000x256xf32>
    %add3A_56 = arith.addf %max3A_52, %max3A_55 : vector<2000x256xf32>
    %slice3A = vector.extract_strided_slice %add3A_56 {offsets = [0, 0], sizes = [2000, 128], strides = [1, 1]} : vector<2000x256xf32> to vector<2000x128xf32>
    %swap3A = arith.constant 0 : index
    %swap3A_57 = arith.constant 0 : index
    %swap3A_58 = arith.constant 0 : index
    %swap3A_59 = vector.load %arg14[%swap3A, %swap3A_57, %swap3A_58] : memref<2x2000x128xf32, #tpu.memory_space<vmem>>, vector<1x2000x128xf32>
    %swap3A_60 = vector.shape_cast %swap3A_59 : vector<1x2000x128xf32> to vector<2000x128xf32>
    %swap3A_61 = vector.shape_cast %slice3A : vector<2000x128xf32> to vector<1x2000x128xf32>
    tpu.vector_store %arg14[%swap3A, %swap3A_57, %swap3A_58], %swap3A_61 {strides = array<i32>} : memref<2x2000x128xf32, #tpu.memory_space<vmem>>, vector<1x2000x128xf32>,
    %slice3A_62 = vector.extract_strided_slice %add3A_56 {offsets = [0, 128], sizes = [2000, 128], strides = [1, 1]} : vector<2000x256xf32> to vector<2000x128xf32>
    %swap3A_63 = arith.constant 1 : index
    %swap3A_64 = arith.constant 0 : index
    %swap3A_65 = arith.constant 0 : index
    %swap3A_66 = vector.load %arg14[%swap3A_63, %swap3A_64, %swap3A_65] : memref<2x2000x128xf32, #tpu.memory_space<vmem>>, vector<1x2000x128xf32>
    %swap3A_67 = vector.shape_cast %swap3A_66 : vector<1x2000x128xf32> to vector<2000x128xf32>
    %swap3A_68 = vector.shape_cast %slice3A_62 : vector<2000x128xf32> to vector<1x2000x128xf32>
    tpu.vector_store %arg14[%swap3A_63, %swap3A_64, %swap3A_65], %swap3A_68 {strides = array<i32>} : memref<2x2000x128xf32, #tpu.memory_space<vmem>>, vector<1x2000x128xf32>,
    %get3A_69 = arith.constant 0 : index
    %get3A_70 = arith.constant 0 : index
    %get3A_71 = vector.load %arg10[%get3A_69, %get3A_70] : memref<256x16xf32, #tpu.memory_space<vmem>>, vector<256x16xf32>
    %dot_general3A_72 = arith.constant dense<0.000000e+00> : vector<2000x16xf32>
    %dot_general3A_73 = tpu.matmul %max3A_29, %get3A_71, %dot_general3A_72 {dimension_numbers = #tpu.dot_dimension_numbers<[1], [0], [0], [1], [0, 0, 1, 1], [], []>, transpose_lhs_hint = false} : vector<2000x256xf32>, vector<256x16xf32>, vector<2000x16xf32> -> vector<2000x16xf32>
    %get3A_74 = arith.constant 0 : index
    %get3A_75 = arith.constant 0 : index
    %get3A_76 = vector.load %arg11[%get3A_74, %get3A_75] : memref<1x16xf32, #tpu.memory_space<vmem>>, vector<1x16xf32>
    %add3A_77 = vector.broadcast %get3A_76 : vector<1x16xf32> to vector<2000x16xf32>
    %add3A_78 = arith.addf %dot_general3A_73, %add3A_77 : vector<2000x16xf32>
    %max3A_79 = arith.constant 0.000000e+00 : f32
    %max3A_80 = vector.broadcast %max3A_79 : f32 to vector<2000x16xf32>
    %max3A_81 = arith.maximumf %add3A_78, %max3A_80 : vector<2000x16xf32>
    %swap3A_82 = arith.constant 0 : index
    %swap3A_83 = arith.constant 0 : index
    %swap3A_84 = vector.load %arg15[%swap3A_82, %swap3A_83] : memref<2000x16xf32, #tpu.memory_space<vmem>>, vector<2000x16xf32>
    tpu.vector_store %arg15[%swap3A_82, %swap3A_83], %max3A_81 {strides = array<i32>} : memref<2000x16xf32, #tpu.memory_space<vmem>>, vector<2000x16xf32>,
    return
  }
  func.func @transform_0(%arg0: i32) -> (i32, i32) {
    %c0_i32 = arith.constant 0 : i32
    %c0_i32_0 = arith.constant 0 : i32
    return %arg0, %c0_i32 : i32, i32
  }
  func.func @transform_1(%arg0: i32) -> (i32, i32) {
    %c0_i32 = arith.constant 0 : i32
    %c0_i32_0 = arith.constant 0 : i32
    return %arg0, %c0_i32 : i32, i32
  }
  func.func @transform_2(%arg0: i32) -> (i32, i32) {
    %c0_i32 = arith.constant 0 : i32
    %c0_i32_0 = arith.constant 0 : i32
    return %arg0, %c0_i32 : i32, i32
  }
  func.func @transform_3(%arg0: i32) -> (i32, i32) {
    %c0_i32 = arith.constant 0 : i32
    %c0_i32_0 = arith.constant 0 : i32
    %c0_i32_1 = arith.constant 0 : i32
    return %c0_i32, %c0_i32_0 : i32, i32
  }
  func.func @transform_4(%arg0: i32) -> (i32, i32) {
    %c0_i32 = arith.constant 0 : i32
    %c0_i32_0 = arith.constant 0 : i32
    %c0_i32_1 = arith.constant 0 : i32
    return %c0_i32, %c0_i32_0 : i32, i32
  }
  func.func @transform_5(%arg0: i32) -> (i32, i32) {
    %c0_i32 = arith.constant 0 : i32
    %c0_i32_0 = arith.constant 0 : i32
    %c0_i32_1 = arith.constant 0 : i32
    return %c0_i32, %c0_i32_0 : i32, i32
  }
  func.func @transform_6(%arg0: i32) -> (i32, i32) {
    %c0_i32 = arith.constant 0 : i32
    %c0_i32_0 = arith.constant 0 : i32
    %c0_i32_1 = arith.constant 0 : i32
    return %c0_i32, %c0_i32_0 : i32, i32
  }
  func.func @transform_7(%arg0: i32) -> (i32, i32) {
    %c0_i32 = arith.constant 0 : i32
    %c0_i32_0 = arith.constant 0 : i32
    %c0_i32_1 = arith.constant 0 : i32
    return %c0_i32, %c0_i32_0 : i32, i32
  }
  func.func @transform_8(%arg0: i32) -> (i32, i32) {
    %c0_i32 = arith.constant 0 : i32
    %c0_i32_0 = arith.constant 0 : i32
    %c0_i32_1 = arith.constant 0 : i32
    return %c0_i32, %c0_i32_0 : i32, i32
  }
  func.func @transform_9(%arg0: i32) -> (i32, i32) {
    %c0_i32 = arith.constant 0 : i32
    %c0_i32_0 = arith.constant 0 : i32
    %c0_i32_1 = arith.constant 0 : i32
    return %c0_i32, %c0_i32_0 : i32, i32
  }
  func.func @transform_10(%arg0: i32) -> (i32, i32) {
    %c0_i32 = arith.constant 0 : i32
    %c0_i32_0 = arith.constant 0 : i32
    %c0_i32_1 = arith.constant 0 : i32
    return %c0_i32, %c0_i32_0 : i32, i32
  }
  func.func @transform_11(%arg0: i32) -> (i32, i32) {
    %c0_i32 = arith.constant 0 : i32
    %c0_i32_0 = arith.constant 0 : i32
    %c0_i32_1 = arith.constant 0 : i32
    return %c0_i32, %c0_i32_0 : i32, i32
  }
  func.func @transform_12(%arg0: i32) -> (i32, i32) {
    %c0_i32 = arith.constant 0 : i32
    %c0_i32_0 = arith.constant 0 : i32
    %c0_i32_1 = arith.constant 0 : i32
    return %c0_i32, %c0_i32_0 : i32, i32
  }
  func.func @transform_13(%arg0: i32) -> (i32, i32, i32) {
    %c0_i32 = arith.constant 0 : i32
    %c0_i32_0 = arith.constant 0 : i32
    %c0_i32_1 = arith.constant 0 : i32
    return %c0_i32, %arg0, %c0_i32_0 : i32, i32, i32
  }
  func.func @transform_14(%arg0: i32) -> (i32, i32) {
    %c0_i32 = arith.constant 0 : i32
    %c0_i32_0 = arith.constant 0 : i32
    return %arg0, %c0_i32 : i32, i32
  }
}

module attributes {stable_mosaic.version = 14 : i64} {
  func.func @_node_mlp_body(%arg0: i32, %arg1: memref<2000x256xf32, #tpu.memory_space<vmem>>, %arg2: memref<256x256xf32, #tpu.memory_space<vmem>>, %arg3: memref<1x256xf32, #tpu.memory_space<vmem>>, %arg4: memref<256x128xf32, #tpu.memory_space<vmem>>, %arg5: memref<1x128xf32, #tpu.memory_space<vmem>>, %arg6: memref<2000x128xf32, #tpu.memory_space<vmem>>) attributes {dimension_semantics = [#tpu.dimension_semantics<arbitrary>], iteration_bounds = array<i64: 5>, scalar_prefetch = 0 : i64, scratch_operands = 0 : i64, tpu.core_type = #tpu.core_type<tc>, window_params = [{transform_indices = @transform_0, window_bounds = array<i64: 2000, 256>}, {pipeline_mode = #tpu.pipeline_mode<synchronous>, transform_indices = @transform_1, window_bounds = array<i64: 256, 256>}, {pipeline_mode = #tpu.pipeline_mode<synchronous>, transform_indices = @transform_2, window_bounds = array<i64: 1, 256>}, {pipeline_mode = #tpu.pipeline_mode<synchronous>, transform_indices = @transform_3, window_bounds = array<i64: 256, 128>}, {pipeline_mode = #tpu.pipeline_mode<synchronous>, transform_indices = @transform_4, window_bounds = array<i64: 1, 128>}, {transform_indices = @transform_5, window_bounds = array<i64: 2000, 128>}]} {
    %get3A = arith.constant 0 : index
    %get3A_0 = arith.constant 0 : index
    %get3A_1 = vector.load %arg1[%get3A, %get3A_0] : memref<2000x256xf32, #tpu.memory_space<vmem>>, vector<2000x256xf32>
    %get3A_2 = arith.constant 0 : index
    %get3A_3 = arith.constant 0 : index
    %get3A_4 = vector.load %arg2[%get3A_2, %get3A_3] : memref<256x256xf32, #tpu.memory_space<vmem>>, vector<256x256xf32>
    %dot_general3A = arith.constant dense<0.000000e+00> : vector<2000x256xf32>
    %dot_general3A_5 = tpu.matmul %get3A_1, %get3A_4, %dot_general3A {dimension_numbers = #tpu.dot_dimension_numbers<[1], [0], [0], [1], [0, 0, 1, 1], [], []>, transpose_lhs_hint = false} : vector<2000x256xf32>, vector<256x256xf32>, vector<2000x256xf32> -> vector<2000x256xf32>
    %get3A_6 = arith.constant 0 : index
    %get3A_7 = arith.constant 0 : index
    %get3A_8 = vector.load %arg3[%get3A_6, %get3A_7] : memref<1x256xf32, #tpu.memory_space<vmem>>, vector<1x256xf32>
    %add3A = vector.broadcast %get3A_8 : vector<1x256xf32> to vector<2000x256xf32>
    %add3A_9 = arith.addf %dot_general3A_5, %add3A : vector<2000x256xf32>
    %max3A = arith.constant 0.000000e+00 : f32
    %max3A_10 = vector.broadcast %max3A : f32 to vector<2000x256xf32>
    %max3A_11 = arith.maximumf %add3A_9, %max3A_10 : vector<2000x256xf32>
    %get3A_12 = arith.constant 0 : index
    %get3A_13 = arith.constant 0 : index
    %get3A_14 = vector.load %arg4[%get3A_12, %get3A_13] : memref<256x128xf32, #tpu.memory_space<vmem>>, vector<256x128xf32>
    %dot_general3A_15 = arith.constant dense<0.000000e+00> : vector<2000x128xf32>
    %dot_general3A_16 = tpu.matmul %max3A_11, %get3A_14, %dot_general3A_15 {dimension_numbers = #tpu.dot_dimension_numbers<[1], [0], [0], [1], [0, 0, 1, 1], [], []>, transpose_lhs_hint = false} : vector<2000x256xf32>, vector<256x128xf32>, vector<2000x128xf32> -> vector<2000x128xf32>
    %get3A_17 = arith.constant 0 : index
    %get3A_18 = arith.constant 0 : index
    %get3A_19 = vector.load %arg5[%get3A_17, %get3A_18] : memref<1x128xf32, #tpu.memory_space<vmem>>, vector<1x128xf32>
    %add3A_20 = vector.broadcast %get3A_19 : vector<1x128xf32> to vector<2000x128xf32>
    %add3A_21 = arith.addf %dot_general3A_16, %add3A_20 : vector<2000x128xf32>
    %max3A_22 = arith.constant 0.000000e+00 : f32
    %max3A_23 = vector.broadcast %max3A_22 : f32 to vector<2000x128xf32>
    %max3A_24 = arith.maximumf %add3A_21, %max3A_23 : vector<2000x128xf32>
    %swap3A = arith.constant 0 : index
    %swap3A_25 = arith.constant 0 : index
    %swap3A_26 = vector.load %arg6[%swap3A, %swap3A_25] : memref<2000x128xf32, #tpu.memory_space<vmem>>, vector<2000x128xf32>
    tpu.vector_store %arg6[%swap3A, %swap3A_25], %max3A_24 {strides = array<i32>} : memref<2000x128xf32, #tpu.memory_space<vmem>>, vector<2000x128xf32>,
    return
  }
  func.func @transform_0(%arg0: i32) -> (i32, i32) {
    %c0_i32 = arith.constant 0 : i32
    %c0_i32_0 = arith.constant 0 : i32
    return %arg0, %c0_i32 : i32, i32
  }
  func.func @transform_1(%arg0: i32) -> (i32, i32) {
    %c0_i32 = arith.constant 0 : i32
    %c0_i32_0 = arith.constant 0 : i32
    %c0_i32_1 = arith.constant 0 : i32
    return %c0_i32, %c0_i32_0 : i32, i32
  }
  func.func @transform_2(%arg0: i32) -> (i32, i32) {
    %c0_i32 = arith.constant 0 : i32
    %c0_i32_0 = arith.constant 0 : i32
    %c0_i32_1 = arith.constant 0 : i32
    return %c0_i32, %c0_i32_0 : i32, i32
  }
  func.func @transform_3(%arg0: i32) -> (i32, i32) {
    %c0_i32 = arith.constant 0 : i32
    %c0_i32_0 = arith.constant 0 : i32
    %c0_i32_1 = arith.constant 0 : i32
    return %c0_i32, %c0_i32_0 : i32, i32
  }
  func.func @transform_4(%arg0: i32) -> (i32, i32) {
    %c0_i32 = arith.constant 0 : i32
    %c0_i32_0 = arith.constant 0 : i32
    %c0_i32_1 = arith.constant 0 : i32
    return %c0_i32, %c0_i32_0 : i32, i32
  }
  func.func @transform_5(%arg0: i32) -> (i32, i32) {
    %c0_i32 = arith.constant 0 : i32
    %c0_i32_0 = arith.constant 0 : i32
    return %arg0, %c0_i32 : i32, i32
  }
}

module attributes {stable_mosaic.version = 14 : i64} {
  func.func @_node_mlp_body(%arg0: i32, %arg1: memref<2000x256xf32, #tpu.memory_space<vmem>>, %arg2: memref<256x256xf32, #tpu.memory_space<vmem>>, %arg3: memref<1x256xf32, #tpu.memory_space<vmem>>, %arg4: memref<256x128xf32, #tpu.memory_space<vmem>>, %arg5: memref<1x128xf32, #tpu.memory_space<vmem>>, %arg6: memref<2000x128xf32, #tpu.memory_space<vmem>>) attributes {dimension_semantics = [#tpu.dimension_semantics<arbitrary>], iteration_bounds = array<i64: 5>, scalar_prefetch = 0 : i64, scratch_operands = 0 : i64, tpu.core_type = #tpu.core_type<tc>, window_params = [{transform_indices = @transform_0, window_bounds = array<i64: 2000, 256>}, {pipeline_mode = #tpu.pipeline_mode<synchronous>, transform_indices = @transform_1, window_bounds = array<i64: 256, 256>}, {pipeline_mode = #tpu.pipeline_mode<synchronous>, transform_indices = @transform_2, window_bounds = array<i64: 1, 256>}, {pipeline_mode = #tpu.pipeline_mode<synchronous>, transform_indices = @transform_3, window_bounds = array<i64: 256, 128>}, {pipeline_mode = #tpu.pipeline_mode<synchronous>, transform_indices = @transform_4, window_bounds = array<i64: 1, 128>}, {transform_indices = @transform_5, window_bounds = array<i64: 2000, 128>}]} {
    %get3A = arith.constant 0 : index
    %get3A_0 = arith.constant 0 : index
    %get3A_1 = vector.load %arg1[%get3A, %get3A_0] : memref<2000x256xf32, #tpu.memory_space<vmem>>, vector<2000x256xf32>
    %get3A_2 = arith.constant 0 : index
    %get3A_3 = arith.constant 0 : index
    %get3A_4 = vector.load %arg2[%get3A_2, %get3A_3] : memref<256x256xf32, #tpu.memory_space<vmem>>, vector<256x256xf32>
    %dot_general3A = arith.constant dense<0.000000e+00> : vector<2000x256xf32>
    %dot_general3A_5 = tpu.matmul %get3A_1, %get3A_4, %dot_general3A {dimension_numbers = #tpu.dot_dimension_numbers<[1], [0], [0], [1], [0, 0, 1, 1], [], []>, transpose_lhs_hint = false} : vector<2000x256xf32>, vector<256x256xf32>, vector<2000x256xf32> -> vector<2000x256xf32>
    %get3A_6 = arith.constant 0 : index
    %get3A_7 = arith.constant 0 : index
    %get3A_8 = vector.load %arg3[%get3A_6, %get3A_7] : memref<1x256xf32, #tpu.memory_space<vmem>>, vector<1x256xf32>
    %add3A = vector.broadcast %get3A_8 : vector<1x256xf32> to vector<2000x256xf32>
    %add3A_9 = arith.addf %dot_general3A_5, %add3A : vector<2000x256xf32>
    %max3A = arith.constant 0.000000e+00 : f32
    %max3A_10 = vector.broadcast %max3A : f32 to vector<2000x256xf32>
    %max3A_11 = arith.maximumf %add3A_9, %max3A_10 : vector<2000x256xf32>
    %get3A_12 = arith.constant 0 : index
    %get3A_13 = arith.constant 0 : index
    %get3A_14 = vector.load %arg4[%get3A_12, %get3A_13] : memref<256x128xf32, #tpu.memory_space<vmem>>, vector<256x128xf32>
    %dot_general3A_15 = arith.constant dense<0.000000e+00> : vector<2000x128xf32>
    %dot_general3A_16 = tpu.matmul %max3A_11, %get3A_14, %dot_general3A_15 {dimension_numbers = #tpu.dot_dimension_numbers<[1], [0], [0], [1], [0, 0, 1, 1], [], []>, transpose_lhs_hint = false} : vector<2000x256xf32>, vector<256x128xf32>, vector<2000x128xf32> -> vector<2000x128xf32>
    %get3A_17 = arith.constant 0 : index
    %get3A_18 = arith.constant 0 : index
    %get3A_19 = vector.load %arg5[%get3A_17, %get3A_18] : memref<1x128xf32, #tpu.memory_space<vmem>>, vector<1x128xf32>
    %add3A_20 = vector.broadcast %get3A_19 : vector<1x128xf32> to vector<2000x128xf32>
    %add3A_21 = arith.addf %dot_general3A_16, %add3A_20 : vector<2000x128xf32>
    %swap3A = arith.constant 0 : index
    %swap3A_22 = arith.constant 0 : index
    %swap3A_23 = vector.load %arg6[%swap3A, %swap3A_22] : memref<2000x128xf32, #tpu.memory_space<vmem>>, vector<2000x128xf32>
    tpu.vector_store %arg6[%swap3A, %swap3A_22], %add3A_21 {strides = array<i32>} : memref<2000x128xf32, #tpu.memory_space<vmem>>, vector<2000x128xf32>,
    return
  }
  func.func @transform_0(%arg0: i32) -> (i32, i32) {
    %c0_i32 = arith.constant 0 : i32
    %c0_i32_0 = arith.constant 0 : i32
    return %arg0, %c0_i32 : i32, i32
  }
  func.func @transform_1(%arg0: i32) -> (i32, i32) {
    %c0_i32 = arith.constant 0 : i32
    %c0_i32_0 = arith.constant 0 : i32
    %c0_i32_1 = arith.constant 0 : i32
    return %c0_i32, %c0_i32_0 : i32, i32
  }
  func.func @transform_2(%arg0: i32) -> (i32, i32) {
    %c0_i32 = arith.constant 0 : i32
    %c0_i32_0 = arith.constant 0 : i32
    %c0_i32_1 = arith.constant 0 : i32
    return %c0_i32, %c0_i32_0 : i32, i32
  }
  func.func @transform_3(%arg0: i32) -> (i32, i32) {
    %c0_i32 = arith.constant 0 : i32
    %c0_i32_0 = arith.constant 0 : i32
    %c0_i32_1 = arith.constant 0 : i32
    return %c0_i32, %c0_i32_0 : i32, i32
  }
  func.func @transform_4(%arg0: i32) -> (i32, i32) {
    %c0_i32 = arith.constant 0 : i32
    %c0_i32_0 = arith.constant 0 : i32
    %c0_i32_1 = arith.constant 0 : i32
    return %c0_i32, %c0_i32_0 : i32, i32
  }
  func.func @transform_5(%arg0: i32) -> (i32, i32) {
    %c0_i32 = arith.constant 0 : i32
    %c0_i32_0 = arith.constant 0 : i32
    return %arg0, %c0_i32 : i32, i32
  }
}

</mosaic_0001>

<sc_bundles>
// kernel: kernel.10.cloned.1.call-start
scs
__scs_entry_jumppad:
0x0: {  	(pc) =	sbr.rel $0x88, $3  }
0x1: {  	(tag) =	ssettag $0x0;
	lr =	simm.s32 $0x1  }
0x2: {  	[smem:$0x3F8E] =	sst lr;
	_ =	strace $0xD0000000  }
0x3: {  	_ = 	snop  }
0x4: {  	_ = 	snop  }
0x5: {  	_ = 	snop  }
0x6: {  	_ = 	snop  }
0x7: {  	_ = 	snop  }
__scs_overlays_trampoline_lowered:
0x8: {  	[smem:$0x3F9D] =	sst s0  }
0x9: {  	[smem:$0x3F9E] =	sst s1  }
0xa: {  	[smem:$0x3F9F] =	sst s2  }
0xb: {  	[smem:$0x3FA0] =	sst s3  }
0xc: {  	[smem:$0x3FA1] =	sst s4  }
0xd: {  	[smem:$0x3FA2] =	sst s5  }
0xe: {  	[smem:$0x3FA3] =	sst s6  }
0xf: {  	[smem:$0x3FA4] =	sst s7  }
0x10: {  	[smem:$0x3FA5] =	sst s8  }
0x11: {  	[smem:$0x3FA6] =	sst s9;
	s0 =	simm.s32 @!p0 $0x0  }
0x12: {  	s1 =	sld [smem:$0x3F8C];
	s0 =	simm.s32 @p0 $0x1  }
0x13: {  	[smem:$0x3FA7] =	sst s0;
	s0 =	simm.s32 @!p1 $0x0  }
0x14: {  	s2 =	sld [smem:$0x3F8B];
	s0 =	simm.s32 @p1 $0x1  }
0x15: {  	[smem:$0x3FA8] =	sst s0;
	s0 =	simm.s32 @!p2 $0x0  }
0x16: {  	s3 =	sld [smem:$0x3FDB];
	s0 =	simm.s32 @p2 $0x1  }
0x17: {  	s4 =	simm.s32 $0x1BF5;
	[smem:$0x3FAA] =	sst s0  }
0x18: {  	s0 =	sld [smem:$0x3F8D];
	_ =	swait.ge [sflag:s4], $0x0  }
0x19: {  	s7 =	sld [smem:$0x3F8E]  }
0x1a: {  	s8 =	sadd.s32 $0xFFFFE003, lr  }
0x1b: {  	s9 =	sadd.s32 $0xFFFFFEF7, lr;
	s5 =	simm.s32 $0xFFFFFFFF;
	p2 =	slt.u32 s8, $0xFFFFF086  }
0x1c: {  	p1 =	slt.u32 s9, $0xF7A;
	s5 =	simm.s32 @!p2 $0x0  }
0x1d: {  	s5 =	simm.s32 @p1 $0x1;
	p0 =	seq.s32 s7, s2  }
0x1e: {  	s7 =	smul.u32 @!p0 $0xF7A, s2;
	p2 =	seq.s32 @!p0 s5, $0x0  }
0x1f: {  	s9 =	smul.u32 $0xF7A, s1;
	s8 =	simm.s32 @!p0 $0x1BF5;
	p2 =	por !p2, p0  }
0x20: {  	[sflag:s8] =	ssyncset.s32 @!p0 $0xFFFFF086;
	s6 =	sadd.s32 @!p0 s3, s7;
	s7 =	simm.s32 @!p0 $0x108  }
0x21: {  	s3 =	sadd.s32 s3, s9;
	s6 =	sadd.s32 @!p0 $0x88, s6;
	s7 =	simm.s32 @p2 $0x1082  }
0x22: {  	[simem:s7], [sflag:s8] =	dma.local @!p0 [hbm:s6], $0xF7A  }
0x23: {  	s9 =	sor.u32 $0xD0000000, s2;
	s6 =	simm.s32 $0x108;
	_ =	swait.ge @!p0 [sflag:s8], $0x0  }
0x24: {  	s3 =	sadd.s32 $0x88, s3;
	s6 =	simm.s32 @!p1 $0x1082;
	[sflag:s4] =	ssyncset.s32 $0xFFFFF086  }
0x25: {  	[simem:s6], [sflag:s4] =	dma.local [hbm:s3], $0xF7A  }
0x26: {  	[smem:$0x3F8E] =	sst s1;
	(tag) =	ssettag s2;
	_ =	strace s9  }
0x27: {  	s1 =	sld [smem:$0x3F9E]  }
0x28: {  	s2 =	sld [smem:$0x3F9F]  }
0x29: {  	s4 =	sld [smem:$0x3FA1]  }
0x2a: {  	p0 =	seq.s32 s5, $0x0;
	s5 =	sld [smem:$0x3FA2]  }
0x2b: {  	s6 =	sld [smem:$0x3FA3]  }
0x2c: {  	s7 =	sld [smem:$0x3FA4]  }
0x2d: {  	s3 =	simm.s32 $0x108;
	s8 =	sld [smem:$0x3FA5]  }
0x2e: {  	s3 =	simm.s32 @!p0 $0x1082;
	s9 =	sld [smem:$0x3FA6]  }
0x2f: {  	lr =	sadd.s32 s0, s3;
	s0 =	sld [smem:$0x3F9D]  }
0x30: {  	s3 =	sld [smem:$0x3FA0]  }
0x31: {  	[smem:$0x3FA9] =	sst s10  }
0x32: {  	s10 =	sld [smem:$0x3FA7];
	_ =	sdelay $0x3  }
0x33: {  	p0 =	seq.s32 s10, $0x1;
	s10 =	sld [smem:$0x3FA9];
	_ =	sdelay $0x3  }
0x34: {  	[smem:$0x3FA9] =	sst s10  }
0x35: {  	s10 =	sld [smem:$0x3FA8];
	_ =	sdelay $0x3  }
0x36: {  	p1 =	seq.s32 s10, $0x1;
	s10 =	sld [smem:$0x3FA9];
	_ =	sdelay $0x3  }
0x37: {  	[smem:$0x3FA9] =	sst s10  }
0x38: {  	s10 =	sld [smem:$0x3FAA]  }
0x39: {  	_ = 	snop;
	(pc) =	sbr.ind lr, $3  }
0x3a: {  	_ = 	snop  }
0x3b: {  	_ = 	snop  }
0x3c: {  	p2 =	seq.s32 s10, $0x1;
	s10 =	sld [smem:$0x3FA9]  }
0x3d: {  	_ =	shalt  }
0x3e: {  	_ =	shalt  }
0x3f: {  	_ =	shalt  }
0x40: {  	_ =	shalt  }
0x41: {  	_ =	shalt  }
0x42: {  	_ =	shalt  }
0x43: {  	_ =	shalt  }
0x44: {  	_ =	shalt  }
0x45: {  	_ =	shalt  }
0x46: {  	_ =	shalt  }
0x47: {  	_ =	shalt  }
0x48: {  	_ =	shalt  }
0x49: {  	_ =	shalt  }
0x4a: {  	_ =	shalt  }
0x4b: {  	_ =	shalt  }
0x4c: {  	_ =	shalt  }
0x4d: {  	_ =	shalt  }
0x4e: {  	_ =	shalt  }
0x4f: {  	_ =	shalt  }
0x50: {  	_ =	shalt  }
0x51: {  	_ =	shalt  }
0x52: {  	_ =	shalt  }
0x53: {  	_ =	shalt  }
0x54: {  	_ =	shalt  }
0x55: {  	_ =	shalt  }
0x56: {  	_ =	shalt  }
0x57: {  	_ =	shalt  }
0x58: {  	_ =	shalt  }
0x59: {  	_ =	shalt  }
0x5a: {  	_ =	shalt  }
0x5b: {  	_ =	shalt  }
0x5c: {  	_ =	shalt  }
0x5d: {  	_ =	shalt  }
0x5e: {  	_ =	shalt  }
0x5f: {  	_ =	shalt  }
0x60: {  	_ =	shalt  }
0x61: {  	_ =	shalt  }
0x62: {  	_ =	shalt  }
0x63: {  	_ =	shalt  }
0x64: {  	_ =	shalt  }
0x65: {  	_ =	shalt  }
0x66: {  	_ =	shalt  }
0x67: {  	_ =	shalt  }
0x68: {  	_ =	shalt  }
0x69: {  	_ =	shalt  }
0x6a: {  	_ =	shalt  }
0x6b: {  	_ =	shalt  }
0x6c: {  	_ =	shalt  }
0x6d: {  	_ =	shalt  }
0x6e: {  	_ =	shalt  }
0x6f: {  	_ =	shalt  }
0x70: {  	_ =	shalt  }
0x71: {  	_ =	shalt  }
0x72: {  	_ =	shalt  }
0x73: {  	_ =	shalt  }
0x74: {  	_ =	shalt  }
0x75: {  	_ =	shalt  }
0x76: {  	_ =	shalt  }
0x77: {  	_ =	shalt  }
0x78: {  	_ =	shalt  }
0x79: {  	_ =	shalt  }
0x7a: {  	_ =	shalt  }
0x7b: {  	_ =	shalt  }
0x7c: {  	_ =	shalt  }
0x7d: {  	_ =	shalt  }
0x7e: {  	_ =	shalt  }
0x7f: {  	_ =	shalt  }
0x80: {  	_ =	shalt  }
0x81: {  	_ =	shalt  }
0x82: {  	_ =	shalt  }
0x83: {  	_ =	shalt  }
0x84: {  	_ =	shalt  }
0x85: {  	_ =	shalt  }
0x86: {  	_ =	shalt  }
0x87: {  	_ =	shalt  }
.Lfunc_end0:
.L_simem_size_0:
called_computation_lowered:
.L_overlay_start_0:
0x88: {  	s2 =	sld [smem:$0x3FD9]  }
0x89: {  	s3 =	sld [smem:$0x3FFE];
	_ =	sdelay $0x1  }
0x8a: {  	s1 =	srdreg.scid  }
0x8b: {  	s0 =	sand.u32 $0x1, s1  }
0x8c: {  	s17 =	sshll.u32 s0, $0xA;
	s2 =	sadd.s32 s3, s2  }
0x8d: {  	s2 =	sadd.s32 s2, s17  }
0x8e: {  	[smem:$0x3FB5] =	sst s2  }
0x8f: {  	_ = 	snop  }
0x90: {  	s2 =	sld [smem:$0x3FC9];
	(tm) =	ssettm $0x1  }
0x91: {  	s18 =	sld [smem:$0x3FFB];
	_ =	sdelay $0x3  }
0x92: {  	_ =	strace s18  }
0x93: {  	s3 =	sld [smem:$0x3FFC];
	_ =	sdelay $0x3  }
0x94: {  	_ =	strace s3  }
0x95: {  	s3 =	sld [smem:$0x3FFD];
	_ =	sdelay $0x3  }
0x96: {  	_ =	strace s3  }
0x97: {  	_ =	strace $0x8FFFFFFF  }
0x98: {  	s19 =	sld [smem:$0x3FDB];
	_ =	sdelay $0x1  }
0x99: {  	s4 =	simm.s32 $_scs_section_size  }
0x9a: {  	s5 =	simm.s32 $_size__tile_overlayer_lowered;
	s6 =	simm.s32 $_tile_overlayer_lowered  }
0x9b: {  	s22 =	simm.s32 $0x1BFF;
	s21 =	sshll.u32 s6, $0x1;
	s3 =	sadd.s32 s4, s19  }
0x9c: {  	s7 =	simm.s32 $0x0;
	s20 =	sshll.u32 s5, $0x1;
	s5 =	sadd.s32 s21, s3  }
0x9d: {  	[timem:s7], [sflag:s22] =	dma.local [hbm:s5], s20  }
0x9e: {  	_ =	swait.ge [sflag:s22], s20  }
0x9f: {  	s4 =	ssub.s32 $0x0, s20;
	[sflag:s22] =	ssyncset.done $0x0  }
0xa0: {  	[sflag:s22] =	ssyncadd.s32 s4;
	_ =	sdelay $0x1  }
0xa1: {  	s23 =	simm.s32 $0x1B8B  }
0xa2: {  	_ =	swait.ge [sflag:s23], $0x1  }
0xa3: {  	[sflag:s23] =	ssyncset.done $0x0  }
0xa4: {  	s25 =	simm.s32 $0x1B8E;
	s24 =	sld [smem:$0x3FFE];
	[sflag:s23] =	ssyncadd.s32 $0xFFFFFFFF  }
0xa5: {  	s26 =	simm.s32 $execute0_lowered;
	[smem:$0x3FD2] =	sst s25  }
0xa6: {  	s5 =	sshll.u32 s26, $0x1;
	_ =	strace $0x80000046;
	[dreg:$0x1] =	wrdreg $0xFFFFFFFF  }
0xa7: {  	s28 =	simm.s32 $_size_execute0_lowered;
	s3 =	sadd.s32 s3, s5;
	[dreg:$0x0] =	wrdreg $0x0  }
0xa8: {  	s5 =	sshll.u32 s28, $0x1;
	[dreg:$0x2] =	wrdreg s3  }
0xa9: {  	[dreg:$0x3] =	wrdreg s5  }
0xaa: {  	[dreg:$0x4] =	wrdreg $0xC0  }
0xab: {  	_ =	task [dreg:s7], $0x5FFFF  }
0xac: {  	[dreg:$0x1] =	wrdreg $0xFFFFFFFF  }
0xad: {  	[dreg:$0x0] =	wrdreg $0x60  }
0xae: {  	[dreg:$0x2] =	wrdreg s2  }
0xaf: {  	[dreg:$0x3] =	wrdreg s24  }
0xb0: {  	[dreg:$0x4] =	wrdreg $0x9  }
0xb1: {  	_ =	task.clear_ibuf [dreg:s7], $0x5FFFF;
	_ =	strace $0x90000046  }
0xb2: {  	s29 =	simm.s32 $0x9;
	_ =	strace $0x80000048  }
0xb3: {  	_ =	swait.ge [sflag:s29], $0x1  }
0xb4: {  	[sflag:s29] =	ssyncadd.s32 $0xFFFFFFFF  }
0xb5: {  	_ =	strace $0x90000048  }
0xb6: {  	_ =	sfence  }
0xb7: {  	s30 =	sld [smem:$0x0];
	_ =	sdelay $0x2  }
0xb8: {  	s31 =	sshll.u32 s1, $0xD;
	s1 =	sshrl.u32 s1, $0x2  }
0xb9: {  	s3 =	sand.u32 $0x4000, s31;
	s1 =	sadd.s32 s1, s30  }
0xba: {  	s0 =	sor.u32 s3, s0;
	s1 =	sshll.u32 s1, $0x11  }
0xbb: {  	s0 =	sor.u32 s1, s0  }
0xbc: {  	s0 =	sadd.s32 $0x8F2B, s0  }
0xbd: {  	[sflag:s0] =	ssyncadd.remote.s32 $0x1  }
0xbe: {  	_ =	sfence.sel $0xFFFF  }
0xbf: {  	[dreg:$0x0] =	wrdreg $0xFFFFFFFF;
	(pc) =	sbr.abs _section_cstart, $3  }
0xc0: {  	[dreg:$0x1] =	wrdreg $0xFFFFFFFF  }
0xc1: {  	_ =	task.clear_ibuf [dreg:s7], $0x2FFFF;
	_ =	strace $0x9FFFFFFF  }
0xc2: {  	(tm) =	ssettm $0x7FFFFFFF  }
0xc3: {  	_ =	shalt  }
tec
execute0_lowered:
.L_overlay_start_1:
0x0: {  	(tag) =	ssettag $0x1  }
0x1: {  	s1 =	rddreg [dreg:$0x0]  }
0x2: {  	s4 =	rddreg [dreg:$0x1]  }
0x3: {  	s0 =	rddreg [dreg:$0x2]  }
0x4: {  	s3 =	simm.s32 $0x0;
	s5 =	srdreg.scid;
	s2 =	stileid.u32  }
0x5: {  	s9 =	simm.s32 $0x3;
	s10 =	simm.s32 $0x4000;
	s11 =	simm.s32 $0x50  }
0x6: {  	s12 =	simm.s32 $0x8000;
	s13 =	simm.s32 $0xA800;
	s14 =	simm.s32 $0x1  }
0x7: {  	s15 =	simm.s32 $0x2;
	s16 =	simm.s32 $0x0;
	[smem:$0x7FF] =	sst s3  }
0x8: {  	s5 =	sand.u32 $0x1, s5;
	s6 =	sshll.u32 s2, $0xC;
	s8 =	smul.u32 $0x4E200, s2  }
0x9: {  	_ =	strace $0x80000047;
	s7 =	sshll.u32 s5, $0xB;
	s30 =	ssub.s32 $0x2, s5  }
0xa: {  	s5 =	smul.u32 $0x27100, s5;
	s6 =	sor.u32 s7, s6;
	s31 =	sshrl.u32 s30, $0x1  }
0xb: {  	s8 =	sadd.s32 s8, s4;
	s6 =	sadd.s32 s6, s4;
	s7 =	ssub.s32 s30, s31  }
0xc: {  	s8 =	sadd.s32 s5, s8;
	s4 =	sadd.s32 $0x6200, s6;
	s5 =	sadd.s32 $0x16200, s6  }
0xd: {  	s6 =	smax.u32 s7, $0x1;
	s7 =	sadd.s32 $0x26200, s8;
	s8 =	sadd.s32 $0x508200, s8  }
.LBB2_1:
0xe: {  	[tilespmem:s3], [sflag:$0x3] =	stream.linear.gather [hbm4b:s4+s3], $0x3E80, $0x38;
	[tilespmem:$0xD000] =	vst v63  }
0xf: {  	_ =	swait.ge [sflag:s9], $0x3E80  }
0x10: {  	[sflag:s9] =	ssyncset.done $0x0  }
0x11: {  	[sflag:s9] =	ssyncadd.s32 $0xFFFFC180  }
0x12: {  	[tilespmem:s10], [sflag:$0x3] =	stream.linear.gather [hbm4b:s5+s3], $0x3E80, $0x38;
	[tilespmem:$0xD000] =	vst v63  }
0x13: {  	_ =	swait.ge [sflag:s9], $0x3E80  }
0x14: {  	[sflag:s9] =	ssyncset.done $0x0  }
0x15: {  	s17 =	simm.s32 $0x0;
	[sflag:s9] =	ssyncadd.s32 $0xFFFFC180  }
0x16: {  	[tilespmem:s12], [sflag:$0x1] =	stream.indirect.gather [hbm4b:s1+s11], $0x80, s17, s11, $0xb8;
	[tilespmem:$0xD000] =	vst v63  }
0x17: {  	s31 =	simm.s32 $0x4000  }
0x18: {  	[tilespmem:s13], [sflag:$0x2] =	stream.indirect.gather [hbm4b:s1+s11], $0x80, s31, s11, $0xb8;
	[tilespmem:$0xD000] =	vst v63  }
0x19: {  	_ =	swait.ge [sflag:s14], $0x2800  }
0x1a: {  	[sflag:s14] =	ssyncset.done $0x0  }
0x1b: {  	[sflag:s14] =	ssyncadd.s32 $0xFFFFD800  }
0x1c: {  	[hbm4b:s7+s3] =	stream.linear.scatter [tilespmem:s12], [sflag:$0x3], $0x2800, $0x38;
	[tilespmem:$0xD000] =	vst v63  }
0x1d: {  	_ =	swait.ge [sflag:s9], $0x2800  }
0x1e: {  	[sflag:s9] =	ssyncset.done $0x0  }
0x1f: {  	[sflag:s9] =	ssyncadd.s32 $0xFFFFD800  }
0x20: {  	_ =	swait.ge [sflag:s15], $0x2800  }
0x21: {  	[sflag:s15] =	ssyncset.done $0x0  }
0x22: {  	[sflag:s15] =	ssyncadd.s32 $0xFFFFD800  }
0x23: {  	[hbm4b:s8+s3] =	stream.linear.scatter [tilespmem:s13], [sflag:$0x3], $0x2800, $0x38;
	[tilespmem:$0xD000] =	vst v63  }
0x24: {  	s19 =	simm.s32 $0x200;
	s20 =	simm.s32 $0x400;
	_ =	swait.ge [sflag:s9], $0x2800  }
0x25: {  	s18 =	sadd.s32 $0x500, s7;
	s17 =	sadd.s32 $0x500, s8;
	[sflag:s9] =	ssyncset.done $0x0  }
.LBB2_2:
0x26: {  	s21 =	sshra.s32 s19, $0x2  }
0x27: {  	[sflag:s9] =	ssyncadd.s32 $0xFFFFD800;
	s19 =	smov.u32 s20;
	s22 =	sadd.s32 $0x200, s20  }
0x28: {  	[tilespmem:s12], [sflag:$0x1] =	stream.indirect.gather [hbm4b:s1+s11], $0x80, s21, s11, $0xb8;
	[tilespmem:$0xD000] =	vst v63  }
0x29: {  	p0 =	sne.s32 s20, $0xF800;
	s20 =	sadd.s32 $0x4000, s21  }
0x2a: {  	[tilespmem:s13], [sflag:$0x2] =	stream.indirect.gather [hbm4b:s1+s11], $0x80, s20, s11, $0xb8;
	[tilespmem:$0xD000] =	vst v63  }
0x2b: {  	_ =	swait.ge [sflag:s14], $0x2800  }
0x2c: {  	[sflag:s14] =	ssyncset.done $0x0  }
0x2d: {  	[sflag:s14] =	ssyncadd.s32 $0xFFFFD800  }
0x2e: {  	[hbm4b:s18+s3] =	stream.linear.scatter [tilespmem:s12], [sflag:$0x3], $0x2800, $0x38;
	[tilespmem:$0xD000] =	vst v63  }
0x2f: {  	_ =	swait.ge [sflag:s9], $0x2800  }
0x30: {  	[sflag:s9] =	ssyncset.done $0x0  }
0x31: {  	[sflag:s9] =	ssyncadd.s32 $0xFFFFD800  }
0x32: {  	_ =	swait.ge [sflag:s15], $0x2800  }
.Ltmp0:
0x33: {  	[sflag:s15] =	ssyncset.done $0x0;
	(pc) =	sbr.rel @p0 .LBB2_2-.Ltmp0, $4  }
0x34: {  	[sflag:s15] =	ssyncadd.s32 $0xFFFFD800  }
0x35: {  	[hbm4b:s17+s3] =	stream.linear.scatter [tilespmem:s13], [sflag:$0x3], $0x2800, $0x38;
	[tilespmem:$0xD000] =	vst v63  }
0x36: {  	s20 =	smov.u32 s22;
	_ =	swait.ge [sflag:s9], $0x2800  }
0x37: {  	s18 =	sadd.s32 $0x500, s18;
	s17 =	sadd.s32 $0x500, s17;
	[sflag:s9] =	ssyncset.done $0x0  }
0x38: {  	s19 =	sshra.s32 s19, $0x2;
	[sflag:s9] =	ssyncadd.s32 $0xFFFFD800  }
0x39: {  	[tilespmem:s12], [sflag:$0x1] =	stream.indirect.gather [hbm4b:s1+s11], $0x80, s19, s11, $0xb8;
	[tilespmem:$0xD000] =	vst v63  }
0x3a: {  	s19 =	sadd.s32 $0x4000, s19  }
0x3b: {  	[tilespmem:s13], [sflag:$0x2] =	stream.indirect.gather [hbm4b:s1+s11], $0x80, s19, s11, $0xb8;
	[tilespmem:$0xD000] =	vst v63  }
0x3c: {  	_ =	swait.ge [sflag:s14], $0x2800  }
0x3d: {  	[sflag:s14] =	ssyncset.done $0x0  }
0x3e: {  	[sflag:s14] =	ssyncadd.s32 $0xFFFFD800  }
0x3f: {  	[hbm4b:s18+s3] =	stream.linear.scatter [tilespmem:s12], [sflag:$0x3], $0x2800, $0x38;
	[tilespmem:$0xD000] =	vst v63  }
0x40: {  	_ =	swait.ge [sflag:s9], $0x2800  }
0x41: {  	[sflag:s9] =	ssyncset.done $0x0  }
0x42: {  	[sflag:s9] =	ssyncadd.s32 $0xFFFFD800  }
0x43: {  	s16 =	sadd.s32 $0x1, s16;
	_ =	swait.ge [sflag:s15], $0x2800  }
0x44: {  	p0 =	sne.s32 s16, s6;
	[sflag:s15] =	ssyncset.done $0x0  }
.Ltmp1:
0x45: {  	[sflag:s15] =	ssyncadd.s32 $0xFFFFD800;
	(pc) =	sbr.rel @p0 .LBB2_1-.Ltmp1, $4  }
0x46: {  	[hbm4b:s17+s3] =	stream.linear.scatter [tilespmem:s13], [sflag:$0x3], $0x2800, $0x38;
	[tilespmem:$0xD000] =	vst v63  }
0x47: {  	_ =	swait.ge [sflag:s9], $0x2800  }
0x48: {  	[sflag:s9] =	ssyncset.done $0x0  }
0x49: {  	[sflag:s9] =	ssyncadd.s32 $0xFFFFD800  }
0x4a: {  	_ =	sfence.sel $0x180000  }
0x4b: {  	[bflag:$0x0] =	sbarrier.arrive $0xFFFF  }
0x4c: {  	p0 =	sne.s32 s2, $0x0;
	_ =	strace $0x90000047  }
0x4d: {  	s0 =	sadd.s32 @!p0 $0x100000, s0;
	[bflag:$0x2] =	sbarrier.arrive $0xFFFF  }
0x4e: {  	[sflag:s0] =	ssyncadd.tile.s32 @!p0 $0x1;
	_ =	shalt  }
.Lfunc_end2:
_tile_overlayer_lowered:
.L_overlay_start_2:
0x4f: {  	(tag) =	ssettag $0x2  }
0x50: {  	s0 =	rddreg [dreg:$0x0];
	s2 =	stileid.u32  }
0x51: {  	s1 =	rddreg [dreg:$0x1];
	p0 =	sne.s32 s2, $0x0  }
0x52: {  	s3 =	rddreg [dreg:$0x2];
	[bflag:$0x3] =	sbarrier.arrive $0xFFFF;
	s2 =	simm.s32 @!p0 $0x1C03  }
0x53: {  	[timem:s3], [sflag:s2] =	dma.local @!p0 [hbm:s0], s1  }
0x54: {  	s0 =	simm.s32 @!p0 $0x3  }
0x55: {  	_ =	swait.ge @!p0 [sflag:s0], s1  }
0x56: {  	s1 =	ssub.s32 @!p0 $0x0, s1;
	[sflag:s0] =	ssyncset.done @!p0 $0x0  }
0x57: {  	[sflag:s0] =	ssyncadd.s32 @!p0 s1  }
0x58: {  	[bflag:$0x3] =	sbarrier.arrive $0xFFFF  }
0x59: {  	_ =	shalt  }

// kernel: kernel.13.cloned.1.call-start
scs
__scs_entry_jumppad:
0x0: {  	(pc) =	sbr.rel $0x88, $3  }
0x1: {  	(tag) =	ssettag $0x0;
	lr =	simm.s32 $0x1  }
0x2: {  	[smem:$0x3F8E] =	sst lr;
	_ =	strace $0xD0000000  }
0x3: {  	_ = 	snop  }
0x4: {  	_ = 	snop  }
0x5: {  	_ = 	snop  }
0x6: {  	_ = 	snop  }
0x7: {  	_ = 	snop  }
__scs_overlays_trampoline_lowered:
0x8: {  	[smem:$0x3F9D] =	sst s0  }
0x9: {  	[smem:$0x3F9E] =	sst s1  }
0xa: {  	[smem:$0x3F9F] =	sst s2  }
0xb: {  	[smem:$0x3FA0] =	sst s3  }
0xc: {  	[smem:$0x3FA1] =	sst s4  }
0xd: {  	[smem:$0x3FA2] =	sst s5  }
0xe: {  	[smem:$0x3FA3] =	sst s6  }
0xf: {  	[smem:$0x3FA4] =	sst s7  }
0x10: {  	[smem:$0x3FA5] =	sst s8  }
0x11: {  	[smem:$0x3FA6] =	sst s9;
	s0 =	simm.s32 @!p0 $0x0  }
0x12: {  	s1 =	sld [smem:$0x3F8C];
	s0 =	simm.s32 @p0 $0x1  }
0x13: {  	[smem:$0x3FA7] =	sst s0;
	s0 =	simm.s32 @!p1 $0x0  }
0x14: {  	s2 =	sld [smem:$0x3F8B];
	s0 =	simm.s32 @p1 $0x1  }
0x15: {  	[smem:$0x3FA8] =	sst s0;
	s0 =	simm.s32 @!p2 $0x0  }
0x16: {  	s3 =	sld [smem:$0x3FDB];
	s0 =	simm.s32 @p2 $0x1  }
0x17: {  	s4 =	simm.s32 $0x1BF5;
	[smem:$0x3FAA] =	sst s0  }
0x18: {  	s0 =	sld [smem:$0x3F8D];
	_ =	swait.ge [sflag:s4], $0x0  }
0x19: {  	s7 =	sld [smem:$0x3F8E]  }
0x1a: {  	s8 =	sadd.s32 $0xFFFFE003, lr  }
0x1b: {  	s9 =	sadd.s32 $0xFFFFFEF7, lr;
	s5 =	simm.s32 $0xFFFFFFFF;
	p2 =	slt.u32 s8, $0xFFFFF086  }
0x1c: {  	p1 =	slt.u32 s9, $0xF7A;
	s5 =	simm.s32 @!p2 $0x0  }
0x1d: {  	s5 =	simm.s32 @p1 $0x1;
	p0 =	seq.s32 s7, s2  }
0x1e: {  	s7 =	smul.u32 @!p0 $0xF7A, s2;
	p2 =	seq.s32 @!p0 s5, $0x0  }
0x1f: {  	s9 =	smul.u32 $0xF7A, s1;
	s8 =	simm.s32 @!p0 $0x1BF5;
	p2 =	por !p2, p0  }
0x20: {  	[sflag:s8] =	ssyncset.s32 @!p0 $0xFFFFF086;
	s6 =	sadd.s32 @!p0 s3, s7;
	s7 =	simm.s32 @!p0 $0x108  }
0x21: {  	s3 =	sadd.s32 s3, s9;
	s6 =	sadd.s32 @!p0 $0x88, s6;
	s7 =	simm.s32 @p2 $0x1082  }
0x22: {  	[simem:s7], [sflag:s8] =	dma.local @!p0 [hbm:s6], $0xF7A  }
0x23: {  	s9 =	sor.u32 $0xD0000000, s2;
	s6 =	simm.s32 $0x108;
	_ =	swait.ge @!p0 [sflag:s8], $0x0  }
0x24: {  	s3 =	sadd.s32 $0x88, s3;
	s6 =	simm.s32 @!p1 $0x1082;
	[sflag:s4] =	ssyncset.s32 $0xFFFFF086  }
0x25: {  	[simem:s6], [sflag:s4] =	dma.local [hbm:s3], $0xF7A  }
0x26: {  	[smem:$0x3F8E] =	sst s1;
	(tag) =	ssettag s2;
	_ =	strace s9  }
0x27: {  	s1 =	sld [smem:$0x3F9E]  }
0x28: {  	s2 =	sld [smem:$0x3F9F]  }
0x29: {  	s4 =	sld [smem:$0x3FA1]  }
0x2a: {  	p0 =	seq.s32 s5, $0x0;
	s5 =	sld [smem:$0x3FA2]  }
0x2b: {  	s6 =	sld [smem:$0x3FA3]  }
0x2c: {  	s7 =	sld [smem:$0x3FA4]  }
0x2d: {  	s3 =	simm.s32 $0x108;
	s8 =	sld [smem:$0x3FA5]  }
0x2e: {  	s3 =	simm.s32 @!p0 $0x1082;
	s9 =	sld [smem:$0x3FA6]  }
0x2f: {  	lr =	sadd.s32 s0, s3;
	s0 =	sld [smem:$0x3F9D]  }
0x30: {  	s3 =	sld [smem:$0x3FA0]  }
0x31: {  	[smem:$0x3FA9] =	sst s10  }
0x32: {  	s10 =	sld [smem:$0x3FA7];
	_ =	sdelay $0x3  }
0x33: {  	p0 =	seq.s32 s10, $0x1;
	s10 =	sld [smem:$0x3FA9];
	_ =	sdelay $0x3  }
0x34: {  	[smem:$0x3FA9] =	sst s10  }
0x35: {  	s10 =	sld [smem:$0x3FA8];
	_ =	sdelay $0x3  }
0x36: {  	p1 =	seq.s32 s10, $0x1;
	s10 =	sld [smem:$0x3FA9];
	_ =	sdelay $0x3  }
0x37: {  	[smem:$0x3FA9] =	sst s10  }
0x38: {  	s10 =	sld [smem:$0x3FAA]  }
0x39: {  	_ = 	snop;
	(pc) =	sbr.ind lr, $3  }
0x3a: {  	_ = 	snop  }
0x3b: {  	_ = 	snop  }
0x3c: {  	p2 =	seq.s32 s10, $0x1;
	s10 =	sld [smem:$0x3FA9]  }
0x3d: {  	_ =	shalt  }
0x3e: {  	_ =	shalt  }
0x3f: {  	_ =	shalt  }
0x40: {  	_ =	shalt  }
0x41: {  	_ =	shalt  }
0x42: {  	_ =	shalt  }
0x43: {  	_ =	shalt  }
0x44: {  	_ =	shalt  }
0x45: {  	_ =	shalt  }
0x46: {  	_ =	shalt  }
0x47: {  	_ =	shalt  }
0x48: {  	_ =	shalt  }
0x49: {  	_ =	shalt  }
0x4a: {  	_ =	shalt  }
0x4b: {  	_ =	shalt  }
0x4c: {  	_ =	shalt  }
0x4d: {  	_ =	shalt  }
0x4e: {  	_ =	shalt  }
0x4f: {  	_ =	shalt  }
0x50: {  	_ =	shalt  }
0x51: {  	_ =	shalt  }
0x52: {  	_ =	shalt  }
0x53: {  	_ =	shalt  }
0x54: {  	_ =	shalt  }
0x55: {  	_ =	shalt  }
0x56: {  	_ =	shalt  }
0x57: {  	_ =	shalt  }
0x58: {  	_ =	shalt  }
0x59: {  	_ =	shalt  }
0x5a: {  	_ =	shalt  }
0x5b: {  	_ =	shalt  }
0x5c: {  	_ =	shalt  }
0x5d: {  	_ =	shalt  }
0x5e: {  	_ =	shalt  }
0x5f: {  	_ =	shalt  }
0x60: {  	_ =	shalt  }
0x61: {  	_ =	shalt  }
0x62: {  	_ =	shalt  }
0x63: {  	_ =	shalt  }
0x64: {  	_ =	shalt  }
0x65: {  	_ =	shalt  }
0x66: {  	_ =	shalt  }
0x67: {  	_ =	shalt  }
0x68: {  	_ =	shalt  }
0x69: {  	_ =	shalt  }
0x6a: {  	_ =	shalt  }
0x6b: {  	_ =	shalt  }
0x6c: {  	_ =	shalt  }
0x6d: {  	_ =	shalt  }
0x6e: {  	_ =	shalt  }
0x6f: {  	_ =	shalt  }
0x70: {  	_ =	shalt  }
0x71: {  	_ =	shalt  }
0x72: {  	_ =	shalt  }
0x73: {  	_ =	shalt  }
0x74: {  	_ =	shalt  }
0x75: {  	_ =	shalt  }
0x76: {  	_ =	shalt  }
0x77: {  	_ =	shalt  }
0x78: {  	_ =	shalt  }
0x79: {  	_ =	shalt  }
0x7a: {  	_ =	shalt  }
0x7b: {  	_ =	shalt  }
0x7c: {  	_ =	shalt  }
0x7d: {  	_ =	shalt  }
0x7e: {  	_ =	shalt  }
0x7f: {  	_ =	shalt  }
0x80: {  	_ =	shalt  }
0x81: {  	_ =	shalt  }
0x82: {  	_ =	shalt  }
0x83: {  	_ =	shalt  }
0x84: {  	_ =	shalt  }
0x85: {  	_ =	shalt  }
0x86: {  	_ =	shalt  }
0x87: {  	_ =	shalt  }
.Lfunc_end0:
.L_simem_size_0:
called_computation.1_lowered:
.L_overlay_start_0:
0x88: {  	s2 =	sld [smem:$0x3FD9]  }
0x89: {  	s3 =	sld [smem:$0x3FFE];
	_ =	sdelay $0x1  }
0x8a: {  	s1 =	srdreg.scid  }
0x8b: {  	s0 =	sand.u32 $0x1, s1  }
0x8c: {  	s14 =	sshll.u32 s0, $0xA;
	s2 =	sadd.s32 s3, s2  }
0x8d: {  	s2 =	sadd.s32 s2, s14  }
0x8e: {  	[smem:$0x3FB5] =	sst s2  }
0x8f: {  	_ = 	snop  }
0x90: {  	s2 =	sld [smem:$0x3FD0];
	_ =	sdelay $0x2  }
0x91: {  	s15 =	simm.s32 $0xA;
	s4 =	simm.s32 $0x10  }
0x92: {  	[smem:s4], [sflag:s15] =	dma.local [hbm:s2], $0x1  }
0x93: {  	_ =	swait.eq [sflag:s15], $0x1  }
0x94: {  	[sflag:s15] =	ssyncset.done $0x0  }
0x95: {  	[sflag:s15] =	ssyncadd.s32 $0xFFFFFFFF  }
0x96: {  	s16 =	sld [smem:$0x11];
	(tm) =	ssettm $0x1  }
0x97: {  	s17 =	sld [smem:$0x3FFB];
	_ =	sdelay $0x3  }
0x98: {  	_ =	strace s17  }
0x99: {  	s3 =	sld [smem:$0x3FFC];
	_ =	sdelay $0x3  }
0x9a: {  	_ =	strace s3  }
0x9b: {  	s3 =	sld [smem:$0x3FFD];
	_ =	sdelay $0x3  }
0x9c: {  	_ =	strace s3  }
0x9d: {  	_ =	strace $0x8FFFFFFF  }
0x9e: {  	s18 =	sld [smem:$0x3FDB];
	_ =	sdelay $0x1  }
0x9f: {  	s19 =	simm.s32 $_scs_section_size  }
0xa0: {  	s5 =	simm.s32 $_size__tile_overlayer_lowered;
	s6 =	simm.s32 $_tile_overlayer_lowered  }
0xa1: {  	s22 =	simm.s32 $0x1BFF;
	s21 =	sshll.u32 s6, $0x1;
	s3 =	sadd.s32 s19, s18  }
0xa2: {  	s7 =	simm.s32 $0x0;
	s20 =	sshll.u32 s5, $0x1;
	s5 =	sadd.s32 s21, s3  }
0xa3: {  	[timem:s7], [sflag:s22] =	dma.local [hbm:s5], s20  }
0xa4: {  	_ =	swait.ge [sflag:s22], s20  }
0xa5: {  	s4 =	ssub.s32 $0x0, s20;
	[sflag:s22] =	ssyncset.done $0x0  }
0xa6: {  	[sflag:s22] =	ssyncadd.s32 s4;
	_ =	sdelay $0x1  }
0xa7: {  	s23 =	simm.s32 $0x1B8B  }
0xa8: {  	_ =	swait.ge [sflag:s23], $0x1  }
0xa9: {  	[sflag:s23] =	ssyncset.done $0x0  }
0xaa: {  	s25 =	simm.s32 $0x1B8E;
	s24 =	sld [smem:$0x3FFE];
	[sflag:s23] =	ssyncadd.s32 $0xFFFFFFFF  }
0xab: {  	s26 =	simm.s32 $execute0_lowered;
	[smem:$0x3FD2] =	sst s25  }
0xac: {  	s5 =	sshll.u32 s26, $0x1;
	_ =	strace $0x80000049;
	[dreg:$0x1] =	wrdreg $0xFFFFFFFF  }
0xad: {  	s28 =	simm.s32 $_size_execute0_lowered;
	s3 =	sadd.s32 s3, s5;
	[dreg:$0x0] =	wrdreg $0x0  }
0xae: {  	s5 =	sshll.u32 s28, $0x1;
	[dreg:$0x2] =	wrdreg s3  }
0xaf: {  	[dreg:$0x3] =	wrdreg s5  }
0xb0: {  	[dreg:$0x4] =	wrdreg $0xC0  }
0xb1: {  	_ =	task [dreg:s7], $0x5FFFF  }
0xb2: {  	[dreg:$0x1] =	wrdreg $0xFFFFFFFF  }
0xb3: {  	[dreg:$0x0] =	wrdreg $0x60  }
0xb4: {  	[dreg:$0x2] =	wrdreg s24  }
0xb5: {  	[dreg:$0x3] =	wrdreg s16  }
0xb6: {  	[dreg:$0x4] =	wrdreg $0xA8000  }
0xb7: {  	[dreg:$0x5] =	wrdreg $0x9  }
0xb8: {  	_ =	task.clear_ibuf [dreg:s7], $0x6FFFF;
	_ =	strace $0x90000049  }
0xb9: {  	s29 =	simm.s32 $0x9;
	_ =	strace $0x8000004B  }
0xba: {  	_ =	swait.ge [sflag:s29], $0x1  }
0xbb: {  	[sflag:s29] =	ssyncadd.s32 $0xFFFFFFFF  }
0xbc: {  	_ =	strace $0x9000004B  }
0xbd: {  	_ =	sfence  }
0xbe: {  	s30 =	sld [smem:$0x0];
	_ =	sdelay $0x2  }
0xbf: {  	s31 =	sshll.u32 s1, $0xD;
	s1 =	sshrl.u32 s1, $0x2  }
0xc0: {  	s3 =	sand.u32 $0x4000, s31;
	s1 =	sadd.s32 s1, s30  }
0xc1: {  	s0 =	sor.u32 s3, s0;
	s1 =	sshll.u32 s1, $0x11  }
0xc2: {  	s0 =	sor.u32 s1, s0  }
0xc3: {  	s0 =	sadd.s32 $0x8F2B, s0  }
0xc4: {  	[sflag:s0] =	ssyncadd.remote.s32 $0x1  }
0xc5: {  	_ =	sfence.sel $0xFFFF  }
0xc6: {  	[dreg:$0x0] =	wrdreg $0xFFFFFFFF;
	(pc) =	sbr.abs _section_cstart, $3  }
0xc7: {  	[dreg:$0x1] =	wrdreg $0xFFFFFFFF  }
0xc8: {  	_ =	task.clear_ibuf [dreg:s7], $0x2FFFF;
	_ =	strace $0x9FFFFFFF  }
0xc9: {  	(tm) =	ssettm $0x7FFFFFFF  }
tec
execute0_lowered:
.L_overlay_start_1:
0x0: {  	(tag) =	ssettag $0x1  }
0x1: {  	s0 =	srdreg.scid;
	s4 =	rddreg [dreg:$0x0]  }
0x2: {  	s13 =	stileid.u32;
	s1 =	rddreg [dreg:$0x1]  }
0x3: {  	s2 =	rddreg [dreg:$0x2];
	s6 =	smul.u32 $0x271000, s13  }
0x4: {  	s3 =	simm.s32 $0x0;
	s19 =	simm.s32 $0xF0;
	s16 =	smul.u32 $0x2C000, s13  }
0x5: {  	s28 =	simm.s32 $0x400;
	s29 =	simm.s32 $0x800;
	s10 =	smul.u32 $0x27000, s13  }
0x6: {  	s30 =	simm.s32 $0x0;
	s0 =	sand.u32 $0x1, s0;
	s12 =	smul.u32 $0x13800, s13  }
0x7: {  	[smem:$0x7FF] =	sst s3;
	s17 =	sshll.u32 s13, $0xC;
	s15 =	smul.u32 $0x138, s13  }
0x8: {  	p0 =	seq.s32 s13, $0xF;
	s5 =	smul.u32 $0x2710000, s0;
	_ =	strace $0x8000004A  }
0x9: {  	s7 =	ssub.s32 $0x2, s0;
	s0 =	sshll.u32 s0, $0xA;
	s19 =	simm.s32 @!p0 $0xE8  }
0xa: {  	s8 =	sshrl.u32 s7, $0x1;
	s10 =	sshrl.u32 s10, $0x2;
	s20 =	sor.u32 s0, s12  }
0xb: {  	s13 =	sadd.s32 $0x50, s15;
	s14 =	sadd.s32 $0xA0, s15;
	s22 =	sadd.s32 s15, s19  }
0xc: {  	s5 =	sadd.s32 s6, s5;
	s6 =	sshrl.u32 s16, $0x2;
	s11 =	ssub.s32 s7, s8  }
0xd: {  	s10 =	sadd.s32 s10, s2;
	s12 =	sshrl.u32 s20, $0x3;
	s18 =	sshll.u32 s13, $0x7  }
0xe: {  	s13 =	sshll.u32 s13, $0x8;
	s16 =	sshll.u32 s14, $0x7;
	s25 =	sshll.u32 s22, $0x8  }
0xf: {  	s31 =	sadd.s32 $0x13D800, s20;
	s20 =	sadd.s32 $0x142800, s20;
	s5 =	sshrl.u32 s5, $0x3  }
0x10: {  	s12 =	sadd.s32 s1, s12;
	s13 =	sor.u32 s0, s13;
	s20 =	sshrl.u32 s20, $0x3  }
0x11: {  	s23 =	sadd.s32 s5, s4;
	s5 =	sadd.s32 s17, s4;
	s4 =	sadd.s32 s6, s2  }
0x12: {  	[dreg:$0x4] =	wrdreg s12;
	s12 =	sadd.s32 s18, s2;
	s13 =	sshrl.u32 s13, $0x3  }
0x13: {  	s17 =	sshll.u32 s14, $0x8;
	s14 =	sadd.s32 s16, s2;
	s20 =	sadd.s32 s1, s20  }
0x14: {  	s5 =	sadd.s32 $0x9EA200, s5;
	s6 =	sadd.s32 $0x2800, s4;
	s7 =	sadd.s32 $0x5000, s4  }
0x15: {  	s8 =	sadd.s32 $0x7800, s4;
	s9 =	sadd.s32 $0x8800, s4;
	s13 =	sadd.s32 s1, s13  }
0x16: {  	s21 =	sor.u32 s0, s17;
	s17 =	sshll.u32 s22, $0x7;
	s22 =	sor.u32 s0, s25  }
0x17: {  	s23 =	sadd.s32 $0xEDC200, s23;
	s25 =	simm.s32 $0x8000;
	[dreg:$0x5] =	wrdreg s13  }
0x18: {  	s16 =	sshrl.u32 s21, $0x3;
	s21 =	sadd.s32 $0x1388, s15;
	s26 =	sshrl.u32 s22, $0x3  }
0x19: {  	s22 =	smax.u32 s11, $0x1;
	s24 =	sadd.s32 s1, s16;
	s18 =	sshll.u32 s21, $0x8  }
0x1a: {  	s16 =	sadd.s32 s17, s2;
	s17 =	sadd.s32 s1, s26;
	s19 =	sadd.s32 s19, s21  }
0x1b: {  	s21 =	sshrl.u32 s31, $0x3;
	s26 =	simm.s32 $0x50;
	s19 =	sshll.u32 s19, $0x8  }
0x1c: {  	[dreg:$0x6] =	wrdreg s24;
	s18 =	sor.u32 s0, s18;
	s0 =	sor.u32 s0, s19  }
0x1d: {  	s24 =	simm.s32 $0x1;
	s18 =	sshrl.u32 s18, $0x3;
	s0 =	sshrl.u32 s0, $0x3  }
0x1e: {  	v0 =	vlaneseq.u32;
	v1 =	vimm.f32 $0.0e+00;
	s19 =	sadd.s32 s1, s21;
	s18 =	sadd.s32 s1, s18;
	s21 =	sadd.s32 s1, s0  }
.LBB2_1:
0x1f: {  	[tilespmem:s3], [sflag:$0x1] =	stream.linear.gather [hbm4b:s5+s3], $0x7D00, $0x38;
	[tilespmem:$0x15800] =	vst v63  }
0x20: {  	_ =	swait.ge [sflag:s24], $0x7D00  }
0x21: {  	[sflag:s24] =	ssyncset.done $0x0  }
0x22: {  	s1 =	simm.s32 $0x20;
	[sflag:s24] =	ssyncadd.s32 $0xFFFF8300  }
0x23: {  	v3 =	vld [tilespmem:s1+$0xFFFFFFE0]  }
0x24: {  	s0 =	simm.s32 $0x10;
	s11 =	simm.s32 $0x40;
	s15 =	simm.s32 $0x0;
	v5 =	vld [tilespmem:s1+$0x0]  }
0x25: {  	s31 =	simm.s32 $0x20;
	v2 =	vor.u32 s0, v0;
	v7 =	vor.u32 s11, v0;
	v9 =	vor.u32 s15, v0;
	v6 =	vld [tilespmem:s1+$0x10]  }
0x26: {  	v8 =	vor.u32 s31, v0;
	s11 =	simm.s32 $0x30;
	s0 =	simm.s32 $0x90;
	s31 =	simm.s32 $0x20;
	v2 =	vand.u32 $0x1FF, v2;
	v7 =	vand.u32 $0x1FF, v7;
	v4 =	vld [tilespmem:s1+$0x20]  }
.LBB2_2:
0x27: {  	p0 =	sne.s32 s0, $0x4E10;
	v9 =	vand.u32 $0x1FF, v9;
	v10 =	vld [tilespmem:s1+$0xFFFFFFF0];
	v8 =	vand.u32 $0x1FF, v8;
	v11 =	vor.u32 s11, v0  }
0x28: {  	vm0 =	vlt.u32 v3, $0x1388;
	v9 =	vor.u32 $0x1400, v9;
	v11 =	vand.u32 $0x1FF, v11  }
0x29: {  	v8 =	vor.u32 $0x1400, v8;
	v3 =	vsel vm0, v3, v9;
	vm0 =	vlt.u32 v5, $0x1388  }
0x2a: {  	[tilespmem:s1+$0xFFFFFFE0] =	vst v3;
	v3 =	vsel vm0, v5, v8;
	vm0 =	vlt.u32 v6, $0x1388;
	v5 =	vor.u32 $0x1400, v11  }
.Ltmp0:
0x2b: {  	s1 =	sadd.s32 $0x80, s1;
	[tilespmem:s31+$0x0] =	vst v3;
	v5 =	vsel vm0, v6, v5;
	vm0 =	vlt.u32 v4, $0x1388;
	v6 =	vor.u32 $0x1400, v7;
	(pc) =	sbr.rel @p0 .LBB2_2-.Ltmp0, $4  }
0x2c: {  	s11 =	sadd.s32 $0xFFFFFFD0, s0;
	v2 =	vor.u32 $0x1400, v2;
	v3 =	vld [tilespmem:s1+$0xFFFFFFE0];
	vm1 =	vlt.u32 v10, $0x1388;
	[tilespmem:s31+$0x10] =	vst v5;
	v4 =	vsel vm0, v4, v6  }
0x2d: {  	v6 =	vor.u32 s11, v0;
	v5 =	vld [tilespmem:s1+$0x0];
	v7 =	vsel vm1, v10, v2;
	[tilespmem:s31+$0x20] =	vst v4  }
0x2e: {  	s13 =	sadd.s32 $0xFFFFFFE0, s0;
	s11 =	sadd.s32 $0xFFFFFFC0, s0;
	v2 =	vand.u32 $0x1FF, v6;
	v10 =	vor.u32 s0, v0;
	v6 =	vld [tilespmem:s1+$0x10];
	[tilespmem:s31+$0xFFFFFFF0] =	vst v7;
	s31 =	smov.u32 s1  }
0x2f: {  	v8 =	vor.u32 s13, v0;
	v9 =	vor.u32 s11, v0;
	s11 =	sadd.s32 $0xFFFFFFF0, s0;
	s0 =	sadd.s32 $0x50, s0;
	v7 =	vand.u32 $0x1FF, v10;
	v4 =	vld [tilespmem:s1+$0x20]  }
0x30: {  	v9 =	vand.u32 $0x1FF, v9;
	v10 =	vld [tilespmem:s1+$0xFFFFFFF0];
	v8 =	vand.u32 $0x1FF, v8;
	v11 =	vor.u32 s11, v0  }
0x31: {  	vm0 =	vlt.u32 v3, $0x1388;
	v9 =	vor.u32 $0x1400, v9;
	v11 =	vand.u32 $0x1FF, v11  }
0x32: {  	v8 =	vor.u32 $0x1400, v8;
	v3 =	vsel vm0, v3, v9;
	vm13 =	vlt.u32 v5, $0x1388  }
0x33: {  	v62 =	vor.u32 $0x1400, v11;
	[tilespmem:s1+$0xFFFFFFE0] =	vst v3;
	v3 =	vsel vm13, v5, v8;
	vm14 =	vlt.u32 v6, $0x1388  }
0x34: {  	v63 =	vor.u32 $0x1400, v7;
	[tilespmem:s31+$0x0] =	vst v3;
	v3 =	vsel vm14, v6, v62;
	vm15 =	vlt.u32 v4, $0x1388  }
0x35: {  	v2 =	vor.u32 $0x1400, v2;
	vm1 =	vlt.u32 v10, $0x1388;
	[tilespmem:s31+$0x10] =	vst v3;
	v3 =	vsel vm15, v4, v63  }
0x36: {  	v2 =	vsel vm1, v10, v2;
	[tilespmem:s31+$0x20] =	vst v3  }
0x37: {  	s0 =	simm.s32 $0x0;
	s1 =	simm.s32 $0x200;
	[tilespmem:s31+$0xFFFFFFF0] =	vst v2  }
.LBB2_4:
0x38: {  	p0 =	sne.s32 s1, $0x9E00;
	[tilespmem:s0+$0x8070] =	vst v1  }
0x39: {  	[tilespmem:s0+$0x8000] =	vst v1  }
0x3a: {  	[tilespmem:s0+$0x8010] =	vst v1  }
.Ltmp1:
0x3b: {  	[tilespmem:s0+$0x8020] =	vst v1;
	(pc) =	sbr.rel @p0 .LBB2_4-.Ltmp1, $4  }
0x3c: {  	[tilespmem:s0+$0x8030] =	vst v1  }
0x3d: {  	[tilespmem:s0+$0x8040] =	vst v1  }
0x3e: {  	[tilespmem:s0+$0x8050] =	vst v1  }
0x3f: {  	[tilespmem:s0+$0x8060] =	vst v1;
	s0 =	sshra.s32 s1, $0x2;
	s1 =	sadd.s32 $0x200, s1  }
0x40: {  	[tilespmem:s0+$0x8070] =	vst v1  }
0x41: {  	[tilespmem:s0+$0x8000] =	vst v1  }
0x42: {  	[tilespmem:s0+$0x8010] =	vst v1  }
0x43: {  	[tilespmem:s0+$0x8020] =	vst v1  }
0x44: {  	[tilespmem:s0+$0x8030] =	vst v1  }
0x45: {  	[tilespmem:s0+$0x8040] =	vst v1  }
0x46: {  	[tilespmem:s0+$0x8050] =	vst v1  }
0x47: {  	[tilespmem:s0+$0x8060] =	vst v1  }
0x48: {  	[spmem:s4] =	stream.linear.scatter [tilespmem:s25], [sflag:$0x1], $0x2800, $0x38;
	[tilespmem:$0x15800] =	vst v63  }
0x49: {  	_ =	swait.ge [sflag:s24], $0x2800  }
0x4a: {  	[sflag:s24] =	ssyncset.done $0x0  }
0x4b: {  	[sflag:s24] =	ssyncadd.s32 $0xFFFFD800  }
0x4c: {  	[spmem:s6] =	stream.linear.scatter [tilespmem:s25], [sflag:$0x1], $0x2800, $0x38;
	[tilespmem:$0x15800] =	vst v63  }
0x4d: {  	_ =	swait.ge [sflag:s24], $0x2800  }
0x4e: {  	[sflag:s24] =	ssyncset.done $0x0  }
0x4f: {  	[sflag:s24] =	ssyncadd.s32 $0xFFFFD800  }
0x50: {  	[spmem:s7] =	stream.linear.scatter [tilespmem:s25], [sflag:$0x1], $0x2800, $0x38;
	[tilespmem:$0x15800] =	vst v63  }
0x51: {  	_ =	swait.ge [sflag:s24], $0x2800  }
0x52: {  	[sflag:s24] =	ssyncset.done $0x0  }
0x53: {  	[sflag:s24] =	ssyncadd.s32 $0xFFFFD800  }
0x54: {  	[spmem:s8] =	stream.linear.scatter [tilespmem:s25], [sflag:$0x1], $0x2800, $0x38;
	[tilespmem:$0x15800] =	vst v63  }
0x55: {  	_ =	swait.ge [sflag:s24], $0x2800  }
0x56: {  	[sflag:s24] =	ssyncset.done $0x0  }
0x57: {  	[sflag:s24] =	ssyncadd.s32 $0xFFFFD800  }
0x58: {  	[spmem:s9] =	stream.linear.scatter [tilespmem:s25], [sflag:$0x1], $0x2800, $0x38;
	[tilespmem:$0x15800] =	vst v63  }
0x59: {  	_ =	swait.ge [sflag:s24], $0x2800  }
0x5a: {  	[sflag:s24] =	ssyncset.done $0x0  }
0x5b: {  	[sflag:s24] =	ssyncadd.s32 $0xFFFFD800  }
0x5c: {  	[bflag:$0x0] =	sbarrier.arrive $0xFFFF  }
0x5d: {  	[tilespmem:s25], [sflag:$0x1] =	stream.linear.gather [hbm4b:s23+s3], $0x2800, $0x38;
	[tilespmem:$0x15800] =	vst v63  }
0x5e: {  	_ =	swait.ge [sflag:s24], $0x2800  }
0x5f: {  	[sflag:s24] =	ssyncset.done $0x0  }
0x60: {  	s31 =	simm.s32 $0x0;
	[sflag:s24] =	ssyncadd.s32 $0xFFFFD800  }
0x61: {  	[spmem:s2] =	stream.indirect.scatter.add.f32 [tilespmem:s25], [sflag:$0x1], $0x80, s31, s26, $0xb8;
	[tilespmem:$0x15800] =	vst v63  }
0x62: {  	_ =	swait.ge [sflag:s24], $0x2800  }
0x63: {  	s0 =	simm.s32 $0x200;
	s1 =	smov.u32 s23;
	[sflag:s24] =	ssyncset.done $0x0  }
.LBB2_6:
0x64: {  	p0 =	sne.s32 s0, $0x1F200;
	[sflag:s24] =	ssyncadd.s32 $0xFFFFD800;
	s1 =	sadd.s32 $0x500, s1  }
0x65: {  	[tilespmem:s25], [sflag:$0x1] =	stream.linear.gather [hbm4b:s1+s3], $0x2800, $0x38;
	[tilespmem:$0x15800] =	vst v63  }
0x66: {  	s11 =	smov.u32 s0;
	s0 =	sadd.s32 $0x200, s0;
	_ =	swait.ge [sflag:s24], $0x2800  }
.Ltmp2:
0x67: {  	[sflag:s24] =	ssyncset.done $0x0;
	(pc) =	sbr.rel @p0 .LBB2_6-.Ltmp2, $4  }
0x68: {  	s11 =	sshra.s32 s11, $0x2;
	[sflag:s24] =	ssyncadd.s32 $0xFFFFD800  }
0x69: {  	[spmem:s2] =	stream.indirect.scatter.add.f32 [tilespmem:s25], [sflag:$0x1], $0x80, s11, s26, $0xb8;
	[tilespmem:$0x15800] =	vst v63  }
0x6a: {  	_ =	swait.ge [sflag:s24], $0x2800  }
0x6b: {  	[sflag:s24] =	ssyncset.done $0x0  }
0x6c: {  	[sflag:s24] =	ssyncadd.s32 $0xFFFFD800  }
0x6d: {  	[bflag:$0x0] =	sbarrier.arrive $0xFFFF  }
0x6e: {  	[tilespmem:s25], [sflag:$0x1] =	stream.linear.gather [spmem:s10], $0x2800, $0x38;
	[tilespmem:$0x15800] =	vst v63  }
0x6f: {  	_ =	swait.ge [sflag:s24], $0x2800  }
0x70: {  	[sflag:s24] =	ssyncset.done $0x0  }
0x71: {  	s0 =	rddreg [dreg:$0x4];
	[sflag:s24] =	ssyncadd.s32 $0xFFFFD800  }
0x72: {  	[hbm4b:s0+s28] =	stream.strided.scatter [tilespmem:s25], [sflag:$0x1], $0x2800, s29, s28, $0x38;
	[tilespmem:$0x15800] =	vst v63  }
0x73: {  	_ =	swait.ge [sflag:s24], $0x2800  }
0x74: {  	[sflag:s24] =	ssyncset.done $0x0  }
0x75: {  	[sflag:s24] =	ssyncadd.s32 $0xFFFFD800  }
0x76: {  	[tilespmem:s25], [sflag:$0x1] =	stream.linear.gather [spmem:s12], $0x2800, $0x38;
	[tilespmem:$0x15800] =	vst v63  }
0x77: {  	_ =	swait.ge [sflag:s24], $0x2800  }
0x78: {  	[sflag:s24] =	ssyncset.done $0x0  }
0x79: {  	s15 =	rddreg [dreg:$0x5];
	[sflag:s24] =	ssyncadd.s32 $0xFFFFD800  }
0x7a: {  	[hbm4b:s15+s28] =	stream.strided.scatter [tilespmem:s25], [sflag:$0x1], $0x2800, s29, s28, $0x38;
	[tilespmem:$0x15800] =	vst v63  }
0x7b: {  	_ =	swait.ge [sflag:s24], $0x2800  }
0x7c: {  	[sflag:s24] =	ssyncset.done $0x0  }
0x7d: {  	[sflag:s24] =	ssyncadd.s32 $0xFFFFD800  }
0x7e: {  	[tilespmem:s25], [sflag:$0x1] =	stream.linear.gather [spmem:s14], $0x2800, $0x38;
	[tilespmem:$0x15800] =	vst v63  }
0x7f: {  	_ =	swait.ge [sflag:s24], $0x2800  }
0x80: {  	[sflag:s24] =	ssyncset.done $0x0  }
0x81: {  	s1 =	rddreg [dreg:$0x6];
	[sflag:s24] =	ssyncadd.s32 $0xFFFFD800  }
0x82: {  	[hbm4b:s1+s28] =	stream.strided.scatter [tilespmem:s25], [sflag:$0x1], $0x2800, s29, s28, $0x38;
	[tilespmem:$0x15800] =	vst v63  }
0x83: {  	_ =	swait.ge [sflag:s24], $0x2800  }
0x84: {  	[sflag:s24] =	ssyncset.done $0x0  }
0x85: {  	[sflag:s24] =	ssyncadd.s32 $0xFFFFD800  }
0x86: {  	[tilespmem:s25], [sflag:$0x1] =	stream.linear.gather [spmem:s16], $0x2800, $0x38;
	[tilespmem:$0x15800] =	vst v63  }
0x87: {  	_ =	swait.ge [sflag:s24], $0x2800  }
0x88: {  	[sflag:s24] =	ssyncset.done $0x0  }
0x89: {  	[sflag:s24] =	ssyncadd.s32 $0xFFFFD800  }
0x8a: {  	[hbm4b:s17+s28] =	stream.strided.scatter [tilespmem:s25], [sflag:$0x1], $0x2800, s29, s28, $0x38;
	[tilespmem:$0x15800] =	vst v63  }
0x8b: {  	_ =	swait.ge [sflag:s24], $0x2800  }
0x8c: {  	[sflag:s24] =	ssyncset.done $0x0  }
0x8d: {  	[sflag:s24] =	ssyncadd.s32 $0xFFFFD800  }
0x8e: {  	[bflag:$0x0] =	sbarrier.arrive $0xFFFF  }
0x8f: {  	[tilespmem:s3], [sflag:$0x1] =	stream.linear.gather [hbm4b:s5+s3], $0x7D00, $0x38;
	[tilespmem:$0x15800] =	vst v63  }
0x90: {  	_ =	swait.ge [sflag:s24], $0x7D00  }
0x91: {  	[sflag:s24] =	ssyncset.done $0x0  }
0x92: {  	s31 =	simm.s32 $0x20;
	[sflag:s24] =	ssyncadd.s32 $0xFFFF8300  }
0x93: {  	s11 =	simm.s32 $0x40;
	v4 =	vld [tilespmem:s31+$0xFFFFFFE0]  }
0x94: {  	s13 =	simm.s32 $0x0;
	v3 =	vor.u32 s11, v0;
	v5 =	vld [tilespmem:s31+$0x0]  }
0x95: {  	s11 =	simm.s32 $0x30;
	v10 =	vor.u32 s13, v0;
	v3 =	vand.u32 $0x1FF, v3;
	s15 =	simm.s32 $0x20;
	s1 =	simm.s32 $0x10;
	v6 =	vld [tilespmem:s31+$0x10]  }
0x96: {  	v8 =	vor.u32 s11, v0;
	s0 =	simm.s32 $0x90;
	v9 =	vor.u32 s15, v0;
	v2 =	vor.u32 s1, v0;
	s1 =	simm.s32 $0x20;
	v7 =	vld [tilespmem:s31+$0x20]  }
.LBB2_8:
0x97: {  	v10 =	vand.u32 $0x1FF, v10  }
0x98: {  	p0 =	sne.s32 s0, $0x4E10;
	v11 =	vld [tilespmem:s31+$0xFFFFFFF0];
	v9 =	vand.u32 $0x1FF, v9;
	v8 =	vand.u32 $0x1FF, v8;
	v3 =	vor.u32 $0x1400, v3  }
0x99: {  	v4 =	vadd.s32 $0xFFFFEC78, v4;
	v10 =	vor.u32 $0x1400, v10;
	v9 =	vor.u32 $0x1400, v9  }
0x9a: {  	v8 =	vor.u32 $0x1400, v8;
	vm0 =	vlt.u32 v4, $0x1388;
	v5 =	vadd.s32 $0xFFFFEC78, v5  }
0x9b: {  	v4 =	vsel vm0, v4, v10;
	vm0 =	vlt.u32 v5, $0x1388;
	v6 =	vadd.s32 $0xFFFFEC78, v6  }
0x9c: {  	[tilespmem:s31+$0xFFFFFFE0] =	vst v4;
	v4 =	vsel vm0, v5, v9;
	vm0 =	vlt.u32 v6, $0x1388;
	v5 =	vadd.s32 $0xFFFFEC78, v7  }
.Ltmp3:
0x9d: {  	v2 =	vand.u32 $0x1FF, v2;
	s13 =	sadd.s32 $0xFFFFFFC0, s0;
	s31 =	sadd.s32 $0x80, s31;
	[tilespmem:s1+$0x0] =	vst v4;
	v6 =	vsel vm0, v6, v8;
	vm0 =	vlt.u32 v5, $0x1388;
	(pc) =	sbr.rel @p0 .LBB2_8-.Ltmp3, $4  }
0x9e: {  	v10 =	vor.u32 s13, v0;
	v7 =	vadd.s32 $0xFFFFEC78, v11;
	v4 =	vld [tilespmem:s31+$0xFFFFFFE0];
	[tilespmem:s1+$0x10] =	vst v6;
	v3 =	vsel vm0, v5, v3  }
0x9f: {  	s11 =	sadd.s32 $0xFFFFFFD0, s0;
	v9 =	vor.u32 $0x1400, v2;
	v8 =	vor.u32 s0, v0;
	vm0 =	vlt.u32 v7, $0x1388;
	v5 =	vld [tilespmem:s31+$0x0];
	[tilespmem:s1+$0x20] =	vst v3  }
0xa0: {  	s15 =	sadd.s32 $0xFFFFFFF0, s0;
	v2 =	vor.u32 s11, v0;
	s11 =	sadd.s32 $0xFFFFFFE0, s0;
	v3 =	vand.u32 $0x1FF, v8;
	v11 =	vsel vm0, v7, v9;
	v6 =	vld [tilespmem:s31+$0x10]  }
0xa1: {  	s0 =	sadd.s32 $0x50, s0;
	v9 =	vor.u32 s11, v0;
	v8 =	vor.u32 s15, v0;
	v7 =	vld [tilespmem:s31+$0x20];
	[tilespmem:s1+$0xFFFFFFF0] =	vst v11;
	s1 =	smov.u32 s31  }
0xa2: {  	v10 =	vand.u32 $0x1FF, v10;
	v9 =	vand.u32 $0x1FF, v9  }
0xa3: {  	v11 =	vld [tilespmem:s31+$0xFFFFFFF0];
	v8 =	vand.u32 $0x1FF, v8;
	v3 =	vor.u32 $0x1400, v3;
	v2 =	vand.u32 $0x1FF, v2  }
0xa4: {  	v4 =	vadd.s32 $0xFFFFEC78, v4;
	v10 =	vor.u32 $0x1400, v10;
	v9 =	vor.u32 $0x1400, v9  }
0xa5: {  	v8 =	vor.u32 $0x1400, v8;
	vm0 =	vlt.u32 v4, $0x1388;
	v5 =	vadd.s32 $0xFFFFEC78, v5  }
0xa6: {  	v4 =	vsel vm0, v4, v10;
	v6 =	vadd.s32 $0xFFFFEC78, v6;
	vm13 =	vlt.u32 v5, $0x1388  }
0xa7: {  	vm1 =	vlt.u32 v6, $0x1388;
	v7 =	vadd.s32 $0xFFFFEC78, v7;
	v5 =	vsel vm13, v5, v9;
	[tilespmem:s31+$0xFFFFFFE0] =	vst v4  }
0xa8: {  	v62 =	vsel vm1, v6, v8;
	vm14 =	vlt.u32 v7, $0x1388;
	[tilespmem:s1+$0x0] =	vst v5;
	v63 =	vadd.s32 $0xFFFFEC78, v11  }
0xa9: {  	v2 =	vor.u32 $0x1400, v2;
	[tilespmem:s1+$0x10] =	vst v62;
	v3 =	vsel vm14, v7, v3;
	vm15 =	vlt.u32 v63, $0x1388  }
0xaa: {  	[tilespmem:s1+$0x20] =	vst v3;
	v2 =	vsel vm15, v63, v2  }
0xab: {  	s0 =	simm.s32 $0x0;
	[tilespmem:s1+$0xFFFFFFF0] =	vst v2;
	s1 =	simm.s32 $0x200  }
.LBB2_10:
0xac: {  	p0 =	sne.s32 s1, $0x9E00;
	[tilespmem:s0+$0x8070] =	vst v1  }
0xad: {  	[tilespmem:s0+$0x8000] =	vst v1  }
0xae: {  	[tilespmem:s0+$0x8010] =	vst v1  }
.Ltmp4:
0xaf: {  	[tilespmem:s0+$0x8020] =	vst v1;
	(pc) =	sbr.rel @p0 .LBB2_10-.Ltmp4, $4  }
0xb0: {  	[tilespmem:s0+$0x8030] =	vst v1  }
0xb1: {  	[tilespmem:s0+$0x8040] =	vst v1  }
0xb2: {  	[tilespmem:s0+$0x8050] =	vst v1  }
0xb3: {  	[tilespmem:s0+$0x8060] =	vst v1;
	s0 =	sshra.s32 s1, $0x2;
	s1 =	sadd.s32 $0x200, s1  }
0xb4: {  	[tilespmem:s0+$0x8070] =	vst v1  }
0xb5: {  	[tilespmem:s0+$0x8000] =	vst v1  }
0xb6: {  	[tilespmem:s0+$0x8010] =	vst v1  }
0xb7: {  	[tilespmem:s0+$0x8020] =	vst v1  }
0xb8: {  	[tilespmem:s0+$0x8030] =	vst v1  }
0xb9: {  	[tilespmem:s0+$0x8040] =	vst v1  }
0xba: {  	[tilespmem:s0+$0x8050] =	vst v1  }
0xbb: {  	[tilespmem:s0+$0x8060] =	vst v1  }
0xbc: {  	[spmem:s4] =	stream.linear.scatter [tilespmem:s25], [sflag:$0x1], $0x2800, $0x38;
	[tilespmem:$0x15800] =	vst v63  }
0xbd: {  	_ =	swait.ge [sflag:s24], $0x2800  }
0xbe: {  	[sflag:s24] =	ssyncset.done $0x0  }
0xbf: {  	[sflag:s24] =	ssyncadd.s32 $0xFFFFD800  }
0xc0: {  	[spmem:s6] =	stream.linear.scatter [tilespmem:s25], [sflag:$0x1], $0x2800, $0x38;
	[tilespmem:$0x15800] =	vst v63  }
0xc1: {  	_ =	swait.ge [sflag:s24], $0x2800  }
0xc2: {  	[sflag:s24] =	ssyncset.done $0x0  }
0xc3: {  	[sflag:s24] =	ssyncadd.s32 $0xFFFFD800  }
0xc4: {  	[spmem:s7] =	stream.linear.scatter [tilespmem:s25], [sflag:$0x1], $0x2800, $0x38;
	[tilespmem:$0x15800] =	vst v63  }
0xc5: {  	_ =	swait.ge [sflag:s24], $0x2800  }
0xc6: {  	[sflag:s24] =	ssyncset.done $0x0  }
0xc7: {  	[sflag:s24] =	ssyncadd.s32 $0xFFFFD800  }
0xc8: {  	[spmem:s8] =	stream.linear.scatter [tilespmem:s25], [sflag:$0x1], $0x2800, $0x38;
	[tilespmem:$0x15800] =	vst v63  }
0xc9: {  	_ =	swait.ge [sflag:s24], $0x2800  }
0xca: {  	[sflag:s24] =	ssyncset.done $0x0  }
0xcb: {  	[sflag:s24] =	ssyncadd.s32 $0xFFFFD800  }
0xcc: {  	[spmem:s9] =	stream.linear.scatter [tilespmem:s25], [sflag:$0x1], $0x2800, $0x38;
	[tilespmem:$0x15800] =	vst v63  }
0xcd: {  	_ =	swait.ge [sflag:s24], $0x2800  }
0xce: {  	[sflag:s24] =	ssyncset.done $0x0  }
0xcf: {  	[sflag:s24] =	ssyncadd.s32 $0xFFFFD800  }
0xd0: {  	[bflag:$0x0] =	sbarrier.arrive $0xFFFF  }
0xd1: {  	[tilespmem:s25], [sflag:$0x1] =	stream.linear.gather [hbm4b:s23+s3], $0x2800, $0x38;
	[tilespmem:$0x15800] =	vst v63  }
0xd2: {  	_ =	swait.ge [sflag:s24], $0x2800  }
0xd3: {  	[sflag:s24] =	ssyncset.done $0x0  }
0xd4: {  	s31 =	simm.s32 $0x0;
	[sflag:s24] =	ssyncadd.s32 $0xFFFFD800  }
0xd5: {  	[spmem:s2] =	stream.indirect.scatter.add.f32 [tilespmem:s25], [sflag:$0x1], $0x80, s31, s26, $0xb8;
	[tilespmem:$0x15800] =	vst v63  }
0xd6: {  	_ =	swait.ge [sflag:s24], $0x2800  }
0xd7: {  	s0 =	simm.s32 $0x200;
	s1 =	smov.u32 s23;
	[sflag:s24] =	ssyncset.done $0x0  }
.LBB2_12:
0xd8: {  	p0 =	sne.s32 s0, $0x1F200;
	[sflag:s24] =	ssyncadd.s32 $0xFFFFD800;
	s1 =	sadd.s32 $0x500, s1  }
0xd9: {  	[tilespmem:s25], [sflag:$0x1] =	stream.linear.gather [hbm4b:s1+s3], $0x2800, $0x38;
	[tilespmem:$0x15800] =	vst v63  }
0xda: {  	s11 =	smov.u32 s0;
	s0 =	sadd.s32 $0x200, s0;
	_ =	swait.ge [sflag:s24], $0x2800  }
.Ltmp5:
0xdb: {  	[sflag:s24] =	ssyncset.done $0x0;
	(pc) =	sbr.rel @p0 .LBB2_12-.Ltmp5, $4  }
0xdc: {  	s11 =	sshra.s32 s11, $0x2;
	[sflag:s24] =	ssyncadd.s32 $0xFFFFD800  }
0xdd: {  	[spmem:s2] =	stream.indirect.scatter.add.f32 [tilespmem:s25], [sflag:$0x1], $0x80, s11, s26, $0xb8;
	[tilespmem:$0x15800] =	vst v63  }
0xde: {  	_ =	swait.ge [sflag:s24], $0x2800  }
0xdf: {  	[sflag:s24] =	ssyncset.done $0x0  }
0xe0: {  	[sflag:s24] =	ssyncadd.s32 $0xFFFFD800  }
0xe1: {  	[bflag:$0x0] =	sbarrier.arrive $0xFFFF  }
0xe2: {  	[tilespmem:s25], [sflag:$0x1] =	stream.linear.gather [spmem:s10], $0x2800, $0x38;
	[tilespmem:$0x15800] =	vst v63  }
0xe3: {  	_ =	swait.ge [sflag:s24], $0x2800  }
0xe4: {  	[sflag:s24] =	ssyncset.done $0x0  }
0xe5: {  	[sflag:s24] =	ssyncadd.s32 $0xFFFFD800  }
0xe6: {  	[hbm4b:s18+s28] =	stream.strided.scatter [tilespmem:s25], [sflag:$0x1], $0x2800, s29, s28, $0x38;
	[tilespmem:$0x15800] =	vst v63  }
0xe7: {  	_ =	swait.ge [sflag:s24], $0x2800  }
0xe8: {  	[sflag:s24] =	ssyncset.done $0x0  }
0xe9: {  	[sflag:s24] =	ssyncadd.s32 $0xFFFFD800  }
0xea: {  	[tilespmem:s25], [sflag:$0x1] =	stream.linear.gather [spmem:s12], $0x2800, $0x38;
	[tilespmem:$0x15800] =	vst v63  }
0xeb: {  	_ =	swait.ge [sflag:s24], $0x2800  }
0xec: {  	[sflag:s24] =	ssyncset.done $0x0  }
0xed: {  	[sflag:s24] =	ssyncadd.s32 $0xFFFFD800  }
0xee: {  	[hbm4b:s19+s28] =	stream.strided.scatter [tilespmem:s25], [sflag:$0x1], $0x2800, s29, s28, $0x38;
	[tilespmem:$0x15800] =	vst v63  }
0xef: {  	_ =	swait.ge [sflag:s24], $0x2800  }
0xf0: {  	[sflag:s24] =	ssyncset.done $0x0  }
0xf1: {  	[sflag:s24] =	ssyncadd.s32 $0xFFFFD800  }
0xf2: {  	[tilespmem:s25], [sflag:$0x1] =	stream.linear.gather [spmem:s14], $0x2800, $0x38;
	[tilespmem:$0x15800] =	vst v63  }
0xf3: {  	_ =	swait.ge [sflag:s24], $0x2800  }
0xf4: {  	[sflag:s24] =	ssyncset.done $0x0  }
0xf5: {  	[sflag:s24] =	ssyncadd.s32 $0xFFFFD800  }
0xf6: {  	[hbm4b:s20+s28] =	stream.strided.scatter [tilespmem:s25], [sflag:$0x1], $0x2800, s29, s28, $0x38;
	[tilespmem:$0x15800] =	vst v63  }
0xf7: {  	_ =	swait.ge [sflag:s24], $0x2800  }
0xf8: {  	[sflag:s24] =	ssyncset.done $0x0  }
0xf9: {  	[sflag:s24] =	ssyncadd.s32 $0xFFFFD800  }
0xfa: {  	[tilespmem:s25], [sflag:$0x1] =	stream.linear.gather [spmem:s16], $0x2800, $0x38;
	[tilespmem:$0x15800] =	vst v63  }
0xfb: {  	_ =	swait.ge [sflag:s24], $0x2800  }
0xfc: {  	s30 =	sadd.s32 $0x1, s30;
	[sflag:s24] =	ssyncset.done $0x0  }
0xfd: {  	p0 =	sne.s32 s30, s22;
	[sflag:s24] =	ssyncadd.s32 $0xFFFFD800  }
0xfe: {  	[hbm4b:s21+s28] =	stream.strided.scatter [tilespmem:s25], [sflag:$0x1], $0x2800, s29, s28, $0x38;
	[tilespmem:$0x15800] =	vst v63  }
.Ltmp6:
0xff: {  	_ =	swait.ge [sflag:s24], $0x2800;
	(pc) =	sbr.rel @p0 .LBB2_1-.Ltmp6, $3  }
0x100: {  	[sflag:s24] =	ssyncset.done $0x0  }
0x101: {  	[sflag:s24] =	ssyncadd.s32 $0xFFFFD800  }
0x102: {  	[bflag:$0x0] =	sbarrier.arrive $0xFFFF;
	_ =	sdelay $0x1  }
0x103: {  	_ =	sfence.sel $0x180000  }
0x104: {  	[bflag:$0x0] =	sbarrier.arrive $0xFFFF  }
0x105: {  	_ =	strace $0x9000004A  }
0x106: {  	s0 =	stileid.u32;
	[bflag:$0x2] =	sbarrier.arrive $0xFFFF  }
0x107: {  	p0 =	sne.s32 s0, $0x0;
	s0 =	rddreg [dreg:$0x3]  }
0x108: {  	s0 =	sadd.s32 @!p0 $0x100000, s0  }
0x109: {  	[sflag:s0] =	ssyncadd.tile.s32 @!p0 $0x1;
	_ =	shalt  }
.Lfunc_end2:
_tile_overlayer_lowered:
.L_overlay_start_2:
0x10a: {  	(tag) =	ssettag $0x2  }
0x10b: {  	s0 =	rddreg [dreg:$0x0];
	s2 =	stileid.u32  }
0x10c: {  	s1 =	rddreg [dreg:$0x1];
	p0 =	sne.s32 s2, $0x0  }
0x10d: {  	s3 =	rddreg [dreg:$0x2];
	[bflag:$0x3] =	sbarrier.arrive $0xFFFF;
	s2 =	simm.s32 @!p0 $0x1C01  }
0x10e: {  	[timem:s3], [sflag:s2] =	dma.local @!p0 [hbm:s0], s1  }
0x10f: {  	s0 =	simm.s32 @!p0 $0x1  }
0x110: {  	_ =	swait.ge @!p0 [sflag:s0], s1  }
0x111: {  	s1 =	ssub.s32 @!p0 $0x0, s1;
	[sflag:s0] =	ssyncset.done @!p0 $0x0  }
0x112: {  	[sflag:s0] =	ssyncadd.s32 @!p0 s1  }
0x113: {  	[bflag:$0x3] =	sbarrier.arrive $0xFFFF  }
0x114: {  	_ =	shalt  }

// kernel: kernel.16.cloned.1.call-start
scs
__scs_entry_jumppad:
0x0: {  	(pc) =	sbr.rel $0x88, $3  }
0x1: {  	(tag) =	ssettag $0x0;
	lr =	simm.s32 $0x1  }
0x2: {  	[smem:$0x3F8E] =	sst lr;
	_ =	strace $0xD0000000  }
0x3: {  	_ = 	snop  }
0x4: {  	_ = 	snop  }
0x5: {  	_ = 	snop  }
0x6: {  	_ = 	snop  }
0x7: {  	_ = 	snop  }
__scs_overlays_trampoline_lowered:
0x8: {  	[smem:$0x3F9D] =	sst s0  }
0x9: {  	[smem:$0x3F9E] =	sst s1  }
0xa: {  	[smem:$0x3F9F] =	sst s2  }
0xb: {  	[smem:$0x3FA0] =	sst s3  }
0xc: {  	[smem:$0x3FA1] =	sst s4  }
0xd: {  	[smem:$0x3FA2] =	sst s5  }
0xe: {  	[smem:$0x3FA3] =	sst s6  }
0xf: {  	[smem:$0x3FA4] =	sst s7  }
0x10: {  	[smem:$0x3FA5] =	sst s8  }
0x11: {  	[smem:$0x3FA6] =	sst s9;
	s0 =	simm.s32 @!p0 $0x0  }
0x12: {  	s1 =	sld [smem:$0x3F8C];
	s0 =	simm.s32 @p0 $0x1  }
0x13: {  	[smem:$0x3FA7] =	sst s0;
	s0 =	simm.s32 @!p1 $0x0  }
0x14: {  	s2 =	sld [smem:$0x3F8B];
	s0 =	simm.s32 @p1 $0x1  }
0x15: {  	[smem:$0x3FA8] =	sst s0;
	s0 =	simm.s32 @!p2 $0x0  }
0x16: {  	s3 =	sld [smem:$0x3FDB];
	s0 =	simm.s32 @p2 $0x1  }
0x17: {  	s4 =	simm.s32 $0x1BF5;
	[smem:$0x3FAA] =	sst s0  }
0x18: {  	s0 =	sld [smem:$0x3F8D];
	_ =	swait.ge [sflag:s4], $0x0  }
0x19: {  	s7 =	sld [smem:$0x3F8E]  }
0x1a: {  	s8 =	sadd.s32 $0xFFFFE003, lr  }
0x1b: {  	s9 =	sadd.s32 $0xFFFFFEF7, lr;
	s5 =	simm.s32 $0xFFFFFFFF;
	p2 =	slt.u32 s8, $0xFFFFF086  }
0x1c: {  	p1 =	slt.u32 s9, $0xF7A;
	s5 =	simm.s32 @!p2 $0x0  }
0x1d: {  	s5 =	simm.s32 @p1 $0x1;
	p0 =	seq.s32 s7, s2  }
0x1e: {  	s7 =	smul.u32 @!p0 $0xF7A, s2;
	p2 =	seq.s32 @!p0 s5, $0x0  }
0x1f: {  	s9 =	smul.u32 $0xF7A, s1;
	s8 =	simm.s32 @!p0 $0x1BF5;
	p2 =	por !p2, p0  }
0x20: {  	[sflag:s8] =	ssyncset.s32 @!p0 $0xFFFFF086;
	s6 =	sadd.s32 @!p0 s3, s7;
	s7 =	simm.s32 @!p0 $0x108  }
0x21: {  	s3 =	sadd.s32 s3, s9;
	s6 =	sadd.s32 @!p0 $0x88, s6;
	s7 =	simm.s32 @p2 $0x1082  }
0x22: {  	[simem:s7], [sflag:s8] =	dma.local @!p0 [hbm:s6], $0xF7A  }
0x23: {  	s9 =	sor.u32 $0xD0000000, s2;
	s6 =	simm.s32 $0x108;
	_ =	swait.ge @!p0 [sflag:s8], $0x0  }
0x24: {  	s3 =	sadd.s32 $0x88, s3;
	s6 =	simm.s32 @!p1 $0x1082;
	[sflag:s4] =	ssyncset.s32 $0xFFFFF086  }
0x25: {  	[simem:s6], [sflag:s4] =	dma.local [hbm:s3], $0xF7A  }
0x26: {  	[smem:$0x3F8E] =	sst s1;
	(tag) =	ssettag s2;
	_ =	strace s9  }
0x27: {  	s1 =	sld [smem:$0x3F9E]  }
0x28: {  	s2 =	sld [smem:$0x3F9F]  }
0x29: {  	s4 =	sld [smem:$0x3FA1]  }
0x2a: {  	p0 =	seq.s32 s5, $0x0;
	s5 =	sld [smem:$0x3FA2]  }
0x2b: {  	s6 =	sld [smem:$0x3FA3]  }
0x2c: {  	s7 =	sld [smem:$0x3FA4]  }
0x2d: {  	s3 =	simm.s32 $0x108;
	s8 =	sld [smem:$0x3FA5]  }
0x2e: {  	s3 =	simm.s32 @!p0 $0x1082;
	s9 =	sld [smem:$0x3FA6]  }
0x2f: {  	lr =	sadd.s32 s0, s3;
	s0 =	sld [smem:$0x3F9D]  }
0x30: {  	s3 =	sld [smem:$0x3FA0]  }
0x31: {  	[smem:$0x3FA9] =	sst s10  }
0x32: {  	s10 =	sld [smem:$0x3FA7];
	_ =	sdelay $0x3  }
0x33: {  	p0 =	seq.s32 s10, $0x1;
	s10 =	sld [smem:$0x3FA9];
	_ =	sdelay $0x3  }
0x34: {  	[smem:$0x3FA9] =	sst s10  }
0x35: {  	s10 =	sld [smem:$0x3FA8];
	_ =	sdelay $0x3  }
0x36: {  	p1 =	seq.s32 s10, $0x1;
	s10 =	sld [smem:$0x3FA9];
	_ =	sdelay $0x3  }
0x37: {  	[smem:$0x3FA9] =	sst s10  }
0x38: {  	s10 =	sld [smem:$0x3FAA]  }
0x39: {  	_ = 	snop;
	(pc) =	sbr.ind lr, $3  }
0x3a: {  	_ = 	snop  }
0x3b: {  	_ = 	snop  }
0x3c: {  	p2 =	seq.s32 s10, $0x1;
	s10 =	sld [smem:$0x3FA9]  }
0x3d: {  	_ =	shalt  }
0x3e: {  	_ =	shalt  }
0x3f: {  	_ =	shalt  }
0x40: {  	_ =	shalt  }
0x41: {  	_ =	shalt  }
0x42: {  	_ =	shalt  }
0x43: {  	_ =	shalt  }
0x44: {  	_ =	shalt  }
0x45: {  	_ =	shalt  }
0x46: {  	_ =	shalt  }
0x47: {  	_ =	shalt  }
0x48: {  	_ =	shalt  }
0x49: {  	_ =	shalt  }
0x4a: {  	_ =	shalt  }
0x4b: {  	_ =	shalt  }
0x4c: {  	_ =	shalt  }
0x4d: {  	_ =	shalt  }
0x4e: {  	_ =	shalt  }
0x4f: {  	_ =	shalt  }
0x50: {  	_ =	shalt  }
0x51: {  	_ =	shalt  }
0x52: {  	_ =	shalt  }
0x53: {  	_ =	shalt  }
0x54: {  	_ =	shalt  }
0x55: {  	_ =	shalt  }
0x56: {  	_ =	shalt  }
0x57: {  	_ =	shalt  }
0x58: {  	_ =	shalt  }
0x59: {  	_ =	shalt  }
0x5a: {  	_ =	shalt  }
0x5b: {  	_ =	shalt  }
0x5c: {  	_ =	shalt  }
0x5d: {  	_ =	shalt  }
0x5e: {  	_ =	shalt  }
0x5f: {  	_ =	shalt  }
0x60: {  	_ =	shalt  }
0x61: {  	_ =	shalt  }
0x62: {  	_ =	shalt  }
0x63: {  	_ =	shalt  }
0x64: {  	_ =	shalt  }
0x65: {  	_ =	shalt  }
0x66: {  	_ =	shalt  }
0x67: {  	_ =	shalt  }
0x68: {  	_ =	shalt  }
0x69: {  	_ =	shalt  }
0x6a: {  	_ =	shalt  }
0x6b: {  	_ =	shalt  }
0x6c: {  	_ =	shalt  }
0x6d: {  	_ =	shalt  }
0x6e: {  	_ =	shalt  }
0x6f: {  	_ =	shalt  }
0x70: {  	_ =	shalt  }
0x71: {  	_ =	shalt  }
0x72: {  	_ =	shalt  }
0x73: {  	_ =	shalt  }
0x74: {  	_ =	shalt  }
0x75: {  	_ =	shalt  }
0x76: {  	_ =	shalt  }
0x77: {  	_ =	shalt  }
0x78: {  	_ =	shalt  }
0x79: {  	_ =	shalt  }
0x7a: {  	_ =	shalt  }
0x7b: {  	_ =	shalt  }
0x7c: {  	_ =	shalt  }
0x7d: {  	_ =	shalt  }
0x7e: {  	_ =	shalt  }
0x7f: {  	_ =	shalt  }
0x80: {  	_ =	shalt  }
0x81: {  	_ =	shalt  }
0x82: {  	_ =	shalt  }
0x83: {  	_ =	shalt  }
0x84: {  	_ =	shalt  }
0x85: {  	_ =	shalt  }
0x86: {  	_ =	shalt  }
0x87: {  	_ =	shalt  }
.Lfunc_end0:
.L_simem_size_0:
called_computation.2_lowered:
.L_overlay_start_0:
0x88: {  	s2 =	sld [smem:$0x3FD9]  }
0x89: {  	s3 =	sld [smem:$0x3FFE];
	_ =	sdelay $0x1  }
0x8a: {  	s1 =	srdreg.scid  }
0x8b: {  	s0 =	sand.u32 $0x1, s1  }
0x8c: {  	s14 =	sshll.u32 s0, $0xA;
	s2 =	sadd.s32 s3, s2  }
0x8d: {  	s2 =	sadd.s32 s2, s14  }
0x8e: {  	[smem:$0x3FB5] =	sst s2  }
0x8f: {  	_ = 	snop  }
0x90: {  	s2 =	sld [smem:$0x3FD0];
	_ =	sdelay $0x2  }
0x91: {  	s15 =	simm.s32 $0xA;
	s4 =	simm.s32 $0x10  }
0x92: {  	[smem:s4], [sflag:s15] =	dma.local [hbm:s2], $0x1  }
0x93: {  	_ =	swait.eq [sflag:s15], $0x1  }
0x94: {  	[sflag:s15] =	ssyncset.done $0x0  }
0x95: {  	[sflag:s15] =	ssyncadd.s32 $0xFFFFFFFF  }
0x96: {  	s16 =	sld [smem:$0x10];
	(tm) =	ssettm $0x1  }
0x97: {  	s17 =	sld [smem:$0x3FFB];
	_ =	sdelay $0x3  }
0x98: {  	_ =	strace s17  }
0x99: {  	s3 =	sld [smem:$0x3FFC];
	_ =	sdelay $0x3  }
0x9a: {  	_ =	strace s3  }
0x9b: {  	s3 =	sld [smem:$0x3FFD];
	_ =	sdelay $0x3  }
0x9c: {  	_ =	strace s3  }
0x9d: {  	_ =	strace $0x8FFFFFFF  }
0x9e: {  	s18 =	sld [smem:$0x3FDB];
	_ =	sdelay $0x1  }
0x9f: {  	s19 =	simm.s32 $_scs_section_size  }
0xa0: {  	s5 =	simm.s32 $_size__tile_overlayer_lowered;
	s6 =	simm.s32 $_tile_overlayer_lowered  }
0xa1: {  	s22 =	simm.s32 $0x1BFF;
	s21 =	sshll.u32 s6, $0x1;
	s3 =	sadd.s32 s19, s18  }
0xa2: {  	s7 =	simm.s32 $0x0;
	s20 =	sshll.u32 s5, $0x1;
	s5 =	sadd.s32 s21, s3  }
0xa3: {  	[timem:s7], [sflag:s22] =	dma.local [hbm:s5], s20  }
0xa4: {  	_ =	swait.ge [sflag:s22], s20  }
0xa5: {  	s4 =	ssub.s32 $0x0, s20;
	[sflag:s22] =	ssyncset.done $0x0  }
0xa6: {  	[sflag:s22] =	ssyncadd.s32 s4;
	_ =	sdelay $0x1  }
0xa7: {  	s23 =	simm.s32 $0x1B8B  }
0xa8: {  	_ =	swait.ge [sflag:s23], $0x1  }
0xa9: {  	[sflag:s23] =	ssyncset.done $0x0  }
0xaa: {  	s25 =	simm.s32 $0x1B8E;
	s24 =	sld [smem:$0x3FFE];
	[sflag:s23] =	ssyncadd.s32 $0xFFFFFFFF  }
0xab: {  	s26 =	simm.s32 $execute0_lowered;
	[smem:$0x3FD2] =	sst s25  }
0xac: {  	s5 =	sshll.u32 s26, $0x1;
	_ =	strace $0x8000004C;
	[dreg:$0x1] =	wrdreg $0xFFFFFFFF  }
0xad: {  	s28 =	simm.s32 $_size_execute0_lowered;
	s3 =	sadd.s32 s3, s5;
	[dreg:$0x0] =	wrdreg $0x0  }
0xae: {  	s5 =	sshll.u32 s28, $0x1;
	[dreg:$0x2] =	wrdreg s3  }
0xaf: {  	[dreg:$0x3] =	wrdreg s5  }
0xb0: {  	[dreg:$0x4] =	wrdreg $0xC0  }
0xb1: {  	_ =	task [dreg:s7], $0x5FFFF  }
0xb2: {  	[dreg:$0x1] =	wrdreg $0xFFFFFFFF  }
0xb3: {  	[dreg:$0x0] =	wrdreg $0x60  }
0xb4: {  	[dreg:$0x2] =	wrdreg s16  }
0xb5: {  	[dreg:$0x3] =	wrdreg s24  }
0xb6: {  	[dreg:$0x4] =	wrdreg $0x9  }
0xb7: {  	_ =	task.clear_ibuf [dreg:s7], $0x5FFFF;
	_ =	strace $0x9000004C  }
0xb8: {  	s29 =	simm.s32 $0x9;
	_ =	strace $0x8000004E  }
0xb9: {  	_ =	swait.ge [sflag:s29], $0x1  }
0xba: {  	[sflag:s29] =	ssyncadd.s32 $0xFFFFFFFF  }
0xbb: {  	_ =	strace $0x9000004E  }
0xbc: {  	_ =	sfence  }
0xbd: {  	s30 =	sld [smem:$0x0];
	_ =	sdelay $0x2  }
0xbe: {  	s31 =	sshll.u32 s1, $0xD;
	s1 =	sshrl.u32 s1, $0x2  }
0xbf: {  	s3 =	sand.u32 $0x4000, s31;
	s1 =	sadd.s32 s1, s30  }
0xc0: {  	s0 =	sor.u32 s3, s0;
	s1 =	sshll.u32 s1, $0x11  }
0xc1: {  	s0 =	sor.u32 s1, s0  }
0xc2: {  	s0 =	sadd.s32 $0x8F2B, s0  }
0xc3: {  	[sflag:s0] =	ssyncadd.remote.s32 $0x1  }
0xc4: {  	_ =	sfence.sel $0xFFFF  }
0xc5: {  	[dreg:$0x0] =	wrdreg $0xFFFFFFFF;
	(pc) =	sbr.abs _section_cstart, $3  }
0xc6: {  	[dreg:$0x1] =	wrdreg $0xFFFFFFFF  }
0xc7: {  	_ =	task.clear_ibuf [dreg:s7], $0x2FFFF;
	_ =	strace $0x9FFFFFFF  }
0xc8: {  	(tm) =	ssettm $0x7FFFFFFF  }
0xc9: {  	_ =	shalt  }
tec
execute0_lowered:
.L_overlay_start_1:
0x0: {  	(tag) =	ssettag $0x1  }
0x1: {  	s1 =	rddreg [dreg:$0x0]  }
0x2: {  	s4 =	rddreg [dreg:$0x1]  }
0x3: {  	s0 =	rddreg [dreg:$0x2]  }
0x4: {  	s3 =	simm.s32 $0x0;
	s5 =	srdreg.scid;
	s2 =	stileid.u32  }
0x5: {  	s9 =	simm.s32 $0x3;
	s10 =	simm.s32 $0x4000;
	s11 =	simm.s32 $0x50  }
0x6: {  	s12 =	simm.s32 $0x8000;
	s13 =	simm.s32 $0xA800;
	s14 =	simm.s32 $0x1  }
0x7: {  	s15 =	simm.s32 $0x2;
	s16 =	simm.s32 $0x0;
	[smem:$0x7FF] =	sst s3  }
0x8: {  	s5 =	sand.u32 $0x1, s5;
	s6 =	sshll.u32 s2, $0xC;
	s8 =	smul.u32 $0x4E200, s2  }
0x9: {  	_ =	strace $0x8000004D;
	s7 =	sshll.u32 s5, $0xB;
	s30 =	ssub.s32 $0x2, s5  }
0xa: {  	s5 =	smul.u32 $0x27100, s5;
	s6 =	sor.u32 s7, s6;
	s31 =	sshrl.u32 s30, $0x1  }
0xb: {  	s8 =	sadd.s32 s8, s4;
	s6 =	sadd.s32 s6, s4;
	s7 =	ssub.s32 s30, s31  }
0xc: {  	s8 =	sadd.s32 s5, s8;
	s4 =	sadd.s32 $0x6200, s6;
	s5 =	sadd.s32 $0x16200, s6  }
0xd: {  	s6 =	smax.u32 s7, $0x1;
	s7 =	sadd.s32 $0x26200, s8;
	s8 =	sadd.s32 $0x508200, s8  }
.LBB2_1:
0xe: {  	[tilespmem:s3], [sflag:$0x3] =	stream.linear.gather [hbm4b:s4+s3], $0x3E80, $0x38;
	[tilespmem:$0xD000] =	vst v63  }
0xf: {  	_ =	swait.ge [sflag:s9], $0x3E80  }
0x10: {  	[sflag:s9] =	ssyncset.done $0x0  }
0x11: {  	[sflag:s9] =	ssyncadd.s32 $0xFFFFC180  }
0x12: {  	[tilespmem:s10], [sflag:$0x3] =	stream.linear.gather [hbm4b:s5+s3], $0x3E80, $0x38;
	[tilespmem:$0xD000] =	vst v63  }
0x13: {  	_ =	swait.ge [sflag:s9], $0x3E80  }
0x14: {  	[sflag:s9] =	ssyncset.done $0x0  }
0x15: {  	s17 =	simm.s32 $0x0;
	[sflag:s9] =	ssyncadd.s32 $0xFFFFC180  }
0x16: {  	[tilespmem:s12], [sflag:$0x1] =	stream.indirect.gather [hbm4b:s1+s11], $0x80, s17, s11, $0xb8;
	[tilespmem:$0xD000] =	vst v63  }
0x17: {  	s31 =	simm.s32 $0x4000  }
0x18: {  	[tilespmem:s13], [sflag:$0x2] =	stream.indirect.gather [hbm4b:s1+s11], $0x80, s31, s11, $0xb8;
	[tilespmem:$0xD000] =	vst v63  }
0x19: {  	_ =	swait.ge [sflag:s14], $0x2800  }
0x1a: {  	[sflag:s14] =	ssyncset.done $0x0  }
0x1b: {  	[sflag:s14] =	ssyncadd.s32 $0xFFFFD800  }
0x1c: {  	[hbm4b:s7+s3] =	stream.linear.scatter [tilespmem:s12], [sflag:$0x3], $0x2800, $0x38;
	[tilespmem:$0xD000] =	vst v63  }
0x1d: {  	_ =	swait.ge [sflag:s9], $0x2800  }
0x1e: {  	[sflag:s9] =	ssyncset.done $0x0  }
0x1f: {  	[sflag:s9] =	ssyncadd.s32 $0xFFFFD800  }
0x20: {  	_ =	swait.ge [sflag:s15], $0x2800  }
0x21: {  	[sflag:s15] =	ssyncset.done $0x0  }
0x22: {  	[sflag:s15] =	ssyncadd.s32 $0xFFFFD800  }
0x23: {  	[hbm4b:s8+s3] =	stream.linear.scatter [tilespmem:s13], [sflag:$0x3], $0x2800, $0x38;
	[tilespmem:$0xD000] =	vst v63  }
0x24: {  	s19 =	simm.s32 $0x200;
	s20 =	simm.s32 $0x400;
	_ =	swait.ge [sflag:s9], $0x2800  }
0x25: {  	s18 =	sadd.s32 $0x500, s7;
	s17 =	sadd.s32 $0x500, s8;
	[sflag:s9] =	ssyncset.done $0x0  }
.LBB2_2:
0x26: {  	s21 =	sshra.s32 s19, $0x2  }
0x27: {  	[sflag:s9] =	ssyncadd.s32 $0xFFFFD800;
	s19 =	smov.u32 s20;
	s22 =	sadd.s32 $0x200, s20  }
0x28: {  	[tilespmem:s12], [sflag:$0x1] =	stream.indirect.gather [hbm4b:s1+s11], $0x80, s21, s11, $0xb8;
	[tilespmem:$0xD000] =	vst v63  }
0x29: {  	p0 =	sne.s32 s20, $0xF800;
	s20 =	sadd.s32 $0x4000, s21  }
0x2a: {  	[tilespmem:s13], [sflag:$0x2] =	stream.indirect.gather [hbm4b:s1+s11], $0x80, s20, s11, $0xb8;
	[tilespmem:$0xD000] =	vst v63  }
0x2b: {  	_ =	swait.ge [sflag:s14], $0x2800  }
0x2c: {  	[sflag:s14] =	ssyncset.done $0x0  }
0x2d: {  	[sflag:s14] =	ssyncadd.s32 $0xFFFFD800  }
0x2e: {  	[hbm4b:s18+s3] =	stream.linear.scatter [tilespmem:s12], [sflag:$0x3], $0x2800, $0x38;
	[tilespmem:$0xD000] =	vst v63  }
0x2f: {  	_ =	swait.ge [sflag:s9], $0x2800  }
0x30: {  	[sflag:s9] =	ssyncset.done $0x0  }
0x31: {  	[sflag:s9] =	ssyncadd.s32 $0xFFFFD800  }
0x32: {  	_ =	swait.ge [sflag:s15], $0x2800  }
.Ltmp0:
0x33: {  	[sflag:s15] =	ssyncset.done $0x0;
	(pc) =	sbr.rel @p0 .LBB2_2-.Ltmp0, $4  }
0x34: {  	[sflag:s15] =	ssyncadd.s32 $0xFFFFD800  }
0x35: {  	[hbm4b:s17+s3] =	stream.linear.scatter [tilespmem:s13], [sflag:$0x3], $0x2800, $0x38;
	[tilespmem:$0xD000] =	vst v63  }
0x36: {  	s20 =	smov.u32 s22;
	_ =	swait.ge [sflag:s9], $0x2800  }
0x37: {  	s18 =	sadd.s32 $0x500, s18;
	s17 =	sadd.s32 $0x500, s17;
	[sflag:s9] =	ssyncset.done $0x0  }
0x38: {  	s19 =	sshra.s32 s19, $0x2;
	[sflag:s9] =	ssyncadd.s32 $0xFFFFD800  }
0x39: {  	[tilespmem:s12], [sflag:$0x1] =	stream.indirect.gather [hbm4b:s1+s11], $0x80, s19, s11, $0xb8;
	[tilespmem:$0xD000] =	vst v63  }
0x3a: {  	s19 =	sadd.s32 $0x4000, s19  }
0x3b: {  	[tilespmem:s13], [sflag:$0x2] =	stream.indirect.gather [hbm4b:s1+s11], $0x80, s19, s11, $0xb8;
	[tilespmem:$0xD000] =	vst v63  }
0x3c: {  	_ =	swait.ge [sflag:s14], $0x2800  }
0x3d: {  	[sflag:s14] =	ssyncset.done $0x0  }
0x3e: {  	[sflag:s14] =	ssyncadd.s32 $0xFFFFD800  }
0x3f: {  	[hbm4b:s18+s3] =	stream.linear.scatter [tilespmem:s12], [sflag:$0x3], $0x2800, $0x38;
	[tilespmem:$0xD000] =	vst v63  }
0x40: {  	_ =	swait.ge [sflag:s9], $0x2800  }
0x41: {  	[sflag:s9] =	ssyncset.done $0x0  }
0x42: {  	[sflag:s9] =	ssyncadd.s32 $0xFFFFD800  }
0x43: {  	s16 =	sadd.s32 $0x1, s16;
	_ =	swait.ge [sflag:s15], $0x2800  }
0x44: {  	p0 =	sne.s32 s16, s6;
	[sflag:s15] =	ssyncset.done $0x0  }
.Ltmp1:
0x45: {  	[sflag:s15] =	ssyncadd.s32 $0xFFFFD800;
	(pc) =	sbr.rel @p0 .LBB2_1-.Ltmp1, $4  }
0x46: {  	[hbm4b:s17+s3] =	stream.linear.scatter [tilespmem:s13], [sflag:$0x3], $0x2800, $0x38;
	[tilespmem:$0xD000] =	vst v63  }
0x47: {  	_ =	swait.ge [sflag:s9], $0x2800  }
0x48: {  	[sflag:s9] =	ssyncset.done $0x0  }
0x49: {  	[sflag:s9] =	ssyncadd.s32 $0xFFFFD800  }
0x4a: {  	_ =	sfence.sel $0x180000  }
0x4b: {  	[bflag:$0x0] =	sbarrier.arrive $0xFFFF  }
0x4c: {  	p0 =	sne.s32 s2, $0x0;
	_ =	strace $0x9000004D  }
0x4d: {  	s0 =	sadd.s32 @!p0 $0x100000, s0;
	[bflag:$0x2] =	sbarrier.arrive $0xFFFF  }
0x4e: {  	[sflag:s0] =	ssyncadd.tile.s32 @!p0 $0x1;
	_ =	shalt  }
.Lfunc_end2:
_tile_overlayer_lowered:
.L_overlay_start_2:
0x4f: {  	(tag) =	ssettag $0x2  }
0x50: {  	s0 =	rddreg [dreg:$0x0];
	s2 =	stileid.u32  }
0x51: {  	s1 =	rddreg [dreg:$0x1];
	p0 =	sne.s32 s2, $0x0  }
0x52: {  	s3 =	rddreg [dreg:$0x2];
	[bflag:$0x3] =	sbarrier.arrive $0xFFFF;
	s2 =	simm.s32 @!p0 $0x1C03  }
0x53: {  	[timem:s3], [sflag:s2] =	dma.local @!p0 [hbm:s0], s1  }
0x54: {  	s0 =	simm.s32 @!p0 $0x3  }
0x55: {  	_ =	swait.ge @!p0 [sflag:s0], s1  }
0x56: {  	s1 =	ssub.s32 @!p0 $0x0, s1;
	[sflag:s0] =	ssyncset.done @!p0 $0x0  }
0x57: {  	[sflag:s0] =	ssyncadd.s32 @!p0 s1  }
0x58: {  	[bflag:$0x3] =	sbarrier.arrive $0xFFFF  }
0x59: {  	_ =	shalt  }

// kernel: kernel.19.cloned.1.call-start
scs
__scs_entry_jumppad:
0x0: {  	(pc) =	sbr.rel $0x88, $3  }
0x1: {  	(tag) =	ssettag $0x0;
	lr =	simm.s32 $0x1  }
0x2: {  	[smem:$0x3F8E] =	sst lr;
	_ =	strace $0xD0000000  }
0x3: {  	_ = 	snop  }
0x4: {  	_ = 	snop  }
0x5: {  	_ = 	snop  }
0x6: {  	_ = 	snop  }
0x7: {  	_ = 	snop  }
__scs_overlays_trampoline_lowered:
0x8: {  	[smem:$0x3F9D] =	sst s0  }
0x9: {  	[smem:$0x3F9E] =	sst s1  }
0xa: {  	[smem:$0x3F9F] =	sst s2  }
0xb: {  	[smem:$0x3FA0] =	sst s3  }
0xc: {  	[smem:$0x3FA1] =	sst s4  }
0xd: {  	[smem:$0x3FA2] =	sst s5  }
0xe: {  	[smem:$0x3FA3] =	sst s6  }
0xf: {  	[smem:$0x3FA4] =	sst s7  }
0x10: {  	[smem:$0x3FA5] =	sst s8  }
0x11: {  	[smem:$0x3FA6] =	sst s9;
	s0 =	simm.s32 @!p0 $0x0  }
0x12: {  	s1 =	sld [smem:$0x3F8C];
	s0 =	simm.s32 @p0 $0x1  }
0x13: {  	[smem:$0x3FA7] =	sst s0;
	s0 =	simm.s32 @!p1 $0x0  }
0x14: {  	s2 =	sld [smem:$0x3F8B];
	s0 =	simm.s32 @p1 $0x1  }
0x15: {  	[smem:$0x3FA8] =	sst s0;
	s0 =	simm.s32 @!p2 $0x0  }
0x16: {  	s3 =	sld [smem:$0x3FDB];
	s0 =	simm.s32 @p2 $0x1  }
0x17: {  	s4 =	simm.s32 $0x1BF5;
	[smem:$0x3FAA] =	sst s0  }
0x18: {  	s0 =	sld [smem:$0x3F8D];
	_ =	swait.ge [sflag:s4], $0x0  }
0x19: {  	s7 =	sld [smem:$0x3F8E]  }
0x1a: {  	s8 =	sadd.s32 $0xFFFFE003, lr  }
0x1b: {  	s9 =	sadd.s32 $0xFFFFFEF7, lr;
	s5 =	simm.s32 $0xFFFFFFFF;
	p2 =	slt.u32 s8, $0xFFFFF086  }
0x1c: {  	p1 =	slt.u32 s9, $0xF7A;
	s5 =	simm.s32 @!p2 $0x0  }
0x1d: {  	s5 =	simm.s32 @p1 $0x1;
	p0 =	seq.s32 s7, s2  }
0x1e: {  	s7 =	smul.u32 @!p0 $0xF7A, s2;
	p2 =	seq.s32 @!p0 s5, $0x0  }
0x1f: {  	s9 =	smul.u32 $0xF7A, s1;
	s8 =	simm.s32 @!p0 $0x1BF5;
	p2 =	por !p2, p0  }
0x20: {  	[sflag:s8] =	ssyncset.s32 @!p0 $0xFFFFF086;
	s6 =	sadd.s32 @!p0 s3, s7;
	s7 =	simm.s32 @!p0 $0x108  }
0x21: {  	s3 =	sadd.s32 s3, s9;
	s6 =	sadd.s32 @!p0 $0x88, s6;
	s7 =	simm.s32 @p2 $0x1082  }
0x22: {  	[simem:s7], [sflag:s8] =	dma.local @!p0 [hbm:s6], $0xF7A  }
0x23: {  	s9 =	sor.u32 $0xD0000000, s2;
	s6 =	simm.s32 $0x108;
	_ =	swait.ge @!p0 [sflag:s8], $0x0  }
0x24: {  	s3 =	sadd.s32 $0x88, s3;
	s6 =	simm.s32 @!p1 $0x1082;
	[sflag:s4] =	ssyncset.s32 $0xFFFFF086  }
0x25: {  	[simem:s6], [sflag:s4] =	dma.local [hbm:s3], $0xF7A  }
0x26: {  	[smem:$0x3F8E] =	sst s1;
	(tag) =	ssettag s2;
	_ =	strace s9  }
0x27: {  	s1 =	sld [smem:$0x3F9E]  }
0x28: {  	s2 =	sld [smem:$0x3F9F]  }
0x29: {  	s4 =	sld [smem:$0x3FA1]  }
0x2a: {  	p0 =	seq.s32 s5, $0x0;
	s5 =	sld [smem:$0x3FA2]  }
0x2b: {  	s6 =	sld [smem:$0x3FA3]  }
0x2c: {  	s7 =	sld [smem:$0x3FA4]  }
0x2d: {  	s3 =	simm.s32 $0x108;
	s8 =	sld [smem:$0x3FA5]  }
0x2e: {  	s3 =	simm.s32 @!p0 $0x1082;
	s9 =	sld [smem:$0x3FA6]  }
0x2f: {  	lr =	sadd.s32 s0, s3;
	s0 =	sld [smem:$0x3F9D]  }
0x30: {  	s3 =	sld [smem:$0x3FA0]  }
0x31: {  	[smem:$0x3FA9] =	sst s10  }
0x32: {  	s10 =	sld [smem:$0x3FA7];
	_ =	sdelay $0x3  }
0x33: {  	p0 =	seq.s32 s10, $0x1;
	s10 =	sld [smem:$0x3FA9];
	_ =	sdelay $0x3  }
0x34: {  	[smem:$0x3FA9] =	sst s10  }
0x35: {  	s10 =	sld [smem:$0x3FA8];
	_ =	sdelay $0x3  }
0x36: {  	p1 =	seq.s32 s10, $0x1;
	s10 =	sld [smem:$0x3FA9];
	_ =	sdelay $0x3  }
0x37: {  	[smem:$0x3FA9] =	sst s10  }
0x38: {  	s10 =	sld [smem:$0x3FAA]  }
0x39: {  	_ = 	snop;
	(pc) =	sbr.ind lr, $3  }
0x3a: {  	_ = 	snop  }
0x3b: {  	_ = 	snop  }
0x3c: {  	p2 =	seq.s32 s10, $0x1;
	s10 =	sld [smem:$0x3FA9]  }
0x3d: {  	_ =	shalt  }
0x3e: {  	_ =	shalt  }
0x3f: {  	_ =	shalt  }
0x40: {  	_ =	shalt  }
0x41: {  	_ =	shalt  }
0x42: {  	_ =	shalt  }
0x43: {  	_ =	shalt  }
0x44: {  	_ =	shalt  }
0x45: {  	_ =	shalt  }
0x46: {  	_ =	shalt  }
0x47: {  	_ =	shalt  }
0x48: {  	_ =	shalt  }
0x49: {  	_ =	shalt  }
0x4a: {  	_ =	shalt  }
0x4b: {  	_ =	shalt  }
0x4c: {  	_ =	shalt  }
0x4d: {  	_ =	shalt  }
0x4e: {  	_ =	shalt  }
0x4f: {  	_ =	shalt  }
0x50: {  	_ =	shalt  }
0x51: {  	_ =	shalt  }
0x52: {  	_ =	shalt  }
0x53: {  	_ =	shalt  }
0x54: {  	_ =	shalt  }
0x55: {  	_ =	shalt  }
0x56: {  	_ =	shalt  }
0x57: {  	_ =	shalt  }
0x58: {  	_ =	shalt  }
0x59: {  	_ =	shalt  }
0x5a: {  	_ =	shalt  }
0x5b: {  	_ =	shalt  }
0x5c: {  	_ =	shalt  }
0x5d: {  	_ =	shalt  }
0x5e: {  	_ =	shalt  }
0x5f: {  	_ =	shalt  }
0x60: {  	_ =	shalt  }
0x61: {  	_ =	shalt  }
0x62: {  	_ =	shalt  }
0x63: {  	_ =	shalt  }
0x64: {  	_ =	shalt  }
0x65: {  	_ =	shalt  }
0x66: {  	_ =	shalt  }
0x67: {  	_ =	shalt  }
0x68: {  	_ =	shalt  }
0x69: {  	_ =	shalt  }
0x6a: {  	_ =	shalt  }
0x6b: {  	_ =	shalt  }
0x6c: {  	_ =	shalt  }
0x6d: {  	_ =	shalt  }
0x6e: {  	_ =	shalt  }
0x6f: {  	_ =	shalt  }
0x70: {  	_ =	shalt  }
0x71: {  	_ =	shalt  }
0x72: {  	_ =	shalt  }
0x73: {  	_ =	shalt  }
0x74: {  	_ =	shalt  }
0x75: {  	_ =	shalt  }
0x76: {  	_ =	shalt  }
0x77: {  	_ =	shalt  }
0x78: {  	_ =	shalt  }
0x79: {  	_ =	shalt  }
0x7a: {  	_ =	shalt  }
0x7b: {  	_ =	shalt  }
0x7c: {  	_ =	shalt  }
0x7d: {  	_ =	shalt  }
0x7e: {  	_ =	shalt  }
0x7f: {  	_ =	shalt  }
0x80: {  	_ =	shalt  }
0x81: {  	_ =	shalt  }
0x82: {  	_ =	shalt  }
0x83: {  	_ =	shalt  }
0x84: {  	_ =	shalt  }
0x85: {  	_ =	shalt  }
0x86: {  	_ =	shalt  }
0x87: {  	_ =	shalt  }
.Lfunc_end0:
.L_simem_size_0:
called_computation.3_lowered:
.L_overlay_start_0:
0x88: {  	s2 =	sld [smem:$0x3FD9]  }
0x89: {  	s3 =	sld [smem:$0x3FFE];
	_ =	sdelay $0x1  }
0x8a: {  	s1 =	srdreg.scid  }
0x8b: {  	s0 =	sand.u32 $0x1, s1  }
0x8c: {  	s16 =	sshll.u32 s0, $0xA;
	s2 =	sadd.s32 s3, s2  }
0x8d: {  	s2 =	sadd.s32 s2, s16  }
0x8e: {  	[smem:$0x3FB5] =	sst s2  }
0x8f: {  	_ = 	snop  }
0x90: {  	(tm) =	ssettm $0x1  }
0x91: {  	s17 =	sld [smem:$0x3FFB];
	_ =	sdelay $0x3  }
0x92: {  	_ =	strace s17  }
0x93: {  	s2 =	sld [smem:$0x3FFC];
	_ =	sdelay $0x3  }
0x94: {  	_ =	strace s2  }
0x95: {  	s2 =	sld [smem:$0x3FFD];
	_ =	sdelay $0x3  }
0x96: {  	_ =	strace s2  }
0x97: {  	_ =	strace $0x8FFFFFFF  }
0x98: {  	s18 =	sld [smem:$0x3FDB];
	_ =	sdelay $0x1  }
0x99: {  	s19 =	simm.s32 $_scs_section_size  }
0x9a: {  	s4 =	simm.s32 $_size__tile_overlayer_lowered;
	s5 =	simm.s32 $_tile_overlayer_lowered  }
0x9b: {  	s22 =	simm.s32 $0x1BFF;
	s21 =	sshll.u32 s5, $0x1;
	s2 =	sadd.s32 s19, s18  }
0x9c: {  	s6 =	simm.s32 $0x0;
	s20 =	sshll.u32 s4, $0x1;
	s4 =	sadd.s32 s21, s2  }
0x9d: {  	[timem:s6], [sflag:s22] =	dma.local [hbm:s4], s20  }
0x9e: {  	_ =	swait.ge [sflag:s22], s20  }
0x9f: {  	s3 =	ssub.s32 $0x0, s20;
	[sflag:s22] =	ssyncset.done $0x0  }
0xa0: {  	[sflag:s22] =	ssyncadd.s32 s3;
	_ =	sdelay $0x1  }
0xa1: {  	s23 =	simm.s32 $0x1B8B  }
0xa2: {  	_ =	swait.ge [sflag:s23], $0x1  }
0xa3: {  	[sflag:s23] =	ssyncset.done $0x0  }
0xa4: {  	s25 =	simm.s32 $0x1B8E;
	s24 =	sld [smem:$0x3FFE];
	[sflag:s23] =	ssyncadd.s32 $0xFFFFFFFF  }
0xa5: {  	s26 =	simm.s32 $execute0_lowered;
	[smem:$0x3FD2] =	sst s25  }
0xa6: {  	s4 =	sshll.u32 s26, $0x1;
	_ =	strace $0x8000004F;
	[dreg:$0x1] =	wrdreg $0xFFFFFFFF  }
0xa7: {  	s28 =	simm.s32 $_size_execute0_lowered;
	s2 =	sadd.s32 s2, s4;
	[dreg:$0x0] =	wrdreg $0x0  }
0xa8: {  	s4 =	sshll.u32 s28, $0x1;
	[dreg:$0x2] =	wrdreg s2  }
0xa9: {  	[dreg:$0x3] =	wrdreg s4  }
0xaa: {  	[dreg:$0x4] =	wrdreg $0xC0  }
0xab: {  	_ =	task [dreg:s6], $0x5FFFF  }
0xac: {  	[dreg:$0x1] =	wrdreg $0xFFFFFFFF  }
0xad: {  	[dreg:$0x0] =	wrdreg $0x60  }
0xae: {  	[dreg:$0x2] =	wrdreg s24  }
0xaf: {  	[dreg:$0x3] =	wrdreg $0xA8000  }
0xb0: {  	[dreg:$0x4] =	wrdreg $0x9  }
0xb1: {  	_ =	task.clear_ibuf [dreg:s6], $0x5FFFF;
	_ =	strace $0x9000004F  }
0xb2: {  	s29 =	simm.s32 $0x9;
	_ =	strace $0x80000051  }
0xb3: {  	_ =	swait.ge [sflag:s29], $0x1  }
0xb4: {  	[sflag:s29] =	ssyncadd.s32 $0xFFFFFFFF  }
0xb5: {  	_ =	strace $0x90000051  }
0xb6: {  	_ =	sfence  }
0xb7: {  	s30 =	sld [smem:$0x0];
	_ =	sdelay $0x2  }
0xb8: {  	s31 =	sshll.u32 s1, $0xD;
	s1 =	sshrl.u32 s1, $0x2  }
0xb9: {  	s3 =	sand.u32 $0x4000, s31;
	s1 =	sadd.s32 s1, s30  }
0xba: {  	s0 =	sor.u32 s3, s0;
	s1 =	sshll.u32 s1, $0x11  }
0xbb: {  	s0 =	sor.u32 s1, s0  }
0xbc: {  	s0 =	sadd.s32 $0x8F2B, s0  }
0xbd: {  	[sflag:s0] =	ssyncadd.remote.s32 $0x1  }
0xbe: {  	_ =	sfence.sel $0xFFFF  }
0xbf: {  	[dreg:$0x0] =	wrdreg $0xFFFFFFFF;
	(pc) =	sbr.abs _section_cstart, $3  }
0xc0: {  	[dreg:$0x1] =	wrdreg $0xFFFFFFFF  }
0xc1: {  	_ =	task.clear_ibuf [dreg:s6], $0x2FFFF;
	_ =	strace $0x9FFFFFFF  }
0xc2: {  	(tm) =	ssettm $0x7FFFFFFF  }
0xc3: {  	_ =	shalt  }
tec
execute0_lowered:
.L_overlay_start_1:
0x0: {  	(tag) =	ssettag $0x1  }
0x1: {  	s0 =	srdreg.scid  }
0x2: {  	s13 =	stileid.u32;
	s4 =	rddreg [dreg:$0x0]  }
0x3: {  	s2 =	rddreg [dreg:$0x1];
	s3 =	simm.s32 $0x0;
	s5 =	smul.u32 $0x271000, s13  }
0x4: {  	s19 =	simm.s32 $0xF0;
	s28 =	simm.s32 $0x400;
	s17 =	smul.u32 $0x2C000, s13  }
0x5: {  	s29 =	simm.s32 $0x800;
	s30 =	simm.s32 $0x0;
	s10 =	smul.u32 $0x27000, s13  }
0x6: {  	s0 =	sand.u32 $0x1, s0;
	[smem:$0x7FF] =	sst s3;
	s12 =	smul.u32 $0x13800, s13  }
0x7: {  	s6 =	sshll.u32 s13, $0xC;
	s11 =	sadd.s32 $0x6200, s4;
	s15 =	smul.u32 $0x138, s13  }
0x8: {  	p0 =	seq.s32 s13, $0xF;
	s1 =	smul.u32 $0x2710000, s0;
	_ =	strace $0x80000050  }
0x9: {  	s6 =	sadd.s32 s6, s4;
	s7 =	ssub.s32 $0x2, s0;
	s0 =	sshll.u32 s0, $0xA  }
0xa: {  	s19 =	simm.s32 @!p0 $0xE8;
	s8 =	sshrl.u32 s7, $0x1;
	s10 =	sshrl.u32 s10, $0x2  }
0xb: {  	s20 =	sor.u32 s0, s12;
	s13 =	sadd.s32 $0x50, s15;
	s14 =	sadd.s32 $0xA0, s15  }
0xc: {  	s23 =	sadd.s32 s15, s19;
	s1 =	sadd.s32 s5, s1;
	s5 =	sshrl.u32 s17, $0x2  }
0xd: {  	s22 =	ssub.s32 s7, s8;
	s10 =	sadd.s32 s10, s2;
	s12 =	sshrl.u32 s20, $0x3  }
0xe: {  	s18 =	sshll.u32 s13, $0x7;
	s13 =	sshll.u32 s13, $0x8;
	s16 =	sshll.u32 s14, $0x7  }
0xf: {  	s17 =	sshll.u32 s14, $0x8;
	s25 =	sshll.u32 s23, $0x8;
	s31 =	sadd.s32 $0x13D800, s20  }
0x10: {  	s20 =	sadd.s32 $0x142800, s20;
	s1 =	sshrl.u32 s1, $0x3;
	s12 =	sadd.s32 s11, s12  }
0x11: {  	s13 =	sor.u32 s0, s13;
	s14 =	sadd.s32 s16, s2;
	s21 =	sor.u32 s0, s17  }
0x12: {  	s17 =	sshll.u32 s23, $0x7;
	s23 =	sor.u32 s0, s25;
	s20 =	sshrl.u32 s20, $0x3  }
0x13: {  	s22 =	smax.u32 s22, $0x1;
	s25 =	simm.s32 $0x8000;
	s1 =	sadd.s32 s1, s4  }
0x14: {  	s4 =	sadd.s32 s5, s2;
	s5 =	sadd.s32 $0x9EA200, s6;
	[dreg:$0x3] =	wrdreg s12  }
0x15: {  	s12 =	sadd.s32 s18, s2;
	s13 =	sshrl.u32 s13, $0x3;
	s16 =	sshrl.u32 s21, $0x3  }
0x16: {  	s21 =	sadd.s32 $0x1388, s15;
	s26 =	sshrl.u32 s23, $0x3;
	s20 =	sadd.s32 s11, s20  }
0x17: {  	s6 =	sadd.s32 $0x2800, s4;
	s7 =	sadd.s32 $0x5000, s4;
	s8 =	sadd.s32 $0x7800, s4  }
0x18: {  	s9 =	sadd.s32 $0x8800, s4;
	s13 =	sadd.s32 s11, s13;
	s24 =	sadd.s32 s11, s16  }
0x19: {  	s18 =	sshll.u32 s21, $0x8;
	s16 =	sadd.s32 s17, s2;
	s17 =	sadd.s32 s11, s26  }
0x1a: {  	s19 =	sadd.s32 s19, s21;
	s21 =	sshrl.u32 s31, $0x3;
	s23 =	sadd.s32 $0xEDC200, s1  }
0x1b: {  	s26 =	simm.s32 $0x50;
	[dreg:$0x4] =	wrdreg s13;
	s19 =	sshll.u32 s19, $0x8  }
0x1c: {  	[dreg:$0x5] =	wrdreg s24;
	s18 =	sor.u32 s0, s18;
	s0 =	sor.u32 s0, s19  }
0x1d: {  	s24 =	simm.s32 $0x1;
	s18 =	sshrl.u32 s18, $0x3;
	s0 =	sshrl.u32 s0, $0x3  }
0x1e: {  	v0 =	vlaneseq.u32;
	v1 =	vimm.f32 $0.0e+00;
	s19 =	sadd.s32 s11, s21;
	s18 =	sadd.s32 s11, s18;
	s21 =	sadd.s32 s11, s0  }
.LBB2_1:
0x1f: {  	[tilespmem:s3], [sflag:$0x1] =	stream.linear.gather [hbm4b:s5+s3], $0x7D00, $0x38;
	[tilespmem:$0x15800] =	vst v63  }
0x20: {  	_ =	swait.ge [sflag:s24], $0x7D00  }
0x21: {  	[sflag:s24] =	ssyncset.done $0x0  }
0x22: {  	s1 =	simm.s32 $0x20;
	[sflag:s24] =	ssyncadd.s32 $0xFFFF8300  }
0x23: {  	v3 =	vld [tilespmem:s1+$0xFFFFFFE0]  }
0x24: {  	s0 =	simm.s32 $0x10;
	s11 =	simm.s32 $0x40;
	s15 =	simm.s32 $0x0;
	v5 =	vld [tilespmem:s1+$0x0]  }
0x25: {  	s31 =	simm.s32 $0x20;
	v2 =	vor.u32 s0, v0;
	v7 =	vor.u32 s11, v0;
	v9 =	vor.u32 s15, v0;
	v6 =	vld [tilespmem:s1+$0x10]  }
0x26: {  	v8 =	vor.u32 s31, v0;
	s11 =	simm.s32 $0x30;
	s0 =	simm.s32 $0x90;
	s31 =	simm.s32 $0x20;
	v2 =	vand.u32 $0x1FF, v2;
	v7 =	vand.u32 $0x1FF, v7;
	v4 =	vld [tilespmem:s1+$0x20]  }
.LBB2_2:
0x27: {  	p0 =	sne.s32 s0, $0x4E10;
	v9 =	vand.u32 $0x1FF, v9;
	v10 =	vld [tilespmem:s1+$0xFFFFFFF0];
	v8 =	vand.u32 $0x1FF, v8;
	v11 =	vor.u32 s11, v0  }
0x28: {  	vm0 =	vlt.u32 v3, $0x1388;
	v9 =	vor.u32 $0x1400, v9;
	v11 =	vand.u32 $0x1FF, v11  }
0x29: {  	v8 =	vor.u32 $0x1400, v8;
	v3 =	vsel vm0, v3, v9;
	vm0 =	vlt.u32 v5, $0x1388  }
0x2a: {  	[tilespmem:s1+$0xFFFFFFE0] =	vst v3;
	v3 =	vsel vm0, v5, v8;
	vm0 =	vlt.u32 v6, $0x1388;
	v5 =	vor.u32 $0x1400, v11  }
.Ltmp0:
0x2b: {  	s1 =	sadd.s32 $0x80, s1;
	[tilespmem:s31+$0x0] =	vst v3;
	v5 =	vsel vm0, v6, v5;
	vm0 =	vlt.u32 v4, $0x1388;
	v6 =	vor.u32 $0x1400, v7;
	(pc) =	sbr.rel @p0 .LBB2_2-.Ltmp0, $4  }
0x2c: {  	s11 =	sadd.s32 $0xFFFFFFD0, s0;
	v2 =	vor.u32 $0x1400, v2;
	v3 =	vld [tilespmem:s1+$0xFFFFFFE0];
	vm1 =	vlt.u32 v10, $0x1388;
	[tilespmem:s31+$0x10] =	vst v5;
	v4 =	vsel vm0, v4, v6  }
0x2d: {  	v6 =	vor.u32 s11, v0;
	v5 =	vld [tilespmem:s1+$0x0];
	v7 =	vsel vm1, v10, v2;
	[tilespmem:s31+$0x20] =	vst v4  }
0x2e: {  	s13 =	sadd.s32 $0xFFFFFFE0, s0;
	s11 =	sadd.s32 $0xFFFFFFC0, s0;
	v2 =	vand.u32 $0x1FF, v6;
	v10 =	vor.u32 s0, v0;
	v6 =	vld [tilespmem:s1+$0x10];
	[tilespmem:s31+$0xFFFFFFF0] =	vst v7;
	s31 =	smov.u32 s1  }
0x2f: {  	v8 =	vor.u32 s13, v0;
	v9 =	vor.u32 s11, v0;
	s11 =	sadd.s32 $0xFFFFFFF0, s0;
	s0 =	sadd.s32 $0x50, s0;
	v7 =	vand.u32 $0x1FF, v10;
	v4 =	vld [tilespmem:s1+$0x20]  }
0x30: {  	v9 =	vand.u32 $0x1FF, v9;
	v10 =	vld [tilespmem:s1+$0xFFFFFFF0];
	v8 =	vand.u32 $0x1FF, v8;
	v11 =	vor.u32 s11, v0  }
0x31: {  	vm0 =	vlt.u32 v3, $0x1388;
	v9 =	vor.u32 $0x1400, v9;
	v11 =	vand.u32 $0x1FF, v11  }
0x32: {  	v8 =	vor.u32 $0x1400, v8;
	v3 =	vsel vm0, v3, v9;
	vm13 =	vlt.u32 v5, $0x1388  }
0x33: {  	v62 =	vor.u32 $0x1400, v11;
	[tilespmem:s1+$0xFFFFFFE0] =	vst v3;
	v3 =	vsel vm13, v5, v8;
	vm14 =	vlt.u32 v6, $0x1388  }
0x34: {  	v63 =	vor.u32 $0x1400, v7;
	[tilespmem:s31+$0x0] =	vst v3;
	v3 =	vsel vm14, v6, v62;
	vm15 =	vlt.u32 v4, $0x1388  }
0x35: {  	v2 =	vor.u32 $0x1400, v2;
	vm1 =	vlt.u32 v10, $0x1388;
	[tilespmem:s31+$0x10] =	vst v3;
	v3 =	vsel vm15, v4, v63  }
0x36: {  	v2 =	vsel vm1, v10, v2;
	[tilespmem:s31+$0x20] =	vst v3  }
0x37: {  	s0 =	simm.s32 $0x0;
	s1 =	simm.s32 $0x200;
	[tilespmem:s31+$0xFFFFFFF0] =	vst v2  }
.LBB2_4:
0x38: {  	p0 =	sne.s32 s1, $0x9E00;
	[tilespmem:s0+$0x8070] =	vst v1  }
0x39: {  	[tilespmem:s0+$0x8000] =	vst v1  }
0x3a: {  	[tilespmem:s0+$0x8010] =	vst v1  }
.Ltmp1:
0x3b: {  	[tilespmem:s0+$0x8020] =	vst v1;
	(pc) =	sbr.rel @p0 .LBB2_4-.Ltmp1, $4  }
0x3c: {  	[tilespmem:s0+$0x8030] =	vst v1  }
0x3d: {  	[tilespmem:s0+$0x8040] =	vst v1  }
0x3e: {  	[tilespmem:s0+$0x8050] =	vst v1  }
0x3f: {  	[tilespmem:s0+$0x8060] =	vst v1;
	s0 =	sshra.s32 s1, $0x2;
	s1 =	sadd.s32 $0x200, s1  }
0x40: {  	[tilespmem:s0+$0x8070] =	vst v1  }
0x41: {  	[tilespmem:s0+$0x8000] =	vst v1  }
0x42: {  	[tilespmem:s0+$0x8010] =	vst v1  }
0x43: {  	[tilespmem:s0+$0x8020] =	vst v1  }
0x44: {  	[tilespmem:s0+$0x8030] =	vst v1  }
0x45: {  	[tilespmem:s0+$0x8040] =	vst v1  }
0x46: {  	[tilespmem:s0+$0x8050] =	vst v1  }
0x47: {  	[tilespmem:s0+$0x8060] =	vst v1  }
0x48: {  	[spmem:s4] =	stream.linear.scatter [tilespmem:s25], [sflag:$0x1], $0x2800, $0x38;
	[tilespmem:$0x15800] =	vst v63  }
0x49: {  	_ =	swait.ge [sflag:s24], $0x2800  }
0x4a: {  	[sflag:s24] =	ssyncset.done $0x0  }
0x4b: {  	[sflag:s24] =	ssyncadd.s32 $0xFFFFD800  }
0x4c: {  	[spmem:s6] =	stream.linear.scatter [tilespmem:s25], [sflag:$0x1], $0x2800, $0x38;
	[tilespmem:$0x15800] =	vst v63  }
0x4d: {  	_ =	swait.ge [sflag:s24], $0x2800  }
0x4e: {  	[sflag:s24] =	ssyncset.done $0x0  }
0x4f: {  	[sflag:s24] =	ssyncadd.s32 $0xFFFFD800  }
0x50: {  	[spmem:s7] =	stream.linear.scatter [tilespmem:s25], [sflag:$0x1], $0x2800, $0x38;
	[tilespmem:$0x15800] =	vst v63  }
0x51: {  	_ =	swait.ge [sflag:s24], $0x2800  }
0x52: {  	[sflag:s24] =	ssyncset.done $0x0  }
0x53: {  	[sflag:s24] =	ssyncadd.s32 $0xFFFFD800  }
0x54: {  	[spmem:s8] =	stream.linear.scatter [tilespmem:s25], [sflag:$0x1], $0x2800, $0x38;
	[tilespmem:$0x15800] =	vst v63  }
0x55: {  	_ =	swait.ge [sflag:s24], $0x2800  }
0x56: {  	[sflag:s24] =	ssyncset.done $0x0  }
0x57: {  	[sflag:s24] =	ssyncadd.s32 $0xFFFFD800  }
0x58: {  	[spmem:s9] =	stream.linear.scatter [tilespmem:s25], [sflag:$0x1], $0x2800, $0x38;
	[tilespmem:$0x15800] =	vst v63  }
0x59: {  	_ =	swait.ge [sflag:s24], $0x2800  }
0x5a: {  	[sflag:s24] =	ssyncset.done $0x0  }
0x5b: {  	[sflag:s24] =	ssyncadd.s32 $0xFFFFD800  }
0x5c: {  	[bflag:$0x0] =	sbarrier.arrive $0xFFFF  }
0x5d: {  	[tilespmem:s25], [sflag:$0x1] =	stream.linear.gather [hbm4b:s23+s3], $0x2800, $0x38;
	[tilespmem:$0x15800] =	vst v63  }
0x5e: {  	_ =	swait.ge [sflag:s24], $0x2800  }
0x5f: {  	[sflag:s24] =	ssyncset.done $0x0  }
0x60: {  	s31 =	simm.s32 $0x0;
	[sflag:s24] =	ssyncadd.s32 $0xFFFFD800  }
0x61: {  	[spmem:s2] =	stream.indirect.scatter.add.f32 [tilespmem:s25], [sflag:$0x1], $0x80, s31, s26, $0xb8;
	[tilespmem:$0x15800] =	vst v63  }
0x62: {  	_ =	swait.ge [sflag:s24], $0x2800  }
0x63: {  	s0 =	simm.s32 $0x200;
	s1 =	smov.u32 s23;
	[sflag:s24] =	ssyncset.done $0x0  }
.LBB2_6:
0x64: {  	p0 =	sne.s32 s0, $0x1F200;
	[sflag:s24] =	ssyncadd.s32 $0xFFFFD800;
	s1 =	sadd.s32 $0x500, s1  }
0x65: {  	[tilespmem:s25], [sflag:$0x1] =	stream.linear.gather [hbm4b:s1+s3], $0x2800, $0x38;
	[tilespmem:$0x15800] =	vst v63  }
0x66: {  	s11 =	smov.u32 s0;
	s0 =	sadd.s32 $0x200, s0;
	_ =	swait.ge [sflag:s24], $0x2800  }
.Ltmp2:
0x67: {  	[sflag:s24] =	ssyncset.done $0x0;
	(pc) =	sbr.rel @p0 .LBB2_6-.Ltmp2, $4  }
0x68: {  	s11 =	sshra.s32 s11, $0x2;
	[sflag:s24] =	ssyncadd.s32 $0xFFFFD800  }
0x69: {  	[spmem:s2] =	stream.indirect.scatter.add.f32 [tilespmem:s25], [sflag:$0x1], $0x80, s11, s26, $0xb8;
	[tilespmem:$0x15800] =	vst v63  }
0x6a: {  	_ =	swait.ge [sflag:s24], $0x2800  }
0x6b: {  	[sflag:s24] =	ssyncset.done $0x0  }
0x6c: {  	[sflag:s24] =	ssyncadd.s32 $0xFFFFD800  }
0x6d: {  	[bflag:$0x0] =	sbarrier.arrive $0xFFFF  }
0x6e: {  	[tilespmem:s25], [sflag:$0x1] =	stream.linear.gather [spmem:s10], $0x2800, $0x38;
	[tilespmem:$0x15800] =	vst v63  }
0x6f: {  	_ =	swait.ge [sflag:s24], $0x2800  }
0x70: {  	[sflag:s24] =	ssyncset.done $0x0  }
0x71: {  	s0 =	rddreg [dreg:$0x3];
	[sflag:s24] =	ssyncadd.s32 $0xFFFFD800  }
0x72: {  	[hbm4b:s0+s28] =	stream.strided.scatter [tilespmem:s25], [sflag:$0x1], $0x2800, s29, s28, $0x38;
	[tilespmem:$0x15800] =	vst v63  }
0x73: {  	_ =	swait.ge [sflag:s24], $0x2800  }
0x74: {  	[sflag:s24] =	ssyncset.done $0x0  }
0x75: {  	[sflag:s24] =	ssyncadd.s32 $0xFFFFD800  }
0x76: {  	[tilespmem:s25], [sflag:$0x1] =	stream.linear.gather [spmem:s12], $0x2800, $0x38;
	[tilespmem:$0x15800] =	vst v63  }
0x77: {  	_ =	swait.ge [sflag:s24], $0x2800  }
0x78: {  	[sflag:s24] =	ssyncset.done $0x0  }
0x79: {  	s15 =	rddreg [dreg:$0x4];
	[sflag:s24] =	ssyncadd.s32 $0xFFFFD800  }
0x7a: {  	[hbm4b:s15+s28] =	stream.strided.scatter [tilespmem:s25], [sflag:$0x1], $0x2800, s29, s28, $0x38;
	[tilespmem:$0x15800] =	vst v63  }
0x7b: {  	_ =	swait.ge [sflag:s24], $0x2800  }
0x7c: {  	[sflag:s24] =	ssyncset.done $0x0  }
0x7d: {  	[sflag:s24] =	ssyncadd.s32 $0xFFFFD800  }
0x7e: {  	[tilespmem:s25], [sflag:$0x1] =	stream.linear.gather [spmem:s14], $0x2800, $0x38;
	[tilespmem:$0x15800] =	vst v63  }
0x7f: {  	_ =	swait.ge [sflag:s24], $0x2800  }
0x80: {  	[sflag:s24] =	ssyncset.done $0x0  }
0x81: {  	s1 =	rddreg [dreg:$0x5];
	[sflag:s24] =	ssyncadd.s32 $0xFFFFD800  }
0x82: {  	[hbm4b:s1+s28] =	stream.strided.scatter [tilespmem:s25], [sflag:$0x1], $0x2800, s29, s28, $0x38;
	[tilespmem:$0x15800] =	vst v63  }
0x83: {  	_ =	swait.ge [sflag:s24], $0x2800  }
0x84: {  	[sflag:s24] =	ssyncset.done $0x0  }
0x85: {  	[sflag:s24] =	ssyncadd.s32 $0xFFFFD800  }
0x86: {  	[tilespmem:s25], [sflag:$0x1] =	stream.linear.gather [spmem:s16], $0x2800, $0x38;
	[tilespmem:$0x15800] =	vst v63  }
0x87: {  	_ =	swait.ge [sflag:s24], $0x2800  }
0x88: {  	[sflag:s24] =	ssyncset.done $0x0  }
0x89: {  	[sflag:s24] =	ssyncadd.s32 $0xFFFFD800  }
0x8a: {  	[hbm4b:s17+s28] =	stream.strided.scatter [tilespmem:s25], [sflag:$0x1], $0x2800, s29, s28, $0x38;
	[tilespmem:$0x15800] =	vst v63  }
0x8b: {  	_ =	swait.ge [sflag:s24], $0x2800  }
0x8c: {  	[sflag:s24] =	ssyncset.done $0x0  }
0x8d: {  	[sflag:s24] =	ssyncadd.s32 $0xFFFFD800  }
0x8e: {  	[bflag:$0x0] =	sbarrier.arrive $0xFFFF  }
0x8f: {  	[tilespmem:s3], [sflag:$0x1] =	stream.linear.gather [hbm4b:s5+s3], $0x7D00, $0x38;
	[tilespmem:$0x15800] =	vst v63  }
0x90: {  	_ =	swait.ge [sflag:s24], $0x7D00  }
0x91: {  	[sflag:s24] =	ssyncset.done $0x0  }
0x92: {  	s31 =	simm.s32 $0x20;
	[sflag:s24] =	ssyncadd.s32 $0xFFFF8300  }
0x93: {  	s11 =	simm.s32 $0x40;
	v4 =	vld [tilespmem:s31+$0xFFFFFFE0]  }
0x94: {  	s13 =	simm.s32 $0x0;
	v3 =	vor.u32 s11, v0;
	v5 =	vld [tilespmem:s31+$0x0]  }
0x95: {  	s11 =	simm.s32 $0x30;
	v10 =	vor.u32 s13, v0;
	v3 =	vand.u32 $0x1FF, v3;
	s15 =	simm.s32 $0x20;
	s1 =	simm.s32 $0x10;
	v6 =	vld [tilespmem:s31+$0x10]  }
0x96: {  	v8 =	vor.u32 s11, v0;
	s0 =	simm.s32 $0x90;
	v9 =	vor.u32 s15, v0;
	v2 =	vor.u32 s1, v0;
	s1 =	simm.s32 $0x20;
	v7 =	vld [tilespmem:s31+$0x20]  }
.LBB2_8:
0x97: {  	v10 =	vand.u32 $0x1FF, v10  }
0x98: {  	p0 =	sne.s32 s0, $0x4E10;
	v11 =	vld [tilespmem:s31+$0xFFFFFFF0];
	v9 =	vand.u32 $0x1FF, v9;
	v8 =	vand.u32 $0x1FF, v8;
	v3 =	vor.u32 $0x1400, v3  }
0x99: {  	v4 =	vadd.s32 $0xFFFFEC78, v4;
	v10 =	vor.u32 $0x1400, v10;
	v9 =	vor.u32 $0x1400, v9  }
0x9a: {  	v8 =	vor.u32 $0x1400, v8;
	vm0 =	vlt.u32 v4, $0x1388;
	v5 =	vadd.s32 $0xFFFFEC78, v5  }
0x9b: {  	v4 =	vsel vm0, v4, v10;
	vm0 =	vlt.u32 v5, $0x1388;
	v6 =	vadd.s32 $0xFFFFEC78, v6  }
0x9c: {  	[tilespmem:s31+$0xFFFFFFE0] =	vst v4;
	v4 =	vsel vm0, v5, v9;
	vm0 =	vlt.u32 v6, $0x1388;
	v5 =	vadd.s32 $0xFFFFEC78, v7  }
.Ltmp3:
0x9d: {  	v2 =	vand.u32 $0x1FF, v2;
	s13 =	sadd.s32 $0xFFFFFFC0, s0;
	s31 =	sadd.s32 $0x80, s31;
	[tilespmem:s1+$0x0] =	vst v4;
	v6 =	vsel vm0, v6, v8;
	vm0 =	vlt.u32 v5, $0x1388;
	(pc) =	sbr.rel @p0 .LBB2_8-.Ltmp3, $4  }
0x9e: {  	v10 =	vor.u32 s13, v0;
	v7 =	vadd.s32 $0xFFFFEC78, v11;
	v4 =	vld [tilespmem:s31+$0xFFFFFFE0];
	[tilespmem:s1+$0x10] =	vst v6;
	v3 =	vsel vm0, v5, v3  }
0x9f: {  	s11 =	sadd.s32 $0xFFFFFFD0, s0;
	v9 =	vor.u32 $0x1400, v2;
	v8 =	vor.u32 s0, v0;
	vm0 =	vlt.u32 v7, $0x1388;
	v5 =	vld [tilespmem:s31+$0x0];
	[tilespmem:s1+$0x20] =	vst v3  }
0xa0: {  	s15 =	sadd.s32 $0xFFFFFFF0, s0;
	v2 =	vor.u32 s11, v0;
	s11 =	sadd.s32 $0xFFFFFFE0, s0;
	v3 =	vand.u32 $0x1FF, v8;
	v11 =	vsel vm0, v7, v9;
	v6 =	vld [tilespmem:s31+$0x10]  }
0xa1: {  	s0 =	sadd.s32 $0x50, s0;
	v9 =	vor.u32 s11, v0;
	v8 =	vor.u32 s15, v0;
	v7 =	vld [tilespmem:s31+$0x20];
	[tilespmem:s1+$0xFFFFFFF0] =	vst v11;
	s1 =	smov.u32 s31  }
0xa2: {  	v10 =	vand.u32 $0x1FF, v10;
	v9 =	vand.u32 $0x1FF, v9  }
0xa3: {  	v11 =	vld [tilespmem:s31+$0xFFFFFFF0];
	v8 =	vand.u32 $0x1FF, v8;
	v3 =	vor.u32 $0x1400, v3;
	v2 =	vand.u32 $0x1FF, v2  }
0xa4: {  	v4 =	vadd.s32 $0xFFFFEC78, v4;
	v10 =	vor.u32 $0x1400, v10;
	v9 =	vor.u32 $0x1400, v9  }
0xa5: {  	v8 =	vor.u32 $0x1400, v8;
	vm0 =	vlt.u32 v4, $0x1388;
	v5 =	vadd.s32 $0xFFFFEC78, v5  }
0xa6: {  	v4 =	vsel vm0, v4, v10;
	v6 =	vadd.s32 $0xFFFFEC78, v6;
	vm13 =	vlt.u32 v5, $0x1388  }
0xa7: {  	vm1 =	vlt.u32 v6, $0x1388;
	v7 =	vadd.s32 $0xFFFFEC78, v7;
	v5 =	vsel vm13, v5, v9;
	[tilespmem:s31+$0xFFFFFFE0] =	vst v4  }
0xa8: {  	v62 =	vsel vm1, v6, v8;
	vm14 =	vlt.u32 v7, $0x1388;
	[tilespmem:s1+$0x0] =	vst v5;
	v63 =	vadd.s32 $0xFFFFEC78, v11  }
0xa9: {  	v2 =	vor.u32 $0x1400, v2;
	[tilespmem:s1+$0x10] =	vst v62;
	v3 =	vsel vm14, v7, v3;
	vm15 =	vlt.u32 v63, $0x1388  }
0xaa: {  	[tilespmem:s1+$0x20] =	vst v3;
	v2 =	vsel vm15, v63, v2  }
0xab: {  	s0 =	simm.s32 $0x0;
	[tilespmem:s1+$0xFFFFFFF0] =	vst v2;
	s1 =	simm.s32 $0x200  }
.LBB2_10:
0xac: {  	p0 =	sne.s32 s1, $0x9E00;
	[tilespmem:s0+$0x8070] =	vst v1  }
0xad: {  	[tilespmem:s0+$0x8000] =	vst v1  }
0xae: {  	[tilespmem:s0+$0x8010] =	vst v1  }
.Ltmp4:
0xaf: {  	[tilespmem:s0+$0x8020] =	vst v1;
	(pc) =	sbr.rel @p0 .LBB2_10-.Ltmp4, $4  }
0xb0: {  	[tilespmem:s0+$0x8030] =	vst v1  }
0xb1: {  	[tilespmem:s0+$0x8040] =	vst v1  }
0xb2: {  	[tilespmem:s0+$0x8050] =	vst v1  }
0xb3: {  	[tilespmem:s0+$0x8060] =	vst v1;
	s0 =	sshra.s32 s1, $0x2;
	s1 =	sadd.s32 $0x200, s1  }
0xb4: {  	[tilespmem:s0+$0x8070] =	vst v1  }
0xb5: {  	[tilespmem:s0+$0x8000] =	vst v1  }
0xb6: {  	[tilespmem:s0+$0x8010] =	vst v1  }
0xb7: {  	[tilespmem:s0+$0x8020] =	vst v1  }
0xb8: {  	[tilespmem:s0+$0x8030] =	vst v1  }
0xb9: {  	[tilespmem:s0+$0x8040] =	vst v1  }
0xba: {  	[tilespmem:s0+$0x8050] =	vst v1  }
0xbb: {  	[tilespmem:s0+$0x8060] =	vst v1  }
0xbc: {  	[spmem:s4] =	stream.linear.scatter [tilespmem:s25], [sflag:$0x1], $0x2800, $0x38;
	[tilespmem:$0x15800] =	vst v63  }
0xbd: {  	_ =	swait.ge [sflag:s24], $0x2800  }
0xbe: {  	[sflag:s24] =	ssyncset.done $0x0  }
0xbf: {  	[sflag:s24] =	ssyncadd.s32 $0xFFFFD800  }
0xc0: {  	[spmem:s6] =	stream.linear.scatter [tilespmem:s25], [sflag:$0x1], $0x2800, $0x38;
	[tilespmem:$0x15800] =	vst v63  }
0xc1: {  	_ =	swait.ge [sflag:s24], $0x2800  }
0xc2: {  	[sflag:s24] =	ssyncset.done $0x0  }
0xc3: {  	[sflag:s24] =	ssyncadd.s32 $0xFFFFD800  }
0xc4: {  	[spmem:s7] =	stream.linear.scatter [tilespmem:s25], [sflag:$0x1], $0x2800, $0x38;
	[tilespmem:$0x15800] =	vst v63  }
0xc5: {  	_ =	swait.ge [sflag:s24], $0x2800  }
0xc6: {  	[sflag:s24] =	ssyncset.done $0x0  }
0xc7: {  	[sflag:s24] =	ssyncadd.s32 $0xFFFFD800  }
0xc8: {  	[spmem:s8] =	stream.linear.scatter [tilespmem:s25], [sflag:$0x1], $0x2800, $0x38;
	[tilespmem:$0x15800] =	vst v63  }
0xc9: {  	_ =	swait.ge [sflag:s24], $0x2800  }
0xca: {  	[sflag:s24] =	ssyncset.done $0x0  }
0xcb: {  	[sflag:s24] =	ssyncadd.s32 $0xFFFFD800  }
0xcc: {  	[spmem:s9] =	stream.linear.scatter [tilespmem:s25], [sflag:$0x1], $0x2800, $0x38;
	[tilespmem:$0x15800] =	vst v63  }
0xcd: {  	_ =	swait.ge [sflag:s24], $0x2800  }
0xce: {  	[sflag:s24] =	ssyncset.done $0x0  }
0xcf: {  	[sflag:s24] =	ssyncadd.s32 $0xFFFFD800  }
0xd0: {  	[bflag:$0x0] =	sbarrier.arrive $0xFFFF  }
0xd1: {  	[tilespmem:s25], [sflag:$0x1] =	stream.linear.gather [hbm4b:s23+s3], $0x2800, $0x38;
	[tilespmem:$0x15800] =	vst v63  }
0xd2: {  	_ =	swait.ge [sflag:s24], $0x2800  }
0xd3: {  	[sflag:s24] =	ssyncset.done $0x0  }
0xd4: {  	s31 =	simm.s32 $0x0;
	[sflag:s24] =	ssyncadd.s32 $0xFFFFD800  }
0xd5: {  	[spmem:s2] =	stream.indirect.scatter.add.f32 [tilespmem:s25], [sflag:$0x1], $0x80, s31, s26, $0xb8;
	[tilespmem:$0x15800] =	vst v63  }
0xd6: {  	_ =	swait.ge [sflag:s24], $0x2800  }
0xd7: {  	s0 =	simm.s32 $0x200;
	s1 =	smov.u32 s23;
	[sflag:s24] =	ssyncset.done $0x0  }
.LBB2_12:
0xd8: {  	p0 =	sne.s32 s0, $0x1F200;
	[sflag:s24] =	ssyncadd.s32 $0xFFFFD800;
	s1 =	sadd.s32 $0x500, s1  }
0xd9: {  	[tilespmem:s25], [sflag:$0x1] =	stream.linear.gather [hbm4b:s1+s3], $0x2800, $0x38;
	[tilespmem:$0x15800] =	vst v63  }
0xda: {  	s11 =	smov.u32 s0;
	s0 =	sadd.s32 $0x200, s0;
	_ =	swait.ge [sflag:s24], $0x2800  }
.Ltmp5:
0xdb: {  	[sflag:s24] =	ssyncset.done $0x0;
	(pc) =	sbr.rel @p0 .LBB2_12-.Ltmp5, $4  }
0xdc: {  	s11 =	sshra.s32 s11, $0x2;
	[sflag:s24] =	ssyncadd.s32 $0xFFFFD800  }
0xdd: {  	[spmem:s2] =	stream.indirect.scatter.add.f32 [tilespmem:s25], [sflag:$0x1], $0x80, s11, s26, $0xb8;
	[tilespmem:$0x15800] =	vst v63  }
0xde: {  	_ =	swait.ge [sflag:s24], $0x2800  }
0xdf: {  	[sflag:s24] =	ssyncset.done $0x0  }
0xe0: {  	[sflag:s24] =	ssyncadd.s32 $0xFFFFD800  }
0xe1: {  	[bflag:$0x0] =	sbarrier.arrive $0xFFFF  }
0xe2: {  	[tilespmem:s25], [sflag:$0x1] =	stream.linear.gather [spmem:s10], $0x2800, $0x38;
	[tilespmem:$0x15800] =	vst v63  }
0xe3: {  	_ =	swait.ge [sflag:s24], $0x2800  }
0xe4: {  	[sflag:s24] =	ssyncset.done $0x0  }
0xe5: {  	[sflag:s24] =	ssyncadd.s32 $0xFFFFD800  }
0xe6: {  	[hbm4b:s18+s28] =	stream.strided.scatter [tilespmem:s25], [sflag:$0x1], $0x2800, s29, s28, $0x38;
	[tilespmem:$0x15800] =	vst v63  }
0xe7: {  	_ =	swait.ge [sflag:s24], $0x2800  }
0xe8: {  	[sflag:s24] =	ssyncset.done $0x0  }
0xe9: {  	[sflag:s24] =	ssyncadd.s32 $0xFFFFD800  }
0xea: {  	[tilespmem:s25], [sflag:$0x1] =	stream.linear.gather [spmem:s12], $0x2800, $0x38;
	[tilespmem:$0x15800] =	vst v63  }
0xeb: {  	_ =	swait.ge [sflag:s24], $0x2800  }
0xec: {  	[sflag:s24] =	ssyncset.done $0x0  }
0xed: {  	[sflag:s24] =	ssyncadd.s32 $0xFFFFD800  }
0xee: {  	[hbm4b:s19+s28] =	stream.strided.scatter [tilespmem:s25], [sflag:$0x1], $0x2800, s29, s28, $0x38;
	[tilespmem:$0x15800] =	vst v63  }
0xef: {  	_ =	swait.ge [sflag:s24], $0x2800  }
0xf0: {  	[sflag:s24] =	ssyncset.done $0x0  }
0xf1: {  	[sflag:s24] =	ssyncadd.s32 $0xFFFFD800  }
0xf2: {  	[tilespmem:s25], [sflag:$0x1] =	stream.linear.gather [spmem:s14], $0x2800, $0x38;
	[tilespmem:$0x15800] =	vst v63  }
0xf3: {  	_ =	swait.ge [sflag:s24], $0x2800  }
0xf4: {  	[sflag:s24] =	ssyncset.done $0x0  }
0xf5: {  	[sflag:s24] =	ssyncadd.s32 $0xFFFFD800  }
0xf6: {  	[hbm4b:s20+s28] =	stream.strided.scatter [tilespmem:s25], [sflag:$0x1], $0x2800, s29, s28, $0x38;
	[tilespmem:$0x15800] =	vst v63  }
0xf7: {  	_ =	swait.ge [sflag:s24], $0x2800  }
0xf8: {  	[sflag:s24] =	ssyncset.done $0x0  }
0xf9: {  	[sflag:s24] =	ssyncadd.s32 $0xFFFFD800  }
0xfa: {  	[tilespmem:s25], [sflag:$0x1] =	stream.linear.gather [spmem:s16], $0x2800, $0x38;
	[tilespmem:$0x15800] =	vst v63  }
0xfb: {  	_ =	swait.ge [sflag:s24], $0x2800  }
0xfc: {  	s30 =	sadd.s32 $0x1, s30;
	[sflag:s24] =	ssyncset.done $0x0  }
0xfd: {  	p0 =	sne.s32 s30, s22;
	[sflag:s24] =	ssyncadd.s32 $0xFFFFD800  }
0xfe: {  	[hbm4b:s21+s28] =	stream.strided.scatter [tilespmem:s25], [sflag:$0x1], $0x2800, s29, s28, $0x38;
	[tilespmem:$0x15800] =	vst v63  }
.Ltmp6:
0xff: {  	_ =	swait.ge [sflag:s24], $0x2800;
	(pc) =	sbr.rel @p0 .LBB2_1-.Ltmp6, $3  }
0x100: {  	[sflag:s24] =	ssyncset.done $0x0  }
0x101: {  	[sflag:s24] =	ssyncadd.s32 $0xFFFFD800  }
0x102: {  	[bflag:$0x0] =	sbarrier.arrive $0xFFFF;
	_ =	sdelay $0x1  }
0x103: {  	_ =	sfence.sel $0x180000  }
0x104: {  	[bflag:$0x0] =	sbarrier.arrive $0xFFFF  }
0x105: {  	_ =	strace $0x90000050  }
0x106: {  	s0 =	stileid.u32;
	[bflag:$0x2] =	sbarrier.arrive $0xFFFF  }
0x107: {  	p0 =	sne.s32 s0, $0x0;
	s0 =	rddreg [dreg:$0x2]  }
0x108: {  	s0 =	sadd.s32 @!p0 $0x100000, s0  }
0x109: {  	[sflag:s0] =	ssyncadd.tile.s32 @!p0 $0x1;
	_ =	shalt  }
.Lfunc_end2:
_tile_overlayer_lowered:
.L_overlay_start_2:
0x10a: {  	(tag) =	ssettag $0x2  }
0x10b: {  	s0 =	rddreg [dreg:$0x0];
	s2 =	stileid.u32  }
0x10c: {  	s1 =	rddreg [dreg:$0x1];
	p0 =	sne.s32 s2, $0x0  }
0x10d: {  	s3 =	rddreg [dreg:$0x2];
	[bflag:$0x3] =	sbarrier.arrive $0xFFFF;
	s2 =	simm.s32 @!p0 $0x1C01  }
0x10e: {  	[timem:s3], [sflag:s2] =	dma.local @!p0 [hbm:s0], s1  }
0x10f: {  	s0 =	simm.s32 @!p0 $0x1  }
0x110: {  	_ =	swait.ge @!p0 [sflag:s0], s1  }
0x111: {  	s1 =	ssub.s32 @!p0 $0x0, s1;
	[sflag:s0] =	ssyncset.done @!p0 $0x0  }
0x112: {  	[sflag:s0] =	ssyncadd.s32 @!p0 s1  }
0x113: {  	[bflag:$0x3] =	sbarrier.arrive $0xFFFF  }
0x114: {  	_ =	shalt  }

</sc_bundles>
